<compile_context>
chip_gen: v7x
topology: tpu7x:2x2x1
jax: 0.10.2.dev20260603
libtpu: 0.0.44.dev20260713+nightly
codegen_flags: <defaults>
</compile_context>

<pallas_src>
import functools

import jax
import jax.numpy as jnp
from jax import lax
from jax.experimental import pallas as pl
from jax.experimental.pallas import tpu as pltpu
from jax.experimental.pallas import tpu_sc as plsc

N = 10000
D = 128
NC = 2
NS = 16
NW = NC * NS
CHUNK = 128
IB = 8
N_ACC = 10240
ROWS_PER_TILE = N_ACC // NS
ZCH = ROWS_PER_TILE // CHUNK


def _spmm_sc(support, src_r, dst_r):
    C = src_r.shape[1]
    G = C // IB
    assert C % (2 * IB) == 0
    mesh = plsc.VectorSubcoreMesh(core_axis_name="c", subcore_axis_name="s")

    @functools.partial(
        pl.kernel,
        out_type=jax.ShapeDtypeStruct((NC, N_ACC, D), jnp.float32),
        mesh=mesh,
        scratch_types=[
            pltpu.VMEM((2, IB, CHUNK), jnp.int32),
            pltpu.VMEM((2, IB, CHUNK), jnp.int32),
            pltpu.VMEM((CHUNK, D), jnp.float32),
            pltpu.VMEM((CHUNK, D), jnp.float32),
            pltpu.VMEM_SHARED((N_ACC, D), jnp.float32),
            pltpu.SemaphoreType.DMA,
            pltpu.SemaphoreType.DMA,
            pltpu.SemaphoreType.DMA,
            pltpu.SemaphoreType.DMA,
        ],
    )
    def spmm(support_hbm, src_hbm, dst_hbm, out_hbm, sidx, didx, buf0, buf1,
             acc, semr0, semr1, semi0, semi1):
        c = lax.axis_index("c")
        s = lax.axis_index("s")
        wid = s * NC + c
        bufs = (buf0, buf1)
        semr = (semr0, semr1)
        semi = (semi0, semi1)

        def fire_idx(block, slot):
            pltpu.async_copy(src_hbm.at[wid, pl.ds(block * IB, IB)],
                             sidx.at[slot], semi[slot])
            pltpu.async_copy(dst_hbm.at[wid, pl.ds(block * IB, IB)],
                             didx.at[slot], semi[slot])

        def wait_idx(slot):
            for _ in range(2):
                pltpu.make_async_copy(src_hbm.at[wid, pl.ds(0, IB)],
                                      sidx.at[slot], semi[slot]).wait()

        def wait_rows(k):
            pltpu.make_async_copy(support_hbm.at[pl.ds(0, CHUNK)],
                                  bufs[k], semr[k]).wait()

        fire_idx(0, 0)

        z16 = jnp.zeros((16,), jnp.float32)
        def zrow(r, _):
            for q in range(D // 16):
                buf0[r, pl.ds(q * 16, 16)] = z16
            return 0
        lax.fori_loop(0, CHUNK, zrow, 0)

        zdesc = []
        for i in range(ZCH):
            off = s * ROWS_PER_TILE + i * CHUNK
            zdesc.append(pltpu.async_copy(buf0, acc.at[pl.ds(off, CHUNK)],
                                          semi[1]))
        for dsc in zdesc:
            dsc.wait()

        wait_idx(0)
        pltpu.async_copy(support_hbm.at[sidx.at[0, 0]], buf0, semr0)
        pltpu.async_copy(support_hbm.at[sidx.at[0, 1]], buf1, semr1)
        plsc.subcore_barrier()

        def sup(gg, _):
            for h in (0, 1):
                g = gg * 2 + h
                nxt = jnp.minimum(g + 1, G - 1)
                fire_idx(nxt, 1 - h)
                for b in range(IB):
                    k = b % 2
                    if b == IB - 2:
                        wait_idx(1 - h)
                    wait_rows(k)
                    pltpu.sync_copy(bufs[k], acc.at[didx.at[h, b]], add=True)
                    if b < IB - 2:
                        pltpu.async_copy(support_hbm.at[sidx.at[h, b + 2]],
                                         bufs[k], semr[k])
                    else:
                        @pl.when(g < G - 1)
                        def _():
                            pltpu.async_copy(
                                support_hbm.at[sidx.at[1 - h, b + 2 - IB]],
                                bufs[k], semr[k])
            return 0
        lax.fori_loop(0, G // 2, sup, 0)
        plsc.subcore_barrier()

        off = s * ROWS_PER_TILE
        pltpu.sync_copy(acc.at[pl.ds(off, ROWS_PER_TILE)],
                        out_hbm.at[c, pl.ds(off, ROWS_PER_TILE)])

    return spmm(support, src_r, dst_r)


def _mm_tc(x, w):
    def body(x_ref, w_ref, o_ref):
        o_ref[...] = jnp.dot(x_ref[...], w_ref[...],
                             preferred_element_type=jnp.float32)
    return pl.pallas_call(
        body,
        out_shape=jax.ShapeDtypeStruct((x.shape[0], w.shape[1]), jnp.float32),
    )(x, w)


def _combine_bn_elu_mm(p, b, x, gamma, beta, w2):
    def body(p_ref, b_ref, x_ref, g_ref, be_ref, w2_ref, h1_ref, s2_ref):
        h = p_ref[0, :N, :] + p_ref[1, :N, :] + x_ref[...] + b_ref[...]
        mean = jnp.mean(h, axis=0, keepdims=True)
        var = jnp.mean((h - mean) * (h - mean), axis=0, keepdims=True)
        hn = g_ref[...] * (h - mean) * lax.rsqrt(var + 1e-5) + be_ref[...]
        h1 = jnp.where(hn > 0, hn, jnp.exp(jnp.minimum(hn, 0.0)) - 1.0)
        h1_ref[...] = h1
        s2_ref[...] = jnp.dot(h1, w2_ref[...],
                              preferred_element_type=jnp.float32)
    return pl.pallas_call(
        body,
        out_shape=(
            jax.ShapeDtypeStruct((N, D), jnp.float32),
            jax.ShapeDtypeStruct((N, D), jnp.float32),
        ),
    )(p, b, x, gamma, beta, w2)


def _combine_final(q, b, h1):
    def body(q_ref, b_ref, h1_ref, o_ref):
        o_ref[...] = q_ref[0, :N, :] + q_ref[1, :N, :] + b_ref[...] + h1_ref[...]
    return pl.pallas_call(
        body,
        out_shape=jax.ShapeDtypeStruct((N, D), jnp.float32),
    )(q, b, h1)


def kernel(features, edge_index, W1, b1, W2, b2, gamma0, beta0):
    E = edge_index.shape[1]
    ei = edge_index
    if E % CHUNK != 0:
        e_up = -(-E // CHUNK) * CHUNK
        ei = jnp.concatenate(
            [ei, jnp.stack([jnp.zeros((e_up - E,), jnp.int32),
                            jnp.full((e_up - E,), N, jnp.int32)])], axis=1)
        E = e_up
    T = E // CHUNK
    C = -(-T // (NW * 2 * IB)) * (2 * IB)
    pad_t = NW * C - T
    main = ei.reshape(2, T, CHUNK)
    r = jnp.arange(pad_t * CHUNK, dtype=jnp.int32).reshape(pad_t, CHUNK)
    pads = jnp.stack([r % N, N + (r % (N_ACC - N))])
    full = jnp.concatenate([main, pads], axis=1)
    src_r = full[0].reshape(NW, C, CHUNK)
    dst_r = full[1].reshape(NW, C, CHUNK)

    b1r = b1.reshape(1, D)
    b2r = b2.reshape(1, D)
    g0 = gamma0.reshape(1, D)
    be0 = beta0.reshape(1, D)

    s1 = _mm_tc(features, W1)
    p = _spmm_sc(s1, src_r, dst_r)
    h1, s2 = _combine_bn_elu_mm(p, b1r, features, g0, be0, W2)
    q = _spmm_sc(s2, src_r, dst_r)
    h2 = _combine_final(q, b2r, h1)
    return (h1, h2)

# --- scband reference (transcript-rebuilt; emitter-appended) ---
"""Pipeline reference for scband-gcn-51591147160130 (READ-ONLY COPY).

The authoritative reference and input builder live on the scoring server;
editing this copy changes nothing except your own understanding.
"""

import jax, jax.numpy as jnp
import numpy as np

N = 10000
E = 320000
D = 128


def setup_inputs(seed: int = 0) -> dict:
    key = jax.random.key(seed)
    k1, k2, k3, k4, k5, k6 = jax.random.split(key, 6)
    features = jax.random.normal(k1, (N, D), dtype=jnp.float32)
    # sparse adjacency represented in COO form: row 0 = src, row 1 = dst
    edge_index = jax.random.randint(k2, (2, E), 0, N, dtype=jnp.int32)
    scale = 1.0 / np.sqrt(D)
    W1 = jax.random.normal(k3, (D, D), dtype=jnp.float32) * scale
    b1 = jnp.zeros((D,), dtype=jnp.float32)
    W2 = jax.random.normal(k4, (D, D), dtype=jnp.float32) * scale
    b2 = jnp.zeros((D,), dtype=jnp.float32)
    gamma0 = jnp.ones((D,), dtype=jnp.float32)
    beta0 = jnp.zeros((D,), dtype=jnp.float32)
    return {"features": features, "edge_index": edge_index, "W1": W1, "b1": b1,
            "W2": W2, "b2": b2, "gamma0": gamma0, "beta0": beta0}


def _graph_conv(x, edge_index, W, b):
    # GraphConvolution: support = X W; out = A @ support + b (sparse SpMM via gather/scatter-add)
    support = x @ W
    src = edge_index[0]
    dst = edge_index[1]
    msgs = jnp.take(support, src, axis=0)
    agg = jax.ops.segment_sum(msgs, dst, num_segments=N)
    return agg + b


def _residual_graph_conv(x, edge_index, W, b):
    # ResidualGraphConvolution: in_features == out_features -> identity skip
    return _graph_conv(x, edge_index, W, b) + x


def _batch_norm(x, gamma, beta, eps=1e-5):
    # BatchNorm1d with track_running_stats=False -> always batch statistics
    mean = jnp.mean(x, axis=0)
    var = jnp.var(x, axis=0)
    return gamma * (x - mean) / jnp.sqrt(var + eps) + beta


def reference(features, edge_index, W1, b1, W2, b2, gamma0, beta0):
    # layer 0 (not last): residual GC -> BN -> elu
    h1 = _residual_graph_conv(features, edge_index, W1, b1)
    h1 = jax.nn.elu(_batch_norm(h1, gamma0, beta0))
    # layer 1 (last): residual GC, no BN/activation
    h2 = _residual_graph_conv(h1, edge_index, W2, b2)
    # module returns result[1:] -> list of per-layer outputs
    return (h1, h2)

if __name__ == "__main__":
    import jax
    _d = setup_inputs()
    print(jax.jit(kernel)(*tuple(_d.values())))

</pallas_src>

<mosaic_0001>
#map = affine_map<(d0, d1) -> (0, 0)>
#map1 = affine_map<(d0, d1) -> (0, 0, 0)>
module attributes {stable_mosaic.version = 14 : i64} {
  func.func @spmm(%arg0: i32, %arg1: i32, %arg2: memref<10000x128xf32, #tpu.memory_space<hbm>>, %arg3: memref<32x80x128xi32, #tpu.memory_space<hbm>>, %arg4: memref<32x80x128xi32, #tpu.memory_space<hbm>>, %arg5: memref<2x10240x128xf32, #tpu.memory_space<hbm>>, %arg6: memref<2x8x128xi32, #tpu.memory_space<vmem>>, %arg7: memref<2x8x128xi32, #tpu.memory_space<vmem>>, %arg8: memref<128x128xf32, #tpu.memory_space<vmem>>, %arg9: memref<128x128xf32, #tpu.memory_space<vmem>>, %arg10: memref<10240x128xf32, #tpu.memory_space<vmem_shared>>, %arg11: memref<!tpu.dma_semaphore, #tpu.memory_space<semaphore_mem>>, %arg12: memref<!tpu.dma_semaphore, #tpu.memory_space<semaphore_mem>>, %arg13: memref<!tpu.dma_semaphore, #tpu.memory_space<semaphore_mem>>, %arg14: memref<!tpu.dma_semaphore, #tpu.memory_space<semaphore_mem>>) attributes {dimension_semantics = [#tpu.dimension_semantics<core_parallel>, #tpu.dimension_semantics<subcore_parallel>], iteration_bounds = array<i64: 2, 16>, scalar_prefetch = 0 : i64, scratch_operands = 9 : i64, tpu.core_type = #tpu.core_type<sc_vector_subcore>, window_params = [{transform_indices = #map}, {transform_indices = #map1}, {transform_indices = #map1}, {transform_indices = #map1}]} {
    %mul3A = arith.constant 2 : i32
    %mul3A_0 = arith.muli %arg1, %mul3A : i32
    %add3A = arith.addi %mul3A_0, %arg0 : i32
    %dma_start3A = arith.constant 0 : i32
    %dma_start3A_1 = arith.constant 0 : i32
    %dma_start3A_2 = arith.constant 0 : i32
    %dma_start3A_3 = tpu.memref_slice %arg6[%dma_start3A, %dma_start3A_1, %dma_start3A_2] : memref<2x8x128xi32, #tpu.memory_space<vmem>> -> memref<1x8x128xi32, #tpu.memory_space<vmem>>
    %dma_start3A_4 = tpu.memref_squeeze %dma_start3A_3 : memref<1x8x128xi32, #tpu.memory_space<vmem>> -> memref<8x128xi32, #tpu.memory_space<vmem>>
    %dma_start3A_5 = arith.constant 0 : i32
    %dma_start3A_6 = arith.constant 0 : i32
    %dma_start3A_7 = tpu.memref_slice %arg3[%add3A, %dma_start3A_5, %dma_start3A_6] : memref<32x80x128xi32, #tpu.memory_space<hbm>> -> memref<1x8x128xi32, #tpu.memory_space<hbm>>
    %dma_start3A_8 = tpu.memref_squeeze %dma_start3A_7 : memref<1x8x128xi32, #tpu.memory_space<hbm>> -> memref<8x128xi32, #tpu.memory_space<hbm>>
    %dma_start3A_9 = arith.constant 0 : i32
    %dma_start3A_10 = arith.constant 0 : i32
    %dma_start3A_11 = tpu.memref_slice %arg6[%dma_start3A, %dma_start3A_9, %dma_start3A_10] : memref<2x8x128xi32, #tpu.memory_space<vmem>> -> memref<1x8x128xi32, #tpu.memory_space<vmem>>
    %dma_start3A_12 = tpu.memref_squeeze %dma_start3A_11 : memref<1x8x128xi32, #tpu.memory_space<vmem>> -> memref<8x128xi32, #tpu.memory_space<vmem>>
    %dma_start3A_13 = arith.constant 0 : i32
    %dma_start3A_14 = arith.constant 0 : i32
    %dma_start3A_15 = tpu.memref_slice %arg3[%add3A, %dma_start3A_13, %dma_start3A_14] : memref<32x80x128xi32, #tpu.memory_space<hbm>> -> memref<1x8x128xi32, #tpu.memory_space<hbm>>
    %dma_start3A_16 = tpu.memref_squeeze %dma_start3A_15 : memref<1x8x128xi32, #tpu.memory_space<hbm>> -> memref<8x128xi32, #tpu.memory_space<hbm>>
    tpu.enqueue_dma source(%dma_start3A_16 : memref<8x128xi32, #tpu.memory_space<hbm>>) target(%dma_start3A_12 : memref<8x128xi32, #tpu.memory_space<vmem>>) target_semaphore(%arg13 : memref<!tpu.dma_semaphore, #tpu.memory_space<semaphore_mem>>)
    %dma_start3A_17 = arith.constant 0 : i32
    %dma_start3A_18 = arith.constant 0 : i32
    %dma_start3A_19 = arith.constant 0 : i32
    %dma_start3A_20 = tpu.memref_slice %arg7[%dma_start3A_17, %dma_start3A_18, %dma_start3A_19] : memref<2x8x128xi32, #tpu.memory_space<vmem>> -> memref<1x8x128xi32, #tpu.memory_space<vmem>>
    %dma_start3A_21 = tpu.memref_squeeze %dma_start3A_20 : memref<1x8x128xi32, #tpu.memory_space<vmem>> -> memref<8x128xi32, #tpu.memory_space<vmem>>
    %dma_start3A_22 = arith.constant 0 : i32
    %dma_start3A_23 = arith.constant 0 : i32
    %dma_start3A_24 = tpu.memref_slice %arg4[%add3A, %dma_start3A_22, %dma_start3A_23] : memref<32x80x128xi32, #tpu.memory_space<hbm>> -> memref<1x8x128xi32, #tpu.memory_space<hbm>>
    %dma_start3A_25 = tpu.memref_squeeze %dma_start3A_24 : memref<1x8x128xi32, #tpu.memory_space<hbm>> -> memref<8x128xi32, #tpu.memory_space<hbm>>
    %dma_start3A_26 = arith.constant 0 : i32
    %dma_start3A_27 = arith.constant 0 : i32
    %dma_start3A_28 = tpu.memref_slice %arg7[%dma_start3A_17, %dma_start3A_26, %dma_start3A_27] : memref<2x8x128xi32, #tpu.memory_space<vmem>> -> memref<1x8x128xi32, #tpu.memory_space<vmem>>
    %dma_start3A_29 = tpu.memref_squeeze %dma_start3A_28 : memref<1x8x128xi32, #tpu.memory_space<vmem>> -> memref<8x128xi32, #tpu.memory_space<vmem>>
    %dma_start3A_30 = arith.constant 0 : i32
    %dma_start3A_31 = arith.constant 0 : i32
    %dma_start3A_32 = tpu.memref_slice %arg4[%add3A, %dma_start3A_30, %dma_start3A_31] : memref<32x80x128xi32, #tpu.memory_space<hbm>> -> memref<1x8x128xi32, #tpu.memory_space<hbm>>
    %dma_start3A_33 = tpu.memref_squeeze %dma_start3A_32 : memref<1x8x128xi32, #tpu.memory_space<hbm>> -> memref<8x128xi32, #tpu.memory_space<hbm>>
    tpu.enqueue_dma source(%dma_start3A_33 : memref<8x128xi32, #tpu.memory_space<hbm>>) target(%dma_start3A_29 : memref<8x128xi32, #tpu.memory_space<vmem>>) target_semaphore(%arg13 : memref<!tpu.dma_semaphore, #tpu.memory_space<semaphore_mem>>)
    %broadcast_in_dim3A = arith.constant 0.000000e+00 : f32
    %broadcast_in_dim3A_34 = vector.broadcast %broadcast_in_dim3A : f32 to vector<16xf32>
    %scan3A = arith.constant 0 : i32
    %scan3A_35 = arith.constant 0 : i32
    %scan3A_36 = arith.constant 128 : i32
    %scan3A_37 = arith.addi %scan3A_35, %scan3A_36 : i32
    %scan3A_38 = arith.constant 1 : i32
    %scan3A_39 = scf.for %scan3A_160 = %scan3A_35 to %scan3A_37 step %scan3A_38 iter_args(%scan3A_161 = %scan3A) -> (i32)  : i32 {
      %swap3A = arith.index_cast %scan3A_160 : i32 to index
      %swap3A_162 = arith.constant 0 : index
      %swap3A_163 = tpu.vector_load %arg8[%swap3A, %swap3A_162] {strides = array<i32>} : memref<128x128xf32, #tpu.memory_space<vmem>>, vector<1x16xf32>,
      %swap3A_164 = vector.shape_cast %swap3A_163 : vector<1x16xf32> to vector<16xf32>
      %swap3A_165 = vector.shape_cast %broadcast_in_dim3A_34 : vector<16xf32> to vector<1x16xf32>
      tpu.vector_store %arg8[%swap3A, %swap3A_162], %swap3A_165 {strides = array<i32>} : memref<128x128xf32, #tpu.memory_space<vmem>>, vector<1x16xf32>,
      %swap3A_166 = arith.index_cast %scan3A_160 : i32 to index
      %swap3A_167 = arith.constant 16 : index
      %swap3A_168 = tpu.vector_load %arg8[%swap3A_166, %swap3A_167] {strides = array<i32>} : memref<128x128xf32, #tpu.memory_space<vmem>>, vector<1x16xf32>,
      %swap3A_169 = vector.shape_cast %swap3A_168 : vector<1x16xf32> to vector<16xf32>
      %swap3A_170 = vector.shape_cast %broadcast_in_dim3A_34 : vector<16xf32> to vector<1x16xf32>
      tpu.vector_store %arg8[%swap3A_166, %swap3A_167], %swap3A_170 {strides = array<i32>} : memref<128x128xf32, #tpu.memory_space<vmem>>, vector<1x16xf32>,
      %swap3A_171 = arith.index_cast %scan3A_160 : i32 to index
      %swap3A_172 = arith.constant 32 : index
      %swap3A_173 = tpu.vector_load %arg8[%swap3A_171, %swap3A_172] {strides = array<i32>} : memref<128x128xf32, #tpu.memory_space<vmem>>, vector<1x16xf32>,
      %swap3A_174 = vector.shape_cast %swap3A_173 : vector<1x16xf32> to vector<16xf32>
      %swap3A_175 = vector.shape_cast %broadcast_in_dim3A_34 : vector<16xf32> to vector<1x16xf32>
      tpu.vector_store %arg8[%swap3A_171, %swap3A_172], %swap3A_175 {strides = array<i32>} : memref<128x128xf32, #tpu.memory_space<vmem>>, vector<1x16xf32>,
      %swap3A_176 = arith.index_cast %scan3A_160 : i32 to index
      %swap3A_177 = arith.constant 48 : index
      %swap3A_178 = tpu.vector_load %arg8[%swap3A_176, %swap3A_177] {strides = array<i32>} : memref<128x128xf32, #tpu.memory_space<vmem>>, vector<1x16xf32>,
      %swap3A_179 = vector.shape_cast %swap3A_178 : vector<1x16xf32> to vector<16xf32>
      %swap3A_180 = vector.shape_cast %broadcast_in_dim3A_34 : vector<16xf32> to vector<1x16xf32>
      tpu.vector_store %arg8[%swap3A_176, %swap3A_177], %swap3A_180 {strides = array<i32>} : memref<128x128xf32, #tpu.memory_space<vmem>>, vector<1x16xf32>,
      %swap3A_181 = arith.index_cast %scan3A_160 : i32 to index
      %swap3A_182 = arith.constant 64 : index
      %swap3A_183 = tpu.vector_load %arg8[%swap3A_181, %swap3A_182] {strides = array<i32>} : memref<128x128xf32, #tpu.memory_space<vmem>>, vector<1x16xf32>,
      %swap3A_184 = vector.shape_cast %swap3A_183 : vector<1x16xf32> to vector<16xf32>
      %swap3A_185 = vector.shape_cast %broadcast_in_dim3A_34 : vector<16xf32> to vector<1x16xf32>
      tpu.vector_store %arg8[%swap3A_181, %swap3A_182], %swap3A_185 {strides = array<i32>} : memref<128x128xf32, #tpu.memory_space<vmem>>, vector<1x16xf32>,
      %swap3A_186 = arith.index_cast %scan3A_160 : i32 to index
      %swap3A_187 = arith.constant 80 : index
      %swap3A_188 = tpu.vector_load %arg8[%swap3A_186, %swap3A_187] {strides = array<i32>} : memref<128x128xf32, #tpu.memory_space<vmem>>, vector<1x16xf32>,
      %swap3A_189 = vector.shape_cast %swap3A_188 : vector<1x16xf32> to vector<16xf32>
      %swap3A_190 = vector.shape_cast %broadcast_in_dim3A_34 : vector<16xf32> to vector<1x16xf32>
      tpu.vector_store %arg8[%swap3A_186, %swap3A_187], %swap3A_190 {strides = array<i32>} : memref<128x128xf32, #tpu.memory_space<vmem>>, vector<1x16xf32>,
      %swap3A_191 = arith.index_cast %scan3A_160 : i32 to index
      %swap3A_192 = arith.constant 96 : index
      %swap3A_193 = tpu.vector_load %arg8[%swap3A_191, %swap3A_192] {strides = array<i32>} : memref<128x128xf32, #tpu.memory_space<vmem>>, vector<1x16xf32>,
      %swap3A_194 = vector.shape_cast %swap3A_193 : vector<1x16xf32> to vector<16xf32>
      %swap3A_195 = vector.shape_cast %broadcast_in_dim3A_34 : vector<16xf32> to vector<1x16xf32>
      tpu.vector_store %arg8[%swap3A_191, %swap3A_192], %swap3A_195 {strides = array<i32>} : memref<128x128xf32, #tpu.memory_space<vmem>>, vector<1x16xf32>,
      %swap3A_196 = arith.index_cast %scan3A_160 : i32 to index
      %swap3A_197 = arith.constant 112 : index
      %swap3A_198 = tpu.vector_load %arg8[%swap3A_196, %swap3A_197] {strides = array<i32>} : memref<128x128xf32, #tpu.memory_space<vmem>>, vector<1x16xf32>,
      %swap3A_199 = vector.shape_cast %swap3A_198 : vector<1x16xf32> to vector<16xf32>
      %swap3A_200 = vector.shape_cast %broadcast_in_dim3A_34 : vector<16xf32> to vector<1x16xf32>
      tpu.vector_store %arg8[%swap3A_196, %swap3A_197], %swap3A_200 {strides = array<i32>} : memref<128x128xf32, #tpu.memory_space<vmem>>, vector<1x16xf32>,
      %scan3A_201 = arith.constant 0 : i32
      scf.yield %scan3A_201 : i32
    }
    %scan3A_40 = arith.constant 128 : i32
    %mul3A_41 = arith.constant 640 : i32
    %mul3A_42 = arith.muli %arg1, %mul3A_41 : i32
    %add3A_43 = arith.constant 0 : i32
    %add3A_44 = arith.addi %mul3A_42, %add3A_43 : i32
    %dma_start3A_45 = arith.constant 0 : i32
    %dma_start3A_46 = tpu.memref_slice %arg10[%add3A_44, %dma_start3A_45] : memref<10240x128xf32, #tpu.memory_space<vmem_shared>> -> memref<128x128xf32, #tpu.memory_space<vmem_shared>>
    %dma_start3A_47 = arith.constant 0 : i32
    %dma_start3A_48 = tpu.memref_slice %arg10[%add3A_44, %dma_start3A_47] : memref<10240x128xf32, #tpu.memory_space<vmem_shared>> -> memref<128x128xf32, #tpu.memory_space<vmem_shared>>
    tpu.enqueue_dma source(%arg8 : memref<128x128xf32, #tpu.memory_space<vmem>>) target(%dma_start3A_48 : memref<128x128xf32, #tpu.memory_space<vmem_shared>>) target_semaphore(%arg14 : memref<!tpu.dma_semaphore, #tpu.memory_space<semaphore_mem>>)
    %mul3A_49 = arith.constant 640 : i32
    %mul3A_50 = arith.muli %arg1, %mul3A_49 : i32
    %add3A_51 = arith.constant 128 : i32
    %add3A_52 = arith.addi %mul3A_50, %add3A_51 : i32
    %dma_start3A_53 = arith.constant 0 : i32
    %dma_start3A_54 = tpu.memref_slice %arg10[%add3A_52, %dma_start3A_53] : memref<10240x128xf32, #tpu.memory_space<vmem_shared>> -> memref<128x128xf32, #tpu.memory_space<vmem_shared>>
    %dma_start3A_55 = arith.constant 0 : i32
    %dma_start3A_56 = tpu.memref_slice %arg10[%add3A_52, %dma_start3A_55] : memref<10240x128xf32, #tpu.memory_space<vmem_shared>> -> memref<128x128xf32, #tpu.memory_space<vmem_shared>>
    tpu.enqueue_dma source(%arg8 : memref<128x128xf32, #tpu.memory_space<vmem>>) target(%dma_start3A_56 : memref<128x128xf32, #tpu.memory_space<vmem_shared>>) target_semaphore(%arg14 : memref<!tpu.dma_semaphore, #tpu.memory_space<semaphore_mem>>)
    %mul3A_57 = arith.constant 640 : i32
    %mul3A_58 = arith.muli %arg1, %mul3A_57 : i32
    %add3A_59 = arith.constant 256 : i32
    %add3A_60 = arith.addi %mul3A_58, %add3A_59 : i32
    %dma_start3A_61 = arith.constant 0 : i32
    %dma_start3A_62 = tpu.memref_slice %arg10[%add3A_60, %dma_start3A_61] : memref<10240x128xf32, #tpu.memory_space<vmem_shared>> -> memref<128x128xf32, #tpu.memory_space<vmem_shared>>
    %dma_start3A_63 = arith.constant 0 : i32
    %dma_start3A_64 = tpu.memref_slice %arg10[%add3A_60, %dma_start3A_63] : memref<10240x128xf32, #tpu.memory_space<vmem_shared>> -> memref<128x128xf32, #tpu.memory_space<vmem_shared>>
    tpu.enqueue_dma source(%arg8 : memref<128x128xf32, #tpu.memory_space<vmem>>) target(%dma_start3A_64 : memref<128x128xf32, #tpu.memory_space<vmem_shared>>) target_semaphore(%arg14 : memref<!tpu.dma_semaphore, #tpu.memory_space<semaphore_mem>>)
    %mul3A_65 = arith.constant 640 : i32
    %mul3A_66 = arith.muli %arg1, %mul3A_65 : i32
    %add3A_67 = arith.constant 384 : i32
    %add3A_68 = arith.addi %mul3A_66, %add3A_67 : i32
    %dma_start3A_69 = arith.constant 0 : i32
    %dma_start3A_70 = tpu.memref_slice %arg10[%add3A_68, %dma_start3A_69] : memref<10240x128xf32, #tpu.memory_space<vmem_shared>> -> memref<128x128xf32, #tpu.memory_space<vmem_shared>>
    %dma_start3A_71 = arith.constant 0 : i32
    %dma_start3A_72 = tpu.memref_slice %arg10[%add3A_68, %dma_start3A_71] : memref<10240x128xf32, #tpu.memory_space<vmem_shared>> -> memref<128x128xf32, #tpu.memory_space<vmem_shared>>
    tpu.enqueue_dma source(%arg8 : memref<128x128xf32, #tpu.memory_space<vmem>>) target(%dma_start3A_72 : memref<128x128xf32, #tpu.memory_space<vmem_shared>>) target_semaphore(%arg14 : memref<!tpu.dma_semaphore, #tpu.memory_space<semaphore_mem>>)
    %mul3A_73 = arith.constant 640 : i32
    %mul3A_74 = arith.muli %arg1, %mul3A_73 : i32
    %add3A_75 = arith.constant 512 : i32
    %add3A_76 = arith.addi %mul3A_74, %add3A_75 : i32
    %dma_start3A_77 = arith.constant 0 : i32
    %dma_start3A_78 = tpu.memref_slice %arg10[%add3A_76, %dma_start3A_77] : memref<10240x128xf32, #tpu.memory_space<vmem_shared>> -> memref<128x128xf32, #tpu.memory_space<vmem_shared>>
    %dma_start3A_79 = arith.constant 0 : i32
    %dma_start3A_80 = tpu.memref_slice %arg10[%add3A_76, %dma_start3A_79] : memref<10240x128xf32, #tpu.memory_space<vmem_shared>> -> memref<128x128xf32, #tpu.memory_space<vmem_shared>>
    tpu.enqueue_dma source(%arg8 : memref<128x128xf32, #tpu.memory_space<vmem>>) target(%dma_start3A_80 : memref<128x128xf32, #tpu.memory_space<vmem_shared>>) target_semaphore(%arg14 : memref<!tpu.dma_semaphore, #tpu.memory_space<semaphore_mem>>)
    %dma_wait3A = arith.constant 0 : i32
    %dma_wait3A_81 = tpu.memref_slice %arg10[%add3A_44, %dma_wait3A] : memref<10240x128xf32, #tpu.memory_space<vmem_shared>> -> memref<128x128xf32, #tpu.memory_space<vmem_shared>>
    %dma_wait3A_82 = arith.constant 0 : i32
    %dma_wait3A_83 = tpu.memref_slice %arg10[%add3A_44, %dma_wait3A_82] : memref<10240x128xf32, #tpu.memory_space<vmem_shared>> -> memref<128x128xf32, #tpu.memory_space<vmem_shared>>
    tpu.wait_dma2 semaphore(%arg14 : memref<!tpu.dma_semaphore, #tpu.memory_space<semaphore_mem>>) src(%arg8 : memref<128x128xf32, #tpu.memory_space<vmem>>) dst(%dma_wait3A_83 : memref<128x128xf32, #tpu.memory_space<vmem_shared>>)
    %dma_wait3A_84 = arith.constant 0 : i32
    %dma_wait3A_85 = tpu.memref_slice %arg10[%add3A_52, %dma_wait3A_84] : memref<10240x128xf32, #tpu.memory_space<vmem_shared>> -> memref<128x128xf32, #tpu.memory_space<vmem_shared>>
    %dma_wait3A_86 = arith.constant 0 : i32
    %dma_wait3A_87 = tpu.memref_slice %arg10[%add3A_52, %dma_wait3A_86] : memref<10240x128xf32, #tpu.memory_space<vmem_shared>> -> memref<128x128xf32, #tpu.memory_space<vmem_shared>>
    tpu.wait_dma2 semaphore(%arg14 : memref<!tpu.dma_semaphore, #tpu.memory_space<semaphore_mem>>) src(%arg8 : memref<128x128xf32, #tpu.memory_space<vmem>>) dst(%dma_wait3A_87 : memref<128x128xf32, #tpu.memory_space<vmem_shared>>)
    %dma_wait3A_88 = arith.constant 0 : i32
    %dma_wait3A_89 = tpu.memref_slice %arg10[%add3A_60, %dma_wait3A_88] : memref<10240x128xf32, #tpu.memory_space<vmem_shared>> -> memref<128x128xf32, #tpu.memory_space<vmem_shared>>
    %dma_wait3A_90 = arith.constant 0 : i32
    %dma_wait3A_91 = tpu.memref_slice %arg10[%add3A_60, %dma_wait3A_90] : memref<10240x128xf32, #tpu.memory_space<vmem_shared>> -> memref<128x128xf32, #tpu.memory_space<vmem_shared>>
    tpu.wait_dma2 semaphore(%arg14 : memref<!tpu.dma_semaphore, #tpu.memory_space<semaphore_mem>>) src(%arg8 : memref<128x128xf32, #tpu.memory_space<vmem>>) dst(%dma_wait3A_91 : memref<128x128xf32, #tpu.memory_space<vmem_shared>>)
    %dma_wait3A_92 = arith.constant 0 : i32
    %dma_wait3A_93 = tpu.memref_slice %arg10[%add3A_68, %dma_wait3A_92] : memref<10240x128xf32, #tpu.memory_space<vmem_shared>> -> memref<128x128xf32, #tpu.memory_space<vmem_shared>>
    %dma_wait3A_94 = arith.constant 0 : i32
    %dma_wait3A_95 = tpu.memref_slice %arg10[%add3A_68, %dma_wait3A_94] : memref<10240x128xf32, #tpu.memory_space<vmem_shared>> -> memref<128x128xf32, #tpu.memory_space<vmem_shared>>
    tpu.wait_dma2 semaphore(%arg14 : memref<!tpu.dma_semaphore, #tpu.memory_space<semaphore_mem>>) src(%arg8 : memref<128x128xf32, #tpu.memory_space<vmem>>) dst(%dma_wait3A_95 : memref<128x128xf32, #tpu.memory_space<vmem_shared>>)
    %dma_wait3A_96 = arith.constant 0 : i32
    %dma_wait3A_97 = tpu.memref_slice %arg10[%add3A_76, %dma_wait3A_96] : memref<10240x128xf32, #tpu.memory_space<vmem_shared>> -> memref<128x128xf32, #tpu.memory_space<vmem_shared>>
    %dma_wait3A_98 = arith.constant 0 : i32
    %dma_wait3A_99 = tpu.memref_slice %arg10[%add3A_76, %dma_wait3A_98] : memref<10240x128xf32, #tpu.memory_space<vmem_shared>> -> memref<128x128xf32, #tpu.memory_space<vmem_shared>>
    tpu.wait_dma2 semaphore(%arg14 : memref<!tpu.dma_semaphore, #tpu.memory_space<semaphore_mem>>) src(%arg8 : memref<128x128xf32, #tpu.memory_space<vmem>>) dst(%dma_wait3A_99 : memref<128x128xf32, #tpu.memory_space<vmem_shared>>)
    %dma_wait3A_100 = arith.constant 0 : i32
    %dma_wait3A_101 = arith.constant 0 : i32
    %dma_wait3A_102 = arith.constant 0 : i32
    %dma_wait3A_103 = tpu.memref_slice %arg6[%dma_wait3A_100, %dma_wait3A_101, %dma_wait3A_102] : memref<2x8x128xi32, #tpu.memory_space<vmem>> -> memref<1x8x128xi32, #tpu.memory_space<vmem>>
    %dma_wait3A_104 = tpu.memref_squeeze %dma_wait3A_103 : memref<1x8x128xi32, #tpu.memory_space<vmem>> -> memref<8x128xi32, #tpu.memory_space<vmem>>
    %dma_wait3A_105 = arith.constant 0 : i32
    %dma_wait3A_106 = arith.constant 0 : i32
    %dma_wait3A_107 = tpu.memref_slice %arg3[%add3A, %dma_wait3A_105, %dma_wait3A_106] : memref<32x80x128xi32, #tpu.memory_space<hbm>> -> memref<1x8x128xi32, #tpu.memory_space<hbm>>
    %dma_wait3A_108 = tpu.memref_squeeze %dma_wait3A_107 : memref<1x8x128xi32, #tpu.memory_space<hbm>> -> memref<8x128xi32, #tpu.memory_space<hbm>>
    %dma_wait3A_109 = arith.constant 0 : i32
    %dma_wait3A_110 = arith.constant 0 : i32
    %dma_wait3A_111 = tpu.memref_slice %arg6[%dma_wait3A_100, %dma_wait3A_109, %dma_wait3A_110] : memref<2x8x128xi32, #tpu.memory_space<vmem>> -> memref<1x8x128xi32, #tpu.memory_space<vmem>>
    %dma_wait3A_112 = tpu.memref_squeeze %dma_wait3A_111 : memref<1x8x128xi32, #tpu.memory_space<vmem>> -> memref<8x128xi32, #tpu.memory_space<vmem>>
    %dma_wait3A_113 = arith.constant 0 : i32
    %dma_wait3A_114 = arith.constant 0 : i32
    %dma_wait3A_115 = tpu.memref_slice %arg3[%add3A, %dma_wait3A_113, %dma_wait3A_114] : memref<32x80x128xi32, #tpu.memory_space<hbm>> -> memref<1x8x128xi32, #tpu.memory_space<hbm>>
    %dma_wait3A_116 = tpu.memref_squeeze %dma_wait3A_115 : memref<1x8x128xi32, #tpu.memory_space<hbm>> -> memref<8x128xi32, #tpu.memory_space<hbm>>
    tpu.wait_dma2 semaphore(%arg13 : memref<!tpu.dma_semaphore, #tpu.memory_space<semaphore_mem>>) src(%dma_wait3A_116 : memref<8x128xi32, #tpu.memory_space<hbm>>) dst(%dma_wait3A_112 : memref<8x128xi32, #tpu.memory_space<vmem>>)
    %dma_wait3A_117 = arith.constant 0 : i32
    %dma_wait3A_118 = arith.constant 0 : i32
    %dma_wait3A_119 = arith.constant 0 : i32
    %dma_wait3A_120 = tpu.memref_slice %arg6[%dma_wait3A_117, %dma_wait3A_118, %dma_wait3A_119] : memref<2x8x128xi32, #tpu.memory_space<vmem>> -> memref<1x8x128xi32, #tpu.memory_space<vmem>>
    %dma_wait3A_121 = tpu.memref_squeeze %dma_wait3A_120 : memref<1x8x128xi32, #tpu.memory_space<vmem>> -> memref<8x128xi32, #tpu.memory_space<vmem>>
    %dma_wait3A_122 = arith.constant 0 : i32
    %dma_wait3A_123 = arith.constant 0 : i32
    %dma_wait3A_124 = tpu.memref_slice %arg3[%add3A, %dma_wait3A_122, %dma_wait3A_123] : memref<32x80x128xi32, #tpu.memory_space<hbm>> -> memref<1x8x128xi32, #tpu.memory_space<hbm>>
    %dma_wait3A_125 = tpu.memref_squeeze %dma_wait3A_124 : memref<1x8x128xi32, #tpu.memory_space<hbm>> -> memref<8x128xi32, #tpu.memory_space<hbm>>
    %dma_wait3A_126 = arith.constant 0 : i32
    %dma_wait3A_127 = arith.constant 0 : i32
    %dma_wait3A_128 = tpu.memref_slice %arg6[%dma_wait3A_117, %dma_wait3A_126, %dma_wait3A_127] : memref<2x8x128xi32, #tpu.memory_space<vmem>> -> memref<1x8x128xi32, #tpu.memory_space<vmem>>
    %dma_wait3A_129 = tpu.memref_squeeze %dma_wait3A_128 : memref<1x8x128xi32, #tpu.memory_space<vmem>> -> memref<8x128xi32, #tpu.memory_space<vmem>>
    %dma_wait3A_130 = arith.constant 0 : i32
    %dma_wait3A_131 = arith.constant 0 : i32
    %dma_wait3A_132 = tpu.memref_slice %arg3[%add3A, %dma_wait3A_130, %dma_wait3A_131] : memref<32x80x128xi32, #tpu.memory_space<hbm>> -> memref<1x8x128xi32, #tpu.memory_space<hbm>>
    %dma_wait3A_133 = tpu.memref_squeeze %dma_wait3A_132 : memref<1x8x128xi32, #tpu.memory_space<hbm>> -> memref<8x128xi32, #tpu.memory_space<hbm>>
    tpu.wait_dma2 semaphore(%arg13 : memref<!tpu.dma_semaphore, #tpu.memory_space<semaphore_mem>>) src(%dma_wait3A_133 : memref<8x128xi32, #tpu.memory_space<hbm>>) dst(%dma_wait3A_129 : memref<8x128xi32, #tpu.memory_space<vmem>>)
    %dma_start3A_134 = arith.constant 0 : i32
    %dma_start3A_135 = arith.constant 0 : i32
    %dma_start3A_136 = arith.constant 0 : i32
    %dma_start3A_137 = tpu.memref_slice %arg6[%dma_start3A_134, %dma_start3A_135, %dma_start3A_136] : memref<2x8x128xi32, #tpu.memory_space<vmem>> -> memref<1x1x128xi32, #tpu.memory_space<vmem>>
    %dma_start3A_138 = tpu.memref_squeeze %dma_start3A_137 : memref<1x1x128xi32, #tpu.memory_space<vmem>> -> memref<128xi32, #tpu.memory_space<vmem>>
    %dma_start3A_139 = arith.constant 0 : i32
    %dma_start3A_140 = arith.constant 0 : i32
    %dma_start3A_141 = tpu.memref_slice %arg2[%dma_start3A_139, %dma_start3A_140] : memref<10000x128xf32, #tpu.memory_space<hbm>> -> memref<10000x128xf32, #tpu.memory_space<hbm>>
    tpu.enqueue_indirect_dma source(%dma_start3A_141 : memref<10000x128xf32, #tpu.memory_space<hbm>>) target(%arg8 : memref<128x128xf32, #tpu.memory_space<vmem>>) offsets(%dma_start3A_138 : memref<128xi32, #tpu.memory_space<vmem>>) semaphore(%arg11 : memref<!tpu.dma_semaphore, #tpu.memory_space<semaphore_mem>>)
    %dma_start3A_142 = arith.constant 0 : i32
    %dma_start3A_143 = arith.constant 1 : i32
    %dma_start3A_144 = arith.constant 0 : i32
    %dma_start3A_145 = tpu.memref_slice %arg6[%dma_start3A_142, %dma_start3A_143, %dma_start3A_144] : memref<2x8x128xi32, #tpu.memory_space<vmem>> -> memref<1x1x128xi32, #tpu.memory_space<vmem>>
    %dma_start3A_146 = tpu.memref_squeeze %dma_start3A_145 : memref<1x1x128xi32, #tpu.memory_space<vmem>> -> memref<128xi32, #tpu.memory_space<vmem>>
    %dma_start3A_147 = arith.constant 0 : i32
    %dma_start3A_148 = arith.constant 0 : i32
    %dma_start3A_149 = tpu.memref_slice %arg2[%dma_start3A_147, %dma_start3A_148] : memref<10000x128xf32, #tpu.memory_space<hbm>> -> memref<10000x128xf32, #tpu.memory_space<hbm>>
    tpu.enqueue_indirect_dma source(%dma_start3A_149 : memref<10000x128xf32, #tpu.memory_space<hbm>>) target(%arg9 : memref<128x128xf32, #tpu.memory_space<vmem>>) offsets(%dma_start3A_146 : memref<128xi32, #tpu.memory_space<vmem>>) semaphore(%arg12 : memref<!tpu.dma_semaphore, #tpu.memory_space<semaphore_mem>>)
    %barrier3A = arith.constant 0 : index
    tpu.barrier barrier_id(%barrier3A)
    %scan3A_150 = arith.constant 0 : i32
    %scan3A_151 = arith.constant 0 : i32
    %scan3A_152 = arith.constant 5 : i32
    %scan3A_153 = arith.addi %scan3A_151, %scan3A_152 : i32
    %scan3A_154 = arith.constant 1 : i32
    %scan3A_155 = scf.for %scan3A_160 = %scan3A_151 to %scan3A_153 step %scan3A_154 iter_args(%scan3A_161 = %scan3A_150) -> (i32)  : i32 {
      %mul3A_162 = arith.constant 2 : i32
      %mul3A_163 = arith.muli %scan3A_160, %mul3A_162 : i32
      %add3A_164 = arith.constant 0 : i32
      %add3A_165 = arith.addi %mul3A_163, %add3A_164 : i32
      %add3A_166 = arith.constant 1 : i32
      %add3A_167 = arith.addi %add3A_165, %add3A_166 : i32
      %min3A = arith.constant 9 : i32
      %min3A_168 = arith.minsi %add3A_167, %min3A : i32
      %mul3A_169 = arith.constant 8 : i32
      %mul3A_170 = arith.muli %min3A_168, %mul3A_169 : i32
      %dma_start3A_171 = arith.constant 1 : i32
      %dma_start3A_172 = arith.constant 0 : i32
      %dma_start3A_173 = arith.constant 0 : i32
      %dma_start3A_174 = tpu.memref_slice %arg6[%dma_start3A_171, %dma_start3A_172, %dma_start3A_173] : memref<2x8x128xi32, #tpu.memory_space<vmem>> -> memref<1x8x128xi32, #tpu.memory_space<vmem>>
      %dma_start3A_175 = tpu.memref_squeeze %dma_start3A_174 : memref<1x8x128xi32, #tpu.memory_space<vmem>> -> memref<8x128xi32, #tpu.memory_space<vmem>>
      %dma_start3A_176 = arith.constant 0 : i32
      %dma_start3A_177 = tpu.memref_slice %arg3[%add3A, %mul3A_170, %dma_start3A_176] : memref<32x80x128xi32, #tpu.memory_space<hbm>> -> memref<1x8x128xi32, #tpu.memory_space<hbm>>
      %dma_start3A_178 = tpu.memref_squeeze %dma_start3A_177 : memref<1x8x128xi32, #tpu.memory_space<hbm>> -> memref<8x128xi32, #tpu.memory_space<hbm>>
      %dma_start3A_179 = arith.constant 0 : i32
      %dma_start3A_180 = arith.constant 0 : i32
      %dma_start3A_181 = tpu.memref_slice %arg6[%dma_start3A_171, %dma_start3A_179, %dma_start3A_180] : memref<2x8x128xi32, #tpu.memory_space<vmem>> -> memref<1x8x128xi32, #tpu.memory_space<vmem>>
      %dma_start3A_182 = tpu.memref_squeeze %dma_start3A_181 : memref<1x8x128xi32, #tpu.memory_space<vmem>> -> memref<8x128xi32, #tpu.memory_space<vmem>>
      %dma_start3A_183 = arith.constant 0 : i32
      %dma_start3A_184 = tpu.memref_slice %arg3[%add3A, %mul3A_170, %dma_start3A_183] : memref<32x80x128xi32, #tpu.memory_space<hbm>> -> memref<1x8x128xi32, #tpu.memory_space<hbm>>
      %dma_start3A_185 = tpu.memref_squeeze %dma_start3A_184 : memref<1x8x128xi32, #tpu.memory_space<hbm>> -> memref<8x128xi32, #tpu.memory_space<hbm>>
      tpu.enqueue_dma source(%dma_start3A_185 : memref<8x128xi32, #tpu.memory_space<hbm>>) target(%dma_start3A_182 : memref<8x128xi32, #tpu.memory_space<vmem>>) target_semaphore(%arg14 : memref<!tpu.dma_semaphore, #tpu.memory_space<semaphore_mem>>)
      %mul3A_186 = arith.constant 8 : i32
      %mul3A_187 = arith.muli %min3A_168, %mul3A_186 : i32
      %dma_start3A_188 = arith.constant 1 : i32
      %dma_start3A_189 = arith.constant 0 : i32
      %dma_start3A_190 = arith.constant 0 : i32
      %dma_start3A_191 = tpu.memref_slice %arg7[%dma_start3A_188, %dma_start3A_189, %dma_start3A_190] : memref<2x8x128xi32, #tpu.memory_space<vmem>> -> memref<1x8x128xi32, #tpu.memory_space<vmem>>
      %dma_start3A_192 = tpu.memref_squeeze %dma_start3A_191 : memref<1x8x128xi32, #tpu.memory_space<vmem>> -> memref<8x128xi32, #tpu.memory_space<vmem>>
      %dma_start3A_193 = arith.constant 0 : i32
      %dma_start3A_194 = tpu.memref_slice %arg4[%add3A, %mul3A_187, %dma_start3A_193] : memref<32x80x128xi32, #tpu.memory_space<hbm>> -> memref<1x8x128xi32, #tpu.memory_space<hbm>>
      %dma_start3A_195 = tpu.memref_squeeze %dma_start3A_194 : memref<1x8x128xi32, #tpu.memory_space<hbm>> -> memref<8x128xi32, #tpu.memory_space<hbm>>
      %dma_start3A_196 = arith.constant 0 : i32
      %dma_start3A_197 = arith.constant 0 : i32
      %dma_start3A_198 = tpu.memref_slice %arg7[%dma_start3A_188, %dma_start3A_196, %dma_start3A_197] : memref<2x8x128xi32, #tpu.memory_space<vmem>> -> memref<1x8x128xi32, #tpu.memory_space<vmem>>
      %dma_start3A_199 = tpu.memref_squeeze %dma_start3A_198 : memref<1x8x128xi32, #tpu.memory_space<vmem>> -> memref<8x128xi32, #tpu.memory_space<vmem>>
      %dma_start3A_200 = arith.constant 0 : i32
      %dma_start3A_201 = tpu.memref_slice %arg4[%add3A, %mul3A_187, %dma_start3A_200] : memref<32x80x128xi32, #tpu.memory_space<hbm>> -> memref<1x8x128xi32, #tpu.memory_space<hbm>>
      %dma_start3A_202 = tpu.memref_squeeze %dma_start3A_201 : memref<1x8x128xi32, #tpu.memory_space<hbm>> -> memref<8x128xi32, #tpu.memory_space<hbm>>
      tpu.enqueue_dma source(%dma_start3A_202 : memref<8x128xi32, #tpu.memory_space<hbm>>) target(%dma_start3A_199 : memref<8x128xi32, #tpu.memory_space<vmem>>) target_semaphore(%arg14 : memref<!tpu.dma_semaphore, #tpu.memory_space<semaphore_mem>>)
      %dma_wait3A_203 = arith.constant 0 : i32
      %dma_wait3A_204 = arith.constant 0 : i32
      %dma_wait3A_205 = tpu.memref_slice %arg2[%dma_wait3A_203, %dma_wait3A_204] : memref<10000x128xf32, #tpu.memory_space<hbm>> -> memref<128x128xf32, #tpu.memory_space<hbm>>
      %dma_wait3A_206 = arith.constant 0 : i32
      %dma_wait3A_207 = arith.constant 0 : i32
      %dma_wait3A_208 = tpu.memref_slice %arg2[%dma_wait3A_206, %dma_wait3A_207] : memref<10000x128xf32, #tpu.memory_space<hbm>> -> memref<128x128xf32, #tpu.memory_space<hbm>>
      tpu.wait_dma2 semaphore(%arg11 : memref<!tpu.dma_semaphore, #tpu.memory_space<semaphore_mem>>) src(%dma_wait3A_208 : memref<128x128xf32, #tpu.memory_space<hbm>>) dst(%arg8 : memref<128x128xf32, #tpu.memory_space<vmem>>)
      %run_scoped3A = arith.constant 0 : i32
      %run_scoped3A_209 = arith.constant 0 : i32
      "tpu.region"() ({
        %run_scoped3A_554 = tpu.sem_alloc : memref<!tpu.dma_semaphore, #tpu.memory_space<semaphore_mem>>
        %dma_start3A_555 = arith.constant 0 : i32
        %dma_start3A_556 = tpu.memref_slice %arg7[%run_scoped3A, %run_scoped3A_209, %dma_start3A_555] : memref<2x8x128xi32, #tpu.memory_space<vmem>> -> memref<1x1x128xi32, #tpu.memory_space<vmem>>
        %dma_start3A_557 = tpu.memref_squeeze %dma_start3A_556 : memref<1x1x128xi32, #tpu.memory_space<vmem>> -> memref<128xi32, #tpu.memory_space<vmem>>
        %dma_start3A_558 = arith.constant 0 : i32
        %dma_start3A_559 = arith.constant 0 : i32
        %dma_start3A_560 = tpu.memref_slice %arg10[%dma_start3A_558, %dma_start3A_559] : memref<10240x128xf32, #tpu.memory_space<vmem_shared>> -> memref<10240x128xf32, #tpu.memory_space<vmem_shared>>
        tpu.enqueue_indirect_dma source(%arg8 : memref<128x128xf32, #tpu.memory_space<vmem>>) target(%dma_start3A_560 : memref<10240x128xf32, #tpu.memory_space<vmem_shared>>) offsets(%dma_start3A_557 : memref<128xi32, #tpu.memory_space<vmem>>) semaphore(%run_scoped3A_554 : memref<!tpu.dma_semaphore, #tpu.memory_space<semaphore_mem>>) {add = true}
        %dma_wait3A_561 = arith.constant 0 : i32
        %dma_wait3A_562 = tpu.memref_slice %arg7[%run_scoped3A, %run_scoped3A_209, %dma_wait3A_561] : memref<2x8x128xi32, #tpu.memory_space<vmem>> -> memref<1x1x128xi32, #tpu.memory_space<vmem>>
        %dma_wait3A_563 = tpu.memref_squeeze %dma_wait3A_562 : memref<1x1x128xi32, #tpu.memory_space<vmem>> -> memref<128xi32, #tpu.memory_space<vmem>>
        %dma_wait3A_564 = arith.constant 0 : i32
        %dma_wait3A_565 = arith.constant 0 : i32
        %dma_wait3A_566 = tpu.memref_slice %arg10[%dma_wait3A_564, %dma_wait3A_565] : memref<10240x128xf32, #tpu.memory_space<vmem_shared>> -> memref<10240x128xf32, #tpu.memory_space<vmem_shared>>
        tpu.wait_indirect_dma semaphore(%run_scoped3A_554 : memref<!tpu.dma_semaphore, #tpu.memory_space<semaphore_mem>>) src(%arg8 : memref<128x128xf32, #tpu.memory_space<vmem>>) dst(%dma_wait3A_566 : memref<10240x128xf32, #tpu.memory_space<vmem_shared>>)
        tpu.yield
      }) : () -> ()
      %dma_start3A_210 = arith.constant 0 : i32
      %dma_start3A_211 = arith.constant 2 : i32
      %dma_start3A_212 = arith.constant 0 : i32
      %dma_start3A_213 = tpu.memref_slice %arg6[%dma_start3A_210, %dma_start3A_211, %dma_start3A_212] : memref<2x8x128xi32, #tpu.memory_space<vmem>> -> memref<1x1x128xi32, #tpu.memory_space<vmem>>
      %dma_start3A_214 = tpu.memref_squeeze %dma_start3A_213 : memref<1x1x128xi32, #tpu.memory_space<vmem>> -> memref<128xi32, #tpu.memory_space<vmem>>
      %dma_start3A_215 = arith.constant 0 : i32
      %dma_start3A_216 = arith.constant 0 : i32
      %dma_start3A_217 = tpu.memref_slice %arg2[%dma_start3A_215, %dma_start3A_216] : memref<10000x128xf32, #tpu.memory_space<hbm>> -> memref<10000x128xf32, #tpu.memory_space<hbm>>
      tpu.enqueue_indirect_dma source(%dma_start3A_217 : memref<10000x128xf32, #tpu.memory_space<hbm>>) target(%arg8 : memref<128x128xf32, #tpu.memory_space<vmem>>) offsets(%dma_start3A_214 : memref<128xi32, #tpu.memory_space<vmem>>) semaphore(%arg11 : memref<!tpu.dma_semaphore, #tpu.memory_space<semaphore_mem>>)
      %dma_wait3A_218 = arith.constant 0 : i32
      %dma_wait3A_219 = arith.constant 0 : i32
      %dma_wait3A_220 = tpu.memref_slice %arg2[%dma_wait3A_218, %dma_wait3A_219] : memref<10000x128xf32, #tpu.memory_space<hbm>> -> memref<128x128xf32, #tpu.memory_space<hbm>>
      %dma_wait3A_221 = arith.constant 0 : i32
      %dma_wait3A_222 = arith.constant 0 : i32
      %dma_wait3A_223 = tpu.memref_slice %arg2[%dma_wait3A_221, %dma_wait3A_222] : memref<10000x128xf32, #tpu.memory_space<hbm>> -> memref<128x128xf32, #tpu.memory_space<hbm>>
      tpu.wait_dma2 semaphore(%arg12 : memref<!tpu.dma_semaphore, #tpu.memory_space<semaphore_mem>>) src(%dma_wait3A_223 : memref<128x128xf32, #tpu.memory_space<hbm>>) dst(%arg9 : memref<128x128xf32, #tpu.memory_space<vmem>>)
      %run_scoped3A_224 = arith.constant 0 : i32
      %run_scoped3A_225 = arith.constant 1 : i32
      "tpu.region"() ({
        %run_scoped3A_554 = tpu.sem_alloc : memref<!tpu.dma_semaphore, #tpu.memory_space<semaphore_mem>>
        %dma_start3A_555 = arith.constant 0 : i32
        %dma_start3A_556 = tpu.memref_slice %arg7[%run_scoped3A_224, %run_scoped3A_225, %dma_start3A_555] : memref<2x8x128xi32, #tpu.memory_space<vmem>> -> memref<1x1x128xi32, #tpu.memory_space<vmem>>
        %dma_start3A_557 = tpu.memref_squeeze %dma_start3A_556 : memref<1x1x128xi32, #tpu.memory_space<vmem>> -> memref<128xi32, #tpu.memory_space<vmem>>
        %dma_start3A_558 = arith.constant 0 : i32
        %dma_start3A_559 = arith.constant 0 : i32
        %dma_start3A_560 = tpu.memref_slice %arg10[%dma_start3A_558, %dma_start3A_559] : memref<10240x128xf32, #tpu.memory_space<vmem_shared>> -> memref<10240x128xf32, #tpu.memory_space<vmem_shared>>
        tpu.enqueue_indirect_dma source(%arg9 : memref<128x128xf32, #tpu.memory_space<vmem>>) target(%dma_start3A_560 : memref<10240x128xf32, #tpu.memory_space<vmem_shared>>) offsets(%dma_start3A_557 : memref<128xi32, #tpu.memory_space<vmem>>) semaphore(%run_scoped3A_554 : memref<!tpu.dma_semaphore, #tpu.memory_space<semaphore_mem>>) {add = true}
        %dma_wait3A_561 = arith.constant 0 : i32
        %dma_wait3A_562 = tpu.memref_slice %arg7[%run_scoped3A_224, %run_scoped3A_225, %dma_wait3A_561] : memref<2x8x128xi32, #tpu.memory_space<vmem>> -> memref<1x1x128xi32, #tpu.memory_space<vmem>>
        %dma_wait3A_563 = tpu.memref_squeeze %dma_wait3A_562 : memref<1x1x128xi32, #tpu.memory_space<vmem>> -> memref<128xi32, #tpu.memory_space<vmem>>
        %dma_wait3A_564 = arith.constant 0 : i32
        %dma_wait3A_565 = arith.constant 0 : i32
        %dma_wait3A_566 = tpu.memref_slice %arg10[%dma_wait3A_564, %dma_wait3A_565] : memref<10240x128xf32, #tpu.memory_space<vmem_shared>> -> memref<10240x128xf32, #tpu.memory_space<vmem_shared>>
        tpu.wait_indirect_dma semaphore(%run_scoped3A_554 : memref<!tpu.dma_semaphore, #tpu.memory_space<semaphore_mem>>) src(%arg9 : memref<128x128xf32, #tpu.memory_space<vmem>>) dst(%dma_wait3A_566 : memref<10240x128xf32, #tpu.memory_space<vmem_shared>>)
        tpu.yield
      }) : () -> ()
      %dma_start3A_226 = arith.constant 0 : i32
      %dma_start3A_227 = arith.constant 3 : i32
      %dma_start3A_228 = arith.constant 0 : i32
      %dma_start3A_229 = tpu.memref_slice %arg6[%dma_start3A_226, %dma_start3A_227, %dma_start3A_228] : memref<2x8x128xi32, #tpu.memory_space<vmem>> -> memref<1x1x128xi32, #tpu.memory_space<vmem>>
      %dma_start3A_230 = tpu.memref_squeeze %dma_start3A_229 : memref<1x1x128xi32, #tpu.memory_space<vmem>> -> memref<128xi32, #tpu.memory_space<vmem>>
      %dma_start3A_231 = arith.constant 0 : i32
      %dma_start3A_232 = arith.constant 0 : i32
      %dma_start3A_233 = tpu.memref_slice %arg2[%dma_start3A_231, %dma_start3A_232] : memref<10000x128xf32, #tpu.memory_space<hbm>> -> memref<10000x128xf32, #tpu.memory_space<hbm>>
      tpu.enqueue_indirect_dma source(%dma_start3A_233 : memref<10000x128xf32, #tpu.memory_space<hbm>>) target(%arg9 : memref<128x128xf32, #tpu.memory_space<vmem>>) offsets(%dma_start3A_230 : memref<128xi32, #tpu.memory_space<vmem>>) semaphore(%arg12 : memref<!tpu.dma_semaphore, #tpu.memory_space<semaphore_mem>>)
      %dma_wait3A_234 = arith.constant 0 : i32
      %dma_wait3A_235 = arith.constant 0 : i32
      %dma_wait3A_236 = tpu.memref_slice %arg2[%dma_wait3A_234, %dma_wait3A_235] : memref<10000x128xf32, #tpu.memory_space<hbm>> -> memref<128x128xf32, #tpu.memory_space<hbm>>
      %dma_wait3A_237 = arith.constant 0 : i32
      %dma_wait3A_238 = arith.constant 0 : i32
      %dma_wait3A_239 = tpu.memref_slice %arg2[%dma_wait3A_237, %dma_wait3A_238] : memref<10000x128xf32, #tpu.memory_space<hbm>> -> memref<128x128xf32, #tpu.memory_space<hbm>>
      tpu.wait_dma2 semaphore(%arg11 : memref<!tpu.dma_semaphore, #tpu.memory_space<semaphore_mem>>) src(%dma_wait3A_239 : memref<128x128xf32, #tpu.memory_space<hbm>>) dst(%arg8 : memref<128x128xf32, #tpu.memory_space<vmem>>)
      %run_scoped3A_240 = arith.constant 0 : i32
      %run_scoped3A_241 = arith.constant 2 : i32
      "tpu.region"() ({
        %run_scoped3A_554 = tpu.sem_alloc : memref<!tpu.dma_semaphore, #tpu.memory_space<semaphore_mem>>
        %dma_start3A_555 = arith.constant 0 : i32
        %dma_start3A_556 = tpu.memref_slice %arg7[%run_scoped3A_240, %run_scoped3A_241, %dma_start3A_555] : memref<2x8x128xi32, #tpu.memory_space<vmem>> -> memref<1x1x128xi32, #tpu.memory_space<vmem>>
        %dma_start3A_557 = tpu.memref_squeeze %dma_start3A_556 : memref<1x1x128xi32, #tpu.memory_space<vmem>> -> memref<128xi32, #tpu.memory_space<vmem>>
        %dma_start3A_558 = arith.constant 0 : i32
        %dma_start3A_559 = arith.constant 0 : i32
        %dma_start3A_560 = tpu.memref_slice %arg10[%dma_start3A_558, %dma_start3A_559] : memref<10240x128xf32, #tpu.memory_space<vmem_shared>> -> memref<10240x128xf32, #tpu.memory_space<vmem_shared>>
        tpu.enqueue_indirect_dma source(%arg8 : memref<128x128xf32, #tpu.memory_space<vmem>>) target(%dma_start3A_560 : memref<10240x128xf32, #tpu.memory_space<vmem_shared>>) offsets(%dma_start3A_557 : memref<128xi32, #tpu.memory_space<vmem>>) semaphore(%run_scoped3A_554 : memref<!tpu.dma_semaphore, #tpu.memory_space<semaphore_mem>>) {add = true}
        %dma_wait3A_561 = arith.constant 0 : i32
        %dma_wait3A_562 = tpu.memref_slice %arg7[%run_scoped3A_240, %run_scoped3A_241, %dma_wait3A_561] : memref<2x8x128xi32, #tpu.memory_space<vmem>> -> memref<1x1x128xi32, #tpu.memory_space<vmem>>
        %dma_wait3A_563 = tpu.memref_squeeze %dma_wait3A_562 : memref<1x1x128xi32, #tpu.memory_space<vmem>> -> memref<128xi32, #tpu.memory_space<vmem>>
        %dma_wait3A_564 = arith.constant 0 : i32
        %dma_wait3A_565 = arith.constant 0 : i32
        %dma_wait3A_566 = tpu.memref_slice %arg10[%dma_wait3A_564, %dma_wait3A_565] : memref<10240x128xf32, #tpu.memory_space<vmem_shared>> -> memref<10240x128xf32, #tpu.memory_space<vmem_shared>>
        tpu.wait_indirect_dma semaphore(%run_scoped3A_554 : memref<!tpu.dma_semaphore, #tpu.memory_space<semaphore_mem>>) src(%arg8 : memref<128x128xf32, #tpu.memory_space<vmem>>) dst(%dma_wait3A_566 : memref<10240x128xf32, #tpu.memory_space<vmem_shared>>)
        tpu.yield
      }) : () -> ()
      %dma_start3A_242 = arith.constant 0 : i32
      %dma_start3A_243 = arith.constant 4 : i32
      %dma_start3A_244 = arith.constant 0 : i32
      %dma_start3A_245 = tpu.memref_slice %arg6[%dma_start3A_242, %dma_start3A_243, %dma_start3A_244] : memref<2x8x128xi32, #tpu.memory_space<vmem>> -> memref<1x1x128xi32, #tpu.memory_space<vmem>>
      %dma_start3A_246 = tpu.memref_squeeze %dma_start3A_245 : memref<1x1x128xi32, #tpu.memory_space<vmem>> -> memref<128xi32, #tpu.memory_space<vmem>>
      %dma_start3A_247 = arith.constant 0 : i32
      %dma_start3A_248 = arith.constant 0 : i32
      %dma_start3A_249 = tpu.memref_slice %arg2[%dma_start3A_247, %dma_start3A_248] : memref<10000x128xf32, #tpu.memory_space<hbm>> -> memref<10000x128xf32, #tpu.memory_space<hbm>>
      tpu.enqueue_indirect_dma source(%dma_start3A_249 : memref<10000x128xf32, #tpu.memory_space<hbm>>) target(%arg8 : memref<128x128xf32, #tpu.memory_space<vmem>>) offsets(%dma_start3A_246 : memref<128xi32, #tpu.memory_space<vmem>>) semaphore(%arg11 : memref<!tpu.dma_semaphore, #tpu.memory_space<semaphore_mem>>)
      %dma_wait3A_250 = arith.constant 0 : i32
      %dma_wait3A_251 = arith.constant 0 : i32
      %dma_wait3A_252 = tpu.memref_slice %arg2[%dma_wait3A_250, %dma_wait3A_251] : memref<10000x128xf32, #tpu.memory_space<hbm>> -> memref<128x128xf32, #tpu.memory_space<hbm>>
      %dma_wait3A_253 = arith.constant 0 : i32
      %dma_wait3A_254 = arith.constant 0 : i32
      %dma_wait3A_255 = tpu.memref_slice %arg2[%dma_wait3A_253, %dma_wait3A_254] : memref<10000x128xf32, #tpu.memory_space<hbm>> -> memref<128x128xf32, #tpu.memory_space<hbm>>
      tpu.wait_dma2 semaphore(%arg12 : memref<!tpu.dma_semaphore, #tpu.memory_space<semaphore_mem>>) src(%dma_wait3A_255 : memref<128x128xf32, #tpu.memory_space<hbm>>) dst(%arg9 : memref<128x128xf32, #tpu.memory_space<vmem>>)
      %run_scoped3A_256 = arith.constant 0 : i32
      %run_scoped3A_257 = arith.constant 3 : i32
      "tpu.region"() ({
        %run_scoped3A_554 = tpu.sem_alloc : memref<!tpu.dma_semaphore, #tpu.memory_space<semaphore_mem>>
        %dma_start3A_555 = arith.constant 0 : i32
        %dma_start3A_556 = tpu.memref_slice %arg7[%run_scoped3A_256, %run_scoped3A_257, %dma_start3A_555] : memref<2x8x128xi32, #tpu.memory_space<vmem>> -> memref<1x1x128xi32, #tpu.memory_space<vmem>>
        %dma_start3A_557 = tpu.memref_squeeze %dma_start3A_556 : memref<1x1x128xi32, #tpu.memory_space<vmem>> -> memref<128xi32, #tpu.memory_space<vmem>>
        %dma_start3A_558 = arith.constant 0 : i32
        %dma_start3A_559 = arith.constant 0 : i32
        %dma_start3A_560 = tpu.memref_slice %arg10[%dma_start3A_558, %dma_start3A_559] : memref<10240x128xf32, #tpu.memory_space<vmem_shared>> -> memref<10240x128xf32, #tpu.memory_space<vmem_shared>>
        tpu.enqueue_indirect_dma source(%arg9 : memref<128x128xf32, #tpu.memory_space<vmem>>) target(%dma_start3A_560 : memref<10240x128xf32, #tpu.memory_space<vmem_shared>>) offsets(%dma_start3A_557 : memref<128xi32, #tpu.memory_space<vmem>>) semaphore(%run_scoped3A_554 : memref<!tpu.dma_semaphore, #tpu.memory_space<semaphore_mem>>) {add = true}
        %dma_wait3A_561 = arith.constant 0 : i32
        %dma_wait3A_562 = tpu.memref_slice %arg7[%run_scoped3A_256, %run_scoped3A_257, %dma_wait3A_561] : memref<2x8x128xi32, #tpu.memory_space<vmem>> -> memref<1x1x128xi32, #tpu.memory_space<vmem>>
        %dma_wait3A_563 = tpu.memref_squeeze %dma_wait3A_562 : memref<1x1x128xi32, #tpu.memory_space<vmem>> -> memref<128xi32, #tpu.memory_space<vmem>>
        %dma_wait3A_564 = arith.constant 0 : i32
        %dma_wait3A_565 = arith.constant 0 : i32
        %dma_wait3A_566 = tpu.memref_slice %arg10[%dma_wait3A_564, %dma_wait3A_565] : memref<10240x128xf32, #tpu.memory_space<vmem_shared>> -> memref<10240x128xf32, #tpu.memory_space<vmem_shared>>
        tpu.wait_indirect_dma semaphore(%run_scoped3A_554 : memref<!tpu.dma_semaphore, #tpu.memory_space<semaphore_mem>>) src(%arg9 : memref<128x128xf32, #tpu.memory_space<vmem>>) dst(%dma_wait3A_566 : memref<10240x128xf32, #tpu.memory_space<vmem_shared>>)
        tpu.yield
      }) : () -> ()
      %dma_start3A_258 = arith.constant 0 : i32
      %dma_start3A_259 = arith.constant 5 : i32
      %dma_start3A_260 = arith.constant 0 : i32
      %dma_start3A_261 = tpu.memref_slice %arg6[%dma_start3A_258, %dma_start3A_259, %dma_start3A_260] : memref<2x8x128xi32, #tpu.memory_space<vmem>> -> memref<1x1x128xi32, #tpu.memory_space<vmem>>
      %dma_start3A_262 = tpu.memref_squeeze %dma_start3A_261 : memref<1x1x128xi32, #tpu.memory_space<vmem>> -> memref<128xi32, #tpu.memory_space<vmem>>
      %dma_start3A_263 = arith.constant 0 : i32
      %dma_start3A_264 = arith.constant 0 : i32
      %dma_start3A_265 = tpu.memref_slice %arg2[%dma_start3A_263, %dma_start3A_264] : memref<10000x128xf32, #tpu.memory_space<hbm>> -> memref<10000x128xf32, #tpu.memory_space<hbm>>
      tpu.enqueue_indirect_dma source(%dma_start3A_265 : memref<10000x128xf32, #tpu.memory_space<hbm>>) target(%arg9 : memref<128x128xf32, #tpu.memory_space<vmem>>) offsets(%dma_start3A_262 : memref<128xi32, #tpu.memory_space<vmem>>) semaphore(%arg12 : memref<!tpu.dma_semaphore, #tpu.memory_space<semaphore_mem>>)
      %dma_wait3A_266 = arith.constant 0 : i32
      %dma_wait3A_267 = arith.constant 0 : i32
      %dma_wait3A_268 = tpu.memref_slice %arg2[%dma_wait3A_266, %dma_wait3A_267] : memref<10000x128xf32, #tpu.memory_space<hbm>> -> memref<128x128xf32, #tpu.memory_space<hbm>>
      %dma_wait3A_269 = arith.constant 0 : i32
      %dma_wait3A_270 = arith.constant 0 : i32
      %dma_wait3A_271 = tpu.memref_slice %arg2[%dma_wait3A_269, %dma_wait3A_270] : memref<10000x128xf32, #tpu.memory_space<hbm>> -> memref<128x128xf32, #tpu.memory_space<hbm>>
      tpu.wait_dma2 semaphore(%arg11 : memref<!tpu.dma_semaphore, #tpu.memory_space<semaphore_mem>>) src(%dma_wait3A_271 : memref<128x128xf32, #tpu.memory_space<hbm>>) dst(%arg8 : memref<128x128xf32, #tpu.memory_space<vmem>>)
      %run_scoped3A_272 = arith.constant 0 : i32
      %run_scoped3A_273 = arith.constant 4 : i32
      "tpu.region"() ({
        %run_scoped3A_554 = tpu.sem_alloc : memref<!tpu.dma_semaphore, #tpu.memory_space<semaphore_mem>>
        %dma_start3A_555 = arith.constant 0 : i32
        %dma_start3A_556 = tpu.memref_slice %arg7[%run_scoped3A_272, %run_scoped3A_273, %dma_start3A_555] : memref<2x8x128xi32, #tpu.memory_space<vmem>> -> memref<1x1x128xi32, #tpu.memory_space<vmem>>
        %dma_start3A_557 = tpu.memref_squeeze %dma_start3A_556 : memref<1x1x128xi32, #tpu.memory_space<vmem>> -> memref<128xi32, #tpu.memory_space<vmem>>
        %dma_start3A_558 = arith.constant 0 : i32
        %dma_start3A_559 = arith.constant 0 : i32
        %dma_start3A_560 = tpu.memref_slice %arg10[%dma_start3A_558, %dma_start3A_559] : memref<10240x128xf32, #tpu.memory_space<vmem_shared>> -> memref<10240x128xf32, #tpu.memory_space<vmem_shared>>
        tpu.enqueue_indirect_dma source(%arg8 : memref<128x128xf32, #tpu.memory_space<vmem>>) target(%dma_start3A_560 : memref<10240x128xf32, #tpu.memory_space<vmem_shared>>) offsets(%dma_start3A_557 : memref<128xi32, #tpu.memory_space<vmem>>) semaphore(%run_scoped3A_554 : memref<!tpu.dma_semaphore, #tpu.memory_space<semaphore_mem>>) {add = true}
        %dma_wait3A_561 = arith.constant 0 : i32
        %dma_wait3A_562 = tpu.memref_slice %arg7[%run_scoped3A_272, %run_scoped3A_273, %dma_wait3A_561] : memref<2x8x128xi32, #tpu.memory_space<vmem>> -> memref<1x1x128xi32, #tpu.memory_space<vmem>>
        %dma_wait3A_563 = tpu.memref_squeeze %dma_wait3A_562 : memref<1x1x128xi32, #tpu.memory_space<vmem>> -> memref<128xi32, #tpu.memory_space<vmem>>
        %dma_wait3A_564 = arith.constant 0 : i32
        %dma_wait3A_565 = arith.constant 0 : i32
        %dma_wait3A_566 = tpu.memref_slice %arg10[%dma_wait3A_564, %dma_wait3A_565] : memref<10240x128xf32, #tpu.memory_space<vmem_shared>> -> memref<10240x128xf32, #tpu.memory_space<vmem_shared>>
        tpu.wait_indirect_dma semaphore(%run_scoped3A_554 : memref<!tpu.dma_semaphore, #tpu.memory_space<semaphore_mem>>) src(%arg8 : memref<128x128xf32, #tpu.memory_space<vmem>>) dst(%dma_wait3A_566 : memref<10240x128xf32, #tpu.memory_space<vmem_shared>>)
        tpu.yield
      }) : () -> ()
      %dma_start3A_274 = arith.constant 0 : i32
      %dma_start3A_275 = arith.constant 6 : i32
      %dma_start3A_276 = arith.constant 0 : i32
      %dma_start3A_277 = tpu.memref_slice %arg6[%dma_start3A_274, %dma_start3A_275, %dma_start3A_276] : memref<2x8x128xi32, #tpu.memory_space<vmem>> -> memref<1x1x128xi32, #tpu.memory_space<vmem>>
      %dma_start3A_278 = tpu.memref_squeeze %dma_start3A_277 : memref<1x1x128xi32, #tpu.memory_space<vmem>> -> memref<128xi32, #tpu.memory_space<vmem>>
      %dma_start3A_279 = arith.constant 0 : i32
      %dma_start3A_280 = arith.constant 0 : i32
      %dma_start3A_281 = tpu.memref_slice %arg2[%dma_start3A_279, %dma_start3A_280] : memref<10000x128xf32, #tpu.memory_space<hbm>> -> memref<10000x128xf32, #tpu.memory_space<hbm>>
      tpu.enqueue_indirect_dma source(%dma_start3A_281 : memref<10000x128xf32, #tpu.memory_space<hbm>>) target(%arg8 : memref<128x128xf32, #tpu.memory_space<vmem>>) offsets(%dma_start3A_278 : memref<128xi32, #tpu.memory_space<vmem>>) semaphore(%arg11 : memref<!tpu.dma_semaphore, #tpu.memory_space<semaphore_mem>>)
      %dma_wait3A_282 = arith.constant 0 : i32
      %dma_wait3A_283 = arith.constant 0 : i32
      %dma_wait3A_284 = tpu.memref_slice %arg2[%dma_wait3A_282, %dma_wait3A_283] : memref<10000x128xf32, #tpu.memory_space<hbm>> -> memref<128x128xf32, #tpu.memory_space<hbm>>
      %dma_wait3A_285 = arith.constant 0 : i32
      %dma_wait3A_286 = arith.constant 0 : i32
      %dma_wait3A_287 = tpu.memref_slice %arg2[%dma_wait3A_285, %dma_wait3A_286] : memref<10000x128xf32, #tpu.memory_space<hbm>> -> memref<128x128xf32, #tpu.memory_space<hbm>>
      tpu.wait_dma2 semaphore(%arg12 : memref<!tpu.dma_semaphore, #tpu.memory_space<semaphore_mem>>) src(%dma_wait3A_287 : memref<128x128xf32, #tpu.memory_space<hbm>>) dst(%arg9 : memref<128x128xf32, #tpu.memory_space<vmem>>)
      %run_scoped3A_288 = arith.constant 0 : i32
      %run_scoped3A_289 = arith.constant 5 : i32
      "tpu.region"() ({
        %run_scoped3A_554 = tpu.sem_alloc : memref<!tpu.dma_semaphore, #tpu.memory_space<semaphore_mem>>
        %dma_start3A_555 = arith.constant 0 : i32
        %dma_start3A_556 = tpu.memref_slice %arg7[%run_scoped3A_288, %run_scoped3A_289, %dma_start3A_555] : memref<2x8x128xi32, #tpu.memory_space<vmem>> -> memref<1x1x128xi32, #tpu.memory_space<vmem>>
        %dma_start3A_557 = tpu.memref_squeeze %dma_start3A_556 : memref<1x1x128xi32, #tpu.memory_space<vmem>> -> memref<128xi32, #tpu.memory_space<vmem>>
        %dma_start3A_558 = arith.constant 0 : i32
        %dma_start3A_559 = arith.constant 0 : i32
        %dma_start3A_560 = tpu.memref_slice %arg10[%dma_start3A_558, %dma_start3A_559] : memref<10240x128xf32, #tpu.memory_space<vmem_shared>> -> memref<10240x128xf32, #tpu.memory_space<vmem_shared>>
        tpu.enqueue_indirect_dma source(%arg9 : memref<128x128xf32, #tpu.memory_space<vmem>>) target(%dma_start3A_560 : memref<10240x128xf32, #tpu.memory_space<vmem_shared>>) offsets(%dma_start3A_557 : memref<128xi32, #tpu.memory_space<vmem>>) semaphore(%run_scoped3A_554 : memref<!tpu.dma_semaphore, #tpu.memory_space<semaphore_mem>>) {add = true}
        %dma_wait3A_561 = arith.constant 0 : i32
        %dma_wait3A_562 = tpu.memref_slice %arg7[%run_scoped3A_288, %run_scoped3A_289, %dma_wait3A_561] : memref<2x8x128xi32, #tpu.memory_space<vmem>> -> memref<1x1x128xi32, #tpu.memory_space<vmem>>
        %dma_wait3A_563 = tpu.memref_squeeze %dma_wait3A_562 : memref<1x1x128xi32, #tpu.memory_space<vmem>> -> memref<128xi32, #tpu.memory_space<vmem>>
        %dma_wait3A_564 = arith.constant 0 : i32
        %dma_wait3A_565 = arith.constant 0 : i32
        %dma_wait3A_566 = tpu.memref_slice %arg10[%dma_wait3A_564, %dma_wait3A_565] : memref<10240x128xf32, #tpu.memory_space<vmem_shared>> -> memref<10240x128xf32, #tpu.memory_space<vmem_shared>>
        tpu.wait_indirect_dma semaphore(%run_scoped3A_554 : memref<!tpu.dma_semaphore, #tpu.memory_space<semaphore_mem>>) src(%arg9 : memref<128x128xf32, #tpu.memory_space<vmem>>) dst(%dma_wait3A_566 : memref<10240x128xf32, #tpu.memory_space<vmem_shared>>)
        tpu.yield
      }) : () -> ()
      %dma_start3A_290 = arith.constant 0 : i32
      %dma_start3A_291 = arith.constant 7 : i32
      %dma_start3A_292 = arith.constant 0 : i32
      %dma_start3A_293 = tpu.memref_slice %arg6[%dma_start3A_290, %dma_start3A_291, %dma_start3A_292] : memref<2x8x128xi32, #tpu.memory_space<vmem>> -> memref<1x1x128xi32, #tpu.memory_space<vmem>>
      %dma_start3A_294 = tpu.memref_squeeze %dma_start3A_293 : memref<1x1x128xi32, #tpu.memory_space<vmem>> -> memref<128xi32, #tpu.memory_space<vmem>>
      %dma_start3A_295 = arith.constant 0 : i32
      %dma_start3A_296 = arith.constant 0 : i32
      %dma_start3A_297 = tpu.memref_slice %arg2[%dma_start3A_295, %dma_start3A_296] : memref<10000x128xf32, #tpu.memory_space<hbm>> -> memref<10000x128xf32, #tpu.memory_space<hbm>>
      tpu.enqueue_indirect_dma source(%dma_start3A_297 : memref<10000x128xf32, #tpu.memory_space<hbm>>) target(%arg9 : memref<128x128xf32, #tpu.memory_space<vmem>>) offsets(%dma_start3A_294 : memref<128xi32, #tpu.memory_space<vmem>>) semaphore(%arg12 : memref<!tpu.dma_semaphore, #tpu.memory_space<semaphore_mem>>)
      %dma_wait3A_298 = arith.constant 1 : i32
      %dma_wait3A_299 = arith.constant 0 : i32
      %dma_wait3A_300 = arith.constant 0 : i32
      %dma_wait3A_301 = tpu.memref_slice %arg6[%dma_wait3A_298, %dma_wait3A_299, %dma_wait3A_300] : memref<2x8x128xi32, #tpu.memory_space<vmem>> -> memref<1x8x128xi32, #tpu.memory_space<vmem>>
      %dma_wait3A_302 = tpu.memref_squeeze %dma_wait3A_301 : memref<1x8x128xi32, #tpu.memory_space<vmem>> -> memref<8x128xi32, #tpu.memory_space<vmem>>
      %dma_wait3A_303 = arith.constant 0 : i32
      %dma_wait3A_304 = arith.constant 0 : i32
      %dma_wait3A_305 = tpu.memref_slice %arg3[%add3A, %dma_wait3A_303, %dma_wait3A_304] : memref<32x80x128xi32, #tpu.memory_space<hbm>> -> memref<1x8x128xi32, #tpu.memory_space<hbm>>
      %dma_wait3A_306 = tpu.memref_squeeze %dma_wait3A_305 : memref<1x8x128xi32, #tpu.memory_space<hbm>> -> memref<8x128xi32, #tpu.memory_space<hbm>>
      %dma_wait3A_307 = arith.constant 0 : i32
      %dma_wait3A_308 = arith.constant 0 : i32
      %dma_wait3A_309 = tpu.memref_slice %arg6[%dma_wait3A_298, %dma_wait3A_307, %dma_wait3A_308] : memref<2x8x128xi32, #tpu.memory_space<vmem>> -> memref<1x8x128xi32, #tpu.memory_space<vmem>>
      %dma_wait3A_310 = tpu.memref_squeeze %dma_wait3A_309 : memref<1x8x128xi32, #tpu.memory_space<vmem>> -> memref<8x128xi32, #tpu.memory_space<vmem>>
      %dma_wait3A_311 = arith.constant 0 : i32
      %dma_wait3A_312 = arith.constant 0 : i32
      %dma_wait3A_313 = tpu.memref_slice %arg3[%add3A, %dma_wait3A_311, %dma_wait3A_312] : memref<32x80x128xi32, #tpu.memory_space<hbm>> -> memref<1x8x128xi32, #tpu.memory_space<hbm>>
      %dma_wait3A_314 = tpu.memref_squeeze %dma_wait3A_313 : memref<1x8x128xi32, #tpu.memory_space<hbm>> -> memref<8x128xi32, #tpu.memory_space<hbm>>
      tpu.wait_dma2 semaphore(%arg14 : memref<!tpu.dma_semaphore, #tpu.memory_space<semaphore_mem>>) src(%dma_wait3A_314 : memref<8x128xi32, #tpu.memory_space<hbm>>) dst(%dma_wait3A_310 : memref<8x128xi32, #tpu.memory_space<vmem>>)
      %dma_wait3A_315 = arith.constant 1 : i32
      %dma_wait3A_316 = arith.constant 0 : i32
      %dma_wait3A_317 = arith.constant 0 : i32
      %dma_wait3A_318 = tpu.memref_slice %arg6[%dma_wait3A_315, %dma_wait3A_316, %dma_wait3A_317] : memref<2x8x128xi32, #tpu.memory_space<vmem>> -> memref<1x8x128xi32, #tpu.memory_space<vmem>>
      %dma_wait3A_319 = tpu.memref_squeeze %dma_wait3A_318 : memref<1x8x128xi32, #tpu.memory_space<vmem>> -> memref<8x128xi32, #tpu.memory_space<vmem>>
      %dma_wait3A_320 = arith.constant 0 : i32
      %dma_wait3A_321 = arith.constant 0 : i32
      %dma_wait3A_322 = tpu.memref_slice %arg3[%add3A, %dma_wait3A_320, %dma_wait3A_321] : memref<32x80x128xi32, #tpu.memory_space<hbm>> -> memref<1x8x128xi32, #tpu.memory_space<hbm>>
      %dma_wait3A_323 = tpu.memref_squeeze %dma_wait3A_322 : memref<1x8x128xi32, #tpu.memory_space<hbm>> -> memref<8x128xi32, #tpu.memory_space<hbm>>
      %dma_wait3A_324 = arith.constant 0 : i32
      %dma_wait3A_325 = arith.constant 0 : i32
      %dma_wait3A_326 = tpu.memref_slice %arg6[%dma_wait3A_315, %dma_wait3A_324, %dma_wait3A_325] : memref<2x8x128xi32, #tpu.memory_space<vmem>> -> memref<1x8x128xi32, #tpu.memory_space<vmem>>
      %dma_wait3A_327 = tpu.memref_squeeze %dma_wait3A_326 : memref<1x8x128xi32, #tpu.memory_space<vmem>> -> memref<8x128xi32, #tpu.memory_space<vmem>>
      %dma_wait3A_328 = arith.constant 0 : i32
      %dma_wait3A_329 = arith.constant 0 : i32
      %dma_wait3A_330 = tpu.memref_slice %arg3[%add3A, %dma_wait3A_328, %dma_wait3A_329] : memref<32x80x128xi32, #tpu.memory_space<hbm>> -> memref<1x8x128xi32, #tpu.memory_space<hbm>>
      %dma_wait3A_331 = tpu.memref_squeeze %dma_wait3A_330 : memref<1x8x128xi32, #tpu.memory_space<hbm>> -> memref<8x128xi32, #tpu.memory_space<hbm>>
      tpu.wait_dma2 semaphore(%arg14 : memref<!tpu.dma_semaphore, #tpu.memory_space<semaphore_mem>>) src(%dma_wait3A_331 : memref<8x128xi32, #tpu.memory_space<hbm>>) dst(%dma_wait3A_327 : memref<8x128xi32, #tpu.memory_space<vmem>>)
      %dma_wait3A_332 = arith.constant 0 : i32
      %dma_wait3A_333 = arith.constant 0 : i32
      %dma_wait3A_334 = tpu.memref_slice %arg2[%dma_wait3A_332, %dma_wait3A_333] : memref<10000x128xf32, #tpu.memory_space<hbm>> -> memref<128x128xf32, #tpu.memory_space<hbm>>
      %dma_wait3A_335 = arith.constant 0 : i32
      %dma_wait3A_336 = arith.constant 0 : i32
      %dma_wait3A_337 = tpu.memref_slice %arg2[%dma_wait3A_335, %dma_wait3A_336] : memref<10000x128xf32, #tpu.memory_space<hbm>> -> memref<128x128xf32, #tpu.memory_space<hbm>>
      tpu.wait_dma2 semaphore(%arg11 : memref<!tpu.dma_semaphore, #tpu.memory_space<semaphore_mem>>) src(%dma_wait3A_337 : memref<128x128xf32, #tpu.memory_space<hbm>>) dst(%arg8 : memref<128x128xf32, #tpu.memory_space<vmem>>)
      %run_scoped3A_338 = arith.constant 0 : i32
      %run_scoped3A_339 = arith.constant 6 : i32
      "tpu.region"() ({
        %run_scoped3A_554 = tpu.sem_alloc : memref<!tpu.dma_semaphore, #tpu.memory_space<semaphore_mem>>
        %dma_start3A_555 = arith.constant 0 : i32
        %dma_start3A_556 = tpu.memref_slice %arg7[%run_scoped3A_338, %run_scoped3A_339, %dma_start3A_555] : memref<2x8x128xi32, #tpu.memory_space<vmem>> -> memref<1x1x128xi32, #tpu.memory_space<vmem>>
        %dma_start3A_557 = tpu.memref_squeeze %dma_start3A_556 : memref<1x1x128xi32, #tpu.memory_space<vmem>> -> memref<128xi32, #tpu.memory_space<vmem>>
        %dma_start3A_558 = arith.constant 0 : i32
        %dma_start3A_559 = arith.constant 0 : i32
        %dma_start3A_560 = tpu.memref_slice %arg10[%dma_start3A_558, %dma_start3A_559] : memref<10240x128xf32, #tpu.memory_space<vmem_shared>> -> memref<10240x128xf32, #tpu.memory_space<vmem_shared>>
        tpu.enqueue_indirect_dma source(%arg8 : memref<128x128xf32, #tpu.memory_space<vmem>>) target(%dma_start3A_560 : memref<10240x128xf32, #tpu.memory_space<vmem_shared>>) offsets(%dma_start3A_557 : memref<128xi32, #tpu.memory_space<vmem>>) semaphore(%run_scoped3A_554 : memref<!tpu.dma_semaphore, #tpu.memory_space<semaphore_mem>>) {add = true}
        %dma_wait3A_561 = arith.constant 0 : i32
        %dma_wait3A_562 = tpu.memref_slice %arg7[%run_scoped3A_338, %run_scoped3A_339, %dma_wait3A_561] : memref<2x8x128xi32, #tpu.memory_space<vmem>> -> memref<1x1x128xi32, #tpu.memory_space<vmem>>
        %dma_wait3A_563 = tpu.memref_squeeze %dma_wait3A_562 : memref<1x1x128xi32, #tpu.memory_space<vmem>> -> memref<128xi32, #tpu.memory_space<vmem>>
        %dma_wait3A_564 = arith.constant 0 : i32
        %dma_wait3A_565 = arith.constant 0 : i32
        %dma_wait3A_566 = tpu.memref_slice %arg10[%dma_wait3A_564, %dma_wait3A_565] : memref<10240x128xf32, #tpu.memory_space<vmem_shared>> -> memref<10240x128xf32, #tpu.memory_space<vmem_shared>>
        tpu.wait_indirect_dma semaphore(%run_scoped3A_554 : memref<!tpu.dma_semaphore, #tpu.memory_space<semaphore_mem>>) src(%arg8 : memref<128x128xf32, #tpu.memory_space<vmem>>) dst(%dma_wait3A_566 : memref<10240x128xf32, #tpu.memory_space<vmem_shared>>)
        tpu.yield
      }) : () -> ()
      %lt3A = arith.constant 9 : i32
      %lt3A_340 = arith.cmpi slt, %add3A_165, %lt3A : i32
      %convert_element_type3A = arith.extui %lt3A_340 : i1 to i32
      %cond3A = arith.constant 0 : i32
      %cond3A_341 = arith.cmpi ne, %convert_element_type3A, %cond3A : i32
      scf.if %cond3A_341 {
        %dma_start3A_554 = arith.constant 1 : i32
        %dma_start3A_555 = arith.constant 0 : i32
        %dma_start3A_556 = arith.constant 0 : i32
        %dma_start3A_557 = tpu.memref_slice %arg6[%dma_start3A_554, %dma_start3A_555, %dma_start3A_556] : memref<2x8x128xi32, #tpu.memory_space<vmem>> -> memref<1x1x128xi32, #tpu.memory_space<vmem>>
        %dma_start3A_558 = tpu.memref_squeeze %dma_start3A_557 : memref<1x1x128xi32, #tpu.memory_space<vmem>> -> memref<128xi32, #tpu.memory_space<vmem>>
        %dma_start3A_559 = arith.constant 0 : i32
        %dma_start3A_560 = arith.constant 0 : i32
        %dma_start3A_561 = tpu.memref_slice %arg2[%dma_start3A_559, %dma_start3A_560] : memref<10000x128xf32, #tpu.memory_space<hbm>> -> memref<10000x128xf32, #tpu.memory_space<hbm>>
        tpu.enqueue_indirect_dma source(%dma_start3A_561 : memref<10000x128xf32, #tpu.memory_space<hbm>>) target(%arg8 : memref<128x128xf32, #tpu.memory_space<vmem>>) offsets(%dma_start3A_558 : memref<128xi32, #tpu.memory_space<vmem>>) semaphore(%arg11 : memref<!tpu.dma_semaphore, #tpu.memory_space<semaphore_mem>>)
      } else {
      }
      %dma_wait3A_342 = arith.constant 0 : i32
      %dma_wait3A_343 = arith.constant 0 : i32
      %dma_wait3A_344 = tpu.memref_slice %arg2[%dma_wait3A_342, %dma_wait3A_343] : memref<10000x128xf32, #tpu.memory_space<hbm>> -> memref<128x128xf32, #tpu.memory_space<hbm>>
      %dma_wait3A_345 = arith.constant 0 : i32
      %dma_wait3A_346 = arith.constant 0 : i32
      %dma_wait3A_347 = tpu.memref_slice %arg2[%dma_wait3A_345, %dma_wait3A_346] : memref<10000x128xf32, #tpu.memory_space<hbm>> -> memref<128x128xf32, #tpu.memory_space<hbm>>
      tpu.wait_dma2 semaphore(%arg12 : memref<!tpu.dma_semaphore, #tpu.memory_space<semaphore_mem>>) src(%dma_wait3A_347 : memref<128x128xf32, #tpu.memory_space<hbm>>) dst(%arg9 : memref<128x128xf32, #tpu.memory_space<vmem>>)
      %run_scoped3A_348 = arith.constant 0 : i32
      %run_scoped3A_349 = arith.constant 7 : i32
      "tpu.region"() ({
        %run_scoped3A_554 = tpu.sem_alloc : memref<!tpu.dma_semaphore, #tpu.memory_space<semaphore_mem>>
        %dma_start3A_555 = arith.constant 0 : i32
        %dma_start3A_556 = tpu.memref_slice %arg7[%run_scoped3A_348, %run_scoped3A_349, %dma_start3A_555] : memref<2x8x128xi32, #tpu.memory_space<vmem>> -> memref<1x1x128xi32, #tpu.memory_space<vmem>>
        %dma_start3A_557 = tpu.memref_squeeze %dma_start3A_556 : memref<1x1x128xi32, #tpu.memory_space<vmem>> -> memref<128xi32, #tpu.memory_space<vmem>>
        %dma_start3A_558 = arith.constant 0 : i32
        %dma_start3A_559 = arith.constant 0 : i32
        %dma_start3A_560 = tpu.memref_slice %arg10[%dma_start3A_558, %dma_start3A_559] : memref<10240x128xf32, #tpu.memory_space<vmem_shared>> -> memref<10240x128xf32, #tpu.memory_space<vmem_shared>>
        tpu.enqueue_indirect_dma source(%arg9 : memref<128x128xf32, #tpu.memory_space<vmem>>) target(%dma_start3A_560 : memref<10240x128xf32, #tpu.memory_space<vmem_shared>>) offsets(%dma_start3A_557 : memref<128xi32, #tpu.memory_space<vmem>>) semaphore(%run_scoped3A_554 : memref<!tpu.dma_semaphore, #tpu.memory_space<semaphore_mem>>) {add = true}
        %dma_wait3A_561 = arith.constant 0 : i32
        %dma_wait3A_562 = tpu.memref_slice %arg7[%run_scoped3A_348, %run_scoped3A_349, %dma_wait3A_561] : memref<2x8x128xi32, #tpu.memory_space<vmem>> -> memref<1x1x128xi32, #tpu.memory_space<vmem>>
        %dma_wait3A_563 = tpu.memref_squeeze %dma_wait3A_562 : memref<1x1x128xi32, #tpu.memory_space<vmem>> -> memref<128xi32, #tpu.memory_space<vmem>>
        %dma_wait3A_564 = arith.constant 0 : i32
        %dma_wait3A_565 = arith.constant 0 : i32
        %dma_wait3A_566 = tpu.memref_slice %arg10[%dma_wait3A_564, %dma_wait3A_565] : memref<10240x128xf32, #tpu.memory_space<vmem_shared>> -> memref<10240x128xf32, #tpu.memory_space<vmem_shared>>
        tpu.wait_indirect_dma semaphore(%run_scoped3A_554 : memref<!tpu.dma_semaphore, #tpu.memory_space<semaphore_mem>>) src(%arg9 : memref<128x128xf32, #tpu.memory_space<vmem>>) dst(%dma_wait3A_566 : memref<10240x128xf32, #tpu.memory_space<vmem_shared>>)
        tpu.yield
      }) : () -> ()
      %lt3A_350 = arith.constant 9 : i32
      %lt3A_351 = arith.cmpi slt, %add3A_165, %lt3A_350 : i32
      %convert_element_type3A_352 = arith.extui %lt3A_351 : i1 to i32
      %cond3A_353 = arith.constant 0 : i32
      %cond3A_354 = arith.cmpi ne, %convert_element_type3A_352, %cond3A_353 : i32
      scf.if %cond3A_354 {
        %dma_start3A_554 = arith.constant 1 : i32
        %dma_start3A_555 = arith.constant 1 : i32
        %dma_start3A_556 = arith.constant 0 : i32
        %dma_start3A_557 = tpu.memref_slice %arg6[%dma_start3A_554, %dma_start3A_555, %dma_start3A_556] : memref<2x8x128xi32, #tpu.memory_space<vmem>> -> memref<1x1x128xi32, #tpu.memory_space<vmem>>
        %dma_start3A_558 = tpu.memref_squeeze %dma_start3A_557 : memref<1x1x128xi32, #tpu.memory_space<vmem>> -> memref<128xi32, #tpu.memory_space<vmem>>
        %dma_start3A_559 = arith.constant 0 : i32
        %dma_start3A_560 = arith.constant 0 : i32
        %dma_start3A_561 = tpu.memref_slice %arg2[%dma_start3A_559, %dma_start3A_560] : memref<10000x128xf32, #tpu.memory_space<hbm>> -> memref<10000x128xf32, #tpu.memory_space<hbm>>
        tpu.enqueue_indirect_dma source(%dma_start3A_561 : memref<10000x128xf32, #tpu.memory_space<hbm>>) target(%arg9 : memref<128x128xf32, #tpu.memory_space<vmem>>) offsets(%dma_start3A_558 : memref<128xi32, #tpu.memory_space<vmem>>) semaphore(%arg12 : memref<!tpu.dma_semaphore, #tpu.memory_space<semaphore_mem>>)
      } else {
      }
      %mul3A_355 = arith.constant 2 : i32
      %mul3A_356 = arith.muli %scan3A_160, %mul3A_355 : i32
      %add3A_357 = arith.constant 1 : i32
      %add3A_358 = arith.addi %mul3A_356, %add3A_357 : i32
      %add3A_359 = arith.constant 1 : i32
      %add3A_360 = arith.addi %add3A_358, %add3A_359 : i32
      %min3A_361 = arith.constant 9 : i32
      %min3A_362 = arith.minsi %add3A_360, %min3A_361 : i32
      %mul3A_363 = arith.constant 8 : i32
      %mul3A_364 = arith.muli %min3A_362, %mul3A_363 : i32
      %dma_start3A_365 = arith.constant 0 : i32
      %dma_start3A_366 = arith.constant 0 : i32
      %dma_start3A_367 = arith.constant 0 : i32
      %dma_start3A_368 = tpu.memref_slice %arg6[%dma_start3A_365, %dma_start3A_366, %dma_start3A_367] : memref<2x8x128xi32, #tpu.memory_space<vmem>> -> memref<1x8x128xi32, #tpu.memory_space<vmem>>
      %dma_start3A_369 = tpu.memref_squeeze %dma_start3A_368 : memref<1x8x128xi32, #tpu.memory_space<vmem>> -> memref<8x128xi32, #tpu.memory_space<vmem>>
      %dma_start3A_370 = arith.constant 0 : i32
      %dma_start3A_371 = tpu.memref_slice %arg3[%add3A, %mul3A_364, %dma_start3A_370] : memref<32x80x128xi32, #tpu.memory_space<hbm>> -> memref<1x8x128xi32, #tpu.memory_space<hbm>>
      %dma_start3A_372 = tpu.memref_squeeze %dma_start3A_371 : memref<1x8x128xi32, #tpu.memory_space<hbm>> -> memref<8x128xi32, #tpu.memory_space<hbm>>
      %dma_start3A_373 = arith.constant 0 : i32
      %dma_start3A_374 = arith.constant 0 : i32
      %dma_start3A_375 = tpu.memref_slice %arg6[%dma_start3A_365, %dma_start3A_373, %dma_start3A_374] : memref<2x8x128xi32, #tpu.memory_space<vmem>> -> memref<1x8x128xi32, #tpu.memory_space<vmem>>
      %dma_start3A_376 = tpu.memref_squeeze %dma_start3A_375 : memref<1x8x128xi32, #tpu.memory_space<vmem>> -> memref<8x128xi32, #tpu.memory_space<vmem>>
      %dma_start3A_377 = arith.constant 0 : i32
      %dma_start3A_378 = tpu.memref_slice %arg3[%add3A, %mul3A_364, %dma_start3A_377] : memref<32x80x128xi32, #tpu.memory_space<hbm>> -> memref<1x8x128xi32, #tpu.memory_space<hbm>>
      %dma_start3A_379 = tpu.memref_squeeze %dma_start3A_378 : memref<1x8x128xi32, #tpu.memory_space<hbm>> -> memref<8x128xi32, #tpu.memory_space<hbm>>
      tpu.enqueue_dma source(%dma_start3A_379 : memref<8x128xi32, #tpu.memory_space<hbm>>) target(%dma_start3A_376 : memref<8x128xi32, #tpu.memory_space<vmem>>) target_semaphore(%arg13 : memref<!tpu.dma_semaphore, #tpu.memory_space<semaphore_mem>>)
      %mul3A_380 = arith.constant 8 : i32
      %mul3A_381 = arith.muli %min3A_362, %mul3A_380 : i32
      %dma_start3A_382 = arith.constant 0 : i32
      %dma_start3A_383 = arith.constant 0 : i32
      %dma_start3A_384 = arith.constant 0 : i32
      %dma_start3A_385 = tpu.memref_slice %arg7[%dma_start3A_382, %dma_start3A_383, %dma_start3A_384] : memref<2x8x128xi32, #tpu.memory_space<vmem>> -> memref<1x8x128xi32, #tpu.memory_space<vmem>>
      %dma_start3A_386 = tpu.memref_squeeze %dma_start3A_385 : memref<1x8x128xi32, #tpu.memory_space<vmem>> -> memref<8x128xi32, #tpu.memory_space<vmem>>
      %dma_start3A_387 = arith.constant 0 : i32
      %dma_start3A_388 = tpu.memref_slice %arg4[%add3A, %mul3A_381, %dma_start3A_387] : memref<32x80x128xi32, #tpu.memory_space<hbm>> -> memref<1x8x128xi32, #tpu.memory_space<hbm>>
      %dma_start3A_389 = tpu.memref_squeeze %dma_start3A_388 : memref<1x8x128xi32, #tpu.memory_space<hbm>> -> memref<8x128xi32, #tpu.memory_space<hbm>>
      %dma_start3A_390 = arith.constant 0 : i32
      %dma_start3A_391 = arith.constant 0 : i32
      %dma_start3A_392 = tpu.memref_slice %arg7[%dma_start3A_382, %dma_start3A_390, %dma_start3A_391] : memref<2x8x128xi32, #tpu.memory_space<vmem>> -> memref<1x8x128xi32, #tpu.memory_space<vmem>>
      %dma_start3A_393 = tpu.memref_squeeze %dma_start3A_392 : memref<1x8x128xi32, #tpu.memory_space<vmem>> -> memref<8x128xi32, #tpu.memory_space<vmem>>
      %dma_start3A_394 = arith.constant 0 : i32
      %dma_start3A_395 = tpu.memref_slice %arg4[%add3A, %mul3A_381, %dma_start3A_394] : memref<32x80x128xi32, #tpu.memory_space<hbm>> -> memref<1x8x128xi32, #tpu.memory_space<hbm>>
      %dma_start3A_396 = tpu.memref_squeeze %dma_start3A_395 : memref<1x8x128xi32, #tpu.memory_space<hbm>> -> memref<8x128xi32, #tpu.memory_space<hbm>>
      tpu.enqueue_dma source(%dma_start3A_396 : memref<8x128xi32, #tpu.memory_space<hbm>>) target(%dma_start3A_393 : memref<8x128xi32, #tpu.memory_space<vmem>>) target_semaphore(%arg13 : memref<!tpu.dma_semaphore, #tpu.memory_space<semaphore_mem>>)
      %dma_wait3A_397 = arith.constant 0 : i32
      %dma_wait3A_398 = arith.constant 0 : i32
      %dma_wait3A_399 = tpu.memref_slice %arg2[%dma_wait3A_397, %dma_wait3A_398] : memref<10000x128xf32, #tpu.memory_space<hbm>> -> memref<128x128xf32, #tpu.memory_space<hbm>>
      %dma_wait3A_400 = arith.constant 0 : i32
      %dma_wait3A_401 = arith.constant 0 : i32
      %dma_wait3A_402 = tpu.memref_slice %arg2[%dma_wait3A_400, %dma_wait3A_401] : memref<10000x128xf32, #tpu.memory_space<hbm>> -> memref<128x128xf32, #tpu.memory_space<hbm>>
      tpu.wait_dma2 semaphore(%arg11 : memref<!tpu.dma_semaphore, #tpu.memory_space<semaphore_mem>>) src(%dma_wait3A_402 : memref<128x128xf32, #tpu.memory_space<hbm>>) dst(%arg8 : memref<128x128xf32, #tpu.memory_space<vmem>>)
      %run_scoped3A_403 = arith.constant 1 : i32
      %run_scoped3A_404 = arith.constant 0 : i32
      "tpu.region"() ({
        %run_scoped3A_554 = tpu.sem_alloc : memref<!tpu.dma_semaphore, #tpu.memory_space<semaphore_mem>>
        %dma_start3A_555 = arith.constant 0 : i32
        %dma_start3A_556 = tpu.memref_slice %arg7[%run_scoped3A_403, %run_scoped3A_404, %dma_start3A_555] : memref<2x8x128xi32, #tpu.memory_space<vmem>> -> memref<1x1x128xi32, #tpu.memory_space<vmem>>
        %dma_start3A_557 = tpu.memref_squeeze %dma_start3A_556 : memref<1x1x128xi32, #tpu.memory_space<vmem>> -> memref<128xi32, #tpu.memory_space<vmem>>
        %dma_start3A_558 = arith.constant 0 : i32
        %dma_start3A_559 = arith.constant 0 : i32
        %dma_start3A_560 = tpu.memref_slice %arg10[%dma_start3A_558, %dma_start3A_559] : memref<10240x128xf32, #tpu.memory_space<vmem_shared>> -> memref<10240x128xf32, #tpu.memory_space<vmem_shared>>
        tpu.enqueue_indirect_dma source(%arg8 : memref<128x128xf32, #tpu.memory_space<vmem>>) target(%dma_start3A_560 : memref<10240x128xf32, #tpu.memory_space<vmem_shared>>) offsets(%dma_start3A_557 : memref<128xi32, #tpu.memory_space<vmem>>) semaphore(%run_scoped3A_554 : memref<!tpu.dma_semaphore, #tpu.memory_space<semaphore_mem>>) {add = true}
        %dma_wait3A_561 = arith.constant 0 : i32
        %dma_wait3A_562 = tpu.memref_slice %arg7[%run_scoped3A_403, %run_scoped3A_404, %dma_wait3A_561] : memref<2x8x128xi32, #tpu.memory_space<vmem>> -> memref<1x1x128xi32, #tpu.memory_space<vmem>>
        %dma_wait3A_563 = tpu.memref_squeeze %dma_wait3A_562 : memref<1x1x128xi32, #tpu.memory_space<vmem>> -> memref<128xi32, #tpu.memory_space<vmem>>
        %dma_wait3A_564 = arith.constant 0 : i32
        %dma_wait3A_565 = arith.constant 0 : i32
        %dma_wait3A_566 = tpu.memref_slice %arg10[%dma_wait3A_564, %dma_wait3A_565] : memref<10240x128xf32, #tpu.memory_space<vmem_shared>> -> memref<10240x128xf32, #tpu.memory_space<vmem_shared>>
        tpu.wait_indirect_dma semaphore(%run_scoped3A_554 : memref<!tpu.dma_semaphore, #tpu.memory_space<semaphore_mem>>) src(%arg8 : memref<128x128xf32, #tpu.memory_space<vmem>>) dst(%dma_wait3A_566 : memref<10240x128xf32, #tpu.memory_space<vmem_shared>>)
        tpu.yield
      }) : () -> ()
      %dma_start3A_405 = arith.constant 1 : i32
      %dma_start3A_406 = arith.constant 2 : i32
      %dma_start3A_407 = arith.constant 0 : i32
      %dma_start3A_408 = tpu.memref_slice %arg6[%dma_start3A_405, %dma_start3A_406, %dma_start3A_407] : memref<2x8x128xi32, #tpu.memory_space<vmem>> -> memref<1x1x128xi32, #tpu.memory_space<vmem>>
      %dma_start3A_409 = tpu.memref_squeeze %dma_start3A_408 : memref<1x1x128xi32, #tpu.memory_space<vmem>> -> memref<128xi32, #tpu.memory_space<vmem>>
      %dma_start3A_410 = arith.constant 0 : i32
      %dma_start3A_411 = arith.constant 0 : i32
      %dma_start3A_412 = tpu.memref_slice %arg2[%dma_start3A_410, %dma_start3A_411] : memref<10000x128xf32, #tpu.memory_space<hbm>> -> memref<10000x128xf32, #tpu.memory_space<hbm>>
      tpu.enqueue_indirect_dma source(%dma_start3A_412 : memref<10000x128xf32, #tpu.memory_space<hbm>>) target(%arg8 : memref<128x128xf32, #tpu.memory_space<vmem>>) offsets(%dma_start3A_409 : memref<128xi32, #tpu.memory_space<vmem>>) semaphore(%arg11 : memref<!tpu.dma_semaphore, #tpu.memory_space<semaphore_mem>>)
      %dma_wait3A_413 = arith.constant 0 : i32
      %dma_wait3A_414 = arith.constant 0 : i32
      %dma_wait3A_415 = tpu.memref_slice %arg2[%dma_wait3A_413, %dma_wait3A_414] : memref<10000x128xf32, #tpu.memory_space<hbm>> -> memref<128x128xf32, #tpu.memory_space<hbm>>
      %dma_wait3A_416 = arith.constant 0 : i32
      %dma_wait3A_417 = arith.constant 0 : i32
      %dma_wait3A_418 = tpu.memref_slice %arg2[%dma_wait3A_416, %dma_wait3A_417] : memref<10000x128xf32, #tpu.memory_space<hbm>> -> memref<128x128xf32, #tpu.memory_space<hbm>>
      tpu.wait_dma2 semaphore(%arg12 : memref<!tpu.dma_semaphore, #tpu.memory_space<semaphore_mem>>) src(%dma_wait3A_418 : memref<128x128xf32, #tpu.memory_space<hbm>>) dst(%arg9 : memref<128x128xf32, #tpu.memory_space<vmem>>)
      %run_scoped3A_419 = arith.constant 1 : i32
      %run_scoped3A_420 = arith.constant 1 : i32
      "tpu.region"() ({
        %run_scoped3A_554 = tpu.sem_alloc : memref<!tpu.dma_semaphore, #tpu.memory_space<semaphore_mem>>
        %dma_start3A_555 = arith.constant 0 : i32
        %dma_start3A_556 = tpu.memref_slice %arg7[%run_scoped3A_419, %run_scoped3A_420, %dma_start3A_555] : memref<2x8x128xi32, #tpu.memory_space<vmem>> -> memref<1x1x128xi32, #tpu.memory_space<vmem>>
        %dma_start3A_557 = tpu.memref_squeeze %dma_start3A_556 : memref<1x1x128xi32, #tpu.memory_space<vmem>> -> memref<128xi32, #tpu.memory_space<vmem>>
        %dma_start3A_558 = arith.constant 0 : i32
        %dma_start3A_559 = arith.constant 0 : i32
        %dma_start3A_560 = tpu.memref_slice %arg10[%dma_start3A_558, %dma_start3A_559] : memref<10240x128xf32, #tpu.memory_space<vmem_shared>> -> memref<10240x128xf32, #tpu.memory_space<vmem_shared>>
        tpu.enqueue_indirect_dma source(%arg9 : memref<128x128xf32, #tpu.memory_space<vmem>>) target(%dma_start3A_560 : memref<10240x128xf32, #tpu.memory_space<vmem_shared>>) offsets(%dma_start3A_557 : memref<128xi32, #tpu.memory_space<vmem>>) semaphore(%run_scoped3A_554 : memref<!tpu.dma_semaphore, #tpu.memory_space<semaphore_mem>>) {add = true}
        %dma_wait3A_561 = arith.constant 0 : i32
        %dma_wait3A_562 = tpu.memref_slice %arg7[%run_scoped3A_419, %run_scoped3A_420, %dma_wait3A_561] : memref<2x8x128xi32, #tpu.memory_space<vmem>> -> memref<1x1x128xi32, #tpu.memory_space<vmem>>
        %dma_wait3A_563 = tpu.memref_squeeze %dma_wait3A_562 : memref<1x1x128xi32, #tpu.memory_space<vmem>> -> memref<128xi32, #tpu.memory_space<vmem>>
        %dma_wait3A_564 = arith.constant 0 : i32
        %dma_wait3A_565 = arith.constant 0 : i32
        %dma_wait3A_566 = tpu.memref_slice %arg10[%dma_wait3A_564, %dma_wait3A_565] : memref<10240x128xf32, #tpu.memory_space<vmem_shared>> -> memref<10240x128xf32, #tpu.memory_space<vmem_shared>>
        tpu.wait_indirect_dma semaphore(%run_scoped3A_554 : memref<!tpu.dma_semaphore, #tpu.memory_space<semaphore_mem>>) src(%arg9 : memref<128x128xf32, #tpu.memory_space<vmem>>) dst(%dma_wait3A_566 : memref<10240x128xf32, #tpu.memory_space<vmem_shared>>)
        tpu.yield
      }) : () -> ()
      %dma_start3A_421 = arith.constant 1 : i32
      %dma_start3A_422 = arith.constant 3 : i32
      %dma_start3A_423 = arith.constant 0 : i32
      %dma_start3A_424 = tpu.memref_slice %arg6[%dma_start3A_421, %dma_start3A_422, %dma_start3A_423] : memref<2x8x128xi32, #tpu.memory_space<vmem>> -> memref<1x1x128xi32, #tpu.memory_space<vmem>>
      %dma_start3A_425 = tpu.memref_squeeze %dma_start3A_424 : memref<1x1x128xi32, #tpu.memory_space<vmem>> -> memref<128xi32, #tpu.memory_space<vmem>>
      %dma_start3A_426 = arith.constant 0 : i32
      %dma_start3A_427 = arith.constant 0 : i32
      %dma_start3A_428 = tpu.memref_slice %arg2[%dma_start3A_426, %dma_start3A_427] : memref<10000x128xf32, #tpu.memory_space<hbm>> -> memref<10000x128xf32, #tpu.memory_space<hbm>>
      tpu.enqueue_indirect_dma source(%dma_start3A_428 : memref<10000x128xf32, #tpu.memory_space<hbm>>) target(%arg9 : memref<128x128xf32, #tpu.memory_space<vmem>>) offsets(%dma_start3A_425 : memref<128xi32, #tpu.memory_space<vmem>>) semaphore(%arg12 : memref<!tpu.dma_semaphore, #tpu.memory_space<semaphore_mem>>)
      %dma_wait3A_429 = arith.constant 0 : i32
      %dma_wait3A_430 = arith.constant 0 : i32
      %dma_wait3A_431 = tpu.memref_slice %arg2[%dma_wait3A_429, %dma_wait3A_430] : memref<10000x128xf32, #tpu.memory_space<hbm>> -> memref<128x128xf32, #tpu.memory_space<hbm>>
      %dma_wait3A_432 = arith.constant 0 : i32
      %dma_wait3A_433 = arith.constant 0 : i32
      %dma_wait3A_434 = tpu.memref_slice %arg2[%dma_wait3A_432, %dma_wait3A_433] : memref<10000x128xf32, #tpu.memory_space<hbm>> -> memref<128x128xf32, #tpu.memory_space<hbm>>
      tpu.wait_dma2 semaphore(%arg11 : memref<!tpu.dma_semaphore, #tpu.memory_space<semaphore_mem>>) src(%dma_wait3A_434 : memref<128x128xf32, #tpu.memory_space<hbm>>) dst(%arg8 : memref<128x128xf32, #tpu.memory_space<vmem>>)
      %run_scoped3A_435 = arith.constant 1 : i32
      %run_scoped3A_436 = arith.constant 2 : i32
      "tpu.region"() ({
        %run_scoped3A_554 = tpu.sem_alloc : memref<!tpu.dma_semaphore, #tpu.memory_space<semaphore_mem>>
        %dma_start3A_555 = arith.constant 0 : i32
        %dma_start3A_556 = tpu.memref_slice %arg7[%run_scoped3A_435, %run_scoped3A_436, %dma_start3A_555] : memref<2x8x128xi32, #tpu.memory_space<vmem>> -> memref<1x1x128xi32, #tpu.memory_space<vmem>>
        %dma_start3A_557 = tpu.memref_squeeze %dma_start3A_556 : memref<1x1x128xi32, #tpu.memory_space<vmem>> -> memref<128xi32, #tpu.memory_space<vmem>>
        %dma_start3A_558 = arith.constant 0 : i32
        %dma_start3A_559 = arith.constant 0 : i32
        %dma_start3A_560 = tpu.memref_slice %arg10[%dma_start3A_558, %dma_start3A_559] : memref<10240x128xf32, #tpu.memory_space<vmem_shared>> -> memref<10240x128xf32, #tpu.memory_space<vmem_shared>>
        tpu.enqueue_indirect_dma source(%arg8 : memref<128x128xf32, #tpu.memory_space<vmem>>) target(%dma_start3A_560 : memref<10240x128xf32, #tpu.memory_space<vmem_shared>>) offsets(%dma_start3A_557 : memref<128xi32, #tpu.memory_space<vmem>>) semaphore(%run_scoped3A_554 : memref<!tpu.dma_semaphore, #tpu.memory_space<semaphore_mem>>) {add = true}
        %dma_wait3A_561 = arith.constant 0 : i32
        %dma_wait3A_562 = tpu.memref_slice %arg7[%run_scoped3A_435, %run_scoped3A_436, %dma_wait3A_561] : memref<2x8x128xi32, #tpu.memory_space<vmem>> -> memref<1x1x128xi32, #tpu.memory_space<vmem>>
        %dma_wait3A_563 = tpu.memref_squeeze %dma_wait3A_562 : memref<1x1x128xi32, #tpu.memory_space<vmem>> -> memref<128xi32, #tpu.memory_space<vmem>>
        %dma_wait3A_564 = arith.constant 0 : i32
        %dma_wait3A_565 = arith.constant 0 : i32
        %dma_wait3A_566 = tpu.memref_slice %arg10[%dma_wait3A_564, %dma_wait3A_565] : memref<10240x128xf32, #tpu.memory_space<vmem_shared>> -> memref<10240x128xf32, #tpu.memory_space<vmem_shared>>
        tpu.wait_indirect_dma semaphore(%run_scoped3A_554 : memref<!tpu.dma_semaphore, #tpu.memory_space<semaphore_mem>>) src(%arg8 : memref<128x128xf32, #tpu.memory_space<vmem>>) dst(%dma_wait3A_566 : memref<10240x128xf32, #tpu.memory_space<vmem_shared>>)
        tpu.yield
      }) : () -> ()
      %dma_start3A_437 = arith.constant 1 : i32
      %dma_start3A_438 = arith.constant 4 : i32
      %dma_start3A_439 = arith.constant 0 : i32
      %dma_start3A_440 = tpu.memref_slice %arg6[%dma_start3A_437, %dma_start3A_438, %dma_start3A_439] : memref<2x8x128xi32, #tpu.memory_space<vmem>> -> memref<1x1x128xi32, #tpu.memory_space<vmem>>
      %dma_start3A_441 = tpu.memref_squeeze %dma_start3A_440 : memref<1x1x128xi32, #tpu.memory_space<vmem>> -> memref<128xi32, #tpu.memory_space<vmem>>
      %dma_start3A_442 = arith.constant 0 : i32
      %dma_start3A_443 = arith.constant 0 : i32
      %dma_start3A_444 = tpu.memref_slice %arg2[%dma_start3A_442, %dma_start3A_443] : memref<10000x128xf32, #tpu.memory_space<hbm>> -> memref<10000x128xf32, #tpu.memory_space<hbm>>
      tpu.enqueue_indirect_dma source(%dma_start3A_444 : memref<10000x128xf32, #tpu.memory_space<hbm>>) target(%arg8 : memref<128x128xf32, #tpu.memory_space<vmem>>) offsets(%dma_start3A_441 : memref<128xi32, #tpu.memory_space<vmem>>) semaphore(%arg11 : memref<!tpu.dma_semaphore, #tpu.memory_space<semaphore_mem>>)
      %dma_wait3A_445 = arith.constant 0 : i32
      %dma_wait3A_446 = arith.constant 0 : i32
      %dma_wait3A_447 = tpu.memref_slice %arg2[%dma_wait3A_445, %dma_wait3A_446] : memref<10000x128xf32, #tpu.memory_space<hbm>> -> memref<128x128xf32, #tpu.memory_space<hbm>>
      %dma_wait3A_448 = arith.constant 0 : i32
      %dma_wait3A_449 = arith.constant 0 : i32
      %dma_wait3A_450 = tpu.memref_slice %arg2[%dma_wait3A_448, %dma_wait3A_449] : memref<10000x128xf32, #tpu.memory_space<hbm>> -> memref<128x128xf32, #tpu.memory_space<hbm>>
      tpu.wait_dma2 semaphore(%arg12 : memref<!tpu.dma_semaphore, #tpu.memory_space<semaphore_mem>>) src(%dma_wait3A_450 : memref<128x128xf32, #tpu.memory_space<hbm>>) dst(%arg9 : memref<128x128xf32, #tpu.memory_space<vmem>>)
      %run_scoped3A_451 = arith.constant 1 : i32
      %run_scoped3A_452 = arith.constant 3 : i32
      "tpu.region"() ({
        %run_scoped3A_554 = tpu.sem_alloc : memref<!tpu.dma_semaphore, #tpu.memory_space<semaphore_mem>>
        %dma_start3A_555 = arith.constant 0 : i32
        %dma_start3A_556 = tpu.memref_slice %arg7[%run_scoped3A_451, %run_scoped3A_452, %dma_start3A_555] : memref<2x8x128xi32, #tpu.memory_space<vmem>> -> memref<1x1x128xi32, #tpu.memory_space<vmem>>
        %dma_start3A_557 = tpu.memref_squeeze %dma_start3A_556 : memref<1x1x128xi32, #tpu.memory_space<vmem>> -> memref<128xi32, #tpu.memory_space<vmem>>
        %dma_start3A_558 = arith.constant 0 : i32
        %dma_start3A_559 = arith.constant 0 : i32
        %dma_start3A_560 = tpu.memref_slice %arg10[%dma_start3A_558, %dma_start3A_559] : memref<10240x128xf32, #tpu.memory_space<vmem_shared>> -> memref<10240x128xf32, #tpu.memory_space<vmem_shared>>
        tpu.enqueue_indirect_dma source(%arg9 : memref<128x128xf32, #tpu.memory_space<vmem>>) target(%dma_start3A_560 : memref<10240x128xf32, #tpu.memory_space<vmem_shared>>) offsets(%dma_start3A_557 : memref<128xi32, #tpu.memory_space<vmem>>) semaphore(%run_scoped3A_554 : memref<!tpu.dma_semaphore, #tpu.memory_space<semaphore_mem>>) {add = true}
        %dma_wait3A_561 = arith.constant 0 : i32
        %dma_wait3A_562 = tpu.memref_slice %arg7[%run_scoped3A_451, %run_scoped3A_452, %dma_wait3A_561] : memref<2x8x128xi32, #tpu.memory_space<vmem>> -> memref<1x1x128xi32, #tpu.memory_space<vmem>>
        %dma_wait3A_563 = tpu.memref_squeeze %dma_wait3A_562 : memref<1x1x128xi32, #tpu.memory_space<vmem>> -> memref<128xi32, #tpu.memory_space<vmem>>
        %dma_wait3A_564 = arith.constant 0 : i32
        %dma_wait3A_565 = arith.constant 0 : i32
        %dma_wait3A_566 = tpu.memref_slice %arg10[%dma_wait3A_564, %dma_wait3A_565] : memref<10240x128xf32, #tpu.memory_space<vmem_shared>> -> memref<10240x128xf32, #tpu.memory_space<vmem_shared>>
        tpu.wait_indirect_dma semaphore(%run_scoped3A_554 : memref<!tpu.dma_semaphore, #tpu.memory_space<semaphore_mem>>) src(%arg9 : memref<128x128xf32, #tpu.memory_space<vmem>>) dst(%dma_wait3A_566 : memref<10240x128xf32, #tpu.memory_space<vmem_shared>>)
        tpu.yield
      }) : () -> ()
      %dma_start3A_453 = arith.constant 1 : i32
      %dma_start3A_454 = arith.constant 5 : i32
      %dma_start3A_455 = arith.constant 0 : i32
      %dma_start3A_456 = tpu.memref_slice %arg6[%dma_start3A_453, %dma_start3A_454, %dma_start3A_455] : memref<2x8x128xi32, #tpu.memory_space<vmem>> -> memref<1x1x128xi32, #tpu.memory_space<vmem>>
      %dma_start3A_457 = tpu.memref_squeeze %dma_start3A_456 : memref<1x1x128xi32, #tpu.memory_space<vmem>> -> memref<128xi32, #tpu.memory_space<vmem>>
      %dma_start3A_458 = arith.constant 0 : i32
      %dma_start3A_459 = arith.constant 0 : i32
      %dma_start3A_460 = tpu.memref_slice %arg2[%dma_start3A_458, %dma_start3A_459] : memref<10000x128xf32, #tpu.memory_space<hbm>> -> memref<10000x128xf32, #tpu.memory_space<hbm>>
      tpu.enqueue_indirect_dma source(%dma_start3A_460 : memref<10000x128xf32, #tpu.memory_space<hbm>>) target(%arg9 : memref<128x128xf32, #tpu.memory_space<vmem>>) offsets(%dma_start3A_457 : memref<128xi32, #tpu.memory_space<vmem>>) semaphore(%arg12 : memref<!tpu.dma_semaphore, #tpu.memory_space<semaphore_mem>>)
      %dma_wait3A_461 = arith.constant 0 : i32
      %dma_wait3A_462 = arith.constant 0 : i32
      %dma_wait3A_463 = tpu.memref_slice %arg2[%dma_wait3A_461, %dma_wait3A_462] : memref<10000x128xf32, #tpu.memory_space<hbm>> -> memref<128x128xf32, #tpu.memory_space<hbm>>
      %dma_wait3A_464 = arith.constant 0 : i32
      %dma_wait3A_465 = arith.constant 0 : i32
      %dma_wait3A_466 = tpu.memref_slice %arg2[%dma_wait3A_464, %dma_wait3A_465] : memref<10000x128xf32, #tpu.memory_space<hbm>> -> memref<128x128xf32, #tpu.memory_space<hbm>>
      tpu.wait_dma2 semaphore(%arg11 : memref<!tpu.dma_semaphore, #tpu.memory_space<semaphore_mem>>) src(%dma_wait3A_466 : memref<128x128xf32, #tpu.memory_space<hbm>>) dst(%arg8 : memref<128x128xf32, #tpu.memory_space<vmem>>)
      %run_scoped3A_467 = arith.constant 1 : i32
      %run_scoped3A_468 = arith.constant 4 : i32
      "tpu.region"() ({
        %run_scoped3A_554 = tpu.sem_alloc : memref<!tpu.dma_semaphore, #tpu.memory_space<semaphore_mem>>
        %dma_start3A_555 = arith.constant 0 : i32
        %dma_start3A_556 = tpu.memref_slice %arg7[%run_scoped3A_467, %run_scoped3A_468, %dma_start3A_555] : memref<2x8x128xi32, #tpu.memory_space<vmem>> -> memref<1x1x128xi32, #tpu.memory_space<vmem>>
        %dma_start3A_557 = tpu.memref_squeeze %dma_start3A_556 : memref<1x1x128xi32, #tpu.memory_space<vmem>> -> memref<128xi32, #tpu.memory_space<vmem>>
        %dma_start3A_558 = arith.constant 0 : i32
        %dma_start3A_559 = arith.constant 0 : i32
        %dma_start3A_560 = tpu.memref_slice %arg10[%dma_start3A_558, %dma_start3A_559] : memref<10240x128xf32, #tpu.memory_space<vmem_shared>> -> memref<10240x128xf32, #tpu.memory_space<vmem_shared>>
        tpu.enqueue_indirect_dma source(%arg8 : memref<128x128xf32, #tpu.memory_space<vmem>>) target(%dma_start3A_560 : memref<10240x128xf32, #tpu.memory_space<vmem_shared>>) offsets(%dma_start3A_557 : memref<128xi32, #tpu.memory_space<vmem>>) semaphore(%run_scoped3A_554 : memref<!tpu.dma_semaphore, #tpu.memory_space<semaphore_mem>>) {add = true}
        %dma_wait3A_561 = arith.constant 0 : i32
        %dma_wait3A_562 = tpu.memref_slice %arg7[%run_scoped3A_467, %run_scoped3A_468, %dma_wait3A_561] : memref<2x8x128xi32, #tpu.memory_space<vmem>> -> memref<1x1x128xi32, #tpu.memory_space<vmem>>
        %dma_wait3A_563 = tpu.memref_squeeze %dma_wait3A_562 : memref<1x1x128xi32, #tpu.memory_space<vmem>> -> memref<128xi32, #tpu.memory_space<vmem>>
        %dma_wait3A_564 = arith.constant 0 : i32
        %dma_wait3A_565 = arith.constant 0 : i32
        %dma_wait3A_566 = tpu.memref_slice %arg10[%dma_wait3A_564, %dma_wait3A_565] : memref<10240x128xf32, #tpu.memory_space<vmem_shared>> -> memref<10240x128xf32, #tpu.memory_space<vmem_shared>>
        tpu.wait_indirect_dma semaphore(%run_scoped3A_554 : memref<!tpu.dma_semaphore, #tpu.memory_space<semaphore_mem>>) src(%arg8 : memref<128x128xf32, #tpu.memory_space<vmem>>) dst(%dma_wait3A_566 : memref<10240x128xf32, #tpu.memory_space<vmem_shared>>)
        tpu.yield
      }) : () -> ()
      %dma_start3A_469 = arith.constant 1 : i32
      %dma_start3A_470 = arith.constant 6 : i32
      %dma_start3A_471 = arith.constant 0 : i32
      %dma_start3A_472 = tpu.memref_slice %arg6[%dma_start3A_469, %dma_start3A_470, %dma_start3A_471] : memref<2x8x128xi32, #tpu.memory_space<vmem>> -> memref<1x1x128xi32, #tpu.memory_space<vmem>>
      %dma_start3A_473 = tpu.memref_squeeze %dma_start3A_472 : memref<1x1x128xi32, #tpu.memory_space<vmem>> -> memref<128xi32, #tpu.memory_space<vmem>>
      %dma_start3A_474 = arith.constant 0 : i32
      %dma_start3A_475 = arith.constant 0 : i32
      %dma_start3A_476 = tpu.memref_slice %arg2[%dma_start3A_474, %dma_start3A_475] : memref<10000x128xf32, #tpu.memory_space<hbm>> -> memref<10000x128xf32, #tpu.memory_space<hbm>>
      tpu.enqueue_indirect_dma source(%dma_start3A_476 : memref<10000x128xf32, #tpu.memory_space<hbm>>) target(%arg8 : memref<128x128xf32, #tpu.memory_space<vmem>>) offsets(%dma_start3A_473 : memref<128xi32, #tpu.memory_space<vmem>>) semaphore(%arg11 : memref<!tpu.dma_semaphore, #tpu.memory_space<semaphore_mem>>)
      %dma_wait3A_477 = arith.constant 0 : i32
      %dma_wait3A_478 = arith.constant 0 : i32
      %dma_wait3A_479 = tpu.memref_slice %arg2[%dma_wait3A_477, %dma_wait3A_478] : memref<10000x128xf32, #tpu.memory_space<hbm>> -> memref<128x128xf32, #tpu.memory_space<hbm>>
      %dma_wait3A_480 = arith.constant 0 : i32
      %dma_wait3A_481 = arith.constant 0 : i32
      %dma_wait3A_482 = tpu.memref_slice %arg2[%dma_wait3A_480, %dma_wait3A_481] : memref<10000x128xf32, #tpu.memory_space<hbm>> -> memref<128x128xf32, #tpu.memory_space<hbm>>
      tpu.wait_dma2 semaphore(%arg12 : memref<!tpu.dma_semaphore, #tpu.memory_space<semaphore_mem>>) src(%dma_wait3A_482 : memref<128x128xf32, #tpu.memory_space<hbm>>) dst(%arg9 : memref<128x128xf32, #tpu.memory_space<vmem>>)
      %run_scoped3A_483 = arith.constant 1 : i32
      %run_scoped3A_484 = arith.constant 5 : i32
      "tpu.region"() ({
        %run_scoped3A_554 = tpu.sem_alloc : memref<!tpu.dma_semaphore, #tpu.memory_space<semaphore_mem>>
        %dma_start3A_555 = arith.constant 0 : i32
        %dma_start3A_556 = tpu.memref_slice %arg7[%run_scoped3A_483, %run_scoped3A_484, %dma_start3A_555] : memref<2x8x128xi32, #tpu.memory_space<vmem>> -> memref<1x1x128xi32, #tpu.memory_space<vmem>>
        %dma_start3A_557 = tpu.memref_squeeze %dma_start3A_556 : memref<1x1x128xi32, #tpu.memory_space<vmem>> -> memref<128xi32, #tpu.memory_space<vmem>>
        %dma_start3A_558 = arith.constant 0 : i32
        %dma_start3A_559 = arith.constant 0 : i32
        %dma_start3A_560 = tpu.memref_slice %arg10[%dma_start3A_558, %dma_start3A_559] : memref<10240x128xf32, #tpu.memory_space<vmem_shared>> -> memref<10240x128xf32, #tpu.memory_space<vmem_shared>>
        tpu.enqueue_indirect_dma source(%arg9 : memref<128x128xf32, #tpu.memory_space<vmem>>) target(%dma_start3A_560 : memref<10240x128xf32, #tpu.memory_space<vmem_shared>>) offsets(%dma_start3A_557 : memref<128xi32, #tpu.memory_space<vmem>>) semaphore(%run_scoped3A_554 : memref<!tpu.dma_semaphore, #tpu.memory_space<semaphore_mem>>) {add = true}
        %dma_wait3A_561 = arith.constant 0 : i32
        %dma_wait3A_562 = tpu.memref_slice %arg7[%run_scoped3A_483, %run_scoped3A_484, %dma_wait3A_561] : memref<2x8x128xi32, #tpu.memory_space<vmem>> -> memref<1x1x128xi32, #tpu.memory_space<vmem>>
        %dma_wait3A_563 = tpu.memref_squeeze %dma_wait3A_562 : memref<1x1x128xi32, #tpu.memory_space<vmem>> -> memref<128xi32, #tpu.memory_space<vmem>>
        %dma_wait3A_564 = arith.constant 0 : i32
        %dma_wait3A_565 = arith.constant 0 : i32
        %dma_wait3A_566 = tpu.memref_slice %arg10[%dma_wait3A_564, %dma_wait3A_565] : memref<10240x128xf32, #tpu.memory_space<vmem_shared>> -> memref<10240x128xf32, #tpu.memory_space<vmem_shared>>
        tpu.wait_indirect_dma semaphore(%run_scoped3A_554 : memref<!tpu.dma_semaphore, #tpu.memory_space<semaphore_mem>>) src(%arg9 : memref<128x128xf32, #tpu.memory_space<vmem>>) dst(%dma_wait3A_566 : memref<10240x128xf32, #tpu.memory_space<vmem_shared>>)
        tpu.yield
      }) : () -> ()
      %dma_start3A_485 = arith.constant 1 : i32
      %dma_start3A_486 = arith.constant 7 : i32
      %dma_start3A_487 = arith.constant 0 : i32
      %dma_start3A_488 = tpu.memref_slice %arg6[%dma_start3A_485, %dma_start3A_486, %dma_start3A_487] : memref<2x8x128xi32, #tpu.memory_space<vmem>> -> memref<1x1x128xi32, #tpu.memory_space<vmem>>
      %dma_start3A_489 = tpu.memref_squeeze %dma_start3A_488 : memref<1x1x128xi32, #tpu.memory_space<vmem>> -> memref<128xi32, #tpu.memory_space<vmem>>
      %dma_start3A_490 = arith.constant 0 : i32
      %dma_start3A_491 = arith.constant 0 : i32
      %dma_start3A_492 = tpu.memref_slice %arg2[%dma_start3A_490, %dma_start3A_491] : memref<10000x128xf32, #tpu.memory_space<hbm>> -> memref<10000x128xf32, #tpu.memory_space<hbm>>
      tpu.enqueue_indirect_dma source(%dma_start3A_492 : memref<10000x128xf32, #tpu.memory_space<hbm>>) target(%arg9 : memref<128x128xf32, #tpu.memory_space<vmem>>) offsets(%dma_start3A_489 : memref<128xi32, #tpu.memory_space<vmem>>) semaphore(%arg12 : memref<!tpu.dma_semaphore, #tpu.memory_space<semaphore_mem>>)
      %dma_wait3A_493 = arith.constant 0 : i32
      %dma_wait3A_494 = arith.constant 0 : i32
      %dma_wait3A_495 = arith.constant 0 : i32
      %dma_wait3A_496 = tpu.memref_slice %arg6[%dma_wait3A_493, %dma_wait3A_494, %dma_wait3A_495] : memref<2x8x128xi32, #tpu.memory_space<vmem>> -> memref<1x8x128xi32, #tpu.memory_space<vmem>>
      %dma_wait3A_497 = tpu.memref_squeeze %dma_wait3A_496 : memref<1x8x128xi32, #tpu.memory_space<vmem>> -> memref<8x128xi32, #tpu.memory_space<vmem>>
      %dma_wait3A_498 = arith.constant 0 : i32
      %dma_wait3A_499 = arith.constant 0 : i32
      %dma_wait3A_500 = tpu.memref_slice %arg3[%add3A, %dma_wait3A_498, %dma_wait3A_499] : memref<32x80x128xi32, #tpu.memory_space<hbm>> -> memref<1x8x128xi32, #tpu.memory_space<hbm>>
      %dma_wait3A_501 = tpu.memref_squeeze %dma_wait3A_500 : memref<1x8x128xi32, #tpu.memory_space<hbm>> -> memref<8x128xi32, #tpu.memory_space<hbm>>
      %dma_wait3A_502 = arith.constant 0 : i32
      %dma_wait3A_503 = arith.constant 0 : i32
      %dma_wait3A_504 = tpu.memref_slice %arg6[%dma_wait3A_493, %dma_wait3A_502, %dma_wait3A_503] : memref<2x8x128xi32, #tpu.memory_space<vmem>> -> memref<1x8x128xi32, #tpu.memory_space<vmem>>
      %dma_wait3A_505 = tpu.memref_squeeze %dma_wait3A_504 : memref<1x8x128xi32, #tpu.memory_space<vmem>> -> memref<8x128xi32, #tpu.memory_space<vmem>>
      %dma_wait3A_506 = arith.constant 0 : i32
      %dma_wait3A_507 = arith.constant 0 : i32
      %dma_wait3A_508 = tpu.memref_slice %arg3[%add3A, %dma_wait3A_506, %dma_wait3A_507] : memref<32x80x128xi32, #tpu.memory_space<hbm>> -> memref<1x8x128xi32, #tpu.memory_space<hbm>>
      %dma_wait3A_509 = tpu.memref_squeeze %dma_wait3A_508 : memref<1x8x128xi32, #tpu.memory_space<hbm>> -> memref<8x128xi32, #tpu.memory_space<hbm>>
      tpu.wait_dma2 semaphore(%arg13 : memref<!tpu.dma_semaphore, #tpu.memory_space<semaphore_mem>>) src(%dma_wait3A_509 : memref<8x128xi32, #tpu.memory_space<hbm>>) dst(%dma_wait3A_505 : memref<8x128xi32, #tpu.memory_space<vmem>>)
      %dma_wait3A_510 = arith.constant 0 : i32
      %dma_wait3A_511 = arith.constant 0 : i32
      %dma_wait3A_512 = arith.constant 0 : i32
      %dma_wait3A_513 = tpu.memref_slice %arg6[%dma_wait3A_510, %dma_wait3A_511, %dma_wait3A_512] : memref<2x8x128xi32, #tpu.memory_space<vmem>> -> memref<1x8x128xi32, #tpu.memory_space<vmem>>
      %dma_wait3A_514 = tpu.memref_squeeze %dma_wait3A_513 : memref<1x8x128xi32, #tpu.memory_space<vmem>> -> memref<8x128xi32, #tpu.memory_space<vmem>>
      %dma_wait3A_515 = arith.constant 0 : i32
      %dma_wait3A_516 = arith.constant 0 : i32
      %dma_wait3A_517 = tpu.memref_slice %arg3[%add3A, %dma_wait3A_515, %dma_wait3A_516] : memref<32x80x128xi32, #tpu.memory_space<hbm>> -> memref<1x8x128xi32, #tpu.memory_space<hbm>>
      %dma_wait3A_518 = tpu.memref_squeeze %dma_wait3A_517 : memref<1x8x128xi32, #tpu.memory_space<hbm>> -> memref<8x128xi32, #tpu.memory_space<hbm>>
      %dma_wait3A_519 = arith.constant 0 : i32
      %dma_wait3A_520 = arith.constant 0 : i32
      %dma_wait3A_521 = tpu.memref_slice %arg6[%dma_wait3A_510, %dma_wait3A_519, %dma_wait3A_520] : memref<2x8x128xi32, #tpu.memory_space<vmem>> -> memref<1x8x128xi32, #tpu.memory_space<vmem>>
      %dma_wait3A_522 = tpu.memref_squeeze %dma_wait3A_521 : memref<1x8x128xi32, #tpu.memory_space<vmem>> -> memref<8x128xi32, #tpu.memory_space<vmem>>
      %dma_wait3A_523 = arith.constant 0 : i32
      %dma_wait3A_524 = arith.constant 0 : i32
      %dma_wait3A_525 = tpu.memref_slice %arg3[%add3A, %dma_wait3A_523, %dma_wait3A_524] : memref<32x80x128xi32, #tpu.memory_space<hbm>> -> memref<1x8x128xi32, #tpu.memory_space<hbm>>
      %dma_wait3A_526 = tpu.memref_squeeze %dma_wait3A_525 : memref<1x8x128xi32, #tpu.memory_space<hbm>> -> memref<8x128xi32, #tpu.memory_space<hbm>>
      tpu.wait_dma2 semaphore(%arg13 : memref<!tpu.dma_semaphore, #tpu.memory_space<semaphore_mem>>) src(%dma_wait3A_526 : memref<8x128xi32, #tpu.memory_space<hbm>>) dst(%dma_wait3A_522 : memref<8x128xi32, #tpu.memory_space<vmem>>)
      %dma_wait3A_527 = arith.constant 0 : i32
      %dma_wait3A_528 = arith.constant 0 : i32
      %dma_wait3A_529 = tpu.memref_slice %arg2[%dma_wait3A_527, %dma_wait3A_528] : memref<10000x128xf32, #tpu.memory_space<hbm>> -> memref<128x128xf32, #tpu.memory_space<hbm>>
      %dma_wait3A_530 = arith.constant 0 : i32
      %dma_wait3A_531 = arith.constant 0 : i32
      %dma_wait3A_532 = tpu.memref_slice %arg2[%dma_wait3A_530, %dma_wait3A_531] : memref<10000x128xf32, #tpu.memory_space<hbm>> -> memref<128x128xf32, #tpu.memory_space<hbm>>
      tpu.wait_dma2 semaphore(%arg11 : memref<!tpu.dma_semaphore, #tpu.memory_space<semaphore_mem>>) src(%dma_wait3A_532 : memref<128x128xf32, #tpu.memory_space<hbm>>) dst(%arg8 : memref<128x128xf32, #tpu.memory_space<vmem>>)
      %run_scoped3A_533 = arith.constant 1 : i32
      %run_scoped3A_534 = arith.constant 6 : i32
      "tpu.region"() ({
        %run_scoped3A_554 = tpu.sem_alloc : memref<!tpu.dma_semaphore, #tpu.memory_space<semaphore_mem>>
        %dma_start3A_555 = arith.constant 0 : i32
        %dma_start3A_556 = tpu.memref_slice %arg7[%run_scoped3A_533, %run_scoped3A_534, %dma_start3A_555] : memref<2x8x128xi32, #tpu.memory_space<vmem>> -> memref<1x1x128xi32, #tpu.memory_space<vmem>>
        %dma_start3A_557 = tpu.memref_squeeze %dma_start3A_556 : memref<1x1x128xi32, #tpu.memory_space<vmem>> -> memref<128xi32, #tpu.memory_space<vmem>>
        %dma_start3A_558 = arith.constant 0 : i32
        %dma_start3A_559 = arith.constant 0 : i32
        %dma_start3A_560 = tpu.memref_slice %arg10[%dma_start3A_558, %dma_start3A_559] : memref<10240x128xf32, #tpu.memory_space<vmem_shared>> -> memref<10240x128xf32, #tpu.memory_space<vmem_shared>>
        tpu.enqueue_indirect_dma source(%arg8 : memref<128x128xf32, #tpu.memory_space<vmem>>) target(%dma_start3A_560 : memref<10240x128xf32, #tpu.memory_space<vmem_shared>>) offsets(%dma_start3A_557 : memref<128xi32, #tpu.memory_space<vmem>>) semaphore(%run_scoped3A_554 : memref<!tpu.dma_semaphore, #tpu.memory_space<semaphore_mem>>) {add = true}
        %dma_wait3A_561 = arith.constant 0 : i32
        %dma_wait3A_562 = tpu.memref_slice %arg7[%run_scoped3A_533, %run_scoped3A_534, %dma_wait3A_561] : memref<2x8x128xi32, #tpu.memory_space<vmem>> -> memref<1x1x128xi32, #tpu.memory_space<vmem>>
        %dma_wait3A_563 = tpu.memref_squeeze %dma_wait3A_562 : memref<1x1x128xi32, #tpu.memory_space<vmem>> -> memref<128xi32, #tpu.memory_space<vmem>>
        %dma_wait3A_564 = arith.constant 0 : i32
        %dma_wait3A_565 = arith.constant 0 : i32
        %dma_wait3A_566 = tpu.memref_slice %arg10[%dma_wait3A_564, %dma_wait3A_565] : memref<10240x128xf32, #tpu.memory_space<vmem_shared>> -> memref<10240x128xf32, #tpu.memory_space<vmem_shared>>
        tpu.wait_indirect_dma semaphore(%run_scoped3A_554 : memref<!tpu.dma_semaphore, #tpu.memory_space<semaphore_mem>>) src(%arg8 : memref<128x128xf32, #tpu.memory_space<vmem>>) dst(%dma_wait3A_566 : memref<10240x128xf32, #tpu.memory_space<vmem_shared>>)
        tpu.yield
      }) : () -> ()
      %lt3A_535 = arith.constant 9 : i32
      %lt3A_536 = arith.cmpi slt, %add3A_358, %lt3A_535 : i32
      %convert_element_type3A_537 = arith.extui %lt3A_536 : i1 to i32
      %cond3A_538 = arith.constant 0 : i32
      %cond3A_539 = arith.cmpi ne, %convert_element_type3A_537, %cond3A_538 : i32
      scf.if %cond3A_539 {
        %dma_start3A_554 = arith.constant 0 : i32
        %dma_start3A_555 = arith.constant 0 : i32
        %dma_start3A_556 = arith.constant 0 : i32
        %dma_start3A_557 = tpu.memref_slice %arg6[%dma_start3A_554, %dma_start3A_555, %dma_start3A_556] : memref<2x8x128xi32, #tpu.memory_space<vmem>> -> memref<1x1x128xi32, #tpu.memory_space<vmem>>
        %dma_start3A_558 = tpu.memref_squeeze %dma_start3A_557 : memref<1x1x128xi32, #tpu.memory_space<vmem>> -> memref<128xi32, #tpu.memory_space<vmem>>
        %dma_start3A_559 = arith.constant 0 : i32
        %dma_start3A_560 = arith.constant 0 : i32
        %dma_start3A_561 = tpu.memref_slice %arg2[%dma_start3A_559, %dma_start3A_560] : memref<10000x128xf32, #tpu.memory_space<hbm>> -> memref<10000x128xf32, #tpu.memory_space<hbm>>
        tpu.enqueue_indirect_dma source(%dma_start3A_561 : memref<10000x128xf32, #tpu.memory_space<hbm>>) target(%arg8 : memref<128x128xf32, #tpu.memory_space<vmem>>) offsets(%dma_start3A_558 : memref<128xi32, #tpu.memory_space<vmem>>) semaphore(%arg11 : memref<!tpu.dma_semaphore, #tpu.memory_space<semaphore_mem>>)
      } else {
      }
      %dma_wait3A_540 = arith.constant 0 : i32
      %dma_wait3A_541 = arith.constant 0 : i32
      %dma_wait3A_542 = tpu.memref_slice %arg2[%dma_wait3A_540, %dma_wait3A_541] : memref<10000x128xf32, #tpu.memory_space<hbm>> -> memref<128x128xf32, #tpu.memory_space<hbm>>
      %dma_wait3A_543 = arith.constant 0 : i32
      %dma_wait3A_544 = arith.constant 0 : i32
      %dma_wait3A_545 = tpu.memref_slice %arg2[%dma_wait3A_543, %dma_wait3A_544] : memref<10000x128xf32, #tpu.memory_space<hbm>> -> memref<128x128xf32, #tpu.memory_space<hbm>>
      tpu.wait_dma2 semaphore(%arg12 : memref<!tpu.dma_semaphore, #tpu.memory_space<semaphore_mem>>) src(%dma_wait3A_545 : memref<128x128xf32, #tpu.memory_space<hbm>>) dst(%arg9 : memref<128x128xf32, #tpu.memory_space<vmem>>)
      %run_scoped3A_546 = arith.constant 1 : i32
      %run_scoped3A_547 = arith.constant 7 : i32
      "tpu.region"() ({
        %run_scoped3A_554 = tpu.sem_alloc : memref<!tpu.dma_semaphore, #tpu.memory_space<semaphore_mem>>
        %dma_start3A_555 = arith.constant 0 : i32
        %dma_start3A_556 = tpu.memref_slice %arg7[%run_scoped3A_546, %run_scoped3A_547, %dma_start3A_555] : memref<2x8x128xi32, #tpu.memory_space<vmem>> -> memref<1x1x128xi32, #tpu.memory_space<vmem>>
        %dma_start3A_557 = tpu.memref_squeeze %dma_start3A_556 : memref<1x1x128xi32, #tpu.memory_space<vmem>> -> memref<128xi32, #tpu.memory_space<vmem>>
        %dma_start3A_558 = arith.constant 0 : i32
        %dma_start3A_559 = arith.constant 0 : i32
        %dma_start3A_560 = tpu.memref_slice %arg10[%dma_start3A_558, %dma_start3A_559] : memref<10240x128xf32, #tpu.memory_space<vmem_shared>> -> memref<10240x128xf32, #tpu.memory_space<vmem_shared>>
        tpu.enqueue_indirect_dma source(%arg9 : memref<128x128xf32, #tpu.memory_space<vmem>>) target(%dma_start3A_560 : memref<10240x128xf32, #tpu.memory_space<vmem_shared>>) offsets(%dma_start3A_557 : memref<128xi32, #tpu.memory_space<vmem>>) semaphore(%run_scoped3A_554 : memref<!tpu.dma_semaphore, #tpu.memory_space<semaphore_mem>>) {add = true}
        %dma_wait3A_561 = arith.constant 0 : i32
        %dma_wait3A_562 = tpu.memref_slice %arg7[%run_scoped3A_546, %run_scoped3A_547, %dma_wait3A_561] : memref<2x8x128xi32, #tpu.memory_space<vmem>> -> memref<1x1x128xi32, #tpu.memory_space<vmem>>
        %dma_wait3A_563 = tpu.memref_squeeze %dma_wait3A_562 : memref<1x1x128xi32, #tpu.memory_space<vmem>> -> memref<128xi32, #tpu.memory_space<vmem>>
        %dma_wait3A_564 = arith.constant 0 : i32
        %dma_wait3A_565 = arith.constant 0 : i32
        %dma_wait3A_566 = tpu.memref_slice %arg10[%dma_wait3A_564, %dma_wait3A_565] : memref<10240x128xf32, #tpu.memory_space<vmem_shared>> -> memref<10240x128xf32, #tpu.memory_space<vmem_shared>>
        tpu.wait_indirect_dma semaphore(%run_scoped3A_554 : memref<!tpu.dma_semaphore, #tpu.memory_space<semaphore_mem>>) src(%arg9 : memref<128x128xf32, #tpu.memory_space<vmem>>) dst(%dma_wait3A_566 : memref<10240x128xf32, #tpu.memory_space<vmem_shared>>)
        tpu.yield
      }) : () -> ()
      %lt3A_548 = arith.constant 9 : i32
      %lt3A_549 = arith.cmpi slt, %add3A_358, %lt3A_548 : i32
      %convert_element_type3A_550 = arith.extui %lt3A_549 : i1 to i32
      %cond3A_551 = arith.constant 0 : i32
      %cond3A_552 = arith.cmpi ne, %convert_element_type3A_550, %cond3A_551 : i32
      scf.if %cond3A_552 {
        %dma_start3A_554 = arith.constant 0 : i32
        %dma_start3A_555 = arith.constant 1 : i32
        %dma_start3A_556 = arith.constant 0 : i32
        %dma_start3A_557 = tpu.memref_slice %arg6[%dma_start3A_554, %dma_start3A_555, %dma_start3A_556] : memref<2x8x128xi32, #tpu.memory_space<vmem>> -> memref<1x1x128xi32, #tpu.memory_space<vmem>>
        %dma_start3A_558 = tpu.memref_squeeze %dma_start3A_557 : memref<1x1x128xi32, #tpu.memory_space<vmem>> -> memref<128xi32, #tpu.memory_space<vmem>>
        %dma_start3A_559 = arith.constant 0 : i32
        %dma_start3A_560 = arith.constant 0 : i32
        %dma_start3A_561 = tpu.memref_slice %arg2[%dma_start3A_559, %dma_start3A_560] : memref<10000x128xf32, #tpu.memory_space<hbm>> -> memref<10000x128xf32, #tpu.memory_space<hbm>>
        tpu.enqueue_indirect_dma source(%dma_start3A_561 : memref<10000x128xf32, #tpu.memory_space<hbm>>) target(%arg9 : memref<128x128xf32, #tpu.memory_space<vmem>>) offsets(%dma_start3A_558 : memref<128xi32, #tpu.memory_space<vmem>>) semaphore(%arg12 : memref<!tpu.dma_semaphore, #tpu.memory_space<semaphore_mem>>)
      } else {
      }
      %scan3A_553 = arith.constant 0 : i32
      scf.yield %scan3A_553 : i32
    }
    %scan3A_156 = arith.constant 5 : i32
    %barrier3A_157 = arith.constant 0 : index
    tpu.barrier barrier_id(%barrier3A_157)
    %mul3A_158 = arith.constant 640 : i32
    %mul3A_159 = arith.muli %arg1, %mul3A_158 : i32
    "tpu.region"() ({
      %run_scoped3A = tpu.sem_alloc : memref<!tpu.dma_semaphore, #tpu.memory_space<semaphore_mem>>
      %dma_start3A_160 = arith.constant 0 : i32
      %dma_start3A_161 = tpu.memref_slice %arg5[%arg0, %mul3A_159, %dma_start3A_160] : memref<2x10240x128xf32, #tpu.memory_space<hbm>> -> memref<1x640x128xf32, #tpu.memory_space<hbm>>
      %dma_start3A_162 = tpu.memref_squeeze %dma_start3A_161 : memref<1x640x128xf32, #tpu.memory_space<hbm>> -> memref<640x128xf32, #tpu.memory_space<hbm>>
      %dma_start3A_163 = arith.constant 0 : i32
      %dma_start3A_164 = tpu.memref_slice %arg10[%mul3A_159, %dma_start3A_163] : memref<10240x128xf32, #tpu.memory_space<vmem_shared>> -> memref<640x128xf32, #tpu.memory_space<vmem_shared>>
      tpu.enqueue_dma source(%dma_start3A_164 : memref<640x128xf32, #tpu.memory_space<vmem_shared>>) target(%dma_start3A_162 : memref<640x128xf32, #tpu.memory_space<hbm>>) target_semaphore(%run_scoped3A : memref<!tpu.dma_semaphore, #tpu.memory_space<semaphore_mem>>)
      %dma_wait3A_165 = arith.constant 0 : i32
      %dma_wait3A_166 = tpu.memref_slice %arg5[%arg0, %mul3A_159, %dma_wait3A_165] : memref<2x10240x128xf32, #tpu.memory_space<hbm>> -> memref<1x640x128xf32, #tpu.memory_space<hbm>>
      %dma_wait3A_167 = tpu.memref_squeeze %dma_wait3A_166 : memref<1x640x128xf32, #tpu.memory_space<hbm>> -> memref<640x128xf32, #tpu.memory_space<hbm>>
      %dma_wait3A_168 = arith.constant 0 : i32
      %dma_wait3A_169 = tpu.memref_slice %arg10[%mul3A_159, %dma_wait3A_168] : memref<10240x128xf32, #tpu.memory_space<vmem_shared>> -> memref<640x128xf32, #tpu.memory_space<vmem_shared>>
      tpu.wait_dma2 semaphore(%run_scoped3A : memref<!tpu.dma_semaphore, #tpu.memory_space<semaphore_mem>>) src(%dma_wait3A_169 : memref<640x128xf32, #tpu.memory_space<vmem_shared>>) dst(%dma_wait3A_167 : memref<640x128xf32, #tpu.memory_space<hbm>>)
      tpu.yield
    }) : () -> ()
    return
  }
}

#map = affine_map<(d0, d1) -> (0, 0)>
#map1 = affine_map<(d0, d1) -> (0, 0, 0)>
module attributes {stable_mosaic.version = 14 : i64} {
  func.func @spmm(%arg0: i32, %arg1: i32, %arg2: memref<10000x128xf32, #tpu.memory_space<hbm>>, %arg3: memref<32x80x128xi32, #tpu.memory_space<hbm>>, %arg4: memref<32x80x128xi32, #tpu.memory_space<hbm>>, %arg5: memref<2x10240x128xf32, #tpu.memory_space<hbm>>, %arg6: memref<2x8x128xi32, #tpu.memory_space<vmem>>, %arg7: memref<2x8x128xi32, #tpu.memory_space<vmem>>, %arg8: memref<128x128xf32, #tpu.memory_space<vmem>>, %arg9: memref<128x128xf32, #tpu.memory_space<vmem>>, %arg10: memref<10240x128xf32, #tpu.memory_space<vmem_shared>>, %arg11: memref<!tpu.dma_semaphore, #tpu.memory_space<semaphore_mem>>, %arg12: memref<!tpu.dma_semaphore, #tpu.memory_space<semaphore_mem>>, %arg13: memref<!tpu.dma_semaphore, #tpu.memory_space<semaphore_mem>>, %arg14: memref<!tpu.dma_semaphore, #tpu.memory_space<semaphore_mem>>) attributes {dimension_semantics = [#tpu.dimension_semantics<core_parallel>, #tpu.dimension_semantics<subcore_parallel>], iteration_bounds = array<i64: 2, 16>, scalar_prefetch = 0 : i64, scratch_operands = 9 : i64, tpu.core_type = #tpu.core_type<sc_vector_subcore>, window_params = [{transform_indices = #map}, {transform_indices = #map1}, {transform_indices = #map1}, {transform_indices = #map1}]} {
    %mul3A = arith.constant 2 : i32
    %mul3A_0 = arith.muli %arg1, %mul3A : i32
    %add3A = arith.addi %mul3A_0, %arg0 : i32
    %dma_start3A = arith.constant 0 : i32
    %dma_start3A_1 = arith.constant 0 : i32
    %dma_start3A_2 = arith.constant 0 : i32
    %dma_start3A_3 = tpu.memref_slice %arg6[%dma_start3A, %dma_start3A_1, %dma_start3A_2] : memref<2x8x128xi32, #tpu.memory_space<vmem>> -> memref<1x8x128xi32, #tpu.memory_space<vmem>>
    %dma_start3A_4 = tpu.memref_squeeze %dma_start3A_3 : memref<1x8x128xi32, #tpu.memory_space<vmem>> -> memref<8x128xi32, #tpu.memory_space<vmem>>
    %dma_start3A_5 = arith.constant 0 : i32
    %dma_start3A_6 = arith.constant 0 : i32
    %dma_start3A_7 = tpu.memref_slice %arg3[%add3A, %dma_start3A_5, %dma_start3A_6] : memref<32x80x128xi32, #tpu.memory_space<hbm>> -> memref<1x8x128xi32, #tpu.memory_space<hbm>>
    %dma_start3A_8 = tpu.memref_squeeze %dma_start3A_7 : memref<1x8x128xi32, #tpu.memory_space<hbm>> -> memref<8x128xi32, #tpu.memory_space<hbm>>
    %dma_start3A_9 = arith.constant 0 : i32
    %dma_start3A_10 = arith.constant 0 : i32
    %dma_start3A_11 = tpu.memref_slice %arg6[%dma_start3A, %dma_start3A_9, %dma_start3A_10] : memref<2x8x128xi32, #tpu.memory_space<vmem>> -> memref<1x8x128xi32, #tpu.memory_space<vmem>>
    %dma_start3A_12 = tpu.memref_squeeze %dma_start3A_11 : memref<1x8x128xi32, #tpu.memory_space<vmem>> -> memref<8x128xi32, #tpu.memory_space<vmem>>
    %dma_start3A_13 = arith.constant 0 : i32
    %dma_start3A_14 = arith.constant 0 : i32
    %dma_start3A_15 = tpu.memref_slice %arg3[%add3A, %dma_start3A_13, %dma_start3A_14] : memref<32x80x128xi32, #tpu.memory_space<hbm>> -> memref<1x8x128xi32, #tpu.memory_space<hbm>>
    %dma_start3A_16 = tpu.memref_squeeze %dma_start3A_15 : memref<1x8x128xi32, #tpu.memory_space<hbm>> -> memref<8x128xi32, #tpu.memory_space<hbm>>
    tpu.enqueue_dma source(%dma_start3A_16 : memref<8x128xi32, #tpu.memory_space<hbm>>) target(%dma_start3A_12 : memref<8x128xi32, #tpu.memory_space<vmem>>) target_semaphore(%arg13 : memref<!tpu.dma_semaphore, #tpu.memory_space<semaphore_mem>>)
    %dma_start3A_17 = arith.constant 0 : i32
    %dma_start3A_18 = arith.constant 0 : i32
    %dma_start3A_19 = arith.constant 0 : i32
    %dma_start3A_20 = tpu.memref_slice %arg7[%dma_start3A_17, %dma_start3A_18, %dma_start3A_19] : memref<2x8x128xi32, #tpu.memory_space<vmem>> -> memref<1x8x128xi32, #tpu.memory_space<vmem>>
    %dma_start3A_21 = tpu.memref_squeeze %dma_start3A_20 : memref<1x8x128xi32, #tpu.memory_space<vmem>> -> memref<8x128xi32, #tpu.memory_space<vmem>>
    %dma_start3A_22 = arith.constant 0 : i32
    %dma_start3A_23 = arith.constant 0 : i32
    %dma_start3A_24 = tpu.memref_slice %arg4[%add3A, %dma_start3A_22, %dma_start3A_23] : memref<32x80x128xi32, #tpu.memory_space<hbm>> -> memref<1x8x128xi32, #tpu.memory_space<hbm>>
    %dma_start3A_25 = tpu.memref_squeeze %dma_start3A_24 : memref<1x8x128xi32, #tpu.memory_space<hbm>> -> memref<8x128xi32, #tpu.memory_space<hbm>>
    %dma_start3A_26 = arith.constant 0 : i32
    %dma_start3A_27 = arith.constant 0 : i32
    %dma_start3A_28 = tpu.memref_slice %arg7[%dma_start3A_17, %dma_start3A_26, %dma_start3A_27] : memref<2x8x128xi32, #tpu.memory_space<vmem>> -> memref<1x8x128xi32, #tpu.memory_space<vmem>>
    %dma_start3A_29 = tpu.memref_squeeze %dma_start3A_28 : memref<1x8x128xi32, #tpu.memory_space<vmem>> -> memref<8x128xi32, #tpu.memory_space<vmem>>
    %dma_start3A_30 = arith.constant 0 : i32
    %dma_start3A_31 = arith.constant 0 : i32
    %dma_start3A_32 = tpu.memref_slice %arg4[%add3A, %dma_start3A_30, %dma_start3A_31] : memref<32x80x128xi32, #tpu.memory_space<hbm>> -> memref<1x8x128xi32, #tpu.memory_space<hbm>>
    %dma_start3A_33 = tpu.memref_squeeze %dma_start3A_32 : memref<1x8x128xi32, #tpu.memory_space<hbm>> -> memref<8x128xi32, #tpu.memory_space<hbm>>
    tpu.enqueue_dma source(%dma_start3A_33 : memref<8x128xi32, #tpu.memory_space<hbm>>) target(%dma_start3A_29 : memref<8x128xi32, #tpu.memory_space<vmem>>) target_semaphore(%arg13 : memref<!tpu.dma_semaphore, #tpu.memory_space<semaphore_mem>>)
    %broadcast_in_dim3A = arith.constant 0.000000e+00 : f32
    %broadcast_in_dim3A_34 = vector.broadcast %broadcast_in_dim3A : f32 to vector<16xf32>
    %scan3A = arith.constant 0 : i32
    %scan3A_35 = arith.constant 0 : i32
    %scan3A_36 = arith.constant 128 : i32
    %scan3A_37 = arith.addi %scan3A_35, %scan3A_36 : i32
    %scan3A_38 = arith.constant 1 : i32
    %scan3A_39 = scf.for %scan3A_160 = %scan3A_35 to %scan3A_37 step %scan3A_38 iter_args(%scan3A_161 = %scan3A) -> (i32)  : i32 {
      %swap3A = arith.index_cast %scan3A_160 : i32 to index
      %swap3A_162 = arith.constant 0 : index
      %swap3A_163 = tpu.vector_load %arg8[%swap3A, %swap3A_162] {strides = array<i32>} : memref<128x128xf32, #tpu.memory_space<vmem>>, vector<1x16xf32>,
      %swap3A_164 = vector.shape_cast %swap3A_163 : vector<1x16xf32> to vector<16xf32>
      %swap3A_165 = vector.shape_cast %broadcast_in_dim3A_34 : vector<16xf32> to vector<1x16xf32>
      tpu.vector_store %arg8[%swap3A, %swap3A_162], %swap3A_165 {strides = array<i32>} : memref<128x128xf32, #tpu.memory_space<vmem>>, vector<1x16xf32>,
      %swap3A_166 = arith.index_cast %scan3A_160 : i32 to index
      %swap3A_167 = arith.constant 16 : index
      %swap3A_168 = tpu.vector_load %arg8[%swap3A_166, %swap3A_167] {strides = array<i32>} : memref<128x128xf32, #tpu.memory_space<vmem>>, vector<1x16xf32>,
      %swap3A_169 = vector.shape_cast %swap3A_168 : vector<1x16xf32> to vector<16xf32>
      %swap3A_170 = vector.shape_cast %broadcast_in_dim3A_34 : vector<16xf32> to vector<1x16xf32>
      tpu.vector_store %arg8[%swap3A_166, %swap3A_167], %swap3A_170 {strides = array<i32>} : memref<128x128xf32, #tpu.memory_space<vmem>>, vector<1x16xf32>,
      %swap3A_171 = arith.index_cast %scan3A_160 : i32 to index
      %swap3A_172 = arith.constant 32 : index
      %swap3A_173 = tpu.vector_load %arg8[%swap3A_171, %swap3A_172] {strides = array<i32>} : memref<128x128xf32, #tpu.memory_space<vmem>>, vector<1x16xf32>,
      %swap3A_174 = vector.shape_cast %swap3A_173 : vector<1x16xf32> to vector<16xf32>
      %swap3A_175 = vector.shape_cast %broadcast_in_dim3A_34 : vector<16xf32> to vector<1x16xf32>
      tpu.vector_store %arg8[%swap3A_171, %swap3A_172], %swap3A_175 {strides = array<i32>} : memref<128x128xf32, #tpu.memory_space<vmem>>, vector<1x16xf32>,
      %swap3A_176 = arith.index_cast %scan3A_160 : i32 to index
      %swap3A_177 = arith.constant 48 : index
      %swap3A_178 = tpu.vector_load %arg8[%swap3A_176, %swap3A_177] {strides = array<i32>} : memref<128x128xf32, #tpu.memory_space<vmem>>, vector<1x16xf32>,
      %swap3A_179 = vector.shape_cast %swap3A_178 : vector<1x16xf32> to vector<16xf32>
      %swap3A_180 = vector.shape_cast %broadcast_in_dim3A_34 : vector<16xf32> to vector<1x16xf32>
      tpu.vector_store %arg8[%swap3A_176, %swap3A_177], %swap3A_180 {strides = array<i32>} : memref<128x128xf32, #tpu.memory_space<vmem>>, vector<1x16xf32>,
      %swap3A_181 = arith.index_cast %scan3A_160 : i32 to index
      %swap3A_182 = arith.constant 64 : index
      %swap3A_183 = tpu.vector_load %arg8[%swap3A_181, %swap3A_182] {strides = array<i32>} : memref<128x128xf32, #tpu.memory_space<vmem>>, vector<1x16xf32>,
      %swap3A_184 = vector.shape_cast %swap3A_183 : vector<1x16xf32> to vector<16xf32>
      %swap3A_185 = vector.shape_cast %broadcast_in_dim3A_34 : vector<16xf32> to vector<1x16xf32>
      tpu.vector_store %arg8[%swap3A_181, %swap3A_182], %swap3A_185 {strides = array<i32>} : memref<128x128xf32, #tpu.memory_space<vmem>>, vector<1x16xf32>,
      %swap3A_186 = arith.index_cast %scan3A_160 : i32 to index
      %swap3A_187 = arith.constant 80 : index
      %swap3A_188 = tpu.vector_load %arg8[%swap3A_186, %swap3A_187] {strides = array<i32>} : memref<128x128xf32, #tpu.memory_space<vmem>>, vector<1x16xf32>,
      %swap3A_189 = vector.shape_cast %swap3A_188 : vector<1x16xf32> to vector<16xf32>
      %swap3A_190 = vector.shape_cast %broadcast_in_dim3A_34 : vector<16xf32> to vector<1x16xf32>
      tpu.vector_store %arg8[%swap3A_186, %swap3A_187], %swap3A_190 {strides = array<i32>} : memref<128x128xf32, #tpu.memory_space<vmem>>, vector<1x16xf32>,
      %swap3A_191 = arith.index_cast %scan3A_160 : i32 to index
      %swap3A_192 = arith.constant 96 : index
      %swap3A_193 = tpu.vector_load %arg8[%swap3A_191, %swap3A_192] {strides = array<i32>} : memref<128x128xf32, #tpu.memory_space<vmem>>, vector<1x16xf32>,
      %swap3A_194 = vector.shape_cast %swap3A_193 : vector<1x16xf32> to vector<16xf32>
      %swap3A_195 = vector.shape_cast %broadcast_in_dim3A_34 : vector<16xf32> to vector<1x16xf32>
      tpu.vector_store %arg8[%swap3A_191, %swap3A_192], %swap3A_195 {strides = array<i32>} : memref<128x128xf32, #tpu.memory_space<vmem>>, vector<1x16xf32>,
      %swap3A_196 = arith.index_cast %scan3A_160 : i32 to index
      %swap3A_197 = arith.constant 112 : index
      %swap3A_198 = tpu.vector_load %arg8[%swap3A_196, %swap3A_197] {strides = array<i32>} : memref<128x128xf32, #tpu.memory_space<vmem>>, vector<1x16xf32>,
      %swap3A_199 = vector.shape_cast %swap3A_198 : vector<1x16xf32> to vector<16xf32>
      %swap3A_200 = vector.shape_cast %broadcast_in_dim3A_34 : vector<16xf32> to vector<1x16xf32>
      tpu.vector_store %arg8[%swap3A_196, %swap3A_197], %swap3A_200 {strides = array<i32>} : memref<128x128xf32, #tpu.memory_space<vmem>>, vector<1x16xf32>,
      %scan3A_201 = arith.constant 0 : i32
      scf.yield %scan3A_201 : i32
    }
    %scan3A_40 = arith.constant 128 : i32
    %mul3A_41 = arith.constant 640 : i32
    %mul3A_42 = arith.muli %arg1, %mul3A_41 : i32
    %add3A_43 = arith.constant 0 : i32
    %add3A_44 = arith.addi %mul3A_42, %add3A_43 : i32
    %dma_start3A_45 = arith.constant 0 : i32
    %dma_start3A_46 = tpu.memref_slice %arg10[%add3A_44, %dma_start3A_45] : memref<10240x128xf32, #tpu.memory_space<vmem_shared>> -> memref<128x128xf32, #tpu.memory_space<vmem_shared>>
    %dma_start3A_47 = arith.constant 0 : i32
    %dma_start3A_48 = tpu.memref_slice %arg10[%add3A_44, %dma_start3A_47] : memref<10240x128xf32, #tpu.memory_space<vmem_shared>> -> memref<128x128xf32, #tpu.memory_space<vmem_shared>>
    tpu.enqueue_dma source(%arg8 : memref<128x128xf32, #tpu.memory_space<vmem>>) target(%dma_start3A_48 : memref<128x128xf32, #tpu.memory_space<vmem_shared>>) target_semaphore(%arg14 : memref<!tpu.dma_semaphore, #tpu.memory_space<semaphore_mem>>)
    %mul3A_49 = arith.constant 640 : i32
    %mul3A_50 = arith.muli %arg1, %mul3A_49 : i32
    %add3A_51 = arith.constant 128 : i32
    %add3A_52 = arith.addi %mul3A_50, %add3A_51 : i32
    %dma_start3A_53 = arith.constant 0 : i32
    %dma_start3A_54 = tpu.memref_slice %arg10[%add3A_52, %dma_start3A_53] : memref<10240x128xf32, #tpu.memory_space<vmem_shared>> -> memref<128x128xf32, #tpu.memory_space<vmem_shared>>
    %dma_start3A_55 = arith.constant 0 : i32
    %dma_start3A_56 = tpu.memref_slice %arg10[%add3A_52, %dma_start3A_55] : memref<10240x128xf32, #tpu.memory_space<vmem_shared>> -> memref<128x128xf32, #tpu.memory_space<vmem_shared>>
    tpu.enqueue_dma source(%arg8 : memref<128x128xf32, #tpu.memory_space<vmem>>) target(%dma_start3A_56 : memref<128x128xf32, #tpu.memory_space<vmem_shared>>) target_semaphore(%arg14 : memref<!tpu.dma_semaphore, #tpu.memory_space<semaphore_mem>>)
    %mul3A_57 = arith.constant 640 : i32
    %mul3A_58 = arith.muli %arg1, %mul3A_57 : i32
    %add3A_59 = arith.constant 256 : i32
    %add3A_60 = arith.addi %mul3A_58, %add3A_59 : i32
    %dma_start3A_61 = arith.constant 0 : i32
    %dma_start3A_62 = tpu.memref_slice %arg10[%add3A_60, %dma_start3A_61] : memref<10240x128xf32, #tpu.memory_space<vmem_shared>> -> memref<128x128xf32, #tpu.memory_space<vmem_shared>>
    %dma_start3A_63 = arith.constant 0 : i32
    %dma_start3A_64 = tpu.memref_slice %arg10[%add3A_60, %dma_start3A_63] : memref<10240x128xf32, #tpu.memory_space<vmem_shared>> -> memref<128x128xf32, #tpu.memory_space<vmem_shared>>
    tpu.enqueue_dma source(%arg8 : memref<128x128xf32, #tpu.memory_space<vmem>>) target(%dma_start3A_64 : memref<128x128xf32, #tpu.memory_space<vmem_shared>>) target_semaphore(%arg14 : memref<!tpu.dma_semaphore, #tpu.memory_space<semaphore_mem>>)
    %mul3A_65 = arith.constant 640 : i32
    %mul3A_66 = arith.muli %arg1, %mul3A_65 : i32
    %add3A_67 = arith.constant 384 : i32
    %add3A_68 = arith.addi %mul3A_66, %add3A_67 : i32
    %dma_start3A_69 = arith.constant 0 : i32
    %dma_start3A_70 = tpu.memref_slice %arg10[%add3A_68, %dma_start3A_69] : memref<10240x128xf32, #tpu.memory_space<vmem_shared>> -> memref<128x128xf32, #tpu.memory_space<vmem_shared>>
    %dma_start3A_71 = arith.constant 0 : i32
    %dma_start3A_72 = tpu.memref_slice %arg10[%add3A_68, %dma_start3A_71] : memref<10240x128xf32, #tpu.memory_space<vmem_shared>> -> memref<128x128xf32, #tpu.memory_space<vmem_shared>>
    tpu.enqueue_dma source(%arg8 : memref<128x128xf32, #tpu.memory_space<vmem>>) target(%dma_start3A_72 : memref<128x128xf32, #tpu.memory_space<vmem_shared>>) target_semaphore(%arg14 : memref<!tpu.dma_semaphore, #tpu.memory_space<semaphore_mem>>)
    %mul3A_73 = arith.constant 640 : i32
    %mul3A_74 = arith.muli %arg1, %mul3A_73 : i32
    %add3A_75 = arith.constant 512 : i32
    %add3A_76 = arith.addi %mul3A_74, %add3A_75 : i32
    %dma_start3A_77 = arith.constant 0 : i32
    %dma_start3A_78 = tpu.memref_slice %arg10[%add3A_76, %dma_start3A_77] : memref<10240x128xf32, #tpu.memory_space<vmem_shared>> -> memref<128x128xf32, #tpu.memory_space<vmem_shared>>
    %dma_start3A_79 = arith.constant 0 : i32
    %dma_start3A_80 = tpu.memref_slice %arg10[%add3A_76, %dma_start3A_79] : memref<10240x128xf32, #tpu.memory_space<vmem_shared>> -> memref<128x128xf32, #tpu.memory_space<vmem_shared>>
    tpu.enqueue_dma source(%arg8 : memref<128x128xf32, #tpu.memory_space<vmem>>) target(%dma_start3A_80 : memref<128x128xf32, #tpu.memory_space<vmem_shared>>) target_semaphore(%arg14 : memref<!tpu.dma_semaphore, #tpu.memory_space<semaphore_mem>>)
    %dma_wait3A = arith.constant 0 : i32
    %dma_wait3A_81 = tpu.memref_slice %arg10[%add3A_44, %dma_wait3A] : memref<10240x128xf32, #tpu.memory_space<vmem_shared>> -> memref<128x128xf32, #tpu.memory_space<vmem_shared>>
    %dma_wait3A_82 = arith.constant 0 : i32
    %dma_wait3A_83 = tpu.memref_slice %arg10[%add3A_44, %dma_wait3A_82] : memref<10240x128xf32, #tpu.memory_space<vmem_shared>> -> memref<128x128xf32, #tpu.memory_space<vmem_shared>>
    tpu.wait_dma2 semaphore(%arg14 : memref<!tpu.dma_semaphore, #tpu.memory_space<semaphore_mem>>) src(%arg8 : memref<128x128xf32, #tpu.memory_space<vmem>>) dst(%dma_wait3A_83 : memref<128x128xf32, #tpu.memory_space<vmem_shared>>)
    %dma_wait3A_84 = arith.constant 0 : i32
    %dma_wait3A_85 = tpu.memref_slice %arg10[%add3A_52, %dma_wait3A_84] : memref<10240x128xf32, #tpu.memory_space<vmem_shared>> -> memref<128x128xf32, #tpu.memory_space<vmem_shared>>
    %dma_wait3A_86 = arith.constant 0 : i32
    %dma_wait3A_87 = tpu.memref_slice %arg10[%add3A_52, %dma_wait3A_86] : memref<10240x128xf32, #tpu.memory_space<vmem_shared>> -> memref<128x128xf32, #tpu.memory_space<vmem_shared>>
    tpu.wait_dma2 semaphore(%arg14 : memref<!tpu.dma_semaphore, #tpu.memory_space<semaphore_mem>>) src(%arg8 : memref<128x128xf32, #tpu.memory_space<vmem>>) dst(%dma_wait3A_87 : memref<128x128xf32, #tpu.memory_space<vmem_shared>>)
    %dma_wait3A_88 = arith.constant 0 : i32
    %dma_wait3A_89 = tpu.memref_slice %arg10[%add3A_60, %dma_wait3A_88] : memref<10240x128xf32, #tpu.memory_space<vmem_shared>> -> memref<128x128xf32, #tpu.memory_space<vmem_shared>>
    %dma_wait3A_90 = arith.constant 0 : i32
    %dma_wait3A_91 = tpu.memref_slice %arg10[%add3A_60, %dma_wait3A_90] : memref<10240x128xf32, #tpu.memory_space<vmem_shared>> -> memref<128x128xf32, #tpu.memory_space<vmem_shared>>
    tpu.wait_dma2 semaphore(%arg14 : memref<!tpu.dma_semaphore, #tpu.memory_space<semaphore_mem>>) src(%arg8 : memref<128x128xf32, #tpu.memory_space<vmem>>) dst(%dma_wait3A_91 : memref<128x128xf32, #tpu.memory_space<vmem_shared>>)
    %dma_wait3A_92 = arith.constant 0 : i32
    %dma_wait3A_93 = tpu.memref_slice %arg10[%add3A_68, %dma_wait3A_92] : memref<10240x128xf32, #tpu.memory_space<vmem_shared>> -> memref<128x128xf32, #tpu.memory_space<vmem_shared>>
    %dma_wait3A_94 = arith.constant 0 : i32
    %dma_wait3A_95 = tpu.memref_slice %arg10[%add3A_68, %dma_wait3A_94] : memref<10240x128xf32, #tpu.memory_space<vmem_shared>> -> memref<128x128xf32, #tpu.memory_space<vmem_shared>>
    tpu.wait_dma2 semaphore(%arg14 : memref<!tpu.dma_semaphore, #tpu.memory_space<semaphore_mem>>) src(%arg8 : memref<128x128xf32, #tpu.memory_space<vmem>>) dst(%dma_wait3A_95 : memref<128x128xf32, #tpu.memory_space<vmem_shared>>)
    %dma_wait3A_96 = arith.constant 0 : i32
    %dma_wait3A_97 = tpu.memref_slice %arg10[%add3A_76, %dma_wait3A_96] : memref<10240x128xf32, #tpu.memory_space<vmem_shared>> -> memref<128x128xf32, #tpu.memory_space<vmem_shared>>
    %dma_wait3A_98 = arith.constant 0 : i32
    %dma_wait3A_99 = tpu.memref_slice %arg10[%add3A_76, %dma_wait3A_98] : memref<10240x128xf32, #tpu.memory_space<vmem_shared>> -> memref<128x128xf32, #tpu.memory_space<vmem_shared>>
    tpu.wait_dma2 semaphore(%arg14 : memref<!tpu.dma_semaphore, #tpu.memory_space<semaphore_mem>>) src(%arg8 : memref<128x128xf32, #tpu.memory_space<vmem>>) dst(%dma_wait3A_99 : memref<128x128xf32, #tpu.memory_space<vmem_shared>>)
    %dma_wait3A_100 = arith.constant 0 : i32
    %dma_wait3A_101 = arith.constant 0 : i32
    %dma_wait3A_102 = arith.constant 0 : i32
    %dma_wait3A_103 = tpu.memref_slice %arg6[%dma_wait3A_100, %dma_wait3A_101, %dma_wait3A_102] : memref<2x8x128xi32, #tpu.memory_space<vmem>> -> memref<1x8x128xi32, #tpu.memory_space<vmem>>
    %dma_wait3A_104 = tpu.memref_squeeze %dma_wait3A_103 : memref<1x8x128xi32, #tpu.memory_space<vmem>> -> memref<8x128xi32, #tpu.memory_space<vmem>>
    %dma_wait3A_105 = arith.constant 0 : i32
    %dma_wait3A_106 = arith.constant 0 : i32
    %dma_wait3A_107 = tpu.memref_slice %arg3[%add3A, %dma_wait3A_105, %dma_wait3A_106] : memref<32x80x128xi32, #tpu.memory_space<hbm>> -> memref<1x8x128xi32, #tpu.memory_space<hbm>>
    %dma_wait3A_108 = tpu.memref_squeeze %dma_wait3A_107 : memref<1x8x128xi32, #tpu.memory_space<hbm>> -> memref<8x128xi32, #tpu.memory_space<hbm>>
    %dma_wait3A_109 = arith.constant 0 : i32
    %dma_wait3A_110 = arith.constant 0 : i32
    %dma_wait3A_111 = tpu.memref_slice %arg6[%dma_wait3A_100, %dma_wait3A_109, %dma_wait3A_110] : memref<2x8x128xi32, #tpu.memory_space<vmem>> -> memref<1x8x128xi32, #tpu.memory_space<vmem>>
    %dma_wait3A_112 = tpu.memref_squeeze %dma_wait3A_111 : memref<1x8x128xi32, #tpu.memory_space<vmem>> -> memref<8x128xi32, #tpu.memory_space<vmem>>
    %dma_wait3A_113 = arith.constant 0 : i32
    %dma_wait3A_114 = arith.constant 0 : i32
    %dma_wait3A_115 = tpu.memref_slice %arg3[%add3A, %dma_wait3A_113, %dma_wait3A_114] : memref<32x80x128xi32, #tpu.memory_space<hbm>> -> memref<1x8x128xi32, #tpu.memory_space<hbm>>
    %dma_wait3A_116 = tpu.memref_squeeze %dma_wait3A_115 : memref<1x8x128xi32, #tpu.memory_space<hbm>> -> memref<8x128xi32, #tpu.memory_space<hbm>>
    tpu.wait_dma2 semaphore(%arg13 : memref<!tpu.dma_semaphore, #tpu.memory_space<semaphore_mem>>) src(%dma_wait3A_116 : memref<8x128xi32, #tpu.memory_space<hbm>>) dst(%dma_wait3A_112 : memref<8x128xi32, #tpu.memory_space<vmem>>)
    %dma_wait3A_117 = arith.constant 0 : i32
    %dma_wait3A_118 = arith.constant 0 : i32
    %dma_wait3A_119 = arith.constant 0 : i32
    %dma_wait3A_120 = tpu.memref_slice %arg6[%dma_wait3A_117, %dma_wait3A_118, %dma_wait3A_119] : memref<2x8x128xi32, #tpu.memory_space<vmem>> -> memref<1x8x128xi32, #tpu.memory_space<vmem>>
    %dma_wait3A_121 = tpu.memref_squeeze %dma_wait3A_120 : memref<1x8x128xi32, #tpu.memory_space<vmem>> -> memref<8x128xi32, #tpu.memory_space<vmem>>
    %dma_wait3A_122 = arith.constant 0 : i32
    %dma_wait3A_123 = arith.constant 0 : i32
    %dma_wait3A_124 = tpu.memref_slice %arg3[%add3A, %dma_wait3A_122, %dma_wait3A_123] : memref<32x80x128xi32, #tpu.memory_space<hbm>> -> memref<1x8x128xi32, #tpu.memory_space<hbm>>
    %dma_wait3A_125 = tpu.memref_squeeze %dma_wait3A_124 : memref<1x8x128xi32, #tpu.memory_space<hbm>> -> memref<8x128xi32, #tpu.memory_space<hbm>>
    %dma_wait3A_126 = arith.constant 0 : i32
    %dma_wait3A_127 = arith.constant 0 : i32
    %dma_wait3A_128 = tpu.memref_slice %arg6[%dma_wait3A_117, %dma_wait3A_126, %dma_wait3A_127] : memref<2x8x128xi32, #tpu.memory_space<vmem>> -> memref<1x8x128xi32, #tpu.memory_space<vmem>>
    %dma_wait3A_129 = tpu.memref_squeeze %dma_wait3A_128 : memref<1x8x128xi32, #tpu.memory_space<vmem>> -> memref<8x128xi32, #tpu.memory_space<vmem>>
    %dma_wait3A_130 = arith.constant 0 : i32
    %dma_wait3A_131 = arith.constant 0 : i32
    %dma_wait3A_132 = tpu.memref_slice %arg3[%add3A, %dma_wait3A_130, %dma_wait3A_131] : memref<32x80x128xi32, #tpu.memory_space<hbm>> -> memref<1x8x128xi32, #tpu.memory_space<hbm>>
    %dma_wait3A_133 = tpu.memref_squeeze %dma_wait3A_132 : memref<1x8x128xi32, #tpu.memory_space<hbm>> -> memref<8x128xi32, #tpu.memory_space<hbm>>
    tpu.wait_dma2 semaphore(%arg13 : memref<!tpu.dma_semaphore, #tpu.memory_space<semaphore_mem>>) src(%dma_wait3A_133 : memref<8x128xi32, #tpu.memory_space<hbm>>) dst(%dma_wait3A_129 : memref<8x128xi32, #tpu.memory_space<vmem>>)
    %dma_start3A_134 = arith.constant 0 : i32
    %dma_start3A_135 = arith.constant 0 : i32
    %dma_start3A_136 = arith.constant 0 : i32
    %dma_start3A_137 = tpu.memref_slice %arg6[%dma_start3A_134, %dma_start3A_135, %dma_start3A_136] : memref<2x8x128xi32, #tpu.memory_space<vmem>> -> memref<1x1x128xi32, #tpu.memory_space<vmem>>
    %dma_start3A_138 = tpu.memref_squeeze %dma_start3A_137 : memref<1x1x128xi32, #tpu.memory_space<vmem>> -> memref<128xi32, #tpu.memory_space<vmem>>
    %dma_start3A_139 = arith.constant 0 : i32
    %dma_start3A_140 = arith.constant 0 : i32
    %dma_start3A_141 = tpu.memref_slice %arg2[%dma_start3A_139, %dma_start3A_140] : memref<10000x128xf32, #tpu.memory_space<hbm>> -> memref<10000x128xf32, #tpu.memory_space<hbm>>
    tpu.enqueue_indirect_dma source(%dma_start3A_141 : memref<10000x128xf32, #tpu.memory_space<hbm>>) target(%arg8 : memref<128x128xf32, #tpu.memory_space<vmem>>) offsets(%dma_start3A_138 : memref<128xi32, #tpu.memory_space<vmem>>) semaphore(%arg11 : memref<!tpu.dma_semaphore, #tpu.memory_space<semaphore_mem>>)
    %dma_start3A_142 = arith.constant 0 : i32
    %dma_start3A_143 = arith.constant 1 : i32
    %dma_start3A_144 = arith.constant 0 : i32
    %dma_start3A_145 = tpu.memref_slice %arg6[%dma_start3A_142, %dma_start3A_143, %dma_start3A_144] : memref<2x8x128xi32, #tpu.memory_space<vmem>> -> memref<1x1x128xi32, #tpu.memory_space<vmem>>
    %dma_start3A_146 = tpu.memref_squeeze %dma_start3A_145 : memref<1x1x128xi32, #tpu.memory_space<vmem>> -> memref<128xi32, #tpu.memory_space<vmem>>
    %dma_start3A_147 = arith.constant 0 : i32
    %dma_start3A_148 = arith.constant 0 : i32
    %dma_start3A_149 = tpu.memref_slice %arg2[%dma_start3A_147, %dma_start3A_148] : memref<10000x128xf32, #tpu.memory_space<hbm>> -> memref<10000x128xf32, #tpu.memory_space<hbm>>
    tpu.enqueue_indirect_dma source(%dma_start3A_149 : memref<10000x128xf32, #tpu.memory_space<hbm>>) target(%arg9 : memref<128x128xf32, #tpu.memory_space<vmem>>) offsets(%dma_start3A_146 : memref<128xi32, #tpu.memory_space<vmem>>) semaphore(%arg12 : memref<!tpu.dma_semaphore, #tpu.memory_space<semaphore_mem>>)
    %barrier3A = arith.constant 0 : index
    tpu.barrier barrier_id(%barrier3A)
    %scan3A_150 = arith.constant 0 : i32
    %scan3A_151 = arith.constant 0 : i32
    %scan3A_152 = arith.constant 5 : i32
    %scan3A_153 = arith.addi %scan3A_151, %scan3A_152 : i32
    %scan3A_154 = arith.constant 1 : i32
    %scan3A_155 = scf.for %scan3A_160 = %scan3A_151 to %scan3A_153 step %scan3A_154 iter_args(%scan3A_161 = %scan3A_150) -> (i32)  : i32 {
      %mul3A_162 = arith.constant 2 : i32
      %mul3A_163 = arith.muli %scan3A_160, %mul3A_162 : i32
      %add3A_164 = arith.constant 0 : i32
      %add3A_165 = arith.addi %mul3A_163, %add3A_164 : i32
      %add3A_166 = arith.constant 1 : i32
      %add3A_167 = arith.addi %add3A_165, %add3A_166 : i32
      %min3A = arith.constant 9 : i32
      %min3A_168 = arith.minsi %add3A_167, %min3A : i32
      %mul3A_169 = arith.constant 8 : i32
      %mul3A_170 = arith.muli %min3A_168, %mul3A_169 : i32
      %dma_start3A_171 = arith.constant 1 : i32
      %dma_start3A_172 = arith.constant 0 : i32
      %dma_start3A_173 = arith.constant 0 : i32
      %dma_start3A_174 = tpu.memref_slice %arg6[%dma_start3A_171, %dma_start3A_172, %dma_start3A_173] : memref<2x8x128xi32, #tpu.memory_space<vmem>> -> memref<1x8x128xi32, #tpu.memory_space<vmem>>
      %dma_start3A_175 = tpu.memref_squeeze %dma_start3A_174 : memref<1x8x128xi32, #tpu.memory_space<vmem>> -> memref<8x128xi32, #tpu.memory_space<vmem>>
      %dma_start3A_176 = arith.constant 0 : i32
      %dma_start3A_177 = tpu.memref_slice %arg3[%add3A, %mul3A_170, %dma_start3A_176] : memref<32x80x128xi32, #tpu.memory_space<hbm>> -> memref<1x8x128xi32, #tpu.memory_space<hbm>>
      %dma_start3A_178 = tpu.memref_squeeze %dma_start3A_177 : memref<1x8x128xi32, #tpu.memory_space<hbm>> -> memref<8x128xi32, #tpu.memory_space<hbm>>
      %dma_start3A_179 = arith.constant 0 : i32
      %dma_start3A_180 = arith.constant 0 : i32
      %dma_start3A_181 = tpu.memref_slice %arg6[%dma_start3A_171, %dma_start3A_179, %dma_start3A_180] : memref<2x8x128xi32, #tpu.memory_space<vmem>> -> memref<1x8x128xi32, #tpu.memory_space<vmem>>
      %dma_start3A_182 = tpu.memref_squeeze %dma_start3A_181 : memref<1x8x128xi32, #tpu.memory_space<vmem>> -> memref<8x128xi32, #tpu.memory_space<vmem>>
      %dma_start3A_183 = arith.constant 0 : i32
      %dma_start3A_184 = tpu.memref_slice %arg3[%add3A, %mul3A_170, %dma_start3A_183] : memref<32x80x128xi32, #tpu.memory_space<hbm>> -> memref<1x8x128xi32, #tpu.memory_space<hbm>>
      %dma_start3A_185 = tpu.memref_squeeze %dma_start3A_184 : memref<1x8x128xi32, #tpu.memory_space<hbm>> -> memref<8x128xi32, #tpu.memory_space<hbm>>
      tpu.enqueue_dma source(%dma_start3A_185 : memref<8x128xi32, #tpu.memory_space<hbm>>) target(%dma_start3A_182 : memref<8x128xi32, #tpu.memory_space<vmem>>) target_semaphore(%arg14 : memref<!tpu.dma_semaphore, #tpu.memory_space<semaphore_mem>>)
      %mul3A_186 = arith.constant 8 : i32
      %mul3A_187 = arith.muli %min3A_168, %mul3A_186 : i32
      %dma_start3A_188 = arith.constant 1 : i32
      %dma_start3A_189 = arith.constant 0 : i32
      %dma_start3A_190 = arith.constant 0 : i32
      %dma_start3A_191 = tpu.memref_slice %arg7[%dma_start3A_188, %dma_start3A_189, %dma_start3A_190] : memref<2x8x128xi32, #tpu.memory_space<vmem>> -> memref<1x8x128xi32, #tpu.memory_space<vmem>>
      %dma_start3A_192 = tpu.memref_squeeze %dma_start3A_191 : memref<1x8x128xi32, #tpu.memory_space<vmem>> -> memref<8x128xi32, #tpu.memory_space<vmem>>
      %dma_start3A_193 = arith.constant 0 : i32
      %dma_start3A_194 = tpu.memref_slice %arg4[%add3A, %mul3A_187, %dma_start3A_193] : memref<32x80x128xi32, #tpu.memory_space<hbm>> -> memref<1x8x128xi32, #tpu.memory_space<hbm>>
      %dma_start3A_195 = tpu.memref_squeeze %dma_start3A_194 : memref<1x8x128xi32, #tpu.memory_space<hbm>> -> memref<8x128xi32, #tpu.memory_space<hbm>>
      %dma_start3A_196 = arith.constant 0 : i32
      %dma_start3A_197 = arith.constant 0 : i32
      %dma_start3A_198 = tpu.memref_slice %arg7[%dma_start3A_188, %dma_start3A_196, %dma_start3A_197] : memref<2x8x128xi32, #tpu.memory_space<vmem>> -> memref<1x8x128xi32, #tpu.memory_space<vmem>>
      %dma_start3A_199 = tpu.memref_squeeze %dma_start3A_198 : memref<1x8x128xi32, #tpu.memory_space<vmem>> -> memref<8x128xi32, #tpu.memory_space<vmem>>
      %dma_start3A_200 = arith.constant 0 : i32
      %dma_start3A_201 = tpu.memref_slice %arg4[%add3A, %mul3A_187, %dma_start3A_200] : memref<32x80x128xi32, #tpu.memory_space<hbm>> -> memref<1x8x128xi32, #tpu.memory_space<hbm>>
      %dma_start3A_202 = tpu.memref_squeeze %dma_start3A_201 : memref<1x8x128xi32, #tpu.memory_space<hbm>> -> memref<8x128xi32, #tpu.memory_space<hbm>>
      tpu.enqueue_dma source(%dma_start3A_202 : memref<8x128xi32, #tpu.memory_space<hbm>>) target(%dma_start3A_199 : memref<8x128xi32, #tpu.memory_space<vmem>>) target_semaphore(%arg14 : memref<!tpu.dma_semaphore, #tpu.memory_space<semaphore_mem>>)
      %dma_wait3A_203 = arith.constant 0 : i32
      %dma_wait3A_204 = arith.constant 0 : i32
      %dma_wait3A_205 = tpu.memref_slice %arg2[%dma_wait3A_203, %dma_wait3A_204] : memref<10000x128xf32, #tpu.memory_space<hbm>> -> memref<128x128xf32, #tpu.memory_space<hbm>>
      %dma_wait3A_206 = arith.constant 0 : i32
      %dma_wait3A_207 = arith.constant 0 : i32
      %dma_wait3A_208 = tpu.memref_slice %arg2[%dma_wait3A_206, %dma_wait3A_207] : memref<10000x128xf32, #tpu.memory_space<hbm>> -> memref<128x128xf32, #tpu.memory_space<hbm>>
      tpu.wait_dma2 semaphore(%arg11 : memref<!tpu.dma_semaphore, #tpu.memory_space<semaphore_mem>>) src(%dma_wait3A_208 : memref<128x128xf32, #tpu.memory_space<hbm>>) dst(%arg8 : memref<128x128xf32, #tpu.memory_space<vmem>>)
      %run_scoped3A = arith.constant 0 : i32
      %run_scoped3A_209 = arith.constant 0 : i32
      "tpu.region"() ({
        %run_scoped3A_554 = tpu.sem_alloc : memref<!tpu.dma_semaphore, #tpu.memory_space<semaphore_mem>>
        %dma_start3A_555 = arith.constant 0 : i32
        %dma_start3A_556 = tpu.memref_slice %arg7[%run_scoped3A, %run_scoped3A_209, %dma_start3A_555] : memref<2x8x128xi32, #tpu.memory_space<vmem>> -> memref<1x1x128xi32, #tpu.memory_space<vmem>>
        %dma_start3A_557 = tpu.memref_squeeze %dma_start3A_556 : memref<1x1x128xi32, #tpu.memory_space<vmem>> -> memref<128xi32, #tpu.memory_space<vmem>>
        %dma_start3A_558 = arith.constant 0 : i32
        %dma_start3A_559 = arith.constant 0 : i32
        %dma_start3A_560 = tpu.memref_slice %arg10[%dma_start3A_558, %dma_start3A_559] : memref<10240x128xf32, #tpu.memory_space<vmem_shared>> -> memref<10240x128xf32, #tpu.memory_space<vmem_shared>>
        tpu.enqueue_indirect_dma source(%arg8 : memref<128x128xf32, #tpu.memory_space<vmem>>) target(%dma_start3A_560 : memref<10240x128xf32, #tpu.memory_space<vmem_shared>>) offsets(%dma_start3A_557 : memref<128xi32, #tpu.memory_space<vmem>>) semaphore(%run_scoped3A_554 : memref<!tpu.dma_semaphore, #tpu.memory_space<semaphore_mem>>) {add = true}
        %dma_wait3A_561 = arith.constant 0 : i32
        %dma_wait3A_562 = tpu.memref_slice %arg7[%run_scoped3A, %run_scoped3A_209, %dma_wait3A_561] : memref<2x8x128xi32, #tpu.memory_space<vmem>> -> memref<1x1x128xi32, #tpu.memory_space<vmem>>
        %dma_wait3A_563 = tpu.memref_squeeze %dma_wait3A_562 : memref<1x1x128xi32, #tpu.memory_space<vmem>> -> memref<128xi32, #tpu.memory_space<vmem>>
        %dma_wait3A_564 = arith.constant 0 : i32
        %dma_wait3A_565 = arith.constant 0 : i32
        %dma_wait3A_566 = tpu.memref_slice %arg10[%dma_wait3A_564, %dma_wait3A_565] : memref<10240x128xf32, #tpu.memory_space<vmem_shared>> -> memref<10240x128xf32, #tpu.memory_space<vmem_shared>>
        tpu.wait_indirect_dma semaphore(%run_scoped3A_554 : memref<!tpu.dma_semaphore, #tpu.memory_space<semaphore_mem>>) src(%arg8 : memref<128x128xf32, #tpu.memory_space<vmem>>) dst(%dma_wait3A_566 : memref<10240x128xf32, #tpu.memory_space<vmem_shared>>)
        tpu.yield
      }) : () -> ()
      %dma_start3A_210 = arith.constant 0 : i32
      %dma_start3A_211 = arith.constant 2 : i32
      %dma_start3A_212 = arith.constant 0 : i32
      %dma_start3A_213 = tpu.memref_slice %arg6[%dma_start3A_210, %dma_start3A_211, %dma_start3A_212] : memref<2x8x128xi32, #tpu.memory_space<vmem>> -> memref<1x1x128xi32, #tpu.memory_space<vmem>>
      %dma_start3A_214 = tpu.memref_squeeze %dma_start3A_213 : memref<1x1x128xi32, #tpu.memory_space<vmem>> -> memref<128xi32, #tpu.memory_space<vmem>>
      %dma_start3A_215 = arith.constant 0 : i32
      %dma_start3A_216 = arith.constant 0 : i32
      %dma_start3A_217 = tpu.memref_slice %arg2[%dma_start3A_215, %dma_start3A_216] : memref<10000x128xf32, #tpu.memory_space<hbm>> -> memref<10000x128xf32, #tpu.memory_space<hbm>>
      tpu.enqueue_indirect_dma source(%dma_start3A_217 : memref<10000x128xf32, #tpu.memory_space<hbm>>) target(%arg8 : memref<128x128xf32, #tpu.memory_space<vmem>>) offsets(%dma_start3A_214 : memref<128xi32, #tpu.memory_space<vmem>>) semaphore(%arg11 : memref<!tpu.dma_semaphore, #tpu.memory_space<semaphore_mem>>)
      %dma_wait3A_218 = arith.constant 0 : i32
      %dma_wait3A_219 = arith.constant 0 : i32
      %dma_wait3A_220 = tpu.memref_slice %arg2[%dma_wait3A_218, %dma_wait3A_219] : memref<10000x128xf32, #tpu.memory_space<hbm>> -> memref<128x128xf32, #tpu.memory_space<hbm>>
      %dma_wait3A_221 = arith.constant 0 : i32
      %dma_wait3A_222 = arith.constant 0 : i32
      %dma_wait3A_223 = tpu.memref_slice %arg2[%dma_wait3A_221, %dma_wait3A_222] : memref<10000x128xf32, #tpu.memory_space<hbm>> -> memref<128x128xf32, #tpu.memory_space<hbm>>
      tpu.wait_dma2 semaphore(%arg12 : memref<!tpu.dma_semaphore, #tpu.memory_space<semaphore_mem>>) src(%dma_wait3A_223 : memref<128x128xf32, #tpu.memory_space<hbm>>) dst(%arg9 : memref<128x128xf32, #tpu.memory_space<vmem>>)
      %run_scoped3A_224 = arith.constant 0 : i32
      %run_scoped3A_225 = arith.constant 1 : i32
      "tpu.region"() ({
        %run_scoped3A_554 = tpu.sem_alloc : memref<!tpu.dma_semaphore, #tpu.memory_space<semaphore_mem>>
        %dma_start3A_555 = arith.constant 0 : i32
        %dma_start3A_556 = tpu.memref_slice %arg7[%run_scoped3A_224, %run_scoped3A_225, %dma_start3A_555] : memref<2x8x128xi32, #tpu.memory_space<vmem>> -> memref<1x1x128xi32, #tpu.memory_space<vmem>>
        %dma_start3A_557 = tpu.memref_squeeze %dma_start3A_556 : memref<1x1x128xi32, #tpu.memory_space<vmem>> -> memref<128xi32, #tpu.memory_space<vmem>>
        %dma_start3A_558 = arith.constant 0 : i32
        %dma_start3A_559 = arith.constant 0 : i32
        %dma_start3A_560 = tpu.memref_slice %arg10[%dma_start3A_558, %dma_start3A_559] : memref<10240x128xf32, #tpu.memory_space<vmem_shared>> -> memref<10240x128xf32, #tpu.memory_space<vmem_shared>>
        tpu.enqueue_indirect_dma source(%arg9 : memref<128x128xf32, #tpu.memory_space<vmem>>) target(%dma_start3A_560 : memref<10240x128xf32, #tpu.memory_space<vmem_shared>>) offsets(%dma_start3A_557 : memref<128xi32, #tpu.memory_space<vmem>>) semaphore(%run_scoped3A_554 : memref<!tpu.dma_semaphore, #tpu.memory_space<semaphore_mem>>) {add = true}
        %dma_wait3A_561 = arith.constant 0 : i32
        %dma_wait3A_562 = tpu.memref_slice %arg7[%run_scoped3A_224, %run_scoped3A_225, %dma_wait3A_561] : memref<2x8x128xi32, #tpu.memory_space<vmem>> -> memref<1x1x128xi32, #tpu.memory_space<vmem>>
        %dma_wait3A_563 = tpu.memref_squeeze %dma_wait3A_562 : memref<1x1x128xi32, #tpu.memory_space<vmem>> -> memref<128xi32, #tpu.memory_space<vmem>>
        %dma_wait3A_564 = arith.constant 0 : i32
        %dma_wait3A_565 = arith.constant 0 : i32
        %dma_wait3A_566 = tpu.memref_slice %arg10[%dma_wait3A_564, %dma_wait3A_565] : memref<10240x128xf32, #tpu.memory_space<vmem_shared>> -> memref<10240x128xf32, #tpu.memory_space<vmem_shared>>
        tpu.wait_indirect_dma semaphore(%run_scoped3A_554 : memref<!tpu.dma_semaphore, #tpu.memory_space<semaphore_mem>>) src(%arg9 : memref<128x128xf32, #tpu.memory_space<vmem>>) dst(%dma_wait3A_566 : memref<10240x128xf32, #tpu.memory_space<vmem_shared>>)
        tpu.yield
      }) : () -> ()
      %dma_start3A_226 = arith.constant 0 : i32
      %dma_start3A_227 = arith.constant 3 : i32
      %dma_start3A_228 = arith.constant 0 : i32
      %dma_start3A_229 = tpu.memref_slice %arg6[%dma_start3A_226, %dma_start3A_227, %dma_start3A_228] : memref<2x8x128xi32, #tpu.memory_space<vmem>> -> memref<1x1x128xi32, #tpu.memory_space<vmem>>
      %dma_start3A_230 = tpu.memref_squeeze %dma_start3A_229 : memref<1x1x128xi32, #tpu.memory_space<vmem>> -> memref<128xi32, #tpu.memory_space<vmem>>
      %dma_start3A_231 = arith.constant 0 : i32
      %dma_start3A_232 = arith.constant 0 : i32
      %dma_start3A_233 = tpu.memref_slice %arg2[%dma_start3A_231, %dma_start3A_232] : memref<10000x128xf32, #tpu.memory_space<hbm>> -> memref<10000x128xf32, #tpu.memory_space<hbm>>
      tpu.enqueue_indirect_dma source(%dma_start3A_233 : memref<10000x128xf32, #tpu.memory_space<hbm>>) target(%arg9 : memref<128x128xf32, #tpu.memory_space<vmem>>) offsets(%dma_start3A_230 : memref<128xi32, #tpu.memory_space<vmem>>) semaphore(%arg12 : memref<!tpu.dma_semaphore, #tpu.memory_space<semaphore_mem>>)
      %dma_wait3A_234 = arith.constant 0 : i32
      %dma_wait3A_235 = arith.constant 0 : i32
      %dma_wait3A_236 = tpu.memref_slice %arg2[%dma_wait3A_234, %dma_wait3A_235] : memref<10000x128xf32, #tpu.memory_space<hbm>> -> memref<128x128xf32, #tpu.memory_space<hbm>>
      %dma_wait3A_237 = arith.constant 0 : i32
      %dma_wait3A_238 = arith.constant 0 : i32
      %dma_wait3A_239 = tpu.memref_slice %arg2[%dma_wait3A_237, %dma_wait3A_238] : memref<10000x128xf32, #tpu.memory_space<hbm>> -> memref<128x128xf32, #tpu.memory_space<hbm>>
      tpu.wait_dma2 semaphore(%arg11 : memref<!tpu.dma_semaphore, #tpu.memory_space<semaphore_mem>>) src(%dma_wait3A_239 : memref<128x128xf32, #tpu.memory_space<hbm>>) dst(%arg8 : memref<128x128xf32, #tpu.memory_space<vmem>>)
      %run_scoped3A_240 = arith.constant 0 : i32
      %run_scoped3A_241 = arith.constant 2 : i32
      "tpu.region"() ({
        %run_scoped3A_554 = tpu.sem_alloc : memref<!tpu.dma_semaphore, #tpu.memory_space<semaphore_mem>>
        %dma_start3A_555 = arith.constant 0 : i32
        %dma_start3A_556 = tpu.memref_slice %arg7[%run_scoped3A_240, %run_scoped3A_241, %dma_start3A_555] : memref<2x8x128xi32, #tpu.memory_space<vmem>> -> memref<1x1x128xi32, #tpu.memory_space<vmem>>
        %dma_start3A_557 = tpu.memref_squeeze %dma_start3A_556 : memref<1x1x128xi32, #tpu.memory_space<vmem>> -> memref<128xi32, #tpu.memory_space<vmem>>
        %dma_start3A_558 = arith.constant 0 : i32
        %dma_start3A_559 = arith.constant 0 : i32
        %dma_start3A_560 = tpu.memref_slice %arg10[%dma_start3A_558, %dma_start3A_559] : memref<10240x128xf32, #tpu.memory_space<vmem_shared>> -> memref<10240x128xf32, #tpu.memory_space<vmem_shared>>
        tpu.enqueue_indirect_dma source(%arg8 : memref<128x128xf32, #tpu.memory_space<vmem>>) target(%dma_start3A_560 : memref<10240x128xf32, #tpu.memory_space<vmem_shared>>) offsets(%dma_start3A_557 : memref<128xi32, #tpu.memory_space<vmem>>) semaphore(%run_scoped3A_554 : memref<!tpu.dma_semaphore, #tpu.memory_space<semaphore_mem>>) {add = true}
        %dma_wait3A_561 = arith.constant 0 : i32
        %dma_wait3A_562 = tpu.memref_slice %arg7[%run_scoped3A_240, %run_scoped3A_241, %dma_wait3A_561] : memref<2x8x128xi32, #tpu.memory_space<vmem>> -> memref<1x1x128xi32, #tpu.memory_space<vmem>>
        %dma_wait3A_563 = tpu.memref_squeeze %dma_wait3A_562 : memref<1x1x128xi32, #tpu.memory_space<vmem>> -> memref<128xi32, #tpu.memory_space<vmem>>
        %dma_wait3A_564 = arith.constant 0 : i32
        %dma_wait3A_565 = arith.constant 0 : i32
        %dma_wait3A_566 = tpu.memref_slice %arg10[%dma_wait3A_564, %dma_wait3A_565] : memref<10240x128xf32, #tpu.memory_space<vmem_shared>> -> memref<10240x128xf32, #tpu.memory_space<vmem_shared>>
        tpu.wait_indirect_dma semaphore(%run_scoped3A_554 : memref<!tpu.dma_semaphore, #tpu.memory_space<semaphore_mem>>) src(%arg8 : memref<128x128xf32, #tpu.memory_space<vmem>>) dst(%dma_wait3A_566 : memref<10240x128xf32, #tpu.memory_space<vmem_shared>>)
        tpu.yield
      }) : () -> ()
      %dma_start3A_242 = arith.constant 0 : i32
      %dma_start3A_243 = arith.constant 4 : i32
      %dma_start3A_244 = arith.constant 0 : i32
      %dma_start3A_245 = tpu.memref_slice %arg6[%dma_start3A_242, %dma_start3A_243, %dma_start3A_244] : memref<2x8x128xi32, #tpu.memory_space<vmem>> -> memref<1x1x128xi32, #tpu.memory_space<vmem>>
      %dma_start3A_246 = tpu.memref_squeeze %dma_start3A_245 : memref<1x1x128xi32, #tpu.memory_space<vmem>> -> memref<128xi32, #tpu.memory_space<vmem>>
      %dma_start3A_247 = arith.constant 0 : i32
      %dma_start3A_248 = arith.constant 0 : i32
      %dma_start3A_249 = tpu.memref_slice %arg2[%dma_start3A_247, %dma_start3A_248] : memref<10000x128xf32, #tpu.memory_space<hbm>> -> memref<10000x128xf32, #tpu.memory_space<hbm>>
      tpu.enqueue_indirect_dma source(%dma_start3A_249 : memref<10000x128xf32, #tpu.memory_space<hbm>>) target(%arg8 : memref<128x128xf32, #tpu.memory_space<vmem>>) offsets(%dma_start3A_246 : memref<128xi32, #tpu.memory_space<vmem>>) semaphore(%arg11 : memref<!tpu.dma_semaphore, #tpu.memory_space<semaphore_mem>>)
      %dma_wait3A_250 = arith.constant 0 : i32
      %dma_wait3A_251 = arith.constant 0 : i32
      %dma_wait3A_252 = tpu.memref_slice %arg2[%dma_wait3A_250, %dma_wait3A_251] : memref<10000x128xf32, #tpu.memory_space<hbm>> -> memref<128x128xf32, #tpu.memory_space<hbm>>
      %dma_wait3A_253 = arith.constant 0 : i32
      %dma_wait3A_254 = arith.constant 0 : i32
      %dma_wait3A_255 = tpu.memref_slice %arg2[%dma_wait3A_253, %dma_wait3A_254] : memref<10000x128xf32, #tpu.memory_space<hbm>> -> memref<128x128xf32, #tpu.memory_space<hbm>>
      tpu.wait_dma2 semaphore(%arg12 : memref<!tpu.dma_semaphore, #tpu.memory_space<semaphore_mem>>) src(%dma_wait3A_255 : memref<128x128xf32, #tpu.memory_space<hbm>>) dst(%arg9 : memref<128x128xf32, #tpu.memory_space<vmem>>)
      %run_scoped3A_256 = arith.constant 0 : i32
      %run_scoped3A_257 = arith.constant 3 : i32
      "tpu.region"() ({
        %run_scoped3A_554 = tpu.sem_alloc : memref<!tpu.dma_semaphore, #tpu.memory_space<semaphore_mem>>
        %dma_start3A_555 = arith.constant 0 : i32
        %dma_start3A_556 = tpu.memref_slice %arg7[%run_scoped3A_256, %run_scoped3A_257, %dma_start3A_555] : memref<2x8x128xi32, #tpu.memory_space<vmem>> -> memref<1x1x128xi32, #tpu.memory_space<vmem>>
        %dma_start3A_557 = tpu.memref_squeeze %dma_start3A_556 : memref<1x1x128xi32, #tpu.memory_space<vmem>> -> memref<128xi32, #tpu.memory_space<vmem>>
        %dma_start3A_558 = arith.constant 0 : i32
        %dma_start3A_559 = arith.constant 0 : i32
        %dma_start3A_560 = tpu.memref_slice %arg10[%dma_start3A_558, %dma_start3A_559] : memref<10240x128xf32, #tpu.memory_space<vmem_shared>> -> memref<10240x128xf32, #tpu.memory_space<vmem_shared>>
        tpu.enqueue_indirect_dma source(%arg9 : memref<128x128xf32, #tpu.memory_space<vmem>>) target(%dma_start3A_560 : memref<10240x128xf32, #tpu.memory_space<vmem_shared>>) offsets(%dma_start3A_557 : memref<128xi32, #tpu.memory_space<vmem>>) semaphore(%run_scoped3A_554 : memref<!tpu.dma_semaphore, #tpu.memory_space<semaphore_mem>>) {add = true}
        %dma_wait3A_561 = arith.constant 0 : i32
        %dma_wait3A_562 = tpu.memref_slice %arg7[%run_scoped3A_256, %run_scoped3A_257, %dma_wait3A_561] : memref<2x8x128xi32, #tpu.memory_space<vmem>> -> memref<1x1x128xi32, #tpu.memory_space<vmem>>
        %dma_wait3A_563 = tpu.memref_squeeze %dma_wait3A_562 : memref<1x1x128xi32, #tpu.memory_space<vmem>> -> memref<128xi32, #tpu.memory_space<vmem>>
        %dma_wait3A_564 = arith.constant 0 : i32
        %dma_wait3A_565 = arith.constant 0 : i32
        %dma_wait3A_566 = tpu.memref_slice %arg10[%dma_wait3A_564, %dma_wait3A_565] : memref<10240x128xf32, #tpu.memory_space<vmem_shared>> -> memref<10240x128xf32, #tpu.memory_space<vmem_shared>>
        tpu.wait_indirect_dma semaphore(%run_scoped3A_554 : memref<!tpu.dma_semaphore, #tpu.memory_space<semaphore_mem>>) src(%arg9 : memref<128x128xf32, #tpu.memory_space<vmem>>) dst(%dma_wait3A_566 : memref<10240x128xf32, #tpu.memory_space<vmem_shared>>)
        tpu.yield
      }) : () -> ()
      %dma_start3A_258 = arith.constant 0 : i32
      %dma_start3A_259 = arith.constant 5 : i32
      %dma_start3A_260 = arith.constant 0 : i32
      %dma_start3A_261 = tpu.memref_slice %arg6[%dma_start3A_258, %dma_start3A_259, %dma_start3A_260] : memref<2x8x128xi32, #tpu.memory_space<vmem>> -> memref<1x1x128xi32, #tpu.memory_space<vmem>>
      %dma_start3A_262 = tpu.memref_squeeze %dma_start3A_261 : memref<1x1x128xi32, #tpu.memory_space<vmem>> -> memref<128xi32, #tpu.memory_space<vmem>>
      %dma_start3A_263 = arith.constant 0 : i32
      %dma_start3A_264 = arith.constant 0 : i32
      %dma_start3A_265 = tpu.memref_slice %arg2[%dma_start3A_263, %dma_start3A_264] : memref<10000x128xf32, #tpu.memory_space<hbm>> -> memref<10000x128xf32, #tpu.memory_space<hbm>>
      tpu.enqueue_indirect_dma source(%dma_start3A_265 : memref<10000x128xf32, #tpu.memory_space<hbm>>) target(%arg9 : memref<128x128xf32, #tpu.memory_space<vmem>>) offsets(%dma_start3A_262 : memref<128xi32, #tpu.memory_space<vmem>>) semaphore(%arg12 : memref<!tpu.dma_semaphore, #tpu.memory_space<semaphore_mem>>)
      %dma_wait3A_266 = arith.constant 0 : i32
      %dma_wait3A_267 = arith.constant 0 : i32
      %dma_wait3A_268 = tpu.memref_slice %arg2[%dma_wait3A_266, %dma_wait3A_267] : memref<10000x128xf32, #tpu.memory_space<hbm>> -> memref<128x128xf32, #tpu.memory_space<hbm>>
      %dma_wait3A_269 = arith.constant 0 : i32
      %dma_wait3A_270 = arith.constant 0 : i32
      %dma_wait3A_271 = tpu.memref_slice %arg2[%dma_wait3A_269, %dma_wait3A_270] : memref<10000x128xf32, #tpu.memory_space<hbm>> -> memref<128x128xf32, #tpu.memory_space<hbm>>
      tpu.wait_dma2 semaphore(%arg11 : memref<!tpu.dma_semaphore, #tpu.memory_space<semaphore_mem>>) src(%dma_wait3A_271 : memref<128x128xf32, #tpu.memory_space<hbm>>) dst(%arg8 : memref<128x128xf32, #tpu.memory_space<vmem>>)
      %run_scoped3A_272 = arith.constant 0 : i32
      %run_scoped3A_273 = arith.constant 4 : i32
      "tpu.region"() ({
        %run_scoped3A_554 = tpu.sem_alloc : memref<!tpu.dma_semaphore, #tpu.memory_space<semaphore_mem>>
        %dma_start3A_555 = arith.constant 0 : i32
        %dma_start3A_556 = tpu.memref_slice %arg7[%run_scoped3A_272, %run_scoped3A_273, %dma_start3A_555] : memref<2x8x128xi32, #tpu.memory_space<vmem>> -> memref<1x1x128xi32, #tpu.memory_space<vmem>>
        %dma_start3A_557 = tpu.memref_squeeze %dma_start3A_556 : memref<1x1x128xi32, #tpu.memory_space<vmem>> -> memref<128xi32, #tpu.memory_space<vmem>>
        %dma_start3A_558 = arith.constant 0 : i32
        %dma_start3A_559 = arith.constant 0 : i32
        %dma_start3A_560 = tpu.memref_slice %arg10[%dma_start3A_558, %dma_start3A_559] : memref<10240x128xf32, #tpu.memory_space<vmem_shared>> -> memref<10240x128xf32, #tpu.memory_space<vmem_shared>>
        tpu.enqueue_indirect_dma source(%arg8 : memref<128x128xf32, #tpu.memory_space<vmem>>) target(%dma_start3A_560 : memref<10240x128xf32, #tpu.memory_space<vmem_shared>>) offsets(%dma_start3A_557 : memref<128xi32, #tpu.memory_space<vmem>>) semaphore(%run_scoped3A_554 : memref<!tpu.dma_semaphore, #tpu.memory_space<semaphore_mem>>) {add = true}
        %dma_wait3A_561 = arith.constant 0 : i32
        %dma_wait3A_562 = tpu.memref_slice %arg7[%run_scoped3A_272, %run_scoped3A_273, %dma_wait3A_561] : memref<2x8x128xi32, #tpu.memory_space<vmem>> -> memref<1x1x128xi32, #tpu.memory_space<vmem>>
        %dma_wait3A_563 = tpu.memref_squeeze %dma_wait3A_562 : memref<1x1x128xi32, #tpu.memory_space<vmem>> -> memref<128xi32, #tpu.memory_space<vmem>>
        %dma_wait3A_564 = arith.constant 0 : i32
        %dma_wait3A_565 = arith.constant 0 : i32
        %dma_wait3A_566 = tpu.memref_slice %arg10[%dma_wait3A_564, %dma_wait3A_565] : memref<10240x128xf32, #tpu.memory_space<vmem_shared>> -> memref<10240x128xf32, #tpu.memory_space<vmem_shared>>
        tpu.wait_indirect_dma semaphore(%run_scoped3A_554 : memref<!tpu.dma_semaphore, #tpu.memory_space<semaphore_mem>>) src(%arg8 : memref<128x128xf32, #tpu.memory_space<vmem>>) dst(%dma_wait3A_566 : memref<10240x128xf32, #tpu.memory_space<vmem_shared>>)
        tpu.yield
      }) : () -> ()
      %dma_start3A_274 = arith.constant 0 : i32
      %dma_start3A_275 = arith.constant 6 : i32
      %dma_start3A_276 = arith.constant 0 : i32
      %dma_start3A_277 = tpu.memref_slice %arg6[%dma_start3A_274, %dma_start3A_275, %dma_start3A_276] : memref<2x8x128xi32, #tpu.memory_space<vmem>> -> memref<1x1x128xi32, #tpu.memory_space<vmem>>
      %dma_start3A_278 = tpu.memref_squeeze %dma_start3A_277 : memref<1x1x128xi32, #tpu.memory_space<vmem>> -> memref<128xi32, #tpu.memory_space<vmem>>
      %dma_start3A_279 = arith.constant 0 : i32
      %dma_start3A_280 = arith.constant 0 : i32
      %dma_start3A_281 = tpu.memref_slice %arg2[%dma_start3A_279, %dma_start3A_280] : memref<10000x128xf32, #tpu.memory_space<hbm>> -> memref<10000x128xf32, #tpu.memory_space<hbm>>
      tpu.enqueue_indirect_dma source(%dma_start3A_281 : memref<10000x128xf32, #tpu.memory_space<hbm>>) target(%arg8 : memref<128x128xf32, #tpu.memory_space<vmem>>) offsets(%dma_start3A_278 : memref<128xi32, #tpu.memory_space<vmem>>) semaphore(%arg11 : memref<!tpu.dma_semaphore, #tpu.memory_space<semaphore_mem>>)
      %dma_wait3A_282 = arith.constant 0 : i32
      %dma_wait3A_283 = arith.constant 0 : i32
      %dma_wait3A_284 = tpu.memref_slice %arg2[%dma_wait3A_282, %dma_wait3A_283] : memref<10000x128xf32, #tpu.memory_space<hbm>> -> memref<128x128xf32, #tpu.memory_space<hbm>>
      %dma_wait3A_285 = arith.constant 0 : i32
      %dma_wait3A_286 = arith.constant 0 : i32
      %dma_wait3A_287 = tpu.memref_slice %arg2[%dma_wait3A_285, %dma_wait3A_286] : memref<10000x128xf32, #tpu.memory_space<hbm>> -> memref<128x128xf32, #tpu.memory_space<hbm>>
      tpu.wait_dma2 semaphore(%arg12 : memref<!tpu.dma_semaphore, #tpu.memory_space<semaphore_mem>>) src(%dma_wait3A_287 : memref<128x128xf32, #tpu.memory_space<hbm>>) dst(%arg9 : memref<128x128xf32, #tpu.memory_space<vmem>>)
      %run_scoped3A_288 = arith.constant 0 : i32
      %run_scoped3A_289 = arith.constant 5 : i32
      "tpu.region"() ({
        %run_scoped3A_554 = tpu.sem_alloc : memref<!tpu.dma_semaphore, #tpu.memory_space<semaphore_mem>>
        %dma_start3A_555 = arith.constant 0 : i32
        %dma_start3A_556 = tpu.memref_slice %arg7[%run_scoped3A_288, %run_scoped3A_289, %dma_start3A_555] : memref<2x8x128xi32, #tpu.memory_space<vmem>> -> memref<1x1x128xi32, #tpu.memory_space<vmem>>
        %dma_start3A_557 = tpu.memref_squeeze %dma_start3A_556 : memref<1x1x128xi32, #tpu.memory_space<vmem>> -> memref<128xi32, #tpu.memory_space<vmem>>
        %dma_start3A_558 = arith.constant 0 : i32
        %dma_start3A_559 = arith.constant 0 : i32
        %dma_start3A_560 = tpu.memref_slice %arg10[%dma_start3A_558, %dma_start3A_559] : memref<10240x128xf32, #tpu.memory_space<vmem_shared>> -> memref<10240x128xf32, #tpu.memory_space<vmem_shared>>
        tpu.enqueue_indirect_dma source(%arg9 : memref<128x128xf32, #tpu.memory_space<vmem>>) target(%dma_start3A_560 : memref<10240x128xf32, #tpu.memory_space<vmem_shared>>) offsets(%dma_start3A_557 : memref<128xi32, #tpu.memory_space<vmem>>) semaphore(%run_scoped3A_554 : memref<!tpu.dma_semaphore, #tpu.memory_space<semaphore_mem>>) {add = true}
        %dma_wait3A_561 = arith.constant 0 : i32
        %dma_wait3A_562 = tpu.memref_slice %arg7[%run_scoped3A_288, %run_scoped3A_289, %dma_wait3A_561] : memref<2x8x128xi32, #tpu.memory_space<vmem>> -> memref<1x1x128xi32, #tpu.memory_space<vmem>>
        %dma_wait3A_563 = tpu.memref_squeeze %dma_wait3A_562 : memref<1x1x128xi32, #tpu.memory_space<vmem>> -> memref<128xi32, #tpu.memory_space<vmem>>
        %dma_wait3A_564 = arith.constant 0 : i32
        %dma_wait3A_565 = arith.constant 0 : i32
        %dma_wait3A_566 = tpu.memref_slice %arg10[%dma_wait3A_564, %dma_wait3A_565] : memref<10240x128xf32, #tpu.memory_space<vmem_shared>> -> memref<10240x128xf32, #tpu.memory_space<vmem_shared>>
        tpu.wait_indirect_dma semaphore(%run_scoped3A_554 : memref<!tpu.dma_semaphore, #tpu.memory_space<semaphore_mem>>) src(%arg9 : memref<128x128xf32, #tpu.memory_space<vmem>>) dst(%dma_wait3A_566 : memref<10240x128xf32, #tpu.memory_space<vmem_shared>>)
        tpu.yield
      }) : () -> ()
      %dma_start3A_290 = arith.constant 0 : i32
      %dma_start3A_291 = arith.constant 7 : i32
      %dma_start3A_292 = arith.constant 0 : i32
      %dma_start3A_293 = tpu.memref_slice %arg6[%dma_start3A_290, %dma_start3A_291, %dma_start3A_292] : memref<2x8x128xi32, #tpu.memory_space<vmem>> -> memref<1x1x128xi32, #tpu.memory_space<vmem>>
      %dma_start3A_294 = tpu.memref_squeeze %dma_start3A_293 : memref<1x1x128xi32, #tpu.memory_space<vmem>> -> memref<128xi32, #tpu.memory_space<vmem>>
      %dma_start3A_295 = arith.constant 0 : i32
      %dma_start3A_296 = arith.constant 0 : i32
      %dma_start3A_297 = tpu.memref_slice %arg2[%dma_start3A_295, %dma_start3A_296] : memref<10000x128xf32, #tpu.memory_space<hbm>> -> memref<10000x128xf32, #tpu.memory_space<hbm>>
      tpu.enqueue_indirect_dma source(%dma_start3A_297 : memref<10000x128xf32, #tpu.memory_space<hbm>>) target(%arg9 : memref<128x128xf32, #tpu.memory_space<vmem>>) offsets(%dma_start3A_294 : memref<128xi32, #tpu.memory_space<vmem>>) semaphore(%arg12 : memref<!tpu.dma_semaphore, #tpu.memory_space<semaphore_mem>>)
      %dma_wait3A_298 = arith.constant 1 : i32
      %dma_wait3A_299 = arith.constant 0 : i32
      %dma_wait3A_300 = arith.constant 0 : i32
      %dma_wait3A_301 = tpu.memref_slice %arg6[%dma_wait3A_298, %dma_wait3A_299, %dma_wait3A_300] : memref<2x8x128xi32, #tpu.memory_space<vmem>> -> memref<1x8x128xi32, #tpu.memory_space<vmem>>
      %dma_wait3A_302 = tpu.memref_squeeze %dma_wait3A_301 : memref<1x8x128xi32, #tpu.memory_space<vmem>> -> memref<8x128xi32, #tpu.memory_space<vmem>>
      %dma_wait3A_303 = arith.constant 0 : i32
      %dma_wait3A_304 = arith.constant 0 : i32
      %dma_wait3A_305 = tpu.memref_slice %arg3[%add3A, %dma_wait3A_303, %dma_wait3A_304] : memref<32x80x128xi32, #tpu.memory_space<hbm>> -> memref<1x8x128xi32, #tpu.memory_space<hbm>>
      %dma_wait3A_306 = tpu.memref_squeeze %dma_wait3A_305 : memref<1x8x128xi32, #tpu.memory_space<hbm>> -> memref<8x128xi32, #tpu.memory_space<hbm>>
      %dma_wait3A_307 = arith.constant 0 : i32
      %dma_wait3A_308 = arith.constant 0 : i32
      %dma_wait3A_309 = tpu.memref_slice %arg6[%dma_wait3A_298, %dma_wait3A_307, %dma_wait3A_308] : memref<2x8x128xi32, #tpu.memory_space<vmem>> -> memref<1x8x128xi32, #tpu.memory_space<vmem>>
      %dma_wait3A_310 = tpu.memref_squeeze %dma_wait3A_309 : memref<1x8x128xi32, #tpu.memory_space<vmem>> -> memref<8x128xi32, #tpu.memory_space<vmem>>
      %dma_wait3A_311 = arith.constant 0 : i32
      %dma_wait3A_312 = arith.constant 0 : i32
      %dma_wait3A_313 = tpu.memref_slice %arg3[%add3A, %dma_wait3A_311, %dma_wait3A_312] : memref<32x80x128xi32, #tpu.memory_space<hbm>> -> memref<1x8x128xi32, #tpu.memory_space<hbm>>
      %dma_wait3A_314 = tpu.memref_squeeze %dma_wait3A_313 : memref<1x8x128xi32, #tpu.memory_space<hbm>> -> memref<8x128xi32, #tpu.memory_space<hbm>>
      tpu.wait_dma2 semaphore(%arg14 : memref<!tpu.dma_semaphore, #tpu.memory_space<semaphore_mem>>) src(%dma_wait3A_314 : memref<8x128xi32, #tpu.memory_space<hbm>>) dst(%dma_wait3A_310 : memref<8x128xi32, #tpu.memory_space<vmem>>)
      %dma_wait3A_315 = arith.constant 1 : i32
      %dma_wait3A_316 = arith.constant 0 : i32
      %dma_wait3A_317 = arith.constant 0 : i32
      %dma_wait3A_318 = tpu.memref_slice %arg6[%dma_wait3A_315, %dma_wait3A_316, %dma_wait3A_317] : memref<2x8x128xi32, #tpu.memory_space<vmem>> -> memref<1x8x128xi32, #tpu.memory_space<vmem>>
      %dma_wait3A_319 = tpu.memref_squeeze %dma_wait3A_318 : memref<1x8x128xi32, #tpu.memory_space<vmem>> -> memref<8x128xi32, #tpu.memory_space<vmem>>
      %dma_wait3A_320 = arith.constant 0 : i32
      %dma_wait3A_321 = arith.constant 0 : i32
      %dma_wait3A_322 = tpu.memref_slice %arg3[%add3A, %dma_wait3A_320, %dma_wait3A_321] : memref<32x80x128xi32, #tpu.memory_space<hbm>> -> memref<1x8x128xi32, #tpu.memory_space<hbm>>
      %dma_wait3A_323 = tpu.memref_squeeze %dma_wait3A_322 : memref<1x8x128xi32, #tpu.memory_space<hbm>> -> memref<8x128xi32, #tpu.memory_space<hbm>>
      %dma_wait3A_324 = arith.constant 0 : i32
      %dma_wait3A_325 = arith.constant 0 : i32
      %dma_wait3A_326 = tpu.memref_slice %arg6[%dma_wait3A_315, %dma_wait3A_324, %dma_wait3A_325] : memref<2x8x128xi32, #tpu.memory_space<vmem>> -> memref<1x8x128xi32, #tpu.memory_space<vmem>>
      %dma_wait3A_327 = tpu.memref_squeeze %dma_wait3A_326 : memref<1x8x128xi32, #tpu.memory_space<vmem>> -> memref<8x128xi32, #tpu.memory_space<vmem>>
      %dma_wait3A_328 = arith.constant 0 : i32
      %dma_wait3A_329 = arith.constant 0 : i32
      %dma_wait3A_330 = tpu.memref_slice %arg3[%add3A, %dma_wait3A_328, %dma_wait3A_329] : memref<32x80x128xi32, #tpu.memory_space<hbm>> -> memref<1x8x128xi32, #tpu.memory_space<hbm>>
      %dma_wait3A_331 = tpu.memref_squeeze %dma_wait3A_330 : memref<1x8x128xi32, #tpu.memory_space<hbm>> -> memref<8x128xi32, #tpu.memory_space<hbm>>
      tpu.wait_dma2 semaphore(%arg14 : memref<!tpu.dma_semaphore, #tpu.memory_space<semaphore_mem>>) src(%dma_wait3A_331 : memref<8x128xi32, #tpu.memory_space<hbm>>) dst(%dma_wait3A_327 : memref<8x128xi32, #tpu.memory_space<vmem>>)
      %dma_wait3A_332 = arith.constant 0 : i32
      %dma_wait3A_333 = arith.constant 0 : i32
      %dma_wait3A_334 = tpu.memref_slice %arg2[%dma_wait3A_332, %dma_wait3A_333] : memref<10000x128xf32, #tpu.memory_space<hbm>> -> memref<128x128xf32, #tpu.memory_space<hbm>>
      %dma_wait3A_335 = arith.constant 0 : i32
      %dma_wait3A_336 = arith.constant 0 : i32
      %dma_wait3A_337 = tpu.memref_slice %arg2[%dma_wait3A_335, %dma_wait3A_336] : memref<10000x128xf32, #tpu.memory_space<hbm>> -> memref<128x128xf32, #tpu.memory_space<hbm>>
      tpu.wait_dma2 semaphore(%arg11 : memref<!tpu.dma_semaphore, #tpu.memory_space<semaphore_mem>>) src(%dma_wait3A_337 : memref<128x128xf32, #tpu.memory_space<hbm>>) dst(%arg8 : memref<128x128xf32, #tpu.memory_space<vmem>>)
      %run_scoped3A_338 = arith.constant 0 : i32
      %run_scoped3A_339 = arith.constant 6 : i32
      "tpu.region"() ({
        %run_scoped3A_554 = tpu.sem_alloc : memref<!tpu.dma_semaphore, #tpu.memory_space<semaphore_mem>>
        %dma_start3A_555 = arith.constant 0 : i32
        %dma_start3A_556 = tpu.memref_slice %arg7[%run_scoped3A_338, %run_scoped3A_339, %dma_start3A_555] : memref<2x8x128xi32, #tpu.memory_space<vmem>> -> memref<1x1x128xi32, #tpu.memory_space<vmem>>
        %dma_start3A_557 = tpu.memref_squeeze %dma_start3A_556 : memref<1x1x128xi32, #tpu.memory_space<vmem>> -> memref<128xi32, #tpu.memory_space<vmem>>
        %dma_start3A_558 = arith.constant 0 : i32
        %dma_start3A_559 = arith.constant 0 : i32
        %dma_start3A_560 = tpu.memref_slice %arg10[%dma_start3A_558, %dma_start3A_559] : memref<10240x128xf32, #tpu.memory_space<vmem_shared>> -> memref<10240x128xf32, #tpu.memory_space<vmem_shared>>
        tpu.enqueue_indirect_dma source(%arg8 : memref<128x128xf32, #tpu.memory_space<vmem>>) target(%dma_start3A_560 : memref<10240x128xf32, #tpu.memory_space<vmem_shared>>) offsets(%dma_start3A_557 : memref<128xi32, #tpu.memory_space<vmem>>) semaphore(%run_scoped3A_554 : memref<!tpu.dma_semaphore, #tpu.memory_space<semaphore_mem>>) {add = true}
        %dma_wait3A_561 = arith.constant 0 : i32
        %dma_wait3A_562 = tpu.memref_slice %arg7[%run_scoped3A_338, %run_scoped3A_339, %dma_wait3A_561] : memref<2x8x128xi32, #tpu.memory_space<vmem>> -> memref<1x1x128xi32, #tpu.memory_space<vmem>>
        %dma_wait3A_563 = tpu.memref_squeeze %dma_wait3A_562 : memref<1x1x128xi32, #tpu.memory_space<vmem>> -> memref<128xi32, #tpu.memory_space<vmem>>
        %dma_wait3A_564 = arith.constant 0 : i32
        %dma_wait3A_565 = arith.constant 0 : i32
        %dma_wait3A_566 = tpu.memref_slice %arg10[%dma_wait3A_564, %dma_wait3A_565] : memref<10240x128xf32, #tpu.memory_space<vmem_shared>> -> memref<10240x128xf32, #tpu.memory_space<vmem_shared>>
        tpu.wait_indirect_dma semaphore(%run_scoped3A_554 : memref<!tpu.dma_semaphore, #tpu.memory_space<semaphore_mem>>) src(%arg8 : memref<128x128xf32, #tpu.memory_space<vmem>>) dst(%dma_wait3A_566 : memref<10240x128xf32, #tpu.memory_space<vmem_shared>>)
        tpu.yield
      }) : () -> ()
      %lt3A = arith.constant 9 : i32
      %lt3A_340 = arith.cmpi slt, %add3A_165, %lt3A : i32
      %convert_element_type3A = arith.extui %lt3A_340 : i1 to i32
      %cond3A = arith.constant 0 : i32
      %cond3A_341 = arith.cmpi ne, %convert_element_type3A, %cond3A : i32
      scf.if %cond3A_341 {
        %dma_start3A_554 = arith.constant 1 : i32
        %dma_start3A_555 = arith.constant 0 : i32
        %dma_start3A_556 = arith.constant 0 : i32
        %dma_start3A_557 = tpu.memref_slice %arg6[%dma_start3A_554, %dma_start3A_555, %dma_start3A_556] : memref<2x8x128xi32, #tpu.memory_space<vmem>> -> memref<1x1x128xi32, #tpu.memory_space<vmem>>
        %dma_start3A_558 = tpu.memref_squeeze %dma_start3A_557 : memref<1x1x128xi32, #tpu.memory_space<vmem>> -> memref<128xi32, #tpu.memory_space<vmem>>
        %dma_start3A_559 = arith.constant 0 : i32
        %dma_start3A_560 = arith.constant 0 : i32
        %dma_start3A_561 = tpu.memref_slice %arg2[%dma_start3A_559, %dma_start3A_560] : memref<10000x128xf32, #tpu.memory_space<hbm>> -> memref<10000x128xf32, #tpu.memory_space<hbm>>
        tpu.enqueue_indirect_dma source(%dma_start3A_561 : memref<10000x128xf32, #tpu.memory_space<hbm>>) target(%arg8 : memref<128x128xf32, #tpu.memory_space<vmem>>) offsets(%dma_start3A_558 : memref<128xi32, #tpu.memory_space<vmem>>) semaphore(%arg11 : memref<!tpu.dma_semaphore, #tpu.memory_space<semaphore_mem>>)
      } else {
      }
      %dma_wait3A_342 = arith.constant 0 : i32
      %dma_wait3A_343 = arith.constant 0 : i32
      %dma_wait3A_344 = tpu.memref_slice %arg2[%dma_wait3A_342, %dma_wait3A_343] : memref<10000x128xf32, #tpu.memory_space<hbm>> -> memref<128x128xf32, #tpu.memory_space<hbm>>
      %dma_wait3A_345 = arith.constant 0 : i32
      %dma_wait3A_346 = arith.constant 0 : i32
      %dma_wait3A_347 = tpu.memref_slice %arg2[%dma_wait3A_345, %dma_wait3A_346] : memref<10000x128xf32, #tpu.memory_space<hbm>> -> memref<128x128xf32, #tpu.memory_space<hbm>>
      tpu.wait_dma2 semaphore(%arg12 : memref<!tpu.dma_semaphore, #tpu.memory_space<semaphore_mem>>) src(%dma_wait3A_347 : memref<128x128xf32, #tpu.memory_space<hbm>>) dst(%arg9 : memref<128x128xf32, #tpu.memory_space<vmem>>)
      %run_scoped3A_348 = arith.constant 0 : i32
      %run_scoped3A_349 = arith.constant 7 : i32
      "tpu.region"() ({
        %run_scoped3A_554 = tpu.sem_alloc : memref<!tpu.dma_semaphore, #tpu.memory_space<semaphore_mem>>
        %dma_start3A_555 = arith.constant 0 : i32
        %dma_start3A_556 = tpu.memref_slice %arg7[%run_scoped3A_348, %run_scoped3A_349, %dma_start3A_555] : memref<2x8x128xi32, #tpu.memory_space<vmem>> -> memref<1x1x128xi32, #tpu.memory_space<vmem>>
        %dma_start3A_557 = tpu.memref_squeeze %dma_start3A_556 : memref<1x1x128xi32, #tpu.memory_space<vmem>> -> memref<128xi32, #tpu.memory_space<vmem>>
        %dma_start3A_558 = arith.constant 0 : i32
        %dma_start3A_559 = arith.constant 0 : i32
        %dma_start3A_560 = tpu.memref_slice %arg10[%dma_start3A_558, %dma_start3A_559] : memref<10240x128xf32, #tpu.memory_space<vmem_shared>> -> memref<10240x128xf32, #tpu.memory_space<vmem_shared>>
        tpu.enqueue_indirect_dma source(%arg9 : memref<128x128xf32, #tpu.memory_space<vmem>>) target(%dma_start3A_560 : memref<10240x128xf32, #tpu.memory_space<vmem_shared>>) offsets(%dma_start3A_557 : memref<128xi32, #tpu.memory_space<vmem>>) semaphore(%run_scoped3A_554 : memref<!tpu.dma_semaphore, #tpu.memory_space<semaphore_mem>>) {add = true}
        %dma_wait3A_561 = arith.constant 0 : i32
        %dma_wait3A_562 = tpu.memref_slice %arg7[%run_scoped3A_348, %run_scoped3A_349, %dma_wait3A_561] : memref<2x8x128xi32, #tpu.memory_space<vmem>> -> memref<1x1x128xi32, #tpu.memory_space<vmem>>
        %dma_wait3A_563 = tpu.memref_squeeze %dma_wait3A_562 : memref<1x1x128xi32, #tpu.memory_space<vmem>> -> memref<128xi32, #tpu.memory_space<vmem>>
        %dma_wait3A_564 = arith.constant 0 : i32
        %dma_wait3A_565 = arith.constant 0 : i32
        %dma_wait3A_566 = tpu.memref_slice %arg10[%dma_wait3A_564, %dma_wait3A_565] : memref<10240x128xf32, #tpu.memory_space<vmem_shared>> -> memref<10240x128xf32, #tpu.memory_space<vmem_shared>>
        tpu.wait_indirect_dma semaphore(%run_scoped3A_554 : memref<!tpu.dma_semaphore, #tpu.memory_space<semaphore_mem>>) src(%arg9 : memref<128x128xf32, #tpu.memory_space<vmem>>) dst(%dma_wait3A_566 : memref<10240x128xf32, #tpu.memory_space<vmem_shared>>)
        tpu.yield
      }) : () -> ()
      %lt3A_350 = arith.constant 9 : i32
      %lt3A_351 = arith.cmpi slt, %add3A_165, %lt3A_350 : i32
      %convert_element_type3A_352 = arith.extui %lt3A_351 : i1 to i32
      %cond3A_353 = arith.constant 0 : i32
      %cond3A_354 = arith.cmpi ne, %convert_element_type3A_352, %cond3A_353 : i32
      scf.if %cond3A_354 {
        %dma_start3A_554 = arith.constant 1 : i32
        %dma_start3A_555 = arith.constant 1 : i32
        %dma_start3A_556 = arith.constant 0 : i32
        %dma_start3A_557 = tpu.memref_slice %arg6[%dma_start3A_554, %dma_start3A_555, %dma_start3A_556] : memref<2x8x128xi32, #tpu.memory_space<vmem>> -> memref<1x1x128xi32, #tpu.memory_space<vmem>>
        %dma_start3A_558 = tpu.memref_squeeze %dma_start3A_557 : memref<1x1x128xi32, #tpu.memory_space<vmem>> -> memref<128xi32, #tpu.memory_space<vmem>>
        %dma_start3A_559 = arith.constant 0 : i32
        %dma_start3A_560 = arith.constant 0 : i32
        %dma_start3A_561 = tpu.memref_slice %arg2[%dma_start3A_559, %dma_start3A_560] : memref<10000x128xf32, #tpu.memory_space<hbm>> -> memref<10000x128xf32, #tpu.memory_space<hbm>>
        tpu.enqueue_indirect_dma source(%dma_start3A_561 : memref<10000x128xf32, #tpu.memory_space<hbm>>) target(%arg9 : memref<128x128xf32, #tpu.memory_space<vmem>>) offsets(%dma_start3A_558 : memref<128xi32, #tpu.memory_space<vmem>>) semaphore(%arg12 : memref<!tpu.dma_semaphore, #tpu.memory_space<semaphore_mem>>)
      } else {
      }
      %mul3A_355 = arith.constant 2 : i32
      %mul3A_356 = arith.muli %scan3A_160, %mul3A_355 : i32
      %add3A_357 = arith.constant 1 : i32
      %add3A_358 = arith.addi %mul3A_356, %add3A_357 : i32
      %add3A_359 = arith.constant 1 : i32
      %add3A_360 = arith.addi %add3A_358, %add3A_359 : i32
      %min3A_361 = arith.constant 9 : i32
      %min3A_362 = arith.minsi %add3A_360, %min3A_361 : i32
      %mul3A_363 = arith.constant 8 : i32
      %mul3A_364 = arith.muli %min3A_362, %mul3A_363 : i32
      %dma_start3A_365 = arith.constant 0 : i32
      %dma_start3A_366 = arith.constant 0 : i32
      %dma_start3A_367 = arith.constant 0 : i32
      %dma_start3A_368 = tpu.memref_slice %arg6[%dma_start3A_365, %dma_start3A_366, %dma_start3A_367] : memref<2x8x128xi32, #tpu.memory_space<vmem>> -> memref<1x8x128xi32, #tpu.memory_space<vmem>>
      %dma_start3A_369 = tpu.memref_squeeze %dma_start3A_368 : memref<1x8x128xi32, #tpu.memory_space<vmem>> -> memref<8x128xi32, #tpu.memory_space<vmem>>
      %dma_start3A_370 = arith.constant 0 : i32
      %dma_start3A_371 = tpu.memref_slice %arg3[%add3A, %mul3A_364, %dma_start3A_370] : memref<32x80x128xi32, #tpu.memory_space<hbm>> -> memref<1x8x128xi32, #tpu.memory_space<hbm>>
      %dma_start3A_372 = tpu.memref_squeeze %dma_start3A_371 : memref<1x8x128xi32, #tpu.memory_space<hbm>> -> memref<8x128xi32, #tpu.memory_space<hbm>>
      %dma_start3A_373 = arith.constant 0 : i32
      %dma_start3A_374 = arith.constant 0 : i32
      %dma_start3A_375 = tpu.memref_slice %arg6[%dma_start3A_365, %dma_start3A_373, %dma_start3A_374] : memref<2x8x128xi32, #tpu.memory_space<vmem>> -> memref<1x8x128xi32, #tpu.memory_space<vmem>>
      %dma_start3A_376 = tpu.memref_squeeze %dma_start3A_375 : memref<1x8x128xi32, #tpu.memory_space<vmem>> -> memref<8x128xi32, #tpu.memory_space<vmem>>
      %dma_start3A_377 = arith.constant 0 : i32
      %dma_start3A_378 = tpu.memref_slice %arg3[%add3A, %mul3A_364, %dma_start3A_377] : memref<32x80x128xi32, #tpu.memory_space<hbm>> -> memref<1x8x128xi32, #tpu.memory_space<hbm>>
      %dma_start3A_379 = tpu.memref_squeeze %dma_start3A_378 : memref<1x8x128xi32, #tpu.memory_space<hbm>> -> memref<8x128xi32, #tpu.memory_space<hbm>>
      tpu.enqueue_dma source(%dma_start3A_379 : memref<8x128xi32, #tpu.memory_space<hbm>>) target(%dma_start3A_376 : memref<8x128xi32, #tpu.memory_space<vmem>>) target_semaphore(%arg13 : memref<!tpu.dma_semaphore, #tpu.memory_space<semaphore_mem>>)
      %mul3A_380 = arith.constant 8 : i32
      %mul3A_381 = arith.muli %min3A_362, %mul3A_380 : i32
      %dma_start3A_382 = arith.constant 0 : i32
      %dma_start3A_383 = arith.constant 0 : i32
      %dma_start3A_384 = arith.constant 0 : i32
      %dma_start3A_385 = tpu.memref_slice %arg7[%dma_start3A_382, %dma_start3A_383, %dma_start3A_384] : memref<2x8x128xi32, #tpu.memory_space<vmem>> -> memref<1x8x128xi32, #tpu.memory_space<vmem>>
      %dma_start3A_386 = tpu.memref_squeeze %dma_start3A_385 : memref<1x8x128xi32, #tpu.memory_space<vmem>> -> memref<8x128xi32, #tpu.memory_space<vmem>>
      %dma_start3A_387 = arith.constant 0 : i32
      %dma_start3A_388 = tpu.memref_slice %arg4[%add3A, %mul3A_381, %dma_start3A_387] : memref<32x80x128xi32, #tpu.memory_space<hbm>> -> memref<1x8x128xi32, #tpu.memory_space<hbm>>
      %dma_start3A_389 = tpu.memref_squeeze %dma_start3A_388 : memref<1x8x128xi32, #tpu.memory_space<hbm>> -> memref<8x128xi32, #tpu.memory_space<hbm>>
      %dma_start3A_390 = arith.constant 0 : i32
      %dma_start3A_391 = arith.constant 0 : i32
      %dma_start3A_392 = tpu.memref_slice %arg7[%dma_start3A_382, %dma_start3A_390, %dma_start3A_391] : memref<2x8x128xi32, #tpu.memory_space<vmem>> -> memref<1x8x128xi32, #tpu.memory_space<vmem>>
      %dma_start3A_393 = tpu.memref_squeeze %dma_start3A_392 : memref<1x8x128xi32, #tpu.memory_space<vmem>> -> memref<8x128xi32, #tpu.memory_space<vmem>>
      %dma_start3A_394 = arith.constant 0 : i32
      %dma_start3A_395 = tpu.memref_slice %arg4[%add3A, %mul3A_381, %dma_start3A_394] : memref<32x80x128xi32, #tpu.memory_space<hbm>> -> memref<1x8x128xi32, #tpu.memory_space<hbm>>
      %dma_start3A_396 = tpu.memref_squeeze %dma_start3A_395 : memref<1x8x128xi32, #tpu.memory_space<hbm>> -> memref<8x128xi32, #tpu.memory_space<hbm>>
      tpu.enqueue_dma source(%dma_start3A_396 : memref<8x128xi32, #tpu.memory_space<hbm>>) target(%dma_start3A_393 : memref<8x128xi32, #tpu.memory_space<vmem>>) target_semaphore(%arg13 : memref<!tpu.dma_semaphore, #tpu.memory_space<semaphore_mem>>)
      %dma_wait3A_397 = arith.constant 0 : i32
      %dma_wait3A_398 = arith.constant 0 : i32
      %dma_wait3A_399 = tpu.memref_slice %arg2[%dma_wait3A_397, %dma_wait3A_398] : memref<10000x128xf32, #tpu.memory_space<hbm>> -> memref<128x128xf32, #tpu.memory_space<hbm>>
      %dma_wait3A_400 = arith.constant 0 : i32
      %dma_wait3A_401 = arith.constant 0 : i32
      %dma_wait3A_402 = tpu.memref_slice %arg2[%dma_wait3A_400, %dma_wait3A_401] : memref<10000x128xf32, #tpu.memory_space<hbm>> -> memref<128x128xf32, #tpu.memory_space<hbm>>
      tpu.wait_dma2 semaphore(%arg11 : memref<!tpu.dma_semaphore, #tpu.memory_space<semaphore_mem>>) src(%dma_wait3A_402 : memref<128x128xf32, #tpu.memory_space<hbm>>) dst(%arg8 : memref<128x128xf32, #tpu.memory_space<vmem>>)
      %run_scoped3A_403 = arith.constant 1 : i32
      %run_scoped3A_404 = arith.constant 0 : i32
      "tpu.region"() ({
        %run_scoped3A_554 = tpu.sem_alloc : memref<!tpu.dma_semaphore, #tpu.memory_space<semaphore_mem>>
        %dma_start3A_555 = arith.constant 0 : i32
        %dma_start3A_556 = tpu.memref_slice %arg7[%run_scoped3A_403, %run_scoped3A_404, %dma_start3A_555] : memref<2x8x128xi32, #tpu.memory_space<vmem>> -> memref<1x1x128xi32, #tpu.memory_space<vmem>>
        %dma_start3A_557 = tpu.memref_squeeze %dma_start3A_556 : memref<1x1x128xi32, #tpu.memory_space<vmem>> -> memref<128xi32, #tpu.memory_space<vmem>>
        %dma_start3A_558 = arith.constant 0 : i32
        %dma_start3A_559 = arith.constant 0 : i32
        %dma_start3A_560 = tpu.memref_slice %arg10[%dma_start3A_558, %dma_start3A_559] : memref<10240x128xf32, #tpu.memory_space<vmem_shared>> -> memref<10240x128xf32, #tpu.memory_space<vmem_shared>>
        tpu.enqueue_indirect_dma source(%arg8 : memref<128x128xf32, #tpu.memory_space<vmem>>) target(%dma_start3A_560 : memref<10240x128xf32, #tpu.memory_space<vmem_shared>>) offsets(%dma_start3A_557 : memref<128xi32, #tpu.memory_space<vmem>>) semaphore(%run_scoped3A_554 : memref<!tpu.dma_semaphore, #tpu.memory_space<semaphore_mem>>) {add = true}
        %dma_wait3A_561 = arith.constant 0 : i32
        %dma_wait3A_562 = tpu.memref_slice %arg7[%run_scoped3A_403, %run_scoped3A_404, %dma_wait3A_561] : memref<2x8x128xi32, #tpu.memory_space<vmem>> -> memref<1x1x128xi32, #tpu.memory_space<vmem>>
        %dma_wait3A_563 = tpu.memref_squeeze %dma_wait3A_562 : memref<1x1x128xi32, #tpu.memory_space<vmem>> -> memref<128xi32, #tpu.memory_space<vmem>>
        %dma_wait3A_564 = arith.constant 0 : i32
        %dma_wait3A_565 = arith.constant 0 : i32
        %dma_wait3A_566 = tpu.memref_slice %arg10[%dma_wait3A_564, %dma_wait3A_565] : memref<10240x128xf32, #tpu.memory_space<vmem_shared>> -> memref<10240x128xf32, #tpu.memory_space<vmem_shared>>
        tpu.wait_indirect_dma semaphore(%run_scoped3A_554 : memref<!tpu.dma_semaphore, #tpu.memory_space<semaphore_mem>>) src(%arg8 : memref<128x128xf32, #tpu.memory_space<vmem>>) dst(%dma_wait3A_566 : memref<10240x128xf32, #tpu.memory_space<vmem_shared>>)
        tpu.yield
      }) : () -> ()
      %dma_start3A_405 = arith.constant 1 : i32
      %dma_start3A_406 = arith.constant 2 : i32
      %dma_start3A_407 = arith.constant 0 : i32
      %dma_start3A_408 = tpu.memref_slice %arg6[%dma_start3A_405, %dma_start3A_406, %dma_start3A_407] : memref<2x8x128xi32, #tpu.memory_space<vmem>> -> memref<1x1x128xi32, #tpu.memory_space<vmem>>
      %dma_start3A_409 = tpu.memref_squeeze %dma_start3A_408 : memref<1x1x128xi32, #tpu.memory_space<vmem>> -> memref<128xi32, #tpu.memory_space<vmem>>
      %dma_start3A_410 = arith.constant 0 : i32
      %dma_start3A_411 = arith.constant 0 : i32
      %dma_start3A_412 = tpu.memref_slice %arg2[%dma_start3A_410, %dma_start3A_411] : memref<10000x128xf32, #tpu.memory_space<hbm>> -> memref<10000x128xf32, #tpu.memory_space<hbm>>
      tpu.enqueue_indirect_dma source(%dma_start3A_412 : memref<10000x128xf32, #tpu.memory_space<hbm>>) target(%arg8 : memref<128x128xf32, #tpu.memory_space<vmem>>) offsets(%dma_start3A_409 : memref<128xi32, #tpu.memory_space<vmem>>) semaphore(%arg11 : memref<!tpu.dma_semaphore, #tpu.memory_space<semaphore_mem>>)
      %dma_wait3A_413 = arith.constant 0 : i32
      %dma_wait3A_414 = arith.constant 0 : i32
      %dma_wait3A_415 = tpu.memref_slice %arg2[%dma_wait3A_413, %dma_wait3A_414] : memref<10000x128xf32, #tpu.memory_space<hbm>> -> memref<128x128xf32, #tpu.memory_space<hbm>>
      %dma_wait3A_416 = arith.constant 0 : i32
      %dma_wait3A_417 = arith.constant 0 : i32
      %dma_wait3A_418 = tpu.memref_slice %arg2[%dma_wait3A_416, %dma_wait3A_417] : memref<10000x128xf32, #tpu.memory_space<hbm>> -> memref<128x128xf32, #tpu.memory_space<hbm>>
      tpu.wait_dma2 semaphore(%arg12 : memref<!tpu.dma_semaphore, #tpu.memory_space<semaphore_mem>>) src(%dma_wait3A_418 : memref<128x128xf32, #tpu.memory_space<hbm>>) dst(%arg9 : memref<128x128xf32, #tpu.memory_space<vmem>>)
      %run_scoped3A_419 = arith.constant 1 : i32
      %run_scoped3A_420 = arith.constant 1 : i32
      "tpu.region"() ({
        %run_scoped3A_554 = tpu.sem_alloc : memref<!tpu.dma_semaphore, #tpu.memory_space<semaphore_mem>>
        %dma_start3A_555 = arith.constant 0 : i32
        %dma_start3A_556 = tpu.memref_slice %arg7[%run_scoped3A_419, %run_scoped3A_420, %dma_start3A_555] : memref<2x8x128xi32, #tpu.memory_space<vmem>> -> memref<1x1x128xi32, #tpu.memory_space<vmem>>
        %dma_start3A_557 = tpu.memref_squeeze %dma_start3A_556 : memref<1x1x128xi32, #tpu.memory_space<vmem>> -> memref<128xi32, #tpu.memory_space<vmem>>
        %dma_start3A_558 = arith.constant 0 : i32
        %dma_start3A_559 = arith.constant 0 : i32
        %dma_start3A_560 = tpu.memref_slice %arg10[%dma_start3A_558, %dma_start3A_559] : memref<10240x128xf32, #tpu.memory_space<vmem_shared>> -> memref<10240x128xf32, #tpu.memory_space<vmem_shared>>
        tpu.enqueue_indirect_dma source(%arg9 : memref<128x128xf32, #tpu.memory_space<vmem>>) target(%dma_start3A_560 : memref<10240x128xf32, #tpu.memory_space<vmem_shared>>) offsets(%dma_start3A_557 : memref<128xi32, #tpu.memory_space<vmem>>) semaphore(%run_scoped3A_554 : memref<!tpu.dma_semaphore, #tpu.memory_space<semaphore_mem>>) {add = true}
        %dma_wait3A_561 = arith.constant 0 : i32
        %dma_wait3A_562 = tpu.memref_slice %arg7[%run_scoped3A_419, %run_scoped3A_420, %dma_wait3A_561] : memref<2x8x128xi32, #tpu.memory_space<vmem>> -> memref<1x1x128xi32, #tpu.memory_space<vmem>>
        %dma_wait3A_563 = tpu.memref_squeeze %dma_wait3A_562 : memref<1x1x128xi32, #tpu.memory_space<vmem>> -> memref<128xi32, #tpu.memory_space<vmem>>
        %dma_wait3A_564 = arith.constant 0 : i32
        %dma_wait3A_565 = arith.constant 0 : i32
        %dma_wait3A_566 = tpu.memref_slice %arg10[%dma_wait3A_564, %dma_wait3A_565] : memref<10240x128xf32, #tpu.memory_space<vmem_shared>> -> memref<10240x128xf32, #tpu.memory_space<vmem_shared>>
        tpu.wait_indirect_dma semaphore(%run_scoped3A_554 : memref<!tpu.dma_semaphore, #tpu.memory_space<semaphore_mem>>) src(%arg9 : memref<128x128xf32, #tpu.memory_space<vmem>>) dst(%dma_wait3A_566 : memref<10240x128xf32, #tpu.memory_space<vmem_shared>>)
        tpu.yield
      }) : () -> ()
      %dma_start3A_421 = arith.constant 1 : i32
      %dma_start3A_422 = arith.constant 3 : i32
      %dma_start3A_423 = arith.constant 0 : i32
      %dma_start3A_424 = tpu.memref_slice %arg6[%dma_start3A_421, %dma_start3A_422, %dma_start3A_423] : memref<2x8x128xi32, #tpu.memory_space<vmem>> -> memref<1x1x128xi32, #tpu.memory_space<vmem>>
      %dma_start3A_425 = tpu.memref_squeeze %dma_start3A_424 : memref<1x1x128xi32, #tpu.memory_space<vmem>> -> memref<128xi32, #tpu.memory_space<vmem>>
      %dma_start3A_426 = arith.constant 0 : i32
      %dma_start3A_427 = arith.constant 0 : i32
      %dma_start3A_428 = tpu.memref_slice %arg2[%dma_start3A_426, %dma_start3A_427] : memref<10000x128xf32, #tpu.memory_space<hbm>> -> memref<10000x128xf32, #tpu.memory_space<hbm>>
      tpu.enqueue_indirect_dma source(%dma_start3A_428 : memref<10000x128xf32, #tpu.memory_space<hbm>>) target(%arg9 : memref<128x128xf32, #tpu.memory_space<vmem>>) offsets(%dma_start3A_425 : memref<128xi32, #tpu.memory_space<vmem>>) semaphore(%arg12 : memref<!tpu.dma_semaphore, #tpu.memory_space<semaphore_mem>>)
      %dma_wait3A_429 = arith.constant 0 : i32
      %dma_wait3A_430 = arith.constant 0 : i32
      %dma_wait3A_431 = tpu.memref_slice %arg2[%dma_wait3A_429, %dma_wait3A_430] : memref<10000x128xf32, #tpu.memory_space<hbm>> -> memref<128x128xf32, #tpu.memory_space<hbm>>
      %dma_wait3A_432 = arith.constant 0 : i32
      %dma_wait3A_433 = arith.constant 0 : i32
      %dma_wait3A_434 = tpu.memref_slice %arg2[%dma_wait3A_432, %dma_wait3A_433] : memref<10000x128xf32, #tpu.memory_space<hbm>> -> memref<128x128xf32, #tpu.memory_space<hbm>>
      tpu.wait_dma2 semaphore(%arg11 : memref<!tpu.dma_semaphore, #tpu.memory_space<semaphore_mem>>) src(%dma_wait3A_434 : memref<128x128xf32, #tpu.memory_space<hbm>>) dst(%arg8 : memref<128x128xf32, #tpu.memory_space<vmem>>)
      %run_scoped3A_435 = arith.constant 1 : i32
      %run_scoped3A_436 = arith.constant 2 : i32
      "tpu.region"() ({
        %run_scoped3A_554 = tpu.sem_alloc : memref<!tpu.dma_semaphore, #tpu.memory_space<semaphore_mem>>
        %dma_start3A_555 = arith.constant 0 : i32
        %dma_start3A_556 = tpu.memref_slice %arg7[%run_scoped3A_435, %run_scoped3A_436, %dma_start3A_555] : memref<2x8x128xi32, #tpu.memory_space<vmem>> -> memref<1x1x128xi32, #tpu.memory_space<vmem>>
        %dma_start3A_557 = tpu.memref_squeeze %dma_start3A_556 : memref<1x1x128xi32, #tpu.memory_space<vmem>> -> memref<128xi32, #tpu.memory_space<vmem>>
        %dma_start3A_558 = arith.constant 0 : i32
        %dma_start3A_559 = arith.constant 0 : i32
        %dma_start3A_560 = tpu.memref_slice %arg10[%dma_start3A_558, %dma_start3A_559] : memref<10240x128xf32, #tpu.memory_space<vmem_shared>> -> memref<10240x128xf32, #tpu.memory_space<vmem_shared>>
        tpu.enqueue_indirect_dma source(%arg8 : memref<128x128xf32, #tpu.memory_space<vmem>>) target(%dma_start3A_560 : memref<10240x128xf32, #tpu.memory_space<vmem_shared>>) offsets(%dma_start3A_557 : memref<128xi32, #tpu.memory_space<vmem>>) semaphore(%run_scoped3A_554 : memref<!tpu.dma_semaphore, #tpu.memory_space<semaphore_mem>>) {add = true}
        %dma_wait3A_561 = arith.constant 0 : i32
        %dma_wait3A_562 = tpu.memref_slice %arg7[%run_scoped3A_435, %run_scoped3A_436, %dma_wait3A_561] : memref<2x8x128xi32, #tpu.memory_space<vmem>> -> memref<1x1x128xi32, #tpu.memory_space<vmem>>
        %dma_wait3A_563 = tpu.memref_squeeze %dma_wait3A_562 : memref<1x1x128xi32, #tpu.memory_space<vmem>> -> memref<128xi32, #tpu.memory_space<vmem>>
        %dma_wait3A_564 = arith.constant 0 : i32
        %dma_wait3A_565 = arith.constant 0 : i32
        %dma_wait3A_566 = tpu.memref_slice %arg10[%dma_wait3A_564, %dma_wait3A_565] : memref<10240x128xf32, #tpu.memory_space<vmem_shared>> -> memref<10240x128xf32, #tpu.memory_space<vmem_shared>>
        tpu.wait_indirect_dma semaphore(%run_scoped3A_554 : memref<!tpu.dma_semaphore, #tpu.memory_space<semaphore_mem>>) src(%arg8 : memref<128x128xf32, #tpu.memory_space<vmem>>) dst(%dma_wait3A_566 : memref<10240x128xf32, #tpu.memory_space<vmem_shared>>)
        tpu.yield
      }) : () -> ()
      %dma_start3A_437 = arith.constant 1 : i32
      %dma_start3A_438 = arith.constant 4 : i32
      %dma_start3A_439 = arith.constant 0 : i32
      %dma_start3A_440 = tpu.memref_slice %arg6[%dma_start3A_437, %dma_start3A_438, %dma_start3A_439] : memref<2x8x128xi32, #tpu.memory_space<vmem>> -> memref<1x1x128xi32, #tpu.memory_space<vmem>>
      %dma_start3A_441 = tpu.memref_squeeze %dma_start3A_440 : memref<1x1x128xi32, #tpu.memory_space<vmem>> -> memref<128xi32, #tpu.memory_space<vmem>>
      %dma_start3A_442 = arith.constant 0 : i32
      %dma_start3A_443 = arith.constant 0 : i32
      %dma_start3A_444 = tpu.memref_slice %arg2[%dma_start3A_442, %dma_start3A_443] : memref<10000x128xf32, #tpu.memory_space<hbm>> -> memref<10000x128xf32, #tpu.memory_space<hbm>>
      tpu.enqueue_indirect_dma source(%dma_start3A_444 : memref<10000x128xf32, #tpu.memory_space<hbm>>) target(%arg8 : memref<128x128xf32, #tpu.memory_space<vmem>>) offsets(%dma_start3A_441 : memref<128xi32, #tpu.memory_space<vmem>>) semaphore(%arg11 : memref<!tpu.dma_semaphore, #tpu.memory_space<semaphore_mem>>)
      %dma_wait3A_445 = arith.constant 0 : i32
      %dma_wait3A_446 = arith.constant 0 : i32
      %dma_wait3A_447 = tpu.memref_slice %arg2[%dma_wait3A_445, %dma_wait3A_446] : memref<10000x128xf32, #tpu.memory_space<hbm>> -> memref<128x128xf32, #tpu.memory_space<hbm>>
      %dma_wait3A_448 = arith.constant 0 : i32
      %dma_wait3A_449 = arith.constant 0 : i32
      %dma_wait3A_450 = tpu.memref_slice %arg2[%dma_wait3A_448, %dma_wait3A_449] : memref<10000x128xf32, #tpu.memory_space<hbm>> -> memref<128x128xf32, #tpu.memory_space<hbm>>
      tpu.wait_dma2 semaphore(%arg12 : memref<!tpu.dma_semaphore, #tpu.memory_space<semaphore_mem>>) src(%dma_wait3A_450 : memref<128x128xf32, #tpu.memory_space<hbm>>) dst(%arg9 : memref<128x128xf32, #tpu.memory_space<vmem>>)
      %run_scoped3A_451 = arith.constant 1 : i32
      %run_scoped3A_452 = arith.constant 3 : i32
      "tpu.region"() ({
        %run_scoped3A_554 = tpu.sem_alloc : memref<!tpu.dma_semaphore, #tpu.memory_space<semaphore_mem>>
        %dma_start3A_555 = arith.constant 0 : i32
        %dma_start3A_556 = tpu.memref_slice %arg7[%run_scoped3A_451, %run_scoped3A_452, %dma_start3A_555] : memref<2x8x128xi32, #tpu.memory_space<vmem>> -> memref<1x1x128xi32, #tpu.memory_space<vmem>>
        %dma_start3A_557 = tpu.memref_squeeze %dma_start3A_556 : memref<1x1x128xi32, #tpu.memory_space<vmem>> -> memref<128xi32, #tpu.memory_space<vmem>>
        %dma_start3A_558 = arith.constant 0 : i32
        %dma_start3A_559 = arith.constant 0 : i32
        %dma_start3A_560 = tpu.memref_slice %arg10[%dma_start3A_558, %dma_start3A_559] : memref<10240x128xf32, #tpu.memory_space<vmem_shared>> -> memref<10240x128xf32, #tpu.memory_space<vmem_shared>>
        tpu.enqueue_indirect_dma source(%arg9 : memref<128x128xf32, #tpu.memory_space<vmem>>) target(%dma_start3A_560 : memref<10240x128xf32, #tpu.memory_space<vmem_shared>>) offsets(%dma_start3A_557 : memref<128xi32, #tpu.memory_space<vmem>>) semaphore(%run_scoped3A_554 : memref<!tpu.dma_semaphore, #tpu.memory_space<semaphore_mem>>) {add = true}
        %dma_wait3A_561 = arith.constant 0 : i32
        %dma_wait3A_562 = tpu.memref_slice %arg7[%run_scoped3A_451, %run_scoped3A_452, %dma_wait3A_561] : memref<2x8x128xi32, #tpu.memory_space<vmem>> -> memref<1x1x128xi32, #tpu.memory_space<vmem>>
        %dma_wait3A_563 = tpu.memref_squeeze %dma_wait3A_562 : memref<1x1x128xi32, #tpu.memory_space<vmem>> -> memref<128xi32, #tpu.memory_space<vmem>>
        %dma_wait3A_564 = arith.constant 0 : i32
        %dma_wait3A_565 = arith.constant 0 : i32
        %dma_wait3A_566 = tpu.memref_slice %arg10[%dma_wait3A_564, %dma_wait3A_565] : memref<10240x128xf32, #tpu.memory_space<vmem_shared>> -> memref<10240x128xf32, #tpu.memory_space<vmem_shared>>
        tpu.wait_indirect_dma semaphore(%run_scoped3A_554 : memref<!tpu.dma_semaphore, #tpu.memory_space<semaphore_mem>>) src(%arg9 : memref<128x128xf32, #tpu.memory_space<vmem>>) dst(%dma_wait3A_566 : memref<10240x128xf32, #tpu.memory_space<vmem_shared>>)
        tpu.yield
      }) : () -> ()
      %dma_start3A_453 = arith.constant 1 : i32
      %dma_start3A_454 = arith.constant 5 : i32
      %dma_start3A_455 = arith.constant 0 : i32
      %dma_start3A_456 = tpu.memref_slice %arg6[%dma_start3A_453, %dma_start3A_454, %dma_start3A_455] : memref<2x8x128xi32, #tpu.memory_space<vmem>> -> memref<1x1x128xi32, #tpu.memory_space<vmem>>
      %dma_start3A_457 = tpu.memref_squeeze %dma_start3A_456 : memref<1x1x128xi32, #tpu.memory_space<vmem>> -> memref<128xi32, #tpu.memory_space<vmem>>
      %dma_start3A_458 = arith.constant 0 : i32
      %dma_start3A_459 = arith.constant 0 : i32
      %dma_start3A_460 = tpu.memref_slice %arg2[%dma_start3A_458, %dma_start3A_459] : memref<10000x128xf32, #tpu.memory_space<hbm>> -> memref<10000x128xf32, #tpu.memory_space<hbm>>
      tpu.enqueue_indirect_dma source(%dma_start3A_460 : memref<10000x128xf32, #tpu.memory_space<hbm>>) target(%arg9 : memref<128x128xf32, #tpu.memory_space<vmem>>) offsets(%dma_start3A_457 : memref<128xi32, #tpu.memory_space<vmem>>) semaphore(%arg12 : memref<!tpu.dma_semaphore, #tpu.memory_space<semaphore_mem>>)
      %dma_wait3A_461 = arith.constant 0 : i32
      %dma_wait3A_462 = arith.constant 0 : i32
      %dma_wait3A_463 = tpu.memref_slice %arg2[%dma_wait3A_461, %dma_wait3A_462] : memref<10000x128xf32, #tpu.memory_space<hbm>> -> memref<128x128xf32, #tpu.memory_space<hbm>>
      %dma_wait3A_464 = arith.constant 0 : i32
      %dma_wait3A_465 = arith.constant 0 : i32
      %dma_wait3A_466 = tpu.memref_slice %arg2[%dma_wait3A_464, %dma_wait3A_465] : memref<10000x128xf32, #tpu.memory_space<hbm>> -> memref<128x128xf32, #tpu.memory_space<hbm>>
      tpu.wait_dma2 semaphore(%arg11 : memref<!tpu.dma_semaphore, #tpu.memory_space<semaphore_mem>>) src(%dma_wait3A_466 : memref<128x128xf32, #tpu.memory_space<hbm>>) dst(%arg8 : memref<128x128xf32, #tpu.memory_space<vmem>>)
      %run_scoped3A_467 = arith.constant 1 : i32
      %run_scoped3A_468 = arith.constant 4 : i32
      "tpu.region"() ({
        %run_scoped3A_554 = tpu.sem_alloc : memref<!tpu.dma_semaphore, #tpu.memory_space<semaphore_mem>>
        %dma_start3A_555 = arith.constant 0 : i32
        %dma_start3A_556 = tpu.memref_slice %arg7[%run_scoped3A_467, %run_scoped3A_468, %dma_start3A_555] : memref<2x8x128xi32, #tpu.memory_space<vmem>> -> memref<1x1x128xi32, #tpu.memory_space<vmem>>
        %dma_start3A_557 = tpu.memref_squeeze %dma_start3A_556 : memref<1x1x128xi32, #tpu.memory_space<vmem>> -> memref<128xi32, #tpu.memory_space<vmem>>
        %dma_start3A_558 = arith.constant 0 : i32
        %dma_start3A_559 = arith.constant 0 : i32
        %dma_start3A_560 = tpu.memref_slice %arg10[%dma_start3A_558, %dma_start3A_559] : memref<10240x128xf32, #tpu.memory_space<vmem_shared>> -> memref<10240x128xf32, #tpu.memory_space<vmem_shared>>
        tpu.enqueue_indirect_dma source(%arg8 : memref<128x128xf32, #tpu.memory_space<vmem>>) target(%dma_start3A_560 : memref<10240x128xf32, #tpu.memory_space<vmem_shared>>) offsets(%dma_start3A_557 : memref<128xi32, #tpu.memory_space<vmem>>) semaphore(%run_scoped3A_554 : memref<!tpu.dma_semaphore, #tpu.memory_space<semaphore_mem>>) {add = true}
        %dma_wait3A_561 = arith.constant 0 : i32
        %dma_wait3A_562 = tpu.memref_slice %arg7[%run_scoped3A_467, %run_scoped3A_468, %dma_wait3A_561] : memref<2x8x128xi32, #tpu.memory_space<vmem>> -> memref<1x1x128xi32, #tpu.memory_space<vmem>>
        %dma_wait3A_563 = tpu.memref_squeeze %dma_wait3A_562 : memref<1x1x128xi32, #tpu.memory_space<vmem>> -> memref<128xi32, #tpu.memory_space<vmem>>
        %dma_wait3A_564 = arith.constant 0 : i32
        %dma_wait3A_565 = arith.constant 0 : i32
        %dma_wait3A_566 = tpu.memref_slice %arg10[%dma_wait3A_564, %dma_wait3A_565] : memref<10240x128xf32, #tpu.memory_space<vmem_shared>> -> memref<10240x128xf32, #tpu.memory_space<vmem_shared>>
        tpu.wait_indirect_dma semaphore(%run_scoped3A_554 : memref<!tpu.dma_semaphore, #tpu.memory_space<semaphore_mem>>) src(%arg8 : memref<128x128xf32, #tpu.memory_space<vmem>>) dst(%dma_wait3A_566 : memref<10240x128xf32, #tpu.memory_space<vmem_shared>>)
        tpu.yield
      }) : () -> ()
      %dma_start3A_469 = arith.constant 1 : i32
      %dma_start3A_470 = arith.constant 6 : i32
      %dma_start3A_471 = arith.constant 0 : i32
      %dma_start3A_472 = tpu.memref_slice %arg6[%dma_start3A_469, %dma_start3A_470, %dma_start3A_471] : memref<2x8x128xi32, #tpu.memory_space<vmem>> -> memref<1x1x128xi32, #tpu.memory_space<vmem>>
      %dma_start3A_473 = tpu.memref_squeeze %dma_start3A_472 : memref<1x1x128xi32, #tpu.memory_space<vmem>> -> memref<128xi32, #tpu.memory_space<vmem>>
      %dma_start3A_474 = arith.constant 0 : i32
      %dma_start3A_475 = arith.constant 0 : i32
      %dma_start3A_476 = tpu.memref_slice %arg2[%dma_start3A_474, %dma_start3A_475] : memref<10000x128xf32, #tpu.memory_space<hbm>> -> memref<10000x128xf32, #tpu.memory_space<hbm>>
      tpu.enqueue_indirect_dma source(%dma_start3A_476 : memref<10000x128xf32, #tpu.memory_space<hbm>>) target(%arg8 : memref<128x128xf32, #tpu.memory_space<vmem>>) offsets(%dma_start3A_473 : memref<128xi32, #tpu.memory_space<vmem>>) semaphore(%arg11 : memref<!tpu.dma_semaphore, #tpu.memory_space<semaphore_mem>>)
      %dma_wait3A_477 = arith.constant 0 : i32
      %dma_wait3A_478 = arith.constant 0 : i32
      %dma_wait3A_479 = tpu.memref_slice %arg2[%dma_wait3A_477, %dma_wait3A_478] : memref<10000x128xf32, #tpu.memory_space<hbm>> -> memref<128x128xf32, #tpu.memory_space<hbm>>
      %dma_wait3A_480 = arith.constant 0 : i32
      %dma_wait3A_481 = arith.constant 0 : i32
      %dma_wait3A_482 = tpu.memref_slice %arg2[%dma_wait3A_480, %dma_wait3A_481] : memref<10000x128xf32, #tpu.memory_space<hbm>> -> memref<128x128xf32, #tpu.memory_space<hbm>>
      tpu.wait_dma2 semaphore(%arg12 : memref<!tpu.dma_semaphore, #tpu.memory_space<semaphore_mem>>) src(%dma_wait3A_482 : memref<128x128xf32, #tpu.memory_space<hbm>>) dst(%arg9 : memref<128x128xf32, #tpu.memory_space<vmem>>)
      %run_scoped3A_483 = arith.constant 1 : i32
      %run_scoped3A_484 = arith.constant 5 : i32
      "tpu.region"() ({
        %run_scoped3A_554 = tpu.sem_alloc : memref<!tpu.dma_semaphore, #tpu.memory_space<semaphore_mem>>
        %dma_start3A_555 = arith.constant 0 : i32
        %dma_start3A_556 = tpu.memref_slice %arg7[%run_scoped3A_483, %run_scoped3A_484, %dma_start3A_555] : memref<2x8x128xi32, #tpu.memory_space<vmem>> -> memref<1x1x128xi32, #tpu.memory_space<vmem>>
        %dma_start3A_557 = tpu.memref_squeeze %dma_start3A_556 : memref<1x1x128xi32, #tpu.memory_space<vmem>> -> memref<128xi32, #tpu.memory_space<vmem>>
        %dma_start3A_558 = arith.constant 0 : i32
        %dma_start3A_559 = arith.constant 0 : i32
        %dma_start3A_560 = tpu.memref_slice %arg10[%dma_start3A_558, %dma_start3A_559] : memref<10240x128xf32, #tpu.memory_space<vmem_shared>> -> memref<10240x128xf32, #tpu.memory_space<vmem_shared>>
        tpu.enqueue_indirect_dma source(%arg9 : memref<128x128xf32, #tpu.memory_space<vmem>>) target(%dma_start3A_560 : memref<10240x128xf32, #tpu.memory_space<vmem_shared>>) offsets(%dma_start3A_557 : memref<128xi32, #tpu.memory_space<vmem>>) semaphore(%run_scoped3A_554 : memref<!tpu.dma_semaphore, #tpu.memory_space<semaphore_mem>>) {add = true}
        %dma_wait3A_561 = arith.constant 0 : i32
        %dma_wait3A_562 = tpu.memref_slice %arg7[%run_scoped3A_483, %run_scoped3A_484, %dma_wait3A_561] : memref<2x8x128xi32, #tpu.memory_space<vmem>> -> memref<1x1x128xi32, #tpu.memory_space<vmem>>
        %dma_wait3A_563 = tpu.memref_squeeze %dma_wait3A_562 : memref<1x1x128xi32, #tpu.memory_space<vmem>> -> memref<128xi32, #tpu.memory_space<vmem>>
        %dma_wait3A_564 = arith.constant 0 : i32
        %dma_wait3A_565 = arith.constant 0 : i32
        %dma_wait3A_566 = tpu.memref_slice %arg10[%dma_wait3A_564, %dma_wait3A_565] : memref<10240x128xf32, #tpu.memory_space<vmem_shared>> -> memref<10240x128xf32, #tpu.memory_space<vmem_shared>>
        tpu.wait_indirect_dma semaphore(%run_scoped3A_554 : memref<!tpu.dma_semaphore, #tpu.memory_space<semaphore_mem>>) src(%arg9 : memref<128x128xf32, #tpu.memory_space<vmem>>) dst(%dma_wait3A_566 : memref<10240x128xf32, #tpu.memory_space<vmem_shared>>)
        tpu.yield
      }) : () -> ()
      %dma_start3A_485 = arith.constant 1 : i32
      %dma_start3A_486 = arith.constant 7 : i32
      %dma_start3A_487 = arith.constant 0 : i32
      %dma_start3A_488 = tpu.memref_slice %arg6[%dma_start3A_485, %dma_start3A_486, %dma_start3A_487] : memref<2x8x128xi32, #tpu.memory_space<vmem>> -> memref<1x1x128xi32, #tpu.memory_space<vmem>>
      %dma_start3A_489 = tpu.memref_squeeze %dma_start3A_488 : memref<1x1x128xi32, #tpu.memory_space<vmem>> -> memref<128xi32, #tpu.memory_space<vmem>>
      %dma_start3A_490 = arith.constant 0 : i32
      %dma_start3A_491 = arith.constant 0 : i32
      %dma_start3A_492 = tpu.memref_slice %arg2[%dma_start3A_490, %dma_start3A_491] : memref<10000x128xf32, #tpu.memory_space<hbm>> -> memref<10000x128xf32, #tpu.memory_space<hbm>>
      tpu.enqueue_indirect_dma source(%dma_start3A_492 : memref<10000x128xf32, #tpu.memory_space<hbm>>) target(%arg9 : memref<128x128xf32, #tpu.memory_space<vmem>>) offsets(%dma_start3A_489 : memref<128xi32, #tpu.memory_space<vmem>>) semaphore(%arg12 : memref<!tpu.dma_semaphore, #tpu.memory_space<semaphore_mem>>)
      %dma_wait3A_493 = arith.constant 0 : i32
      %dma_wait3A_494 = arith.constant 0 : i32
      %dma_wait3A_495 = arith.constant 0 : i32
      %dma_wait3A_496 = tpu.memref_slice %arg6[%dma_wait3A_493, %dma_wait3A_494, %dma_wait3A_495] : memref<2x8x128xi32, #tpu.memory_space<vmem>> -> memref<1x8x128xi32, #tpu.memory_space<vmem>>
      %dma_wait3A_497 = tpu.memref_squeeze %dma_wait3A_496 : memref<1x8x128xi32, #tpu.memory_space<vmem>> -> memref<8x128xi32, #tpu.memory_space<vmem>>
      %dma_wait3A_498 = arith.constant 0 : i32
      %dma_wait3A_499 = arith.constant 0 : i32
      %dma_wait3A_500 = tpu.memref_slice %arg3[%add3A, %dma_wait3A_498, %dma_wait3A_499] : memref<32x80x128xi32, #tpu.memory_space<hbm>> -> memref<1x8x128xi32, #tpu.memory_space<hbm>>
      %dma_wait3A_501 = tpu.memref_squeeze %dma_wait3A_500 : memref<1x8x128xi32, #tpu.memory_space<hbm>> -> memref<8x128xi32, #tpu.memory_space<hbm>>
      %dma_wait3A_502 = arith.constant 0 : i32
      %dma_wait3A_503 = arith.constant 0 : i32
      %dma_wait3A_504 = tpu.memref_slice %arg6[%dma_wait3A_493, %dma_wait3A_502, %dma_wait3A_503] : memref<2x8x128xi32, #tpu.memory_space<vmem>> -> memref<1x8x128xi32, #tpu.memory_space<vmem>>
      %dma_wait3A_505 = tpu.memref_squeeze %dma_wait3A_504 : memref<1x8x128xi32, #tpu.memory_space<vmem>> -> memref<8x128xi32, #tpu.memory_space<vmem>>
      %dma_wait3A_506 = arith.constant 0 : i32
      %dma_wait3A_507 = arith.constant 0 : i32
      %dma_wait3A_508 = tpu.memref_slice %arg3[%add3A, %dma_wait3A_506, %dma_wait3A_507] : memref<32x80x128xi32, #tpu.memory_space<hbm>> -> memref<1x8x128xi32, #tpu.memory_space<hbm>>
      %dma_wait3A_509 = tpu.memref_squeeze %dma_wait3A_508 : memref<1x8x128xi32, #tpu.memory_space<hbm>> -> memref<8x128xi32, #tpu.memory_space<hbm>>
      tpu.wait_dma2 semaphore(%arg13 : memref<!tpu.dma_semaphore, #tpu.memory_space<semaphore_mem>>) src(%dma_wait3A_509 : memref<8x128xi32, #tpu.memory_space<hbm>>) dst(%dma_wait3A_505 : memref<8x128xi32, #tpu.memory_space<vmem>>)
      %dma_wait3A_510 = arith.constant 0 : i32
      %dma_wait3A_511 = arith.constant 0 : i32
      %dma_wait3A_512 = arith.constant 0 : i32
      %dma_wait3A_513 = tpu.memref_slice %arg6[%dma_wait3A_510, %dma_wait3A_511, %dma_wait3A_512] : memref<2x8x128xi32, #tpu.memory_space<vmem>> -> memref<1x8x128xi32, #tpu.memory_space<vmem>>
      %dma_wait3A_514 = tpu.memref_squeeze %dma_wait3A_513 : memref<1x8x128xi32, #tpu.memory_space<vmem>> -> memref<8x128xi32, #tpu.memory_space<vmem>>
      %dma_wait3A_515 = arith.constant 0 : i32
      %dma_wait3A_516 = arith.constant 0 : i32
      %dma_wait3A_517 = tpu.memref_slice %arg3[%add3A, %dma_wait3A_515, %dma_wait3A_516] : memref<32x80x128xi32, #tpu.memory_space<hbm>> -> memref<1x8x128xi32, #tpu.memory_space<hbm>>
      %dma_wait3A_518 = tpu.memref_squeeze %dma_wait3A_517 : memref<1x8x128xi32, #tpu.memory_space<hbm>> -> memref<8x128xi32, #tpu.memory_space<hbm>>
      %dma_wait3A_519 = arith.constant 0 : i32
      %dma_wait3A_520 = arith.constant 0 : i32
      %dma_wait3A_521 = tpu.memref_slice %arg6[%dma_wait3A_510, %dma_wait3A_519, %dma_wait3A_520] : memref<2x8x128xi32, #tpu.memory_space<vmem>> -> memref<1x8x128xi32, #tpu.memory_space<vmem>>
      %dma_wait3A_522 = tpu.memref_squeeze %dma_wait3A_521 : memref<1x8x128xi32, #tpu.memory_space<vmem>> -> memref<8x128xi32, #tpu.memory_space<vmem>>
      %dma_wait3A_523 = arith.constant 0 : i32
      %dma_wait3A_524 = arith.constant 0 : i32
      %dma_wait3A_525 = tpu.memref_slice %arg3[%add3A, %dma_wait3A_523, %dma_wait3A_524] : memref<32x80x128xi32, #tpu.memory_space<hbm>> -> memref<1x8x128xi32, #tpu.memory_space<hbm>>
      %dma_wait3A_526 = tpu.memref_squeeze %dma_wait3A_525 : memref<1x8x128xi32, #tpu.memory_space<hbm>> -> memref<8x128xi32, #tpu.memory_space<hbm>>
      tpu.wait_dma2 semaphore(%arg13 : memref<!tpu.dma_semaphore, #tpu.memory_space<semaphore_mem>>) src(%dma_wait3A_526 : memref<8x128xi32, #tpu.memory_space<hbm>>) dst(%dma_wait3A_522 : memref<8x128xi32, #tpu.memory_space<vmem>>)
      %dma_wait3A_527 = arith.constant 0 : i32
      %dma_wait3A_528 = arith.constant 0 : i32
      %dma_wait3A_529 = tpu.memref_slice %arg2[%dma_wait3A_527, %dma_wait3A_528] : memref<10000x128xf32, #tpu.memory_space<hbm>> -> memref<128x128xf32, #tpu.memory_space<hbm>>
      %dma_wait3A_530 = arith.constant 0 : i32
      %dma_wait3A_531 = arith.constant 0 : i32
      %dma_wait3A_532 = tpu.memref_slice %arg2[%dma_wait3A_530, %dma_wait3A_531] : memref<10000x128xf32, #tpu.memory_space<hbm>> -> memref<128x128xf32, #tpu.memory_space<hbm>>
      tpu.wait_dma2 semaphore(%arg11 : memref<!tpu.dma_semaphore, #tpu.memory_space<semaphore_mem>>) src(%dma_wait3A_532 : memref<128x128xf32, #tpu.memory_space<hbm>>) dst(%arg8 : memref<128x128xf32, #tpu.memory_space<vmem>>)
      %run_scoped3A_533 = arith.constant 1 : i32
      %run_scoped3A_534 = arith.constant 6 : i32
      "tpu.region"() ({
        %run_scoped3A_554 = tpu.sem_alloc : memref<!tpu.dma_semaphore, #tpu.memory_space<semaphore_mem>>
        %dma_start3A_555 = arith.constant 0 : i32
        %dma_start3A_556 = tpu.memref_slice %arg7[%run_scoped3A_533, %run_scoped3A_534, %dma_start3A_555] : memref<2x8x128xi32, #tpu.memory_space<vmem>> -> memref<1x1x128xi32, #tpu.memory_space<vmem>>
        %dma_start3A_557 = tpu.memref_squeeze %dma_start3A_556 : memref<1x1x128xi32, #tpu.memory_space<vmem>> -> memref<128xi32, #tpu.memory_space<vmem>>
        %dma_start3A_558 = arith.constant 0 : i32
        %dma_start3A_559 = arith.constant 0 : i32
        %dma_start3A_560 = tpu.memref_slice %arg10[%dma_start3A_558, %dma_start3A_559] : memref<10240x128xf32, #tpu.memory_space<vmem_shared>> -> memref<10240x128xf32, #tpu.memory_space<vmem_shared>>
        tpu.enqueue_indirect_dma source(%arg8 : memref<128x128xf32, #tpu.memory_space<vmem>>) target(%dma_start3A_560 : memref<10240x128xf32, #tpu.memory_space<vmem_shared>>) offsets(%dma_start3A_557 : memref<128xi32, #tpu.memory_space<vmem>>) semaphore(%run_scoped3A_554 : memref<!tpu.dma_semaphore, #tpu.memory_space<semaphore_mem>>) {add = true}
        %dma_wait3A_561 = arith.constant 0 : i32
        %dma_wait3A_562 = tpu.memref_slice %arg7[%run_scoped3A_533, %run_scoped3A_534, %dma_wait3A_561] : memref<2x8x128xi32, #tpu.memory_space<vmem>> -> memref<1x1x128xi32, #tpu.memory_space<vmem>>
        %dma_wait3A_563 = tpu.memref_squeeze %dma_wait3A_562 : memref<1x1x128xi32, #tpu.memory_space<vmem>> -> memref<128xi32, #tpu.memory_space<vmem>>
        %dma_wait3A_564 = arith.constant 0 : i32
        %dma_wait3A_565 = arith.constant 0 : i32
        %dma_wait3A_566 = tpu.memref_slice %arg10[%dma_wait3A_564, %dma_wait3A_565] : memref<10240x128xf32, #tpu.memory_space<vmem_shared>> -> memref<10240x128xf32, #tpu.memory_space<vmem_shared>>
        tpu.wait_indirect_dma semaphore(%run_scoped3A_554 : memref<!tpu.dma_semaphore, #tpu.memory_space<semaphore_mem>>) src(%arg8 : memref<128x128xf32, #tpu.memory_space<vmem>>) dst(%dma_wait3A_566 : memref<10240x128xf32, #tpu.memory_space<vmem_shared>>)
        tpu.yield
      }) : () -> ()
      %lt3A_535 = arith.constant 9 : i32
      %lt3A_536 = arith.cmpi slt, %add3A_358, %lt3A_535 : i32
      %convert_element_type3A_537 = arith.extui %lt3A_536 : i1 to i32
      %cond3A_538 = arith.constant 0 : i32
      %cond3A_539 = arith.cmpi ne, %convert_element_type3A_537, %cond3A_538 : i32
      scf.if %cond3A_539 {
        %dma_start3A_554 = arith.constant 0 : i32
        %dma_start3A_555 = arith.constant 0 : i32
        %dma_start3A_556 = arith.constant 0 : i32
        %dma_start3A_557 = tpu.memref_slice %arg6[%dma_start3A_554, %dma_start3A_555, %dma_start3A_556] : memref<2x8x128xi32, #tpu.memory_space<vmem>> -> memref<1x1x128xi32, #tpu.memory_space<vmem>>
        %dma_start3A_558 = tpu.memref_squeeze %dma_start3A_557 : memref<1x1x128xi32, #tpu.memory_space<vmem>> -> memref<128xi32, #tpu.memory_space<vmem>>
        %dma_start3A_559 = arith.constant 0 : i32
        %dma_start3A_560 = arith.constant 0 : i32
        %dma_start3A_561 = tpu.memref_slice %arg2[%dma_start3A_559, %dma_start3A_560] : memref<10000x128xf32, #tpu.memory_space<hbm>> -> memref<10000x128xf32, #tpu.memory_space<hbm>>
        tpu.enqueue_indirect_dma source(%dma_start3A_561 : memref<10000x128xf32, #tpu.memory_space<hbm>>) target(%arg8 : memref<128x128xf32, #tpu.memory_space<vmem>>) offsets(%dma_start3A_558 : memref<128xi32, #tpu.memory_space<vmem>>) semaphore(%arg11 : memref<!tpu.dma_semaphore, #tpu.memory_space<semaphore_mem>>)
      } else {
      }
      %dma_wait3A_540 = arith.constant 0 : i32
      %dma_wait3A_541 = arith.constant 0 : i32
      %dma_wait3A_542 = tpu.memref_slice %arg2[%dma_wait3A_540, %dma_wait3A_541] : memref<10000x128xf32, #tpu.memory_space<hbm>> -> memref<128x128xf32, #tpu.memory_space<hbm>>
      %dma_wait3A_543 = arith.constant 0 : i32
      %dma_wait3A_544 = arith.constant 0 : i32
      %dma_wait3A_545 = tpu.memref_slice %arg2[%dma_wait3A_543, %dma_wait3A_544] : memref<10000x128xf32, #tpu.memory_space<hbm>> -> memref<128x128xf32, #tpu.memory_space<hbm>>
      tpu.wait_dma2 semaphore(%arg12 : memref<!tpu.dma_semaphore, #tpu.memory_space<semaphore_mem>>) src(%dma_wait3A_545 : memref<128x128xf32, #tpu.memory_space<hbm>>) dst(%arg9 : memref<128x128xf32, #tpu.memory_space<vmem>>)
      %run_scoped3A_546 = arith.constant 1 : i32
      %run_scoped3A_547 = arith.constant 7 : i32
      "tpu.region"() ({
        %run_scoped3A_554 = tpu.sem_alloc : memref<!tpu.dma_semaphore, #tpu.memory_space<semaphore_mem>>
        %dma_start3A_555 = arith.constant 0 : i32
        %dma_start3A_556 = tpu.memref_slice %arg7[%run_scoped3A_546, %run_scoped3A_547, %dma_start3A_555] : memref<2x8x128xi32, #tpu.memory_space<vmem>> -> memref<1x1x128xi32, #tpu.memory_space<vmem>>
        %dma_start3A_557 = tpu.memref_squeeze %dma_start3A_556 : memref<1x1x128xi32, #tpu.memory_space<vmem>> -> memref<128xi32, #tpu.memory_space<vmem>>
        %dma_start3A_558 = arith.constant 0 : i32
        %dma_start3A_559 = arith.constant 0 : i32
        %dma_start3A_560 = tpu.memref_slice %arg10[%dma_start3A_558, %dma_start3A_559] : memref<10240x128xf32, #tpu.memory_space<vmem_shared>> -> memref<10240x128xf32, #tpu.memory_space<vmem_shared>>
        tpu.enqueue_indirect_dma source(%arg9 : memref<128x128xf32, #tpu.memory_space<vmem>>) target(%dma_start3A_560 : memref<10240x128xf32, #tpu.memory_space<vmem_shared>>) offsets(%dma_start3A_557 : memref<128xi32, #tpu.memory_space<vmem>>) semaphore(%run_scoped3A_554 : memref<!tpu.dma_semaphore, #tpu.memory_space<semaphore_mem>>) {add = true}
        %dma_wait3A_561 = arith.constant 0 : i32
        %dma_wait3A_562 = tpu.memref_slice %arg7[%run_scoped3A_546, %run_scoped3A_547, %dma_wait3A_561] : memref<2x8x128xi32, #tpu.memory_space<vmem>> -> memref<1x1x128xi32, #tpu.memory_space<vmem>>
        %dma_wait3A_563 = tpu.memref_squeeze %dma_wait3A_562 : memref<1x1x128xi32, #tpu.memory_space<vmem>> -> memref<128xi32, #tpu.memory_space<vmem>>
        %dma_wait3A_564 = arith.constant 0 : i32
        %dma_wait3A_565 = arith.constant 0 : i32
        %dma_wait3A_566 = tpu.memref_slice %arg10[%dma_wait3A_564, %dma_wait3A_565] : memref<10240x128xf32, #tpu.memory_space<vmem_shared>> -> memref<10240x128xf32, #tpu.memory_space<vmem_shared>>
        tpu.wait_indirect_dma semaphore(%run_scoped3A_554 : memref<!tpu.dma_semaphore, #tpu.memory_space<semaphore_mem>>) src(%arg9 : memref<128x128xf32, #tpu.memory_space<vmem>>) dst(%dma_wait3A_566 : memref<10240x128xf32, #tpu.memory_space<vmem_shared>>)
        tpu.yield
      }) : () -> ()
      %lt3A_548 = arith.constant 9 : i32
      %lt3A_549 = arith.cmpi slt, %add3A_358, %lt3A_548 : i32
      %convert_element_type3A_550 = arith.extui %lt3A_549 : i1 to i32
      %cond3A_551 = arith.constant 0 : i32
      %cond3A_552 = arith.cmpi ne, %convert_element_type3A_550, %cond3A_551 : i32
      scf.if %cond3A_552 {
        %dma_start3A_554 = arith.constant 0 : i32
        %dma_start3A_555 = arith.constant 1 : i32
        %dma_start3A_556 = arith.constant 0 : i32
        %dma_start3A_557 = tpu.memref_slice %arg6[%dma_start3A_554, %dma_start3A_555, %dma_start3A_556] : memref<2x8x128xi32, #tpu.memory_space<vmem>> -> memref<1x1x128xi32, #tpu.memory_space<vmem>>
        %dma_start3A_558 = tpu.memref_squeeze %dma_start3A_557 : memref<1x1x128xi32, #tpu.memory_space<vmem>> -> memref<128xi32, #tpu.memory_space<vmem>>
        %dma_start3A_559 = arith.constant 0 : i32
        %dma_start3A_560 = arith.constant 0 : i32
        %dma_start3A_561 = tpu.memref_slice %arg2[%dma_start3A_559, %dma_start3A_560] : memref<10000x128xf32, #tpu.memory_space<hbm>> -> memref<10000x128xf32, #tpu.memory_space<hbm>>
        tpu.enqueue_indirect_dma source(%dma_start3A_561 : memref<10000x128xf32, #tpu.memory_space<hbm>>) target(%arg9 : memref<128x128xf32, #tpu.memory_space<vmem>>) offsets(%dma_start3A_558 : memref<128xi32, #tpu.memory_space<vmem>>) semaphore(%arg12 : memref<!tpu.dma_semaphore, #tpu.memory_space<semaphore_mem>>)
      } else {
      }
      %scan3A_553 = arith.constant 0 : i32
      scf.yield %scan3A_553 : i32
    }
    %scan3A_156 = arith.constant 5 : i32
    %barrier3A_157 = arith.constant 0 : index
    tpu.barrier barrier_id(%barrier3A_157)
    %mul3A_158 = arith.constant 640 : i32
    %mul3A_159 = arith.muli %arg1, %mul3A_158 : i32
    "tpu.region"() ({
      %run_scoped3A = tpu.sem_alloc : memref<!tpu.dma_semaphore, #tpu.memory_space<semaphore_mem>>
      %dma_start3A_160 = arith.constant 0 : i32
      %dma_start3A_161 = tpu.memref_slice %arg5[%arg0, %mul3A_159, %dma_start3A_160] : memref<2x10240x128xf32, #tpu.memory_space<hbm>> -> memref<1x640x128xf32, #tpu.memory_space<hbm>>
      %dma_start3A_162 = tpu.memref_squeeze %dma_start3A_161 : memref<1x640x128xf32, #tpu.memory_space<hbm>> -> memref<640x128xf32, #tpu.memory_space<hbm>>
      %dma_start3A_163 = arith.constant 0 : i32
      %dma_start3A_164 = tpu.memref_slice %arg10[%mul3A_159, %dma_start3A_163] : memref<10240x128xf32, #tpu.memory_space<vmem_shared>> -> memref<640x128xf32, #tpu.memory_space<vmem_shared>>
      tpu.enqueue_dma source(%dma_start3A_164 : memref<640x128xf32, #tpu.memory_space<vmem_shared>>) target(%dma_start3A_162 : memref<640x128xf32, #tpu.memory_space<hbm>>) target_semaphore(%run_scoped3A : memref<!tpu.dma_semaphore, #tpu.memory_space<semaphore_mem>>)
      %dma_wait3A_165 = arith.constant 0 : i32
      %dma_wait3A_166 = tpu.memref_slice %arg5[%arg0, %mul3A_159, %dma_wait3A_165] : memref<2x10240x128xf32, #tpu.memory_space<hbm>> -> memref<1x640x128xf32, #tpu.memory_space<hbm>>
      %dma_wait3A_167 = tpu.memref_squeeze %dma_wait3A_166 : memref<1x640x128xf32, #tpu.memory_space<hbm>> -> memref<640x128xf32, #tpu.memory_space<hbm>>
      %dma_wait3A_168 = arith.constant 0 : i32
      %dma_wait3A_169 = tpu.memref_slice %arg10[%mul3A_159, %dma_wait3A_168] : memref<10240x128xf32, #tpu.memory_space<vmem_shared>> -> memref<640x128xf32, #tpu.memory_space<vmem_shared>>
      tpu.wait_dma2 semaphore(%run_scoped3A : memref<!tpu.dma_semaphore, #tpu.memory_space<semaphore_mem>>) src(%dma_wait3A_169 : memref<640x128xf32, #tpu.memory_space<vmem_shared>>) dst(%dma_wait3A_167 : memref<640x128xf32, #tpu.memory_space<hbm>>)
      tpu.yield
    }) : () -> ()
    return
  }
}

module attributes {stable_mosaic.version = 14 : i64} {
  func.func @body(%arg0: memref<10000x128xf32, #tpu.memory_space<vmem>>, %arg1: memref<128x128xf32, #tpu.memory_space<vmem>>, %arg2: memref<10000x128xf32, #tpu.memory_space<vmem>>) attributes {dimension_semantics = [], scalar_prefetch = 0 : i64, scratch_operands = 0 : i64, tpu.core_type = #tpu.core_type<tc>} {
    %get3A = arith.constant 0 : index
    %get3A_0 = arith.constant 0 : index
    %get3A_1 = vector.load %arg0[%get3A, %get3A_0] : memref<10000x128xf32, #tpu.memory_space<vmem>>, vector<10000x128xf32>
    %get3A_2 = arith.constant 0 : index
    %get3A_3 = arith.constant 0 : index
    %get3A_4 = vector.load %arg1[%get3A_2, %get3A_3] : memref<128x128xf32, #tpu.memory_space<vmem>>, vector<128x128xf32>
    %dot_general3A = arith.constant dense<0.000000e+00> : vector<10000x128xf32>
    %dot_general3A_5 = tpu.matmul %get3A_1, %get3A_4, %dot_general3A {dimension_numbers = #tpu.dot_dimension_numbers<[1], [0], [0], [1], [0, 0, 1, 1], [], []>, transpose_lhs_hint = false} : vector<10000x128xf32>, vector<128x128xf32>, vector<10000x128xf32> -> vector<10000x128xf32>
    %swap3A = arith.constant 0 : index
    %swap3A_6 = arith.constant 0 : index
    %swap3A_7 = vector.load %arg2[%swap3A, %swap3A_6] : memref<10000x128xf32, #tpu.memory_space<vmem>>, vector<10000x128xf32>
    tpu.vector_store %arg2[%swap3A, %swap3A_6], %dot_general3A_5 {strides = array<i32>} : memref<10000x128xf32, #tpu.memory_space<vmem>>, vector<10000x128xf32>,
    return
  }
}

module attributes {stable_mosaic.version = 14 : i64} {
  func.func @body(%arg0: memref<2x10240x128xf32, #tpu.memory_space<vmem>>, %arg1: memref<1x128xf32, #tpu.memory_space<vmem>>, %arg2: memref<10000x128xf32, #tpu.memory_space<vmem>>, %arg3: memref<1x128xf32, #tpu.memory_space<vmem>>, %arg4: memref<1x128xf32, #tpu.memory_space<vmem>>, %arg5: memref<128x128xf32, #tpu.memory_space<vmem>>, %arg6: memref<10000x128xf32, #tpu.memory_space<vmem>>, %arg7: memref<10000x128xf32, #tpu.memory_space<vmem>>) attributes {dimension_semantics = [], scalar_prefetch = 0 : i64, scratch_operands = 0 : i64, tpu.core_type = #tpu.core_type<tc>} {
    %get3A = arith.constant 0 : index
    %get3A_0 = arith.constant 0 : index
    %get3A_1 = arith.constant 0 : index
    %get3A_2 = vector.load %arg0[%get3A, %get3A_0, %get3A_1] : memref<2x10240x128xf32, #tpu.memory_space<vmem>>, vector<1x10000x128xf32>
    %get3A_3 = vector.shape_cast %get3A_2 : vector<1x10000x128xf32> to vector<10000x128xf32>
    %get3A_4 = arith.constant 1 : index
    %get3A_5 = arith.constant 0 : index
    %get3A_6 = arith.constant 0 : index
    %get3A_7 = vector.load %arg0[%get3A_4, %get3A_5, %get3A_6] : memref<2x10240x128xf32, #tpu.memory_space<vmem>>, vector<1x10000x128xf32>
    %get3A_8 = vector.shape_cast %get3A_7 : vector<1x10000x128xf32> to vector<10000x128xf32>
    %add3A = arith.addf %get3A_3, %get3A_8 : vector<10000x128xf32>
    %get3A_9 = arith.constant 0 : index
    %get3A_10 = arith.constant 0 : index
    %get3A_11 = vector.load %arg2[%get3A_9, %get3A_10] : memref<10000x128xf32, #tpu.memory_space<vmem>>, vector<10000x128xf32>
    %add3A_12 = arith.addf %add3A, %get3A_11 : vector<10000x128xf32>
    %get3A_13 = arith.constant 0 : index
    %get3A_14 = arith.constant 0 : index
    %get3A_15 = vector.load %arg1[%get3A_13, %get3A_14] : memref<1x128xf32, #tpu.memory_space<vmem>>, vector<1x128xf32>
    %add3A_16 = vector.broadcast %get3A_15 : vector<1x128xf32> to vector<10000x128xf32>
    %add3A_17 = arith.addf %add3A_12, %add3A_16 : vector<10000x128xf32>
    %reduce_sum3A = arith.constant dense<0.000000e+00> : vector<128xf32>
    %reduce_sum3A_18 = vector.multi_reduction <add>, %add3A_17, %reduce_sum3A [0] : vector<10000x128xf32> to vector<128xf32>
    %broadcast_in_dim3A = vector.shape_cast %reduce_sum3A_18 : vector<128xf32> to vector<1x128xf32>
    %div3A = arith.constant 1.000000e+04 : f32
    %div3A_19 = vector.broadcast %div3A : f32 to vector<1x128xf32>
    %div3A_20 = arith.divf %broadcast_in_dim3A, %div3A_19 : vector<1x128xf32>
    %sub3A = vector.broadcast %div3A_20 : vector<1x128xf32> to vector<10000x128xf32>
    %sub3A_21 = arith.subf %add3A_17, %sub3A : vector<10000x128xf32>
    %sub3A_22 = vector.broadcast %div3A_20 : vector<1x128xf32> to vector<10000x128xf32>
    %sub3A_23 = arith.subf %add3A_17, %sub3A_22 : vector<10000x128xf32>
    %mul3A = arith.mulf %sub3A_21, %sub3A_23 : vector<10000x128xf32>
    %reduce_sum3A_24 = arith.constant dense<0.000000e+00> : vector<128xf32>
    %reduce_sum3A_25 = vector.multi_reduction <add>, %mul3A, %reduce_sum3A_24 [0] : vector<10000x128xf32> to vector<128xf32>
    %broadcast_in_dim3A_26 = vector.shape_cast %reduce_sum3A_25 : vector<128xf32> to vector<1x128xf32>
    %div3A_27 = arith.constant 1.000000e+04 : f32
    %div3A_28 = vector.broadcast %div3A_27 : f32 to vector<1x128xf32>
    %div3A_29 = arith.divf %broadcast_in_dim3A_26, %div3A_28 : vector<1x128xf32>
    %get3A_30 = arith.constant 0 : index
    %get3A_31 = arith.constant 0 : index
    %get3A_32 = vector.load %arg3[%get3A_30, %get3A_31] : memref<1x128xf32, #tpu.memory_space<vmem>>, vector<1x128xf32>
    %sub3A_33 = vector.broadcast %div3A_20 : vector<1x128xf32> to vector<10000x128xf32>
    %sub3A_34 = arith.subf %add3A_17, %sub3A_33 : vector<10000x128xf32>
    %mul3A_35 = vector.broadcast %get3A_32 : vector<1x128xf32> to vector<10000x128xf32>
    %mul3A_36 = arith.mulf %mul3A_35, %sub3A_34 : vector<10000x128xf32>
    %add3A_37 = arith.constant 9.99999974E-6 : f32
    %add3A_38 = vector.broadcast %add3A_37 : f32 to vector<1x128xf32>
    %add3A_39 = arith.addf %div3A_29, %add3A_38 : vector<1x128xf32>
    %rsqrt3A = math.rsqrt %add3A_39 : vector<1x128xf32>
    %mul3A_40 = vector.broadcast %rsqrt3A : vector<1x128xf32> to vector<10000x128xf32>
    %mul3A_41 = arith.mulf %mul3A_36, %mul3A_40 : vector<10000x128xf32>
    %get3A_42 = arith.constant 0 : index
    %get3A_43 = arith.constant 0 : index
    %get3A_44 = vector.load %arg4[%get3A_42, %get3A_43] : memref<1x128xf32, #tpu.memory_space<vmem>>, vector<1x128xf32>
    %add3A_45 = vector.broadcast %get3A_44 : vector<1x128xf32> to vector<10000x128xf32>
    %add3A_46 = arith.addf %mul3A_41, %add3A_45 : vector<10000x128xf32>
    %gt3A = arith.constant 0.000000e+00 : f32
    %gt3A_47 = vector.broadcast %gt3A : f32 to vector<10000x128xf32>
    %gt3A_48 = arith.cmpf ogt, %add3A_46, %gt3A_47 : vector<10000x128xf32>
    %min3A = arith.constant 0.000000e+00 : f32
    %min3A_49 = vector.broadcast %min3A : f32 to vector<10000x128xf32>
    %min3A_50 = arith.minimumf %add3A_46, %min3A_49 : vector<10000x128xf32>
    %exp3A = math.exp %min3A_50 : vector<10000x128xf32>
    %sub3A_51 = arith.constant 1.000000e+00 : f32
    %sub3A_52 = vector.broadcast %sub3A_51 : f32 to vector<10000x128xf32>
    %sub3A_53 = arith.subf %exp3A, %sub3A_52 : vector<10000x128xf32>
    %select_n3A = arith.select %gt3A_48, %add3A_46, %sub3A_53 : vector<10000x128xi1>, vector<10000x128xf32>
    %swap3A = arith.constant 0 : index
    %swap3A_54 = arith.constant 0 : index
    %swap3A_55 = vector.load %arg6[%swap3A, %swap3A_54] : memref<10000x128xf32, #tpu.memory_space<vmem>>, vector<10000x128xf32>
    tpu.vector_store %arg6[%swap3A, %swap3A_54], %select_n3A {strides = array<i32>} : memref<10000x128xf32, #tpu.memory_space<vmem>>, vector<10000x128xf32>,
    %get3A_56 = arith.constant 0 : index
    %get3A_57 = arith.constant 0 : index
    %get3A_58 = vector.load %arg5[%get3A_56, %get3A_57] : memref<128x128xf32, #tpu.memory_space<vmem>>, vector<128x128xf32>
    %dot_general3A = arith.constant dense<0.000000e+00> : vector<10000x128xf32>
    %dot_general3A_59 = tpu.matmul %select_n3A, %get3A_58, %dot_general3A {dimension_numbers = #tpu.dot_dimension_numbers<[1], [0], [0], [1], [0, 0, 1, 1], [], []>, transpose_lhs_hint = false} : vector<10000x128xf32>, vector<128x128xf32>, vector<10000x128xf32> -> vector<10000x128xf32>
    %swap3A_60 = arith.constant 0 : index
    %swap3A_61 = arith.constant 0 : index
    %swap3A_62 = vector.load %arg7[%swap3A_60, %swap3A_61] : memref<10000x128xf32, #tpu.memory_space<vmem>>, vector<10000x128xf32>
    tpu.vector_store %arg7[%swap3A_60, %swap3A_61], %dot_general3A_59 {strides = array<i32>} : memref<10000x128xf32, #tpu.memory_space<vmem>>, vector<10000x128xf32>,
    return
  }
}

module attributes {stable_mosaic.version = 14 : i64} {
  func.func @body(%arg0: memref<2x10240x128xf32, #tpu.memory_space<vmem>>, %arg1: memref<1x128xf32, #tpu.memory_space<vmem>>, %arg2: memref<10000x128xf32, #tpu.memory_space<vmem>>, %arg3: memref<10000x128xf32, #tpu.memory_space<vmem>>) attributes {dimension_semantics = [], scalar_prefetch = 0 : i64, scratch_operands = 0 : i64, tpu.core_type = #tpu.core_type<tc>} {
    %get3A = arith.constant 0 : index
    %get3A_0 = arith.constant 0 : index
    %get3A_1 = arith.constant 0 : index
    %get3A_2 = vector.load %arg0[%get3A, %get3A_0, %get3A_1] : memref<2x10240x128xf32, #tpu.memory_space<vmem>>, vector<1x10000x128xf32>
    %get3A_3 = vector.shape_cast %get3A_2 : vector<1x10000x128xf32> to vector<10000x128xf32>
    %get3A_4 = arith.constant 1 : index
    %get3A_5 = arith.constant 0 : index
    %get3A_6 = arith.constant 0 : index
    %get3A_7 = vector.load %arg0[%get3A_4, %get3A_5, %get3A_6] : memref<2x10240x128xf32, #tpu.memory_space<vmem>>, vector<1x10000x128xf32>
    %get3A_8 = vector.shape_cast %get3A_7 : vector<1x10000x128xf32> to vector<10000x128xf32>
    %add3A = arith.addf %get3A_3, %get3A_8 : vector<10000x128xf32>
    %get3A_9 = arith.constant 0 : index
    %get3A_10 = arith.constant 0 : index
    %get3A_11 = vector.load %arg1[%get3A_9, %get3A_10] : memref<1x128xf32, #tpu.memory_space<vmem>>, vector<1x128xf32>
    %add3A_12 = vector.broadcast %get3A_11 : vector<1x128xf32> to vector<10000x128xf32>
    %add3A_13 = arith.addf %add3A, %add3A_12 : vector<10000x128xf32>
    %get3A_14 = arith.constant 0 : index
    %get3A_15 = arith.constant 0 : index
    %get3A_16 = vector.load %arg2[%get3A_14, %get3A_15] : memref<10000x128xf32, #tpu.memory_space<vmem>>, vector<10000x128xf32>
    %add3A_17 = arith.addf %add3A_13, %get3A_16 : vector<10000x128xf32>
    %swap3A = arith.constant 0 : index
    %swap3A_18 = arith.constant 0 : index
    %swap3A_19 = vector.load %arg3[%swap3A, %swap3A_18] : memref<10000x128xf32, #tpu.memory_space<vmem>>, vector<10000x128xf32>
    tpu.vector_store %arg3[%swap3A, %swap3A_18], %add3A_17 {strides = array<i32>} : memref<10000x128xf32, #tpu.memory_space<vmem>>, vector<10000x128xf32>,
    return
  }
}

</mosaic_0001>

<sc_bundles>
// kernel: kernel.10.cloned.1.call-start
scs
__scs_entry_jumppad:
0x0: {  	(pc) =	sbr.rel $0x88, $3  }
0x1: {  	(tag) =	ssettag $0x0;
	lr =	simm.s32 $0x1  }
0x2: {  	[smem:$0x3F99] =	sst lr;
	_ =	strace $0xD0000000  }
0x3: {  	_ = 	snop  }
0x4: {  	_ = 	snop  }
0x5: {  	_ = 	snop  }
0x6: {  	_ = 	snop  }
0x7: {  	_ = 	snop  }
__scs_overlays_trampoline_lowered:
0x8: {  	[smem:$0x3FA8] =	sst s0  }
0x9: {  	[smem:$0x3FA9] =	sst s1  }
0xa: {  	[smem:$0x3FAA] =	sst s2  }
0xb: {  	[smem:$0x3FAB] =	sst s3  }
0xc: {  	[smem:$0x3FAC] =	sst s4  }
0xd: {  	[smem:$0x3FAD] =	sst s5  }
0xe: {  	[smem:$0x3FAE] =	sst s6  }
0xf: {  	[smem:$0x3FAF] =	sst s7  }
0x10: {  	[smem:$0x3FB0] =	sst s8  }
0x11: {  	[smem:$0x3FB1] =	sst s9;
	s0 =	simm.s32 @!p0 $0x0  }
0x12: {  	s1 =	sld [smem:$0x3F97];
	s0 =	simm.s32 @p0 $0x1  }
0x13: {  	[smem:$0x3FB2] =	sst s0;
	s0 =	simm.s32 @!p1 $0x0  }
0x14: {  	s2 =	sld [smem:$0x3F96];
	s0 =	simm.s32 @p1 $0x1  }
0x15: {  	[smem:$0x3FB3] =	sst s0;
	s0 =	simm.s32 @!p2 $0x0  }
0x16: {  	s3 =	sld [smem:$0x3FDB];
	s0 =	simm.s32 @p2 $0x1  }
0x17: {  	s4 =	simm.s32 $0x1BF5;
	[smem:$0x3FB5] =	sst s0  }
0x18: {  	s0 =	sld [smem:$0x3F98];
	_ =	swait.ge [sflag:s4], $0x0  }
0x19: {  	s7 =	sld [smem:$0x3F99]  }
0x1a: {  	s8 =	sadd.s32 $0xFFFFE003, lr  }
0x1b: {  	s9 =	sadd.s32 $0xFFFFFEF7, lr;
	s5 =	simm.s32 $0xFFFFFFFF;
	p2 =	slt.u32 s8, $0xFFFFF086  }
0x1c: {  	p1 =	slt.u32 s9, $0xF7A;
	s5 =	simm.s32 @!p2 $0x0  }
0x1d: {  	s5 =	simm.s32 @p1 $0x1;
	p0 =	seq.s32 s7, s2  }
0x1e: {  	s7 =	smul.u32 @!p0 $0xF7A, s2;
	p2 =	seq.s32 @!p0 s5, $0x0  }
0x1f: {  	s9 =	smul.u32 $0xF7A, s1;
	s8 =	simm.s32 @!p0 $0x1BF5;
	p2 =	por !p2, p0  }
0x20: {  	[sflag:s8] =	ssyncset.s32 @!p0 $0xFFFFF086;
	s6 =	sadd.s32 @!p0 s3, s7;
	s7 =	simm.s32 @!p0 $0x108  }
0x21: {  	s3 =	sadd.s32 s3, s9;
	s6 =	sadd.s32 @!p0 $0x88, s6;
	s7 =	simm.s32 @p2 $0x1082  }
0x22: {  	[simem:s7], [sflag:s8] =	dma.local @!p0 [hbm:s6], $0xF7A  }
0x23: {  	s9 =	sor.u32 $0xD0000000, s2;
	s6 =	simm.s32 $0x108;
	_ =	swait.ge @!p0 [sflag:s8], $0x0  }
0x24: {  	s3 =	sadd.s32 $0x88, s3;
	s6 =	simm.s32 @!p1 $0x1082;
	[sflag:s4] =	ssyncset.s32 $0xFFFFF086  }
0x25: {  	[simem:s6], [sflag:s4] =	dma.local [hbm:s3], $0xF7A  }
0x26: {  	[smem:$0x3F99] =	sst s1;
	(tag) =	ssettag s2;
	_ =	strace s9  }
0x27: {  	s1 =	sld [smem:$0x3FA9]  }
0x28: {  	s2 =	sld [smem:$0x3FAA]  }
0x29: {  	s4 =	sld [smem:$0x3FAC]  }
0x2a: {  	p0 =	seq.s32 s5, $0x0;
	s5 =	sld [smem:$0x3FAD]  }
0x2b: {  	s6 =	sld [smem:$0x3FAE]  }
0x2c: {  	s7 =	sld [smem:$0x3FAF]  }
0x2d: {  	s3 =	simm.s32 $0x108;
	s8 =	sld [smem:$0x3FB0]  }
0x2e: {  	s3 =	simm.s32 @!p0 $0x1082;
	s9 =	sld [smem:$0x3FB1]  }
0x2f: {  	lr =	sadd.s32 s0, s3;
	s0 =	sld [smem:$0x3FA8]  }
0x30: {  	s3 =	sld [smem:$0x3FAB]  }
0x31: {  	[smem:$0x3FB4] =	sst s10  }
0x32: {  	s10 =	sld [smem:$0x3FB2];
	_ =	sdelay $0x3  }
0x33: {  	p0 =	seq.s32 s10, $0x1;
	s10 =	sld [smem:$0x3FB4];
	_ =	sdelay $0x3  }
0x34: {  	[smem:$0x3FB4] =	sst s10  }
0x35: {  	s10 =	sld [smem:$0x3FB3];
	_ =	sdelay $0x3  }
0x36: {  	p1 =	seq.s32 s10, $0x1;
	s10 =	sld [smem:$0x3FB4];
	_ =	sdelay $0x3  }
0x37: {  	[smem:$0x3FB4] =	sst s10  }
0x38: {  	s10 =	sld [smem:$0x3FB5]  }
0x39: {  	_ = 	snop;
	(pc) =	sbr.ind lr, $3  }
0x3a: {  	_ = 	snop  }
0x3b: {  	_ = 	snop  }
0x3c: {  	p2 =	seq.s32 s10, $0x1;
	s10 =	sld [smem:$0x3FB4]  }
0x3d: {  	_ =	shalt  }
0x3e: {  	_ =	shalt  }
0x3f: {  	_ =	shalt  }
0x40: {  	_ =	shalt  }
0x41: {  	_ =	shalt  }
0x42: {  	_ =	shalt  }
0x43: {  	_ =	shalt  }
0x44: {  	_ =	shalt  }
0x45: {  	_ =	shalt  }
0x46: {  	_ =	shalt  }
0x47: {  	_ =	shalt  }
0x48: {  	_ =	shalt  }
0x49: {  	_ =	shalt  }
0x4a: {  	_ =	shalt  }
0x4b: {  	_ =	shalt  }
0x4c: {  	_ =	shalt  }
0x4d: {  	_ =	shalt  }
0x4e: {  	_ =	shalt  }
0x4f: {  	_ =	shalt  }
0x50: {  	_ =	shalt  }
0x51: {  	_ =	shalt  }
0x52: {  	_ =	shalt  }
0x53: {  	_ =	shalt  }
0x54: {  	_ =	shalt  }
0x55: {  	_ =	shalt  }
0x56: {  	_ =	shalt  }
0x57: {  	_ =	shalt  }
0x58: {  	_ =	shalt  }
0x59: {  	_ =	shalt  }
0x5a: {  	_ =	shalt  }
0x5b: {  	_ =	shalt  }
0x5c: {  	_ =	shalt  }
0x5d: {  	_ =	shalt  }
0x5e: {  	_ =	shalt  }
0x5f: {  	_ =	shalt  }
0x60: {  	_ =	shalt  }
0x61: {  	_ =	shalt  }
0x62: {  	_ =	shalt  }
0x63: {  	_ =	shalt  }
0x64: {  	_ =	shalt  }
0x65: {  	_ =	shalt  }
0x66: {  	_ =	shalt  }
0x67: {  	_ =	shalt  }
0x68: {  	_ =	shalt  }
0x69: {  	_ =	shalt  }
0x6a: {  	_ =	shalt  }
0x6b: {  	_ =	shalt  }
0x6c: {  	_ =	shalt  }
0x6d: {  	_ =	shalt  }
0x6e: {  	_ =	shalt  }
0x6f: {  	_ =	shalt  }
0x70: {  	_ =	shalt  }
0x71: {  	_ =	shalt  }
0x72: {  	_ =	shalt  }
0x73: {  	_ =	shalt  }
0x74: {  	_ =	shalt  }
0x75: {  	_ =	shalt  }
0x76: {  	_ =	shalt  }
0x77: {  	_ =	shalt  }
0x78: {  	_ =	shalt  }
0x79: {  	_ =	shalt  }
0x7a: {  	_ =	shalt  }
0x7b: {  	_ =	shalt  }
0x7c: {  	_ =	shalt  }
0x7d: {  	_ =	shalt  }
0x7e: {  	_ =	shalt  }
0x7f: {  	_ =	shalt  }
0x80: {  	_ =	shalt  }
0x81: {  	_ =	shalt  }
0x82: {  	_ =	shalt  }
0x83: {  	_ =	shalt  }
0x84: {  	_ =	shalt  }
0x85: {  	_ =	shalt  }
0x86: {  	_ =	shalt  }
0x87: {  	_ =	shalt  }
.Lfunc_end0:
.L_simem_size_0:
called_computation.1_lowered:
.L_overlay_start_0:
0x88: {  	s2 =	sld [smem:$0x3FD9]  }
0x89: {  	s3 =	sld [smem:$0x3FFE];
	_ =	sdelay $0x1  }
0x8a: {  	s1 =	srdreg.scid  }
0x8b: {  	s0 =	sand.u32 $0x1, s1  }
0x8c: {  	s14 =	sshll.u32 s0, $0xA;
	s2 =	sadd.s32 s3, s2  }
0x8d: {  	s2 =	sadd.s32 s2, s14  }
0x8e: {  	[smem:$0x3FC0] =	sst s2  }
0x8f: {  	_ = 	snop  }
0x90: {  	s2 =	sld [smem:$0x3FD0];
	_ =	sdelay $0x2  }
0x91: {  	s15 =	simm.s32 $0xA;
	s4 =	simm.s32 $0x10  }
0x92: {  	[smem:s4], [sflag:s15] =	dma.local [hbm:s2], $0x1  }
0x93: {  	_ =	swait.eq [sflag:s15], $0x1  }
0x94: {  	[sflag:s15] =	ssyncset.done $0x0  }
0x95: {  	[sflag:s15] =	ssyncadd.s32 $0xFFFFFFFF  }
0x96: {  	s16 =	sld [smem:$0x11];
	(tm) =	ssettm $0x1  }
0x97: {  	s17 =	sld [smem:$0x3FFB];
	_ =	sdelay $0x3  }
0x98: {  	_ =	strace s17  }
0x99: {  	s3 =	sld [smem:$0x3FFC];
	_ =	sdelay $0x3  }
0x9a: {  	_ =	strace s3  }
0x9b: {  	s3 =	sld [smem:$0x3FFD];
	_ =	sdelay $0x3  }
0x9c: {  	_ =	strace s3  }
0x9d: {  	_ =	strace $0x8FFFFFFF  }
0x9e: {  	s18 =	sld [smem:$0x3FDB];
	_ =	sdelay $0x1  }
0x9f: {  	s19 =	simm.s32 $_scs_section_size  }
0xa0: {  	s5 =	simm.s32 $_size__tile_overlayer_lowered;
	s6 =	simm.s32 $_tile_overlayer_lowered  }
0xa1: {  	s22 =	simm.s32 $0x1BFF;
	s21 =	sshll.u32 s6, $0x1;
	s3 =	sadd.s32 s19, s18  }
0xa2: {  	s7 =	simm.s32 $0x0;
	s20 =	sshll.u32 s5, $0x1;
	s5 =	sadd.s32 s21, s3  }
0xa3: {  	[timem:s7], [sflag:s22] =	dma.local [hbm:s5], s20  }
0xa4: {  	_ =	swait.ge [sflag:s22], s20  }
0xa5: {  	s4 =	ssub.s32 $0x0, s20;
	[sflag:s22] =	ssyncset.done $0x0  }
0xa6: {  	[sflag:s22] =	ssyncadd.s32 s4;
	_ =	sdelay $0x1  }
0xa7: {  	s23 =	simm.s32 $0x1B8B  }
0xa8: {  	_ =	swait.ge [sflag:s23], $0x1  }
0xa9: {  	[sflag:s23] =	ssyncset.done $0x0  }
0xaa: {  	s25 =	simm.s32 $0x1B8E;
	s24 =	sld [smem:$0x3FFE];
	[sflag:s23] =	ssyncadd.s32 $0xFFFFFFFF  }
0xab: {  	s26 =	simm.s32 $execute0_lowered;
	[smem:$0x3FD2] =	sst s25  }
0xac: {  	s5 =	sshll.u32 s26, $0x1;
	_ =	strace $0x80000049;
	[dreg:$0x1] =	wrdreg $0xFFFFFFFF  }
0xad: {  	s28 =	simm.s32 $_size_execute0_lowered;
	s3 =	sadd.s32 s3, s5;
	[dreg:$0x0] =	wrdreg $0x0  }
0xae: {  	s5 =	sshll.u32 s28, $0x1;
	[dreg:$0x2] =	wrdreg s3  }
0xaf: {  	[dreg:$0x3] =	wrdreg s5  }
0xb0: {  	[dreg:$0x4] =	wrdreg $0xC0  }
0xb1: {  	_ =	task [dreg:s7], $0x5FFFF  }
0xb2: {  	[dreg:$0x1] =	wrdreg $0xFFFFFFFF  }
0xb3: {  	[dreg:$0x0] =	wrdreg $0x60  }
0xb4: {  	[dreg:$0x2] =	wrdreg s16  }
0xb5: {  	[dreg:$0x3] =	wrdreg s24  }
0xb6: {  	[dreg:$0x4] =	wrdreg $0x90000  }
0xb7: {  	[dreg:$0x5] =	wrdreg $0x9  }
0xb8: {  	_ =	task.clear_ibuf [dreg:s7], $0x6FFFF;
	_ =	strace $0x90000049  }
0xb9: {  	s29 =	simm.s32 $0x9;
	_ =	strace $0x8000004B  }
0xba: {  	_ =	swait.ge [sflag:s29], $0x1  }
0xbb: {  	[sflag:s29] =	ssyncadd.s32 $0xFFFFFFFF  }
0xbc: {  	_ =	strace $0x9000004B  }
0xbd: {  	_ =	sfence  }
0xbe: {  	s30 =	sld [smem:$0x0];
	_ =	sdelay $0x2  }
0xbf: {  	s31 =	sshll.u32 s1, $0xD;
	s1 =	sshrl.u32 s1, $0x2  }
0xc0: {  	s3 =	sand.u32 $0x4000, s31;
	s1 =	sadd.s32 s1, s30  }
0xc1: {  	s0 =	sor.u32 s3, s0;
	s1 =	sshll.u32 s1, $0x11  }
0xc2: {  	s0 =	sor.u32 s1, s0  }
0xc3: {  	s0 =	sadd.s32 $0x8F2B, s0  }
0xc4: {  	[sflag:s0] =	ssyncadd.remote.s32 $0x1  }
0xc5: {  	_ =	sfence.sel $0xFFFF  }
0xc6: {  	[dreg:$0x0] =	wrdreg $0xFFFFFFFF;
	(pc) =	sbr.abs _section_cstart, $3  }
0xc7: {  	[dreg:$0x1] =	wrdreg $0xFFFFFFFF  }
0xc8: {  	_ =	task.clear_ibuf [dreg:s7], $0x2FFFF;
	_ =	strace $0x9FFFFFFF  }
0xc9: {  	(tm) =	ssettm $0x7FFFFFFF  }
tec
execute0_lowered:
.L_overlay_start_1:
0x0: {  	(tag) =	ssettag $0x1  }
0x1: {  	s1 =	rddreg [dreg:$0x0]  }
0x2: {  	s0 =	rddreg [dreg:$0x1]  }
0x3: {  	s2 =	rddreg [dreg:$0x2];
	s3 =	srdreg.scid;
	s4 =	simm.s32 $0x0  }
0x4: {  	s11 =	stileid.u32;
	s26 =	simm.s32 $0x100;
	[smem:$0x7FF] =	sst s4  }
0x5: {  	s13 =	simm.s32 $0x180;
	_ =	strace $0x8000004A;
	[dreg:$0x5] =	wrdreg s26  }
0x6: {  	s14 =	simm.s32 $0x900;
	s16 =	simm.s32 $0x200;
	[dreg:$0x7] =	wrdreg s13  }
0x7: {  	s17 =	simm.s32 $0x980;
	s19 =	simm.s32 $0x280;
	[dreg:$0x8] =	wrdreg s14  }
0x8: {  	s21 =	simm.s32 $0xA00;
	s23 =	simm.s32 $0x300;
	[dreg:$0x9] =	wrdreg s16  }
0x9: {  	s28 =	simm.s32 $0x5;
	s29 =	simm.s32 $0x2;
	[dreg:$0xa] =	wrdreg s17  }
0xa: {  	s30 =	simm.s32 $0x0;
	s3 =	sand.u32 $0x1, s3;
	[dreg:$0xb] =	wrdreg s19  }
0xb: {  	s7 =	smul.u32 $0x14000, s11;
	s8 =	sshll.u32 s11, $0x1;
	[dreg:$0xc] =	wrdreg s21  }
0xc: {  	s5 =	sadd.s32 $0xD200, s0;
	[dreg:$0xd] =	wrdreg s23;
	s26 =	simm.s32 $0x380  }
0xd: {  	s12 =	smul.u32 $0x50000, s11;
	s13 =	simm.s32 $0x500;
	[dreg:$0xf] =	wrdreg s26  }
0xe: {  	s6 =	smul.u32 $0x140000, s3;
	s16 =	simm.s32 $0xC80;
	[dreg:$0x13] =	wrdreg s13  }
0xf: {  	s8 =	sor.u32 s3, s8;
	s19 =	simm.s32 $0xD00;
	[dreg:$0x14] =	wrdreg s16  }
0x10: {  	s9 =	ssub.s32 $0x2, s3;
	s21 =	simm.s32 $0xD80;
	[dreg:$0x16] =	wrdreg s19  }
0x11: {  	s23 =	simm.s32 $0xE00;
	s8 =	smul.u32 $0x2800, s8;
	[dreg:$0x18] =	wrdreg s21  }
0x12: {  	s15 =	sshrl.u32 s12, $0x2;
	s12 =	simm.s32 $0x480;
	[dreg:$0x1a] =	wrdreg s23  }
0x13: {  	s10 =	sshrl.u32 s9, $0x1;
	s26 =	simm.s32 $0x780;
	[dreg:$0x12] =	wrdreg s12  }
0x14: {  	s7 =	sadd.s32 s7, s6;
	s6 =	sadd.s32 $0x3200, s0;
	[dreg:$0x1d] =	wrdreg s26  }
0x15: {  	s7 =	sshrl.u32 s7, $0x3;
	s25 =	sadd.s32 $0x800, s8;
	s8 =	sshrl.u32 s8, $0x3  }
0x16: {  	s0 =	sadd.s32 s7, s0;
	[dreg:$0x4] =	wrdreg s25;
	s31 =	sadd.s32 s5, s8  }
0x17: {  	s7 =	ssub.s32 s9, s10;
	s10 =	simm.s32 $0x880;
	[dreg:$0x1f] =	wrdreg s31  }
0x18: {  	s3 =	smul.u32 $0x2800, s3;
	s8 =	sadd.s32 s6, s8;
	[dreg:$0x6] =	wrdreg s10  }
0x19: {  	s9 =	sadd.s32 s15, s2;
	s25 =	simm.s32 $0xA80;
	[smem:$0x7F9] =	sst s8  }
0x1a: {  	s19 =	simm.s32 $0x1000;
	s18 =	sadd.s32 $0x4000, s9;
	[dreg:$0xe] =	wrdreg s25  }
0x1b: {  	s21 =	simm.s32 $0x3;
	s20 =	sadd.s32 $0x8000, s9;
	[smem:$0x7FA] =	sst s18  }
0x1c: {  	s23 =	simm.s32 $0x5000;
	s22 =	sadd.s32 $0xC000, s9;
	[smem:$0x7FB] =	sst s20  }
0x1d: {  	s26 =	simm.s32 $0x1;
	s24 =	sadd.s32 $0x10000, s9;
	[smem:$0x7FC] =	sst s22  }
0x1e: {  	s14 =	sadd.s32 $0x17200, s0;
	s10 =	simm.s32 $0xB00;
	[smem:$0x7FD] =	sst s24  }
0x1f: {  	s31 =	smul.u32 $0x5000, s11;
	s11 =	simm.s32 $0xB80;
	[dreg:$0x10] =	wrdreg s10  }
0x20: {  	s15 =	smax.u32 s7, $0x1;
	s25 =	simm.s32 $0xE80;
	[dreg:$0x11] =	wrdreg s11  }
0x21: {  	s18 =	simm.s32 $0x580;
	s20 =	simm.s32 $0x600;
	[dreg:$0x1c] =	wrdreg s25  }
0x22: {  	s22 =	simm.s32 $0x680;
	s24 =	simm.s32 $0x700;
	[dreg:$0x15] =	wrdreg s18  }
0x23: {  	s25 =	simm.s32 $0xC00;
	s3 =	sadd.s32 s3, s31;
	[dreg:$0x17] =	wrdreg s20  }
0x24: {  	s18 =	simm.s32 $0x800;
	s20 =	simm.s32 $0x4;
	[dreg:$0x19] =	wrdreg s22  }
0x25: {  	s22 =	simm.s32 $0x80;
	[dreg:$0x1b] =	wrdreg s24;
	s3 =	sor.u32 $0x400, s3  }
0x26: {  	s24 =	simm.s32 $0x400;
	s31 =	simm.s32 $0xF00;
	s17 =	sshrl.u32 s3, $0x3  }
0x27: {  	v0 =	vimm.f32 $0.0e+00;
	[dreg:$0x1e] =	wrdreg s31;
	s3 =	sadd.s32 s17, s6;
	s17 =	sadd.s32 s17, s5  }
.LBB2_1:
0x28: {  	s0 =	rddreg [dreg:$0x1f]  }
0x29: {  	s31 =	sld [smem:$0x7F9]  }
0x2a: {  	[tilespmem:s4], [sflag:$0x3] =	stream.linear.gather [hbm4b:s0+s4], $0x400, $0x38;
	[tilespmem:$0x1D000] =	vst v63  }
0x2b: {  	s7 =	simm.s32 $0x200;
	s0 =	simm.s32 $0x0  }
0x2c: {  	[tilespmem:s18], [sflag:$0x3] =	stream.linear.gather [hbm4b:s31+s4], $0x400, $0x38;
	[tilespmem:$0x1D000] =	vst v63  }
.LBB2_2:
0x2d: {  	p0 =	sne.s32 s7, $0xFE00;
	[tilespmem:s0+$0x1070] =	vst v0  }
0x2e: {  	[tilespmem:s0+$0x1000] =	vst v0  }
0x2f: {  	[tilespmem:s0+$0x1010] =	vst v0  }
.Ltmp0:
0x30: {  	[tilespmem:s0+$0x1020] =	vst v0;
	(pc) =	sbr.rel @p0 .LBB2_2-.Ltmp0, $4  }
0x31: {  	[tilespmem:s0+$0x1030] =	vst v0  }
0x32: {  	[tilespmem:s0+$0x1040] =	vst v0  }
0x33: {  	[tilespmem:s0+$0x1050] =	vst v0  }
0x34: {  	[tilespmem:s0+$0x1060] =	vst v0;
	s0 =	sshra.s32 s7, $0x2;
	s7 =	sadd.s32 $0x200, s7  }
0x35: {  	[tilespmem:s0+$0x1070] =	vst v0  }
0x36: {  	[tilespmem:s0+$0x1000] =	vst v0  }
0x37: {  	[tilespmem:s0+$0x1010] =	vst v0  }
0x38: {  	[tilespmem:s0+$0x1020] =	vst v0  }
0x39: {  	[tilespmem:s0+$0x1030] =	vst v0  }
0x3a: {  	[tilespmem:s0+$0x1040] =	vst v0  }
0x3b: {  	[tilespmem:s0+$0x1050] =	vst v0  }
0x3c: {  	[tilespmem:s0+$0x1060] =	vst v0;
	s11 =	sld [smem:$0x7FA]  }
0x3d: {  	[spmem:s9] =	stream.linear.scatter [tilespmem:s19], [sflag:$0x4], $0x4000, $0x38;
	[tilespmem:$0x1D000] =	vst v63  }
0x3e: {  	s12 =	sld [smem:$0x7FB]  }
0x3f: {  	[spmem:s11] =	stream.linear.scatter [tilespmem:s19], [sflag:$0x4], $0x4000, $0x38;
	[tilespmem:$0x1D000] =	vst v63  }
0x40: {  	s13 =	sld [smem:$0x7FC]  }
0x41: {  	[spmem:s12] =	stream.linear.scatter [tilespmem:s19], [sflag:$0x4], $0x4000, $0x38;
	[tilespmem:$0x1D000] =	vst v63  }
0x42: {  	s16 =	sld [smem:$0x7FD]  }
0x43: {  	[spmem:s13] =	stream.linear.scatter [tilespmem:s19], [sflag:$0x4], $0x4000, $0x38;
	[tilespmem:$0x1D000] =	vst v63  }
0x44: {  	_ = 	snop  }
0x45: {  	[spmem:s16] =	stream.linear.scatter [tilespmem:s19], [sflag:$0x4], $0x4000, $0x38;
	[tilespmem:$0x1D000] =	vst v63  }
0x46: {  	_ =	swait.ge [sflag:s20], $0x4000  }
0x47: {  	[sflag:s20] =	ssyncset.done $0x0  }
0x48: {  	[sflag:s20] =	ssyncadd.s32 $0xFFFFC000  }
0x49: {  	_ =	swait.ge [sflag:s20], $0x4000  }
0x4a: {  	[sflag:s20] =	ssyncset.done $0x0  }
0x4b: {  	[sflag:s20] =	ssyncadd.s32 $0xFFFFC000  }
0x4c: {  	_ =	swait.ge [sflag:s20], $0x4000  }
0x4d: {  	[sflag:s20] =	ssyncset.done $0x0  }
0x4e: {  	[sflag:s20] =	ssyncadd.s32 $0xFFFFC000  }
0x4f: {  	_ =	swait.ge [sflag:s20], $0x4000  }
0x50: {  	[sflag:s20] =	ssyncset.done $0x0  }
0x51: {  	[sflag:s20] =	ssyncadd.s32 $0xFFFFC000  }
0x52: {  	_ =	swait.ge [sflag:s20], $0x4000  }
0x53: {  	[sflag:s20] =	ssyncset.done $0x0  }
0x54: {  	[sflag:s20] =	ssyncadd.s32 $0xFFFFC000  }
0x55: {  	_ =	swait.ge [sflag:s21], $0x400  }
0x56: {  	[sflag:s21] =	ssyncset.done $0x0  }
0x57: {  	[sflag:s21] =	ssyncadd.s32 $0xFFFFFC00  }
0x58: {  	_ =	swait.ge [sflag:s21], $0x400  }
0x59: {  	[sflag:s21] =	ssyncset.done $0x0  }
0x5a: {  	[sflag:s21] =	ssyncadd.s32 $0xFFFFFC00  }
0x5b: {  	[tilespmem:s19], [sflag:$0x1] =	stream.indirect.gather [hbm4b:s1+s22], $0x80, s4, s22, $0xb8;
	[tilespmem:$0x1D000] =	vst v63  }
0x5c: {  	_ = 	snop  }
0x5d: {  	[tilespmem:s23], [sflag:$0x2] =	stream.indirect.gather [hbm4b:s1+s22], $0x80, s22, s22, $0xb8;
	[tilespmem:$0x1D000] =	vst v63  }
0x5e: {  	[bflag:$0x0] =	sbarrier.arrive $0xFFFF  }
0x5f: {  	[tilespmem:s24], [sflag:$0x4] =	stream.linear.gather [hbm4b:s17+s4], $0x400, $0x38;
	[tilespmem:$0x1D000] =	vst v63  }
0x60: {  	_ = 	snop  }
0x61: {  	[tilespmem:s25], [sflag:$0x4] =	stream.linear.gather [hbm4b:s3+s4], $0x400, $0x38;
	[tilespmem:$0x1D000] =	vst v63  }
0x62: {  	_ =	swait.ge [sflag:s26], $0x4000  }
0x63: {  	[sflag:s26] =	ssyncset.done $0x0  }
0x64: {  	[sflag:s26] =	ssyncadd.s32 $0xFFFFC000  }
0x65: {  	[spmem:s2] =	stream.indirect.scatter.add.f32 [tilespmem:s19], [sflag:$0x5], $0x80, s18, s22, $0xb8;
	[tilespmem:$0x1D000] =	vst v63  }
0x66: {  	_ =	swait.ge [sflag:s28], $0x4000  }
0x67: {  	[sflag:s28] =	ssyncset.done $0x0  }
0x68: {  	s7 =	rddreg [dreg:$0x5];
	[sflag:s28] =	ssyncadd.s32 $0xFFFFC000  }
0x69: {  	[tilespmem:s19], [sflag:$0x1] =	stream.indirect.gather [hbm4b:s1+s22], $0x80, s7, s22, $0xb8;
	[tilespmem:$0x1D000] =	vst v63  }
0x6a: {  	_ =	swait.ge [sflag:s29], $0x4000  }
0x6b: {  	[sflag:s29] =	ssyncset.done $0x0  }
0x6c: {  	s8 =	rddreg [dreg:$0x6];
	[sflag:s29] =	ssyncadd.s32 $0xFFFFC000  }
0x6d: {  	[spmem:s2] =	stream.indirect.scatter.add.f32 [tilespmem:s23], [sflag:$0x5], $0x80, s8, s22, $0xb8;
	[tilespmem:$0x1D000] =	vst v63  }
0x6e: {  	_ =	swait.ge [sflag:s28], $0x4000  }
0x6f: {  	[sflag:s28] =	ssyncset.done $0x0  }
0x70: {  	s10 =	rddreg [dreg:$0x7];
	[sflag:s28] =	ssyncadd.s32 $0xFFFFC000  }
0x71: {  	[tilespmem:s23], [sflag:$0x2] =	stream.indirect.gather [hbm4b:s1+s22], $0x80, s10, s22, $0xb8;
	[tilespmem:$0x1D000] =	vst v63  }
0x72: {  	_ =	swait.ge [sflag:s26], $0x4000  }
0x73: {  	[sflag:s26] =	ssyncset.done $0x0  }
0x74: {  	s11 =	rddreg [dreg:$0x8];
	[sflag:s26] =	ssyncadd.s32 $0xFFFFC000  }
0x75: {  	[spmem:s2] =	stream.indirect.scatter.add.f32 [tilespmem:s19], [sflag:$0x5], $0x80, s11, s22, $0xb8;
	[tilespmem:$0x1D000] =	vst v63  }
0x76: {  	_ =	swait.ge [sflag:s28], $0x4000  }
0x77: {  	[sflag:s28] =	ssyncset.done $0x0  }
0x78: {  	s12 =	rddreg [dreg:$0x9];
	[sflag:s28] =	ssyncadd.s32 $0xFFFFC000  }
0x79: {  	[tilespmem:s19], [sflag:$0x1] =	stream.indirect.gather [hbm4b:s1+s22], $0x80, s12, s22, $0xb8;
	[tilespmem:$0x1D000] =	vst v63  }
0x7a: {  	_ =	swait.ge [sflag:s29], $0x4000  }
0x7b: {  	[sflag:s29] =	ssyncset.done $0x0  }
0x7c: {  	s13 =	rddreg [dreg:$0xa];
	[sflag:s29] =	ssyncadd.s32 $0xFFFFC000  }
0x7d: {  	[spmem:s2] =	stream.indirect.scatter.add.f32 [tilespmem:s23], [sflag:$0x5], $0x80, s13, s22, $0xb8;
	[tilespmem:$0x1D000] =	vst v63  }
0x7e: {  	_ =	swait.ge [sflag:s28], $0x4000  }
0x7f: {  	[sflag:s28] =	ssyncset.done $0x0  }
0x80: {  	s16 =	rddreg [dreg:$0xb];
	[sflag:s28] =	ssyncadd.s32 $0xFFFFC000  }
0x81: {  	[tilespmem:s23], [sflag:$0x2] =	stream.indirect.gather [hbm4b:s1+s22], $0x80, s16, s22, $0xb8;
	[tilespmem:$0x1D000] =	vst v63  }
0x82: {  	_ =	swait.ge [sflag:s26], $0x4000  }
0x83: {  	[sflag:s26] =	ssyncset.done $0x0  }
0x84: {  	s7 =	rddreg [dreg:$0xc];
	[sflag:s26] =	ssyncadd.s32 $0xFFFFC000  }
0x85: {  	[spmem:s2] =	stream.indirect.scatter.add.f32 [tilespmem:s19], [sflag:$0x5], $0x80, s7, s22, $0xb8;
	[tilespmem:$0x1D000] =	vst v63  }
0x86: {  	_ =	swait.ge [sflag:s28], $0x4000  }
0x87: {  	[sflag:s28] =	ssyncset.done $0x0  }
0x88: {  	s8 =	rddreg [dreg:$0xd];
	[sflag:s28] =	ssyncadd.s32 $0xFFFFC000  }
0x89: {  	[tilespmem:s19], [sflag:$0x1] =	stream.indirect.gather [hbm4b:s1+s22], $0x80, s8, s22, $0xb8;
	[tilespmem:$0x1D000] =	vst v63  }
0x8a: {  	_ =	swait.ge [sflag:s29], $0x4000  }
0x8b: {  	[sflag:s29] =	ssyncset.done $0x0  }
0x8c: {  	s10 =	rddreg [dreg:$0xe];
	[sflag:s29] =	ssyncadd.s32 $0xFFFFC000  }
0x8d: {  	[spmem:s2] =	stream.indirect.scatter.add.f32 [tilespmem:s23], [sflag:$0x5], $0x80, s10, s22, $0xb8;
	[tilespmem:$0x1D000] =	vst v63  }
0x8e: {  	_ =	swait.ge [sflag:s28], $0x4000  }
0x8f: {  	[sflag:s28] =	ssyncset.done $0x0  }
0x90: {  	s11 =	rddreg [dreg:$0xf];
	[sflag:s28] =	ssyncadd.s32 $0xFFFFC000  }
0x91: {  	[tilespmem:s23], [sflag:$0x2] =	stream.indirect.gather [hbm4b:s1+s22], $0x80, s11, s22, $0xb8;
	[tilespmem:$0x1D000] =	vst v63  }
0x92: {  	_ =	swait.ge [sflag:s20], $0x400  }
0x93: {  	[sflag:s20] =	ssyncset.done $0x0  }
0x94: {  	[sflag:s20] =	ssyncadd.s32 $0xFFFFFC00  }
0x95: {  	_ =	swait.ge [sflag:s20], $0x400  }
0x96: {  	[sflag:s20] =	ssyncset.done $0x0  }
0x97: {  	[sflag:s20] =	ssyncadd.s32 $0xFFFFFC00  }
0x98: {  	_ =	swait.ge [sflag:s26], $0x4000  }
0x99: {  	[sflag:s26] =	ssyncset.done $0x0  }
0x9a: {  	s12 =	rddreg [dreg:$0x10];
	[sflag:s26] =	ssyncadd.s32 $0xFFFFC000  }
0x9b: {  	[spmem:s2] =	stream.indirect.scatter.add.f32 [tilespmem:s19], [sflag:$0x5], $0x80, s12, s22, $0xb8;
	[tilespmem:$0x1D000] =	vst v63  }
0x9c: {  	_ =	swait.ge [sflag:s28], $0x4000  }
0x9d: {  	[sflag:s28] =	ssyncset.done $0x0  }
0x9e: {  	[sflag:s28] =	ssyncadd.s32 $0xFFFFC000  }
0x9f: {  	[tilespmem:s19], [sflag:$0x1] =	stream.indirect.gather [hbm4b:s1+s22], $0x80, s24, s22, $0xb8;
	[tilespmem:$0x1D000] =	vst v63  }
0xa0: {  	_ =	swait.ge [sflag:s29], $0x4000  }
0xa1: {  	[sflag:s29] =	ssyncset.done $0x0  }
0xa2: {  	s16 =	simm.s32 $0x0;
	s13 =	rddreg [dreg:$0x11];
	[sflag:s29] =	ssyncadd.s32 $0xFFFFC000  }
0xa3: {  	[spmem:s2] =	stream.indirect.scatter.add.f32 [tilespmem:s23], [sflag:$0x5], $0x80, s13, s22, $0xb8;
	[tilespmem:$0x1D000] =	vst v63  }
0xa4: {  	s0 =	smin.u32 s16, $0x7;
	_ =	swait.ge [sflag:s28], $0x4000  }
0xa5: {  	s0 =	sshll.u32 s0, $0xA;
	s7 =	rddreg [dreg:$0x4]  }
0xa6: {  	[sflag:s28] =	ssyncset.done $0x0;
	s0 =	sadd.s32 s0, s7  }
0xa7: {  	s8 =	rddreg [dreg:$0x12];
	[sflag:s28] =	ssyncadd.s32 $0xFFFFC000;
	s0 =	sshrl.u32 s0, $0x3  }
0xa8: {  	[tilespmem:s23], [sflag:$0x2] =	stream.indirect.gather [hbm4b:s1+s22], $0x80, s8, s22, $0xb8;
	[tilespmem:$0x1D000] =	vst v63  }
0xa9: {  	s8 =	sadd.s32 s5, s0  }
0xaa: {  	[tilespmem:s4], [sflag:$0x3] =	stream.linear.gather [hbm4b:s8+s4], $0x400, $0x38;
	[tilespmem:$0x1D000] =	vst v63  }
0xab: {  	s0 =	sadd.s32 s6, s0  }
0xac: {  	[tilespmem:s18], [sflag:$0x3] =	stream.linear.gather [hbm4b:s0+s4], $0x400, $0x38;
	[tilespmem:$0x1D000] =	vst v63  }
0xad: {  	_ =	swait.ge [sflag:s26], $0x4000  }
0xae: {  	[sflag:s26] =	ssyncset.done $0x0  }
0xaf: {  	[sflag:s26] =	ssyncadd.s32 $0xFFFFC000  }
0xb0: {  	[spmem:s2] =	stream.indirect.scatter.add.f32 [tilespmem:s19], [sflag:$0x5], $0x80, s25, s22, $0xb8;
	[tilespmem:$0x1D000] =	vst v63  }
0xb1: {  	_ =	swait.ge [sflag:s28], $0x4000  }
0xb2: {  	[sflag:s28] =	ssyncset.done $0x0  }
0xb3: {  	s10 =	rddreg [dreg:$0x13];
	[sflag:s28] =	ssyncadd.s32 $0xFFFFC000  }
0xb4: {  	[tilespmem:s19], [sflag:$0x1] =	stream.indirect.gather [hbm4b:s1+s22], $0x80, s10, s22, $0xb8;
	[tilespmem:$0x1D000] =	vst v63  }
0xb5: {  	_ =	swait.ge [sflag:s29], $0x4000  }
0xb6: {  	[sflag:s29] =	ssyncset.done $0x0  }
0xb7: {  	s11 =	rddreg [dreg:$0x14];
	[sflag:s29] =	ssyncadd.s32 $0xFFFFC000  }
0xb8: {  	[spmem:s2] =	stream.indirect.scatter.add.f32 [tilespmem:s23], [sflag:$0x5], $0x80, s11, s22, $0xb8;
	[tilespmem:$0x1D000] =	vst v63  }
0xb9: {  	_ =	swait.ge [sflag:s28], $0x4000  }
0xba: {  	[sflag:s28] =	ssyncset.done $0x0  }
0xbb: {  	s12 =	rddreg [dreg:$0x15];
	[sflag:s28] =	ssyncadd.s32 $0xFFFFC000  }
0xbc: {  	[tilespmem:s23], [sflag:$0x2] =	stream.indirect.gather [hbm4b:s1+s22], $0x80, s12, s22, $0xb8;
	[tilespmem:$0x1D000] =	vst v63  }
0xbd: {  	_ =	swait.ge [sflag:s26], $0x4000  }
0xbe: {  	[sflag:s26] =	ssyncset.done $0x0  }
0xbf: {  	s13 =	rddreg [dreg:$0x16];
	[sflag:s26] =	ssyncadd.s32 $0xFFFFC000  }
0xc0: {  	[spmem:s2] =	stream.indirect.scatter.add.f32 [tilespmem:s19], [sflag:$0x5], $0x80, s13, s22, $0xb8;
	[tilespmem:$0x1D000] =	vst v63  }
0xc1: {  	_ =	swait.ge [sflag:s28], $0x4000  }
0xc2: {  	[sflag:s28] =	ssyncset.done $0x0  }
0xc3: {  	s16 =	rddreg [dreg:$0x17];
	[sflag:s28] =	ssyncadd.s32 $0xFFFFC000  }
0xc4: {  	[tilespmem:s19], [sflag:$0x1] =	stream.indirect.gather [hbm4b:s1+s22], $0x80, s16, s22, $0xb8;
	[tilespmem:$0x1D000] =	vst v63  }
0xc5: {  	_ =	swait.ge [sflag:s29], $0x4000  }
0xc6: {  	[sflag:s29] =	ssyncset.done $0x0  }
0xc7: {  	s7 =	rddreg [dreg:$0x18];
	[sflag:s29] =	ssyncadd.s32 $0xFFFFC000  }
0xc8: {  	[spmem:s2] =	stream.indirect.scatter.add.f32 [tilespmem:s23], [sflag:$0x5], $0x80, s7, s22, $0xb8;
	[tilespmem:$0x1D000] =	vst v63  }
0xc9: {  	_ =	swait.ge [sflag:s28], $0x4000  }
0xca: {  	[sflag:s28] =	ssyncset.done $0x0  }
0xcb: {  	s8 =	rddreg [dreg:$0x19];
	[sflag:s28] =	ssyncadd.s32 $0xFFFFC000  }
0xcc: {  	[tilespmem:s23], [sflag:$0x2] =	stream.indirect.gather [hbm4b:s1+s22], $0x80, s8, s22, $0xb8;
	[tilespmem:$0x1D000] =	vst v63  }
0xcd: {  	_ =	swait.ge [sflag:s26], $0x4000  }
0xce: {  	[sflag:s26] =	ssyncset.done $0x0  }
0xcf: {  	s10 =	rddreg [dreg:$0x1a];
	[sflag:s26] =	ssyncadd.s32 $0xFFFFC000  }
0xd0: {  	[spmem:s2] =	stream.indirect.scatter.add.f32 [tilespmem:s19], [sflag:$0x5], $0x80, s10, s22, $0xb8;
	[tilespmem:$0x1D000] =	vst v63  }
0xd1: {  	_ =	swait.ge [sflag:s28], $0x4000  }
0xd2: {  	[sflag:s28] =	ssyncset.done $0x0  }
0xd3: {  	s11 =	rddreg [dreg:$0x1b];
	[sflag:s28] =	ssyncadd.s32 $0xFFFFC000  }
0xd4: {  	[tilespmem:s19], [sflag:$0x1] =	stream.indirect.gather [hbm4b:s1+s22], $0x80, s11, s22, $0xb8;
	[tilespmem:$0x1D000] =	vst v63  }
0xd5: {  	_ =	swait.ge [sflag:s29], $0x4000  }
0xd6: {  	[sflag:s29] =	ssyncset.done $0x0  }
0xd7: {  	s12 =	rddreg [dreg:$0x1c];
	[sflag:s29] =	ssyncadd.s32 $0xFFFFC000  }
0xd8: {  	[spmem:s2] =	stream.indirect.scatter.add.f32 [tilespmem:s23], [sflag:$0x5], $0x80, s12, s22, $0xb8;
	[tilespmem:$0x1D000] =	vst v63  }
0xd9: {  	_ =	swait.ge [sflag:s28], $0x4000  }
0xda: {  	[sflag:s28] =	ssyncset.done $0x0  }
0xdb: {  	s13 =	rddreg [dreg:$0x1d];
	[sflag:s28] =	ssyncadd.s32 $0xFFFFC000  }
0xdc: {  	[tilespmem:s23], [sflag:$0x2] =	stream.indirect.gather [hbm4b:s1+s22], $0x80, s13, s22, $0xb8;
	[tilespmem:$0x1D000] =	vst v63  }
0xdd: {  	_ =	swait.ge [sflag:s21], $0x400  }
0xde: {  	[sflag:s21] =	ssyncset.done $0x0  }
0xdf: {  	[sflag:s21] =	ssyncadd.s32 $0xFFFFFC00  }
0xe0: {  	_ =	swait.ge [sflag:s21], $0x400  }
0xe1: {  	[sflag:s21] =	ssyncset.done $0x0  }
0xe2: {  	[sflag:s21] =	ssyncadd.s32 $0xFFFFFC00  }
0xe3: {  	_ =	swait.ge [sflag:s26], $0x4000  }
0xe4: {  	[sflag:s26] =	ssyncset.done $0x0  }
0xe5: {  	s16 =	rddreg [dreg:$0x1e];
	[sflag:s26] =	ssyncadd.s32 $0xFFFFC000  }
0xe6: {  	[spmem:s2] =	stream.indirect.scatter.add.f32 [tilespmem:s19], [sflag:$0x5], $0x80, s16, s22, $0xb8;
	[tilespmem:$0x1D000] =	vst v63  }
0xe7: {  	_ =	swait.ge [sflag:s28], $0x4000  }
0xe8: {  	p1 =	por $0x0, $0x0;
	[sflag:s28] =	ssyncset.done $0x0  }
0xe9: {  	s0 =	simm.s32 @p1 $0x2;
	[sflag:s28] =	ssyncadd.s32 $0xFFFFC000  }
0xea: {  	_ =	swait.ge @p1 [sflag:s0], $0x4000  }
0xeb: {  	s7 =	simm.s32 @p1 $0x5000;
	s8 =	simm.s32 @p1 $0x80;
	[sflag:s0] =	ssyncset.done @p1 $0x0  }
0xec: {  	s10 =	simm.s32 @p1 $0xF80;
	s11 =	simm.s32 @p1 $0x5;
	[sflag:s0] =	ssyncadd.s32 @p1 $0xFFFFC000  }
0xed: {  	[spmem:s2] =	stream.indirect.scatter.add.f32 @p1 [tilespmem:s7], [sflag:$0x5], $0x80, s10, s8, $0xb8;
	[tilespmem:$0x1D000] =	vst v63  }
0xee: {  	_ =	swait.ge @p1 [sflag:s11], $0x4000  }
0xef: {  	s16 =	simm.s32 @!p1 $0x2;
	s0 =	simm.s32 @!p1 $0x1000;
	[sflag:s11] =	ssyncset.done @p1 $0x0  }
0xf0: {  	s8 =	simm.s32 @!p1 $0x80;
	s7 =	simm.s32 @!p1 $0x0;
	[sflag:s11] =	ssyncadd.s32 @p1 $0xFFFFC000  }
0xf1: {  	[tilespmem:s0], [sflag:$0x1] =	stream.indirect.gather @!p1 [hbm4b:s1+s8], $0x80, s7, s8, $0xb8;
	[tilespmem:$0x1D000] =	vst v63  }
0xf2: {  	_ =	swait.ge @!p1 [sflag:s16], $0x4000  }
0xf3: {  	s31 =	simm.s32 $0x3;
	s10 =	simm.s32 @!p1 $0x5000;
	[sflag:s16] =	ssyncset.done @!p1 $0x0  }
0xf4: {  	s11 =	simm.s32 @!p1 $0x5;
	s0 =	simm.s32 @!p1 $0xF80;
	[sflag:s16] =	ssyncadd.s32 @!p1 $0xFFFFC000  }
0xf5: {  	[spmem:s2] =	stream.indirect.scatter.add.f32 @!p1 [tilespmem:s10], [sflag:$0x5], $0x80, s0, s8, $0xb8;
	[tilespmem:$0x1D000] =	vst v63  }
0xf6: {  	s16 =	smov.u32 s3;
	s0 =	sadd.s32 $0x100, s17;
	_ =	swait.ge @!p1 [sflag:s11], $0x4000  }
.LBB2_4:
0xf7: {  	[sflag:s11] =	ssyncset.done @!p1 $0x0  }
0xf8: {  	[sflag:s11] =	ssyncadd.s32 @!p1 $0xFFFFC000  }
0xf9: {  	[tilespmem:s10], [sflag:$0x2] =	stream.indirect.gather @!p1 [hbm4b:s1+s8], $0x80, s8, s8, $0xb8;
	[tilespmem:$0x1D000] =	vst v63  }
0xfa: {  	_ = 	snop  }
0xfb: {  	[tilespmem:s24], [sflag:$0x4] =	stream.linear.gather [hbm4b:s0+s4], $0x400, $0x38;
	[tilespmem:$0x1D000] =	vst v63  }
0xfc: {  	s16 =	sadd.s32 $0x100, s16  }
0xfd: {  	[tilespmem:s25], [sflag:$0x4] =	stream.linear.gather [hbm4b:s16+s4], $0x400, $0x38;
	[tilespmem:$0x1D000] =	vst v63  }
0xfe: {  	_ =	swait.ge [sflag:s26], $0x4000  }
0xff: {  	[sflag:s26] =	ssyncset.done $0x0  }
0x100: {  	[sflag:s26] =	ssyncadd.s32 $0xFFFFC000  }
0x101: {  	[spmem:s2] =	stream.indirect.scatter.add.f32 [tilespmem:s19], [sflag:$0x5], $0x80, s18, s22, $0xb8;
	[tilespmem:$0x1D000] =	vst v63  }
0x102: {  	_ =	swait.ge [sflag:s28], $0x4000  }
0x103: {  	[sflag:s28] =	ssyncset.done $0x0  }
0x104: {  	s13 =	rddreg [dreg:$0x5];
	[sflag:s28] =	ssyncadd.s32 $0xFFFFC000  }
0x105: {  	[tilespmem:s19], [sflag:$0x1] =	stream.indirect.gather [hbm4b:s1+s22], $0x80, s13, s22, $0xb8;
	[tilespmem:$0x1D000] =	vst v63  }
0x106: {  	_ =	swait.ge [sflag:s29], $0x4000  }
0x107: {  	[sflag:s29] =	ssyncset.done $0x0  }
0x108: {  	s10 =	rddreg [dreg:$0x6];
	[sflag:s29] =	ssyncadd.s32 $0xFFFFC000  }
0x109: {  	[spmem:s2] =	stream.indirect.scatter.add.f32 [tilespmem:s23], [sflag:$0x5], $0x80, s10, s22, $0xb8;
	[tilespmem:$0x1D000] =	vst v63  }
0x10a: {  	_ =	swait.ge [sflag:s28], $0x4000  }
0x10b: {  	[sflag:s28] =	ssyncset.done $0x0  }
0x10c: {  	s11 =	rddreg [dreg:$0x7];
	[sflag:s28] =	ssyncadd.s32 $0xFFFFC000  }
0x10d: {  	[tilespmem:s23], [sflag:$0x2] =	stream.indirect.gather [hbm4b:s1+s22], $0x80, s11, s22, $0xb8;
	[tilespmem:$0x1D000] =	vst v63  }
0x10e: {  	_ =	swait.ge [sflag:s26], $0x4000  }
0x10f: {  	[sflag:s26] =	ssyncset.done $0x0  }
0x110: {  	s12 =	rddreg [dreg:$0x8];
	[sflag:s26] =	ssyncadd.s32 $0xFFFFC000  }
0x111: {  	[spmem:s2] =	stream.indirect.scatter.add.f32 [tilespmem:s19], [sflag:$0x5], $0x80, s12, s22, $0xb8;
	[tilespmem:$0x1D000] =	vst v63  }
0x112: {  	_ =	swait.ge [sflag:s28], $0x4000  }
0x113: {  	[sflag:s28] =	ssyncset.done $0x0  }
0x114: {  	s13 =	rddreg [dreg:$0x9];
	[sflag:s28] =	ssyncadd.s32 $0xFFFFC000  }
0x115: {  	[tilespmem:s19], [sflag:$0x1] =	stream.indirect.gather [hbm4b:s1+s22], $0x80, s13, s22, $0xb8;
	[tilespmem:$0x1D000] =	vst v63  }
0x116: {  	_ =	swait.ge [sflag:s29], $0x4000  }
0x117: {  	[sflag:s29] =	ssyncset.done $0x0  }
0x118: {  	s10 =	rddreg [dreg:$0xa];
	[sflag:s29] =	ssyncadd.s32 $0xFFFFC000  }
0x119: {  	[spmem:s2] =	stream.indirect.scatter.add.f32 [tilespmem:s23], [sflag:$0x5], $0x80, s10, s22, $0xb8;
	[tilespmem:$0x1D000] =	vst v63  }
0x11a: {  	_ =	swait.ge [sflag:s28], $0x4000  }
0x11b: {  	[sflag:s28] =	ssyncset.done $0x0  }
0x11c: {  	s11 =	rddreg [dreg:$0xb];
	[sflag:s28] =	ssyncadd.s32 $0xFFFFC000  }
0x11d: {  	[tilespmem:s23], [sflag:$0x2] =	stream.indirect.gather [hbm4b:s1+s22], $0x80, s11, s22, $0xb8;
	[tilespmem:$0x1D000] =	vst v63  }
0x11e: {  	_ =	swait.ge [sflag:s26], $0x4000  }
0x11f: {  	[sflag:s26] =	ssyncset.done $0x0  }
0x120: {  	s12 =	rddreg [dreg:$0xc];
	[sflag:s26] =	ssyncadd.s32 $0xFFFFC000  }
0x121: {  	[spmem:s2] =	stream.indirect.scatter.add.f32 [tilespmem:s19], [sflag:$0x5], $0x80, s12, s22, $0xb8;
	[tilespmem:$0x1D000] =	vst v63  }
0x122: {  	_ =	swait.ge [sflag:s28], $0x4000  }
0x123: {  	[sflag:s28] =	ssyncset.done $0x0  }
0x124: {  	s13 =	rddreg [dreg:$0xd];
	[sflag:s28] =	ssyncadd.s32 $0xFFFFC000  }
0x125: {  	[tilespmem:s19], [sflag:$0x1] =	stream.indirect.gather [hbm4b:s1+s22], $0x80, s13, s22, $0xb8;
	[tilespmem:$0x1D000] =	vst v63  }
0x126: {  	_ =	swait.ge [sflag:s29], $0x4000  }
0x127: {  	[sflag:s29] =	ssyncset.done $0x0  }
0x128: {  	s10 =	rddreg [dreg:$0xe];
	[sflag:s29] =	ssyncadd.s32 $0xFFFFC000  }
0x129: {  	[spmem:s2] =	stream.indirect.scatter.add.f32 [tilespmem:s23], [sflag:$0x5], $0x80, s10, s22, $0xb8;
	[tilespmem:$0x1D000] =	vst v63  }
0x12a: {  	_ =	swait.ge [sflag:s28], $0x4000  }
0x12b: {  	[sflag:s28] =	ssyncset.done $0x0  }
0x12c: {  	s11 =	rddreg [dreg:$0xf];
	[sflag:s28] =	ssyncadd.s32 $0xFFFFC000  }
0x12d: {  	[tilespmem:s23], [sflag:$0x2] =	stream.indirect.gather [hbm4b:s1+s22], $0x80, s11, s22, $0xb8;
	[tilespmem:$0x1D000] =	vst v63  }
0x12e: {  	_ =	swait.ge [sflag:s20], $0x400  }
0x12f: {  	[sflag:s20] =	ssyncset.done $0x0  }
0x130: {  	[sflag:s20] =	ssyncadd.s32 $0xFFFFFC00  }
0x131: {  	_ =	swait.ge [sflag:s20], $0x400  }
0x132: {  	[sflag:s20] =	ssyncset.done $0x0  }
0x133: {  	[sflag:s20] =	ssyncadd.s32 $0xFFFFFC00  }
0x134: {  	_ =	swait.ge [sflag:s26], $0x4000  }
0x135: {  	[sflag:s26] =	ssyncset.done $0x0  }
0x136: {  	s12 =	rddreg [dreg:$0x10];
	[sflag:s26] =	ssyncadd.s32 $0xFFFFC000  }
0x137: {  	[spmem:s2] =	stream.indirect.scatter.add.f32 [tilespmem:s19], [sflag:$0x5], $0x80, s12, s22, $0xb8;
	[tilespmem:$0x1D000] =	vst v63  }
0x138: {  	_ =	swait.ge [sflag:s28], $0x4000  }
0x139: {  	[sflag:s28] =	ssyncset.done $0x0  }
0x13a: {  	[sflag:s28] =	ssyncadd.s32 $0xFFFFC000  }
0x13b: {  	[tilespmem:s19], [sflag:$0x1] =	stream.indirect.gather [hbm4b:s1+s22], $0x80, s24, s22, $0xb8;
	[tilespmem:$0x1D000] =	vst v63  }
0x13c: {  	_ =	swait.ge [sflag:s29], $0x4000  }
0x13d: {  	s7 =	smov.u32 s31;
	[sflag:s29] =	ssyncset.done $0x0  }
0x13e: {  	s10 =	sadd.s32 $0xFFFFFFFF, s7;
	s13 =	rddreg [dreg:$0x11];
	[sflag:s29] =	ssyncadd.s32 $0xFFFFC000  }
0x13f: {  	[spmem:s2] =	stream.indirect.scatter.add.f32 [tilespmem:s23], [sflag:$0x5], $0x80, s13, s22, $0xb8;
	[tilespmem:$0x1D000] =	vst v63  }
0x140: {  	s8 =	smin.u32 s10, $0x7;
	_ =	swait.ge [sflag:s28], $0x4000  }
0x141: {  	s8 =	sshll.u32 s8, $0xA;
	s11 =	rddreg [dreg:$0x4]  }
0x142: {  	[sflag:s28] =	ssyncset.done $0x0;
	s8 =	sadd.s32 s8, s11  }
0x143: {  	s12 =	rddreg [dreg:$0x12];
	[sflag:s28] =	ssyncadd.s32 $0xFFFFC000;
	s8 =	sshrl.u32 s8, $0x3  }
0x144: {  	[tilespmem:s23], [sflag:$0x2] =	stream.indirect.gather [hbm4b:s1+s22], $0x80, s12, s22, $0xb8;
	[tilespmem:$0x1D000] =	vst v63  }
0x145: {  	s13 =	sadd.s32 s5, s8  }
0x146: {  	[tilespmem:s4], [sflag:$0x3] =	stream.linear.gather [hbm4b:s13+s4], $0x400, $0x38;
	[tilespmem:$0x1D000] =	vst v63  }
0x147: {  	s8 =	sadd.s32 s6, s8  }
0x148: {  	[tilespmem:s18], [sflag:$0x3] =	stream.linear.gather [hbm4b:s8+s4], $0x400, $0x38;
	[tilespmem:$0x1D000] =	vst v63  }
0x149: {  	_ =	swait.ge [sflag:s26], $0x4000  }
0x14a: {  	[sflag:s26] =	ssyncset.done $0x0  }
0x14b: {  	[sflag:s26] =	ssyncadd.s32 $0xFFFFC000  }
0x14c: {  	[spmem:s2] =	stream.indirect.scatter.add.f32 [tilespmem:s19], [sflag:$0x5], $0x80, s25, s22, $0xb8;
	[tilespmem:$0x1D000] =	vst v63  }
0x14d: {  	_ =	swait.ge [sflag:s28], $0x4000  }
0x14e: {  	[sflag:s28] =	ssyncset.done $0x0  }
0x14f: {  	s10 =	rddreg [dreg:$0x13];
	[sflag:s28] =	ssyncadd.s32 $0xFFFFC000  }
0x150: {  	[tilespmem:s19], [sflag:$0x1] =	stream.indirect.gather [hbm4b:s1+s22], $0x80, s10, s22, $0xb8;
	[tilespmem:$0x1D000] =	vst v63  }
0x151: {  	_ =	swait.ge [sflag:s29], $0x4000  }
0x152: {  	[sflag:s29] =	ssyncset.done $0x0  }
0x153: {  	s11 =	rddreg [dreg:$0x14];
	[sflag:s29] =	ssyncadd.s32 $0xFFFFC000  }
0x154: {  	[spmem:s2] =	stream.indirect.scatter.add.f32 [tilespmem:s23], [sflag:$0x5], $0x80, s11, s22, $0xb8;
	[tilespmem:$0x1D000] =	vst v63  }
0x155: {  	_ =	swait.ge [sflag:s28], $0x4000  }
0x156: {  	[sflag:s28] =	ssyncset.done $0x0  }
0x157: {  	s12 =	rddreg [dreg:$0x15];
	[sflag:s28] =	ssyncadd.s32 $0xFFFFC000  }
0x158: {  	[tilespmem:s23], [sflag:$0x2] =	stream.indirect.gather [hbm4b:s1+s22], $0x80, s12, s22, $0xb8;
	[tilespmem:$0x1D000] =	vst v63  }
0x159: {  	_ =	swait.ge [sflag:s26], $0x4000  }
0x15a: {  	[sflag:s26] =	ssyncset.done $0x0  }
0x15b: {  	s13 =	rddreg [dreg:$0x16];
	[sflag:s26] =	ssyncadd.s32 $0xFFFFC000  }
0x15c: {  	[spmem:s2] =	stream.indirect.scatter.add.f32 [tilespmem:s19], [sflag:$0x5], $0x80, s13, s22, $0xb8;
	[tilespmem:$0x1D000] =	vst v63  }
0x15d: {  	_ =	swait.ge [sflag:s28], $0x4000  }
0x15e: {  	[sflag:s28] =	ssyncset.done $0x0  }
0x15f: {  	s10 =	rddreg [dreg:$0x17];
	[sflag:s28] =	ssyncadd.s32 $0xFFFFC000  }
0x160: {  	[tilespmem:s19], [sflag:$0x1] =	stream.indirect.gather [hbm4b:s1+s22], $0x80, s10, s22, $0xb8;
	[tilespmem:$0x1D000] =	vst v63  }
0x161: {  	_ =	swait.ge [sflag:s29], $0x4000  }
0x162: {  	[sflag:s29] =	ssyncset.done $0x0  }
0x163: {  	s11 =	rddreg [dreg:$0x18];
	[sflag:s29] =	ssyncadd.s32 $0xFFFFC000  }
0x164: {  	[spmem:s2] =	stream.indirect.scatter.add.f32 [tilespmem:s23], [sflag:$0x5], $0x80, s11, s22, $0xb8;
	[tilespmem:$0x1D000] =	vst v63  }
0x165: {  	_ =	swait.ge [sflag:s28], $0x4000  }
0x166: {  	[sflag:s28] =	ssyncset.done $0x0  }
0x167: {  	s12 =	rddreg [dreg:$0x19];
	[sflag:s28] =	ssyncadd.s32 $0xFFFFC000  }
0x168: {  	[tilespmem:s23], [sflag:$0x2] =	stream.indirect.gather [hbm4b:s1+s22], $0x80, s12, s22, $0xb8;
	[tilespmem:$0x1D000] =	vst v63  }
0x169: {  	_ =	swait.ge [sflag:s26], $0x4000  }
0x16a: {  	[sflag:s26] =	ssyncset.done $0x0  }
0x16b: {  	s13 =	rddreg [dreg:$0x1a];
	[sflag:s26] =	ssyncadd.s32 $0xFFFFC000  }
0x16c: {  	[spmem:s2] =	stream.indirect.scatter.add.f32 [tilespmem:s19], [sflag:$0x5], $0x80, s13, s22, $0xb8;
	[tilespmem:$0x1D000] =	vst v63  }
0x16d: {  	_ =	swait.ge [sflag:s28], $0x4000  }
0x16e: {  	[sflag:s28] =	ssyncset.done $0x0  }
0x16f: {  	s10 =	rddreg [dreg:$0x1b];
	[sflag:s28] =	ssyncadd.s32 $0xFFFFC000  }
0x170: {  	[tilespmem:s19], [sflag:$0x1] =	stream.indirect.gather [hbm4b:s1+s22], $0x80, s10, s22, $0xb8;
	[tilespmem:$0x1D000] =	vst v63  }
0x171: {  	_ =	swait.ge [sflag:s29], $0x4000  }
0x172: {  	[sflag:s29] =	ssyncset.done $0x0  }
0x173: {  	s11 =	rddreg [dreg:$0x1c];
	[sflag:s29] =	ssyncadd.s32 $0xFFFFC000  }
0x174: {  	[spmem:s2] =	stream.indirect.scatter.add.f32 [tilespmem:s23], [sflag:$0x5], $0x80, s11, s22, $0xb8;
	[tilespmem:$0x1D000] =	vst v63  }
0x175: {  	_ =	swait.ge [sflag:s28], $0x4000  }
0x176: {  	[sflag:s28] =	ssyncset.done $0x0  }
0x177: {  	s12 =	rddreg [dreg:$0x1d];
	[sflag:s28] =	ssyncadd.s32 $0xFFFFC000  }
0x178: {  	[tilespmem:s23], [sflag:$0x2] =	stream.indirect.gather [hbm4b:s1+s22], $0x80, s12, s22, $0xb8;
	[tilespmem:$0x1D000] =	vst v63  }
0x179: {  	_ =	swait.ge [sflag:s21], $0x400  }
0x17a: {  	[sflag:s21] =	ssyncset.done $0x0  }
0x17b: {  	[sflag:s21] =	ssyncadd.s32 $0xFFFFFC00  }
0x17c: {  	_ =	swait.ge [sflag:s21], $0x400  }
0x17d: {  	[sflag:s21] =	ssyncset.done $0x0  }
0x17e: {  	[sflag:s21] =	ssyncadd.s32 $0xFFFFFC00  }
0x17f: {  	_ =	swait.ge [sflag:s26], $0x4000  }
0x180: {  	[sflag:s26] =	ssyncset.done $0x0  }
0x181: {  	s13 =	rddreg [dreg:$0x1e];
	[sflag:s26] =	ssyncadd.s32 $0xFFFFC000  }
0x182: {  	[spmem:s2] =	stream.indirect.scatter.add.f32 [tilespmem:s19], [sflag:$0x5], $0x80, s13, s22, $0xb8;
	[tilespmem:$0x1D000] =	vst v63  }
0x183: {  	_ =	swait.ge [sflag:s28], $0x4000  }
0x184: {  	p1 =	sgt.u32 s7, $0x8;
	[sflag:s28] =	ssyncset.done $0x0  }
0x185: {  	s7 =	simm.s32 @p1 $0x2;
	[sflag:s28] =	ssyncadd.s32 $0xFFFFC000  }
0x186: {  	s31 =	sadd.s32 $0x2, s31;
	_ =	swait.ge @p1 [sflag:s7], $0x4000  }
0x187: {  	s8 =	simm.s32 @p1 $0x5000;
	s10 =	simm.s32 @p1 $0x80;
	[sflag:s7] =	ssyncset.done @p1 $0x0  }
0x188: {  	s11 =	simm.s32 @p1 $0xF80;
	s12 =	simm.s32 @p1 $0x5;
	[sflag:s7] =	ssyncadd.s32 @p1 $0xFFFFC000  }
0x189: {  	[spmem:s2] =	stream.indirect.scatter.add.f32 @p1 [tilespmem:s8], [sflag:$0x5], $0x80, s11, s10, $0xb8;
	[tilespmem:$0x1D000] =	vst v63  }
0x18a: {  	p0 =	sne.s32 s31, $0xB;
	_ =	swait.ge @p1 [sflag:s12], $0x4000  }
0x18b: {  	s13 =	simm.s32 @!p1 $0x2;
	s7 =	simm.s32 @!p1 $0x1000;
	[sflag:s12] =	ssyncset.done @p1 $0x0  }
0x18c: {  	s8 =	simm.s32 @!p1 $0x80;
	s10 =	simm.s32 @!p1 $0x0;
	[sflag:s12] =	ssyncadd.s32 @p1 $0xFFFFC000  }
0x18d: {  	[tilespmem:s7], [sflag:$0x1] =	stream.indirect.gather @!p1 [hbm4b:s1+s8], $0x80, s10, s8, $0xb8;
	[tilespmem:$0x1D000] =	vst v63  }
.Ltmp1:
0x18e: {  	_ =	swait.ge @!p1 [sflag:s13], $0x4000;
	(pc) =	sbr.rel @p0 .LBB2_4-.Ltmp1, $4  }
0x18f: {  	s11 =	simm.s32 @!p1 $0x5;
	[sflag:s13] =	ssyncset.done @!p1 $0x0  }
0x190: {  	s7 =	simm.s32 @!p1 $0xF80;
	s10 =	simm.s32 @!p1 $0x5000;
	[sflag:s13] =	ssyncadd.s32 @!p1 $0xFFFFC000  }
0x191: {  	[spmem:s2] =	stream.indirect.scatter.add.f32 @!p1 [tilespmem:s10], [sflag:$0x5], $0x80, s7, s8, $0xb8;
	[tilespmem:$0x1D000] =	vst v63  }
0x192: {  	s0 =	sadd.s32 $0x100, s0;
	_ =	swait.ge @!p1 [sflag:s11], $0x4000  }
0x193: {  	[sflag:s11] =	ssyncset.done @!p1 $0x0  }
0x194: {  	s0 =	stileid.u32;
	s7 =	sshrl.u32 s9, $0x3;
	s30 =	sadd.s32 $0x1, s30  }
0x195: {  	[sflag:s11] =	ssyncadd.s32 @!p1 $0xFFFFC000;
	s0 =	sshll.u32 s0, $0x6;
	p0 =	sne.s32 s30, s15  }
0x196: {  	[tilespmem:s10], [sflag:$0x2] =	stream.indirect.gather @!p1 [hbm4b:s1+s8], $0x80, s8, s8, $0xb8;
	[tilespmem:$0x1D000] =	vst v63  }
.Ltmp2:
0x197: {  	s0 =	sor.u32 $0x1C05, s0;
	[bflag:$0x0] =	sbarrier.arrive $0xFFFF;
	(pc) =	sbr.rel @p0 .LBB2_1-.Ltmp2, $4  }
0x198: {  	[hbm:s14], [sflag:s0] =	dma.local [spmem:s7], $0x2800  }
0x199: {  	_ =	swait.ge [sflag:s28], $0x2800  }
0x19a: {  	[sflag:s28] =	ssyncset.done $0x0  }
0x19b: {  	[sflag:s28] =	ssyncadd.s32 $0xFFFFD800  }
0x19c: {  	_ =	sfence.sel $0x180000  }
0x19d: {  	[bflag:$0x0] =	sbarrier.arrive $0xFFFF  }
0x19e: {  	_ =	strace $0x9000004A  }
0x19f: {  	s0 =	stileid.u32;
	[bflag:$0x2] =	sbarrier.arrive $0xFFFF  }
0x1a0: {  	p0 =	sne.s32 s0, $0x0;
	s0 =	rddreg [dreg:$0x3]  }
0x1a1: {  	s0 =	sadd.s32 @!p0 $0x100000, s0  }
0x1a2: {  	[sflag:s0] =	ssyncadd.tile.s32 @!p0 $0x1;
	_ =	shalt  }
.Lfunc_end2:
_tile_overlayer_lowered:
.L_overlay_start_2:
0x1a3: {  	(tag) =	ssettag $0x2  }
0x1a4: {  	s0 =	rddreg [dreg:$0x0];
	s2 =	stileid.u32  }
0x1a5: {  	s1 =	rddreg [dreg:$0x1];
	p0 =	sne.s32 s2, $0x0  }
0x1a6: {  	s3 =	rddreg [dreg:$0x2];
	[bflag:$0x3] =	sbarrier.arrive $0xFFFF;
	s2 =	simm.s32 @!p0 $0x1C05  }
0x1a7: {  	[timem:s3], [sflag:s2] =	dma.local @!p0 [hbm:s0], s1  }
0x1a8: {  	s0 =	simm.s32 @!p0 $0x5  }
0x1a9: {  	_ =	swait.ge @!p0 [sflag:s0], s1  }
0x1aa: {  	s1 =	ssub.s32 @!p0 $0x0, s1;
	[sflag:s0] =	ssyncset.done @!p0 $0x0  }
0x1ab: {  	[sflag:s0] =	ssyncadd.s32 @!p0 s1  }
0x1ac: {  	[bflag:$0x3] =	sbarrier.arrive $0xFFFF  }
0x1ad: {  	_ =	shalt  }

// kernel: kernel.7.cloned.1.call-start
scs
__scs_entry_jumppad:
0x0: {  	(pc) =	sbr.rel $0x88, $3  }
0x1: {  	(tag) =	ssettag $0x0;
	lr =	simm.s32 $0x1  }
0x2: {  	[smem:$0x3F99] =	sst lr;
	_ =	strace $0xD0000000  }
0x3: {  	_ = 	snop  }
0x4: {  	_ = 	snop  }
0x5: {  	_ = 	snop  }
0x6: {  	_ = 	snop  }
0x7: {  	_ = 	snop  }
__scs_overlays_trampoline_lowered:
0x8: {  	[smem:$0x3FA8] =	sst s0  }
0x9: {  	[smem:$0x3FA9] =	sst s1  }
0xa: {  	[smem:$0x3FAA] =	sst s2  }
0xb: {  	[smem:$0x3FAB] =	sst s3  }
0xc: {  	[smem:$0x3FAC] =	sst s4  }
0xd: {  	[smem:$0x3FAD] =	sst s5  }
0xe: {  	[smem:$0x3FAE] =	sst s6  }
0xf: {  	[smem:$0x3FAF] =	sst s7  }
0x10: {  	[smem:$0x3FB0] =	sst s8  }
0x11: {  	[smem:$0x3FB1] =	sst s9;
	s0 =	simm.s32 @!p0 $0x0  }
0x12: {  	s1 =	sld [smem:$0x3F97];
	s0 =	simm.s32 @p0 $0x1  }
0x13: {  	[smem:$0x3FB2] =	sst s0;
	s0 =	simm.s32 @!p1 $0x0  }
0x14: {  	s2 =	sld [smem:$0x3F96];
	s0 =	simm.s32 @p1 $0x1  }
0x15: {  	[smem:$0x3FB3] =	sst s0;
	s0 =	simm.s32 @!p2 $0x0  }
0x16: {  	s3 =	sld [smem:$0x3FDB];
	s0 =	simm.s32 @p2 $0x1  }
0x17: {  	s4 =	simm.s32 $0x1BF5;
	[smem:$0x3FB5] =	sst s0  }
0x18: {  	s0 =	sld [smem:$0x3F98];
	_ =	swait.ge [sflag:s4], $0x0  }
0x19: {  	s7 =	sld [smem:$0x3F99]  }
0x1a: {  	s8 =	sadd.s32 $0xFFFFE003, lr  }
0x1b: {  	s9 =	sadd.s32 $0xFFFFFEF7, lr;
	s5 =	simm.s32 $0xFFFFFFFF;
	p2 =	slt.u32 s8, $0xFFFFF086  }
0x1c: {  	p1 =	slt.u32 s9, $0xF7A;
	s5 =	simm.s32 @!p2 $0x0  }
0x1d: {  	s5 =	simm.s32 @p1 $0x1;
	p0 =	seq.s32 s7, s2  }
0x1e: {  	s7 =	smul.u32 @!p0 $0xF7A, s2;
	p2 =	seq.s32 @!p0 s5, $0x0  }
0x1f: {  	s9 =	smul.u32 $0xF7A, s1;
	s8 =	simm.s32 @!p0 $0x1BF5;
	p2 =	por !p2, p0  }
0x20: {  	[sflag:s8] =	ssyncset.s32 @!p0 $0xFFFFF086;
	s6 =	sadd.s32 @!p0 s3, s7;
	s7 =	simm.s32 @!p0 $0x108  }
0x21: {  	s3 =	sadd.s32 s3, s9;
	s6 =	sadd.s32 @!p0 $0x88, s6;
	s7 =	simm.s32 @p2 $0x1082  }
0x22: {  	[simem:s7], [sflag:s8] =	dma.local @!p0 [hbm:s6], $0xF7A  }
0x23: {  	s9 =	sor.u32 $0xD0000000, s2;
	s6 =	simm.s32 $0x108;
	_ =	swait.ge @!p0 [sflag:s8], $0x0  }
0x24: {  	s3 =	sadd.s32 $0x88, s3;
	s6 =	simm.s32 @!p1 $0x1082;
	[sflag:s4] =	ssyncset.s32 $0xFFFFF086  }
0x25: {  	[simem:s6], [sflag:s4] =	dma.local [hbm:s3], $0xF7A  }
0x26: {  	[smem:$0x3F99] =	sst s1;
	(tag) =	ssettag s2;
	_ =	strace s9  }
0x27: {  	s1 =	sld [smem:$0x3FA9]  }
0x28: {  	s2 =	sld [smem:$0x3FAA]  }
0x29: {  	s4 =	sld [smem:$0x3FAC]  }
0x2a: {  	p0 =	seq.s32 s5, $0x0;
	s5 =	sld [smem:$0x3FAD]  }
0x2b: {  	s6 =	sld [smem:$0x3FAE]  }
0x2c: {  	s7 =	sld [smem:$0x3FAF]  }
0x2d: {  	s3 =	simm.s32 $0x108;
	s8 =	sld [smem:$0x3FB0]  }
0x2e: {  	s3 =	simm.s32 @!p0 $0x1082;
	s9 =	sld [smem:$0x3FB1]  }
0x2f: {  	lr =	sadd.s32 s0, s3;
	s0 =	sld [smem:$0x3FA8]  }
0x30: {  	s3 =	sld [smem:$0x3FAB]  }
0x31: {  	[smem:$0x3FB4] =	sst s10  }
0x32: {  	s10 =	sld [smem:$0x3FB2];
	_ =	sdelay $0x3  }
0x33: {  	p0 =	seq.s32 s10, $0x1;
	s10 =	sld [smem:$0x3FB4];
	_ =	sdelay $0x3  }
0x34: {  	[smem:$0x3FB4] =	sst s10  }
0x35: {  	s10 =	sld [smem:$0x3FB3];
	_ =	sdelay $0x3  }
0x36: {  	p1 =	seq.s32 s10, $0x1;
	s10 =	sld [smem:$0x3FB4];
	_ =	sdelay $0x3  }
0x37: {  	[smem:$0x3FB4] =	sst s10  }
0x38: {  	s10 =	sld [smem:$0x3FB5]  }
0x39: {  	_ = 	snop;
	(pc) =	sbr.ind lr, $3  }
0x3a: {  	_ = 	snop  }
0x3b: {  	_ = 	snop  }
0x3c: {  	p2 =	seq.s32 s10, $0x1;
	s10 =	sld [smem:$0x3FB4]  }
0x3d: {  	_ =	shalt  }
0x3e: {  	_ =	shalt  }
0x3f: {  	_ =	shalt  }
0x40: {  	_ =	shalt  }
0x41: {  	_ =	shalt  }
0x42: {  	_ =	shalt  }
0x43: {  	_ =	shalt  }
0x44: {  	_ =	shalt  }
0x45: {  	_ =	shalt  }
0x46: {  	_ =	shalt  }
0x47: {  	_ =	shalt  }
0x48: {  	_ =	shalt  }
0x49: {  	_ =	shalt  }
0x4a: {  	_ =	shalt  }
0x4b: {  	_ =	shalt  }
0x4c: {  	_ =	shalt  }
0x4d: {  	_ =	shalt  }
0x4e: {  	_ =	shalt  }
0x4f: {  	_ =	shalt  }
0x50: {  	_ =	shalt  }
0x51: {  	_ =	shalt  }
0x52: {  	_ =	shalt  }
0x53: {  	_ =	shalt  }
0x54: {  	_ =	shalt  }
0x55: {  	_ =	shalt  }
0x56: {  	_ =	shalt  }
0x57: {  	_ =	shalt  }
0x58: {  	_ =	shalt  }
0x59: {  	_ =	shalt  }
0x5a: {  	_ =	shalt  }
0x5b: {  	_ =	shalt  }
0x5c: {  	_ =	shalt  }
0x5d: {  	_ =	shalt  }
0x5e: {  	_ =	shalt  }
0x5f: {  	_ =	shalt  }
0x60: {  	_ =	shalt  }
0x61: {  	_ =	shalt  }
0x62: {  	_ =	shalt  }
0x63: {  	_ =	shalt  }
0x64: {  	_ =	shalt  }
0x65: {  	_ =	shalt  }
0x66: {  	_ =	shalt  }
0x67: {  	_ =	shalt  }
0x68: {  	_ =	shalt  }
0x69: {  	_ =	shalt  }
0x6a: {  	_ =	shalt  }
0x6b: {  	_ =	shalt  }
0x6c: {  	_ =	shalt  }
0x6d: {  	_ =	shalt  }
0x6e: {  	_ =	shalt  }
0x6f: {  	_ =	shalt  }
0x70: {  	_ =	shalt  }
0x71: {  	_ =	shalt  }
0x72: {  	_ =	shalt  }
0x73: {  	_ =	shalt  }
0x74: {  	_ =	shalt  }
0x75: {  	_ =	shalt  }
0x76: {  	_ =	shalt  }
0x77: {  	_ =	shalt  }
0x78: {  	_ =	shalt  }
0x79: {  	_ =	shalt  }
0x7a: {  	_ =	shalt  }
0x7b: {  	_ =	shalt  }
0x7c: {  	_ =	shalt  }
0x7d: {  	_ =	shalt  }
0x7e: {  	_ =	shalt  }
0x7f: {  	_ =	shalt  }
0x80: {  	_ =	shalt  }
0x81: {  	_ =	shalt  }
0x82: {  	_ =	shalt  }
0x83: {  	_ =	shalt  }
0x84: {  	_ =	shalt  }
0x85: {  	_ =	shalt  }
0x86: {  	_ =	shalt  }
0x87: {  	_ =	shalt  }
.Lfunc_end0:
.L_simem_size_0:
called_computation_lowered:
.L_overlay_start_0:
0x88: {  	s2 =	sld [smem:$0x3FD9]  }
0x89: {  	s3 =	sld [smem:$0x3FFE];
	_ =	sdelay $0x1  }
0x8a: {  	s1 =	srdreg.scid  }
0x8b: {  	s0 =	sand.u32 $0x1, s1  }
0x8c: {  	s14 =	sshll.u32 s0, $0xA;
	s2 =	sadd.s32 s3, s2  }
0x8d: {  	s2 =	sadd.s32 s2, s14  }
0x8e: {  	[smem:$0x3FC0] =	sst s2  }
0x8f: {  	_ = 	snop  }
0x90: {  	s2 =	sld [smem:$0x3FD0];
	_ =	sdelay $0x2  }
0x91: {  	s15 =	simm.s32 $0xA;
	s4 =	simm.s32 $0x10  }
0x92: {  	[smem:s4], [sflag:s15] =	dma.local [hbm:s2], $0x1  }
0x93: {  	_ =	swait.eq [sflag:s15], $0x1  }
0x94: {  	[sflag:s15] =	ssyncset.done $0x0  }
0x95: {  	[sflag:s15] =	ssyncadd.s32 $0xFFFFFFFF  }
0x96: {  	s16 =	sld [smem:$0x11];
	(tm) =	ssettm $0x1  }
0x97: {  	s17 =	sld [smem:$0x3FFB];
	_ =	sdelay $0x3  }
0x98: {  	_ =	strace s17  }
0x99: {  	s3 =	sld [smem:$0x3FFC];
	_ =	sdelay $0x3  }
0x9a: {  	_ =	strace s3  }
0x9b: {  	s3 =	sld [smem:$0x3FFD];
	_ =	sdelay $0x3  }
0x9c: {  	_ =	strace s3  }
0x9d: {  	_ =	strace $0x8FFFFFFF  }
0x9e: {  	s18 =	sld [smem:$0x3FDB];
	_ =	sdelay $0x1  }
0x9f: {  	s19 =	simm.s32 $_scs_section_size  }
0xa0: {  	s5 =	simm.s32 $_size__tile_overlayer_lowered;
	s6 =	simm.s32 $_tile_overlayer_lowered  }
0xa1: {  	s22 =	simm.s32 $0x1BFF;
	s21 =	sshll.u32 s6, $0x1;
	s3 =	sadd.s32 s19, s18  }
0xa2: {  	s7 =	simm.s32 $0x0;
	s20 =	sshll.u32 s5, $0x1;
	s5 =	sadd.s32 s21, s3  }
0xa3: {  	[timem:s7], [sflag:s22] =	dma.local [hbm:s5], s20  }
0xa4: {  	_ =	swait.ge [sflag:s22], s20  }
0xa5: {  	s4 =	ssub.s32 $0x0, s20;
	[sflag:s22] =	ssyncset.done $0x0  }
0xa6: {  	[sflag:s22] =	ssyncadd.s32 s4;
	_ =	sdelay $0x1  }
0xa7: {  	s23 =	simm.s32 $0x1B8B  }
0xa8: {  	_ =	swait.ge [sflag:s23], $0x1  }
0xa9: {  	[sflag:s23] =	ssyncset.done $0x0  }
0xaa: {  	s25 =	simm.s32 $0x1B8E;
	s24 =	sld [smem:$0x3FFE];
	[sflag:s23] =	ssyncadd.s32 $0xFFFFFFFF  }
0xab: {  	s26 =	simm.s32 $execute0_lowered;
	[smem:$0x3FD2] =	sst s25  }
0xac: {  	s5 =	sshll.u32 s26, $0x1;
	_ =	strace $0x80000046;
	[dreg:$0x1] =	wrdreg $0xFFFFFFFF  }
0xad: {  	s28 =	simm.s32 $_size_execute0_lowered;
	s3 =	sadd.s32 s3, s5;
	[dreg:$0x0] =	wrdreg $0x0  }
0xae: {  	s5 =	sshll.u32 s28, $0x1;
	[dreg:$0x2] =	wrdreg s3  }
0xaf: {  	[dreg:$0x3] =	wrdreg s5  }
0xb0: {  	[dreg:$0x4] =	wrdreg $0xC0  }
0xb1: {  	_ =	task [dreg:s7], $0x5FFFF  }
0xb2: {  	[dreg:$0x1] =	wrdreg $0xFFFFFFFF  }
0xb3: {  	[dreg:$0x0] =	wrdreg $0x60  }
0xb4: {  	[dreg:$0x2] =	wrdreg s16  }
0xb5: {  	[dreg:$0x3] =	wrdreg s24  }
0xb6: {  	[dreg:$0x4] =	wrdreg $0x90000  }
0xb7: {  	[dreg:$0x5] =	wrdreg $0x9  }
0xb8: {  	_ =	task.clear_ibuf [dreg:s7], $0x6FFFF;
	_ =	strace $0x90000046  }
0xb9: {  	s29 =	simm.s32 $0x9;
	_ =	strace $0x80000048  }
0xba: {  	_ =	swait.ge [sflag:s29], $0x1  }
0xbb: {  	[sflag:s29] =	ssyncadd.s32 $0xFFFFFFFF  }
0xbc: {  	_ =	strace $0x90000048  }
0xbd: {  	_ =	sfence  }
0xbe: {  	s30 =	sld [smem:$0x0];
	_ =	sdelay $0x2  }
0xbf: {  	s31 =	sshll.u32 s1, $0xD;
	s1 =	sshrl.u32 s1, $0x2  }
0xc0: {  	s3 =	sand.u32 $0x4000, s31;
	s1 =	sadd.s32 s1, s30  }
0xc1: {  	s0 =	sor.u32 s3, s0;
	s1 =	sshll.u32 s1, $0x11  }
0xc2: {  	s0 =	sor.u32 s1, s0  }
0xc3: {  	s0 =	sadd.s32 $0x8F2B, s0  }
0xc4: {  	[sflag:s0] =	ssyncadd.remote.s32 $0x1  }
0xc5: {  	_ =	sfence.sel $0xFFFF  }
0xc6: {  	[dreg:$0x0] =	wrdreg $0xFFFFFFFF;
	(pc) =	sbr.abs _section_cstart, $3  }
0xc7: {  	[dreg:$0x1] =	wrdreg $0xFFFFFFFF  }
0xc8: {  	_ =	task.clear_ibuf [dreg:s7], $0x2FFFF;
	_ =	strace $0x9FFFFFFF  }
0xc9: {  	(tm) =	ssettm $0x7FFFFFFF  }
tec
execute0_lowered:
.L_overlay_start_1:
0x0: {  	(tag) =	ssettag $0x1  }
0x1: {  	s1 =	rddreg [dreg:$0x0]  }
0x2: {  	s0 =	rddreg [dreg:$0x1]  }
0x3: {  	s2 =	rddreg [dreg:$0x2];
	s3 =	srdreg.scid;
	s4 =	simm.s32 $0x0  }
0x4: {  	s11 =	stileid.u32;
	s26 =	simm.s32 $0x100;
	[smem:$0x7FF] =	sst s4  }
0x5: {  	s13 =	simm.s32 $0x180;
	_ =	strace $0x80000047;
	[dreg:$0x5] =	wrdreg s26  }
0x6: {  	s14 =	simm.s32 $0x900;
	s16 =	simm.s32 $0x200;
	[dreg:$0x7] =	wrdreg s13  }
0x7: {  	s17 =	simm.s32 $0x980;
	s19 =	simm.s32 $0x280;
	[dreg:$0x8] =	wrdreg s14  }
0x8: {  	s21 =	simm.s32 $0xA00;
	s23 =	simm.s32 $0x300;
	[dreg:$0x9] =	wrdreg s16  }
0x9: {  	s28 =	simm.s32 $0x5;
	s29 =	simm.s32 $0x2;
	[dreg:$0xa] =	wrdreg s17  }
0xa: {  	s30 =	simm.s32 $0x0;
	s3 =	sand.u32 $0x1, s3;
	[dreg:$0xb] =	wrdreg s19  }
0xb: {  	s7 =	smul.u32 $0x14000, s11;
	s8 =	sshll.u32 s11, $0x1;
	[dreg:$0xc] =	wrdreg s21  }
0xc: {  	s5 =	sadd.s32 $0xD200, s0;
	[dreg:$0xd] =	wrdreg s23;
	s26 =	simm.s32 $0x380  }
0xd: {  	s12 =	smul.u32 $0x50000, s11;
	s13 =	simm.s32 $0x500;
	[dreg:$0xf] =	wrdreg s26  }
0xe: {  	s6 =	smul.u32 $0x140000, s3;
	s16 =	simm.s32 $0xC80;
	[dreg:$0x13] =	wrdreg s13  }
0xf: {  	s8 =	sor.u32 s3, s8;
	s19 =	simm.s32 $0xD00;
	[dreg:$0x14] =	wrdreg s16  }
0x10: {  	s9 =	ssub.s32 $0x2, s3;
	s21 =	simm.s32 $0xD80;
	[dreg:$0x16] =	wrdreg s19  }
0x11: {  	s23 =	simm.s32 $0xE00;
	s8 =	smul.u32 $0x2800, s8;
	[dreg:$0x18] =	wrdreg s21  }
0x12: {  	s15 =	sshrl.u32 s12, $0x2;
	s12 =	simm.s32 $0x480;
	[dreg:$0x1a] =	wrdreg s23  }
0x13: {  	s10 =	sshrl.u32 s9, $0x1;
	s26 =	simm.s32 $0x780;
	[dreg:$0x12] =	wrdreg s12  }
0x14: {  	s7 =	sadd.s32 s7, s6;
	s6 =	sadd.s32 $0x3200, s0;
	[dreg:$0x1d] =	wrdreg s26  }
0x15: {  	s7 =	sshrl.u32 s7, $0x3;
	s25 =	sadd.s32 $0x800, s8;
	s8 =	sshrl.u32 s8, $0x3  }
0x16: {  	s0 =	sadd.s32 s7, s0;
	[dreg:$0x4] =	wrdreg s25;
	s31 =	sadd.s32 s5, s8  }
0x17: {  	s7 =	ssub.s32 s9, s10;
	s10 =	simm.s32 $0x880;
	[dreg:$0x1f] =	wrdreg s31  }
0x18: {  	s3 =	smul.u32 $0x2800, s3;
	s8 =	sadd.s32 s6, s8;
	[dreg:$0x6] =	wrdreg s10  }
0x19: {  	s9 =	sadd.s32 s15, s2;
	s25 =	simm.s32 $0xA80;
	[smem:$0x7F9] =	sst s8  }
0x1a: {  	s19 =	simm.s32 $0x1000;
	s18 =	sadd.s32 $0x4000, s9;
	[dreg:$0xe] =	wrdreg s25  }
0x1b: {  	s21 =	simm.s32 $0x3;
	s20 =	sadd.s32 $0x8000, s9;
	[smem:$0x7FA] =	sst s18  }
0x1c: {  	s23 =	simm.s32 $0x5000;
	s22 =	sadd.s32 $0xC000, s9;
	[smem:$0x7FB] =	sst s20  }
0x1d: {  	s26 =	simm.s32 $0x1;
	s24 =	sadd.s32 $0x10000, s9;
	[smem:$0x7FC] =	sst s22  }
0x1e: {  	s14 =	sadd.s32 $0x17200, s0;
	s10 =	simm.s32 $0xB00;
	[smem:$0x7FD] =	sst s24  }
0x1f: {  	s31 =	smul.u32 $0x5000, s11;
	s11 =	simm.s32 $0xB80;
	[dreg:$0x10] =	wrdreg s10  }
0x20: {  	s15 =	smax.u32 s7, $0x1;
	s25 =	simm.s32 $0xE80;
	[dreg:$0x11] =	wrdreg s11  }
0x21: {  	s18 =	simm.s32 $0x580;
	s20 =	simm.s32 $0x600;
	[dreg:$0x1c] =	wrdreg s25  }
0x22: {  	s22 =	simm.s32 $0x680;
	s24 =	simm.s32 $0x700;
	[dreg:$0x15] =	wrdreg s18  }
0x23: {  	s25 =	simm.s32 $0xC00;
	s3 =	sadd.s32 s3, s31;
	[dreg:$0x17] =	wrdreg s20  }
0x24: {  	s18 =	simm.s32 $0x800;
	s20 =	simm.s32 $0x4;
	[dreg:$0x19] =	wrdreg s22  }
0x25: {  	s22 =	simm.s32 $0x80;
	[dreg:$0x1b] =	wrdreg s24;
	s3 =	sor.u32 $0x400, s3  }
0x26: {  	s24 =	simm.s32 $0x400;
	s31 =	simm.s32 $0xF00;
	s17 =	sshrl.u32 s3, $0x3  }
0x27: {  	v0 =	vimm.f32 $0.0e+00;
	[dreg:$0x1e] =	wrdreg s31;
	s3 =	sadd.s32 s17, s6;
	s17 =	sadd.s32 s17, s5  }
.LBB2_1:
0x28: {  	s0 =	rddreg [dreg:$0x1f]  }
0x29: {  	s31 =	sld [smem:$0x7F9]  }
0x2a: {  	[tilespmem:s4], [sflag:$0x3] =	stream.linear.gather [hbm4b:s0+s4], $0x400, $0x38;
	[tilespmem:$0x1D000] =	vst v63  }
0x2b: {  	s7 =	simm.s32 $0x200;
	s0 =	simm.s32 $0x0  }
0x2c: {  	[tilespmem:s18], [sflag:$0x3] =	stream.linear.gather [hbm4b:s31+s4], $0x400, $0x38;
	[tilespmem:$0x1D000] =	vst v63  }
.LBB2_2:
0x2d: {  	p0 =	sne.s32 s7, $0xFE00;
	[tilespmem:s0+$0x1070] =	vst v0  }
0x2e: {  	[tilespmem:s0+$0x1000] =	vst v0  }
0x2f: {  	[tilespmem:s0+$0x1010] =	vst v0  }
.Ltmp0:
0x30: {  	[tilespmem:s0+$0x1020] =	vst v0;
	(pc) =	sbr.rel @p0 .LBB2_2-.Ltmp0, $4  }
0x31: {  	[tilespmem:s0+$0x1030] =	vst v0  }
0x32: {  	[tilespmem:s0+$0x1040] =	vst v0  }
0x33: {  	[tilespmem:s0+$0x1050] =	vst v0  }
0x34: {  	[tilespmem:s0+$0x1060] =	vst v0;
	s0 =	sshra.s32 s7, $0x2;
	s7 =	sadd.s32 $0x200, s7  }
0x35: {  	[tilespmem:s0+$0x1070] =	vst v0  }
0x36: {  	[tilespmem:s0+$0x1000] =	vst v0  }
0x37: {  	[tilespmem:s0+$0x1010] =	vst v0  }
0x38: {  	[tilespmem:s0+$0x1020] =	vst v0  }
0x39: {  	[tilespmem:s0+$0x1030] =	vst v0  }
0x3a: {  	[tilespmem:s0+$0x1040] =	vst v0  }
0x3b: {  	[tilespmem:s0+$0x1050] =	vst v0  }
0x3c: {  	[tilespmem:s0+$0x1060] =	vst v0;
	s11 =	sld [smem:$0x7FA]  }
0x3d: {  	[spmem:s9] =	stream.linear.scatter [tilespmem:s19], [sflag:$0x4], $0x4000, $0x38;
	[tilespmem:$0x1D000] =	vst v63  }
0x3e: {  	s12 =	sld [smem:$0x7FB]  }
0x3f: {  	[spmem:s11] =	stream.linear.scatter [tilespmem:s19], [sflag:$0x4], $0x4000, $0x38;
	[tilespmem:$0x1D000] =	vst v63  }
0x40: {  	s13 =	sld [smem:$0x7FC]  }
0x41: {  	[spmem:s12] =	stream.linear.scatter [tilespmem:s19], [sflag:$0x4], $0x4000, $0x38;
	[tilespmem:$0x1D000] =	vst v63  }
0x42: {  	s16 =	sld [smem:$0x7FD]  }
0x43: {  	[spmem:s13] =	stream.linear.scatter [tilespmem:s19], [sflag:$0x4], $0x4000, $0x38;
	[tilespmem:$0x1D000] =	vst v63  }
0x44: {  	_ = 	snop  }
0x45: {  	[spmem:s16] =	stream.linear.scatter [tilespmem:s19], [sflag:$0x4], $0x4000, $0x38;
	[tilespmem:$0x1D000] =	vst v63  }
0x46: {  	_ =	swait.ge [sflag:s20], $0x4000  }
0x47: {  	[sflag:s20] =	ssyncset.done $0x0  }
0x48: {  	[sflag:s20] =	ssyncadd.s32 $0xFFFFC000  }
0x49: {  	_ =	swait.ge [sflag:s20], $0x4000  }
0x4a: {  	[sflag:s20] =	ssyncset.done $0x0  }
0x4b: {  	[sflag:s20] =	ssyncadd.s32 $0xFFFFC000  }
0x4c: {  	_ =	swait.ge [sflag:s20], $0x4000  }
0x4d: {  	[sflag:s20] =	ssyncset.done $0x0  }
0x4e: {  	[sflag:s20] =	ssyncadd.s32 $0xFFFFC000  }
0x4f: {  	_ =	swait.ge [sflag:s20], $0x4000  }
0x50: {  	[sflag:s20] =	ssyncset.done $0x0  }
0x51: {  	[sflag:s20] =	ssyncadd.s32 $0xFFFFC000  }
0x52: {  	_ =	swait.ge [sflag:s20], $0x4000  }
0x53: {  	[sflag:s20] =	ssyncset.done $0x0  }
0x54: {  	[sflag:s20] =	ssyncadd.s32 $0xFFFFC000  }
0x55: {  	_ =	swait.ge [sflag:s21], $0x400  }
0x56: {  	[sflag:s21] =	ssyncset.done $0x0  }
0x57: {  	[sflag:s21] =	ssyncadd.s32 $0xFFFFFC00  }
0x58: {  	_ =	swait.ge [sflag:s21], $0x400  }
0x59: {  	[sflag:s21] =	ssyncset.done $0x0  }
0x5a: {  	[sflag:s21] =	ssyncadd.s32 $0xFFFFFC00  }
0x5b: {  	[tilespmem:s19], [sflag:$0x1] =	stream.indirect.gather [hbm4b:s1+s22], $0x80, s4, s22, $0xb8;
	[tilespmem:$0x1D000] =	vst v63  }
0x5c: {  	_ = 	snop  }
0x5d: {  	[tilespmem:s23], [sflag:$0x2] =	stream.indirect.gather [hbm4b:s1+s22], $0x80, s22, s22, $0xb8;
	[tilespmem:$0x1D000] =	vst v63  }
0x5e: {  	[bflag:$0x0] =	sbarrier.arrive $0xFFFF  }
0x5f: {  	[tilespmem:s24], [sflag:$0x4] =	stream.linear.gather [hbm4b:s17+s4], $0x400, $0x38;
	[tilespmem:$0x1D000] =	vst v63  }
0x60: {  	_ = 	snop  }
0x61: {  	[tilespmem:s25], [sflag:$0x4] =	stream.linear.gather [hbm4b:s3+s4], $0x400, $0x38;
	[tilespmem:$0x1D000] =	vst v63  }
0x62: {  	_ =	swait.ge [sflag:s26], $0x4000  }
0x63: {  	[sflag:s26] =	ssyncset.done $0x0  }
0x64: {  	[sflag:s26] =	ssyncadd.s32 $0xFFFFC000  }
0x65: {  	[spmem:s2] =	stream.indirect.scatter.add.f32 [tilespmem:s19], [sflag:$0x5], $0x80, s18, s22, $0xb8;
	[tilespmem:$0x1D000] =	vst v63  }
0x66: {  	_ =	swait.ge [sflag:s28], $0x4000  }
0x67: {  	[sflag:s28] =	ssyncset.done $0x0  }
0x68: {  	s7 =	rddreg [dreg:$0x5];
	[sflag:s28] =	ssyncadd.s32 $0xFFFFC000  }
0x69: {  	[tilespmem:s19], [sflag:$0x1] =	stream.indirect.gather [hbm4b:s1+s22], $0x80, s7, s22, $0xb8;
	[tilespmem:$0x1D000] =	vst v63  }
0x6a: {  	_ =	swait.ge [sflag:s29], $0x4000  }
0x6b: {  	[sflag:s29] =	ssyncset.done $0x0  }
0x6c: {  	s8 =	rddreg [dreg:$0x6];
	[sflag:s29] =	ssyncadd.s32 $0xFFFFC000  }
0x6d: {  	[spmem:s2] =	stream.indirect.scatter.add.f32 [tilespmem:s23], [sflag:$0x5], $0x80, s8, s22, $0xb8;
	[tilespmem:$0x1D000] =	vst v63  }
0x6e: {  	_ =	swait.ge [sflag:s28], $0x4000  }
0x6f: {  	[sflag:s28] =	ssyncset.done $0x0  }
0x70: {  	s10 =	rddreg [dreg:$0x7];
	[sflag:s28] =	ssyncadd.s32 $0xFFFFC000  }
0x71: {  	[tilespmem:s23], [sflag:$0x2] =	stream.indirect.gather [hbm4b:s1+s22], $0x80, s10, s22, $0xb8;
	[tilespmem:$0x1D000] =	vst v63  }
0x72: {  	_ =	swait.ge [sflag:s26], $0x4000  }
0x73: {  	[sflag:s26] =	ssyncset.done $0x0  }
0x74: {  	s11 =	rddreg [dreg:$0x8];
	[sflag:s26] =	ssyncadd.s32 $0xFFFFC000  }
0x75: {  	[spmem:s2] =	stream.indirect.scatter.add.f32 [tilespmem:s19], [sflag:$0x5], $0x80, s11, s22, $0xb8;
	[tilespmem:$0x1D000] =	vst v63  }
0x76: {  	_ =	swait.ge [sflag:s28], $0x4000  }
0x77: {  	[sflag:s28] =	ssyncset.done $0x0  }
0x78: {  	s12 =	rddreg [dreg:$0x9];
	[sflag:s28] =	ssyncadd.s32 $0xFFFFC000  }
0x79: {  	[tilespmem:s19], [sflag:$0x1] =	stream.indirect.gather [hbm4b:s1+s22], $0x80, s12, s22, $0xb8;
	[tilespmem:$0x1D000] =	vst v63  }
0x7a: {  	_ =	swait.ge [sflag:s29], $0x4000  }
0x7b: {  	[sflag:s29] =	ssyncset.done $0x0  }
0x7c: {  	s13 =	rddreg [dreg:$0xa];
	[sflag:s29] =	ssyncadd.s32 $0xFFFFC000  }
0x7d: {  	[spmem:s2] =	stream.indirect.scatter.add.f32 [tilespmem:s23], [sflag:$0x5], $0x80, s13, s22, $0xb8;
	[tilespmem:$0x1D000] =	vst v63  }
0x7e: {  	_ =	swait.ge [sflag:s28], $0x4000  }
0x7f: {  	[sflag:s28] =	ssyncset.done $0x0  }
0x80: {  	s16 =	rddreg [dreg:$0xb];
	[sflag:s28] =	ssyncadd.s32 $0xFFFFC000  }
0x81: {  	[tilespmem:s23], [sflag:$0x2] =	stream.indirect.gather [hbm4b:s1+s22], $0x80, s16, s22, $0xb8;
	[tilespmem:$0x1D000] =	vst v63  }
0x82: {  	_ =	swait.ge [sflag:s26], $0x4000  }
0x83: {  	[sflag:s26] =	ssyncset.done $0x0  }
0x84: {  	s7 =	rddreg [dreg:$0xc];
	[sflag:s26] =	ssyncadd.s32 $0xFFFFC000  }
0x85: {  	[spmem:s2] =	stream.indirect.scatter.add.f32 [tilespmem:s19], [sflag:$0x5], $0x80, s7, s22, $0xb8;
	[tilespmem:$0x1D000] =	vst v63  }
0x86: {  	_ =	swait.ge [sflag:s28], $0x4000  }
0x87: {  	[sflag:s28] =	ssyncset.done $0x0  }
0x88: {  	s8 =	rddreg [dreg:$0xd];
	[sflag:s28] =	ssyncadd.s32 $0xFFFFC000  }
0x89: {  	[tilespmem:s19], [sflag:$0x1] =	stream.indirect.gather [hbm4b:s1+s22], $0x80, s8, s22, $0xb8;
	[tilespmem:$0x1D000] =	vst v63  }
0x8a: {  	_ =	swait.ge [sflag:s29], $0x4000  }
0x8b: {  	[sflag:s29] =	ssyncset.done $0x0  }
0x8c: {  	s10 =	rddreg [dreg:$0xe];
	[sflag:s29] =	ssyncadd.s32 $0xFFFFC000  }
0x8d: {  	[spmem:s2] =	stream.indirect.scatter.add.f32 [tilespmem:s23], [sflag:$0x5], $0x80, s10, s22, $0xb8;
	[tilespmem:$0x1D000] =	vst v63  }
0x8e: {  	_ =	swait.ge [sflag:s28], $0x4000  }
0x8f: {  	[sflag:s28] =	ssyncset.done $0x0  }
0x90: {  	s11 =	rddreg [dreg:$0xf];
	[sflag:s28] =	ssyncadd.s32 $0xFFFFC000  }
0x91: {  	[tilespmem:s23], [sflag:$0x2] =	stream.indirect.gather [hbm4b:s1+s22], $0x80, s11, s22, $0xb8;
	[tilespmem:$0x1D000] =	vst v63  }
0x92: {  	_ =	swait.ge [sflag:s20], $0x400  }
0x93: {  	[sflag:s20] =	ssyncset.done $0x0  }
0x94: {  	[sflag:s20] =	ssyncadd.s32 $0xFFFFFC00  }
0x95: {  	_ =	swait.ge [sflag:s20], $0x400  }
0x96: {  	[sflag:s20] =	ssyncset.done $0x0  }
0x97: {  	[sflag:s20] =	ssyncadd.s32 $0xFFFFFC00  }
0x98: {  	_ =	swait.ge [sflag:s26], $0x4000  }
0x99: {  	[sflag:s26] =	ssyncset.done $0x0  }
0x9a: {  	s12 =	rddreg [dreg:$0x10];
	[sflag:s26] =	ssyncadd.s32 $0xFFFFC000  }
0x9b: {  	[spmem:s2] =	stream.indirect.scatter.add.f32 [tilespmem:s19], [sflag:$0x5], $0x80, s12, s22, $0xb8;
	[tilespmem:$0x1D000] =	vst v63  }
0x9c: {  	_ =	swait.ge [sflag:s28], $0x4000  }
0x9d: {  	[sflag:s28] =	ssyncset.done $0x0  }
0x9e: {  	[sflag:s28] =	ssyncadd.s32 $0xFFFFC000  }
0x9f: {  	[tilespmem:s19], [sflag:$0x1] =	stream.indirect.gather [hbm4b:s1+s22], $0x80, s24, s22, $0xb8;
	[tilespmem:$0x1D000] =	vst v63  }
0xa0: {  	_ =	swait.ge [sflag:s29], $0x4000  }
0xa1: {  	[sflag:s29] =	ssyncset.done $0x0  }
0xa2: {  	s16 =	simm.s32 $0x0;
	s13 =	rddreg [dreg:$0x11];
	[sflag:s29] =	ssyncadd.s32 $0xFFFFC000  }
0xa3: {  	[spmem:s2] =	stream.indirect.scatter.add.f32 [tilespmem:s23], [sflag:$0x5], $0x80, s13, s22, $0xb8;
	[tilespmem:$0x1D000] =	vst v63  }
0xa4: {  	s0 =	smin.u32 s16, $0x7;
	_ =	swait.ge [sflag:s28], $0x4000  }
0xa5: {  	s0 =	sshll.u32 s0, $0xA;
	s7 =	rddreg [dreg:$0x4]  }
0xa6: {  	[sflag:s28] =	ssyncset.done $0x0;
	s0 =	sadd.s32 s0, s7  }
0xa7: {  	s8 =	rddreg [dreg:$0x12];
	[sflag:s28] =	ssyncadd.s32 $0xFFFFC000;
	s0 =	sshrl.u32 s0, $0x3  }
0xa8: {  	[tilespmem:s23], [sflag:$0x2] =	stream.indirect.gather [hbm4b:s1+s22], $0x80, s8, s22, $0xb8;
	[tilespmem:$0x1D000] =	vst v63  }
0xa9: {  	s8 =	sadd.s32 s5, s0  }
0xaa: {  	[tilespmem:s4], [sflag:$0x3] =	stream.linear.gather [hbm4b:s8+s4], $0x400, $0x38;
	[tilespmem:$0x1D000] =	vst v63  }
0xab: {  	s0 =	sadd.s32 s6, s0  }
0xac: {  	[tilespmem:s18], [sflag:$0x3] =	stream.linear.gather [hbm4b:s0+s4], $0x400, $0x38;
	[tilespmem:$0x1D000] =	vst v63  }
0xad: {  	_ =	swait.ge [sflag:s26], $0x4000  }
0xae: {  	[sflag:s26] =	ssyncset.done $0x0  }
0xaf: {  	[sflag:s26] =	ssyncadd.s32 $0xFFFFC000  }
0xb0: {  	[spmem:s2] =	stream.indirect.scatter.add.f32 [tilespmem:s19], [sflag:$0x5], $0x80, s25, s22, $0xb8;
	[tilespmem:$0x1D000] =	vst v63  }
0xb1: {  	_ =	swait.ge [sflag:s28], $0x4000  }
0xb2: {  	[sflag:s28] =	ssyncset.done $0x0  }
0xb3: {  	s10 =	rddreg [dreg:$0x13];
	[sflag:s28] =	ssyncadd.s32 $0xFFFFC000  }
0xb4: {  	[tilespmem:s19], [sflag:$0x1] =	stream.indirect.gather [hbm4b:s1+s22], $0x80, s10, s22, $0xb8;
	[tilespmem:$0x1D000] =	vst v63  }
0xb5: {  	_ =	swait.ge [sflag:s29], $0x4000  }
0xb6: {  	[sflag:s29] =	ssyncset.done $0x0  }
0xb7: {  	s11 =	rddreg [dreg:$0x14];
	[sflag:s29] =	ssyncadd.s32 $0xFFFFC000  }
0xb8: {  	[spmem:s2] =	stream.indirect.scatter.add.f32 [tilespmem:s23], [sflag:$0x5], $0x80, s11, s22, $0xb8;
	[tilespmem:$0x1D000] =	vst v63  }
0xb9: {  	_ =	swait.ge [sflag:s28], $0x4000  }
0xba: {  	[sflag:s28] =	ssyncset.done $0x0  }
0xbb: {  	s12 =	rddreg [dreg:$0x15];
	[sflag:s28] =	ssyncadd.s32 $0xFFFFC000  }
0xbc: {  	[tilespmem:s23], [sflag:$0x2] =	stream.indirect.gather [hbm4b:s1+s22], $0x80, s12, s22, $0xb8;
	[tilespmem:$0x1D000] =	vst v63  }
0xbd: {  	_ =	swait.ge [sflag:s26], $0x4000  }
0xbe: {  	[sflag:s26] =	ssyncset.done $0x0  }
0xbf: {  	s13 =	rddreg [dreg:$0x16];
	[sflag:s26] =	ssyncadd.s32 $0xFFFFC000  }
0xc0: {  	[spmem:s2] =	stream.indirect.scatter.add.f32 [tilespmem:s19], [sflag:$0x5], $0x80, s13, s22, $0xb8;
	[tilespmem:$0x1D000] =	vst v63  }
0xc1: {  	_ =	swait.ge [sflag:s28], $0x4000  }
0xc2: {  	[sflag:s28] =	ssyncset.done $0x0  }
0xc3: {  	s16 =	rddreg [dreg:$0x17];
	[sflag:s28] =	ssyncadd.s32 $0xFFFFC000  }
0xc4: {  	[tilespmem:s19], [sflag:$0x1] =	stream.indirect.gather [hbm4b:s1+s22], $0x80, s16, s22, $0xb8;
	[tilespmem:$0x1D000] =	vst v63  }
0xc5: {  	_ =	swait.ge [sflag:s29], $0x4000  }
0xc6: {  	[sflag:s29] =	ssyncset.done $0x0  }
0xc7: {  	s7 =	rddreg [dreg:$0x18];
	[sflag:s29] =	ssyncadd.s32 $0xFFFFC000  }
0xc8: {  	[spmem:s2] =	stream.indirect.scatter.add.f32 [tilespmem:s23], [sflag:$0x5], $0x80, s7, s22, $0xb8;
	[tilespmem:$0x1D000] =	vst v63  }
0xc9: {  	_ =	swait.ge [sflag:s28], $0x4000  }
0xca: {  	[sflag:s28] =	ssyncset.done $0x0  }
0xcb: {  	s8 =	rddreg [dreg:$0x19];
	[sflag:s28] =	ssyncadd.s32 $0xFFFFC000  }
0xcc: {  	[tilespmem:s23], [sflag:$0x2] =	stream.indirect.gather [hbm4b:s1+s22], $0x80, s8, s22, $0xb8;
	[tilespmem:$0x1D000] =	vst v63  }
0xcd: {  	_ =	swait.ge [sflag:s26], $0x4000  }
0xce: {  	[sflag:s26] =	ssyncset.done $0x0  }
0xcf: {  	s10 =	rddreg [dreg:$0x1a];
	[sflag:s26] =	ssyncadd.s32 $0xFFFFC000  }
0xd0: {  	[spmem:s2] =	stream.indirect.scatter.add.f32 [tilespmem:s19], [sflag:$0x5], $0x80, s10, s22, $0xb8;
	[tilespmem:$0x1D000] =	vst v63  }
0xd1: {  	_ =	swait.ge [sflag:s28], $0x4000  }
0xd2: {  	[sflag:s28] =	ssyncset.done $0x0  }
0xd3: {  	s11 =	rddreg [dreg:$0x1b];
	[sflag:s28] =	ssyncadd.s32 $0xFFFFC000  }
0xd4: {  	[tilespmem:s19], [sflag:$0x1] =	stream.indirect.gather [hbm4b:s1+s22], $0x80, s11, s22, $0xb8;
	[tilespmem:$0x1D000] =	vst v63  }
0xd5: {  	_ =	swait.ge [sflag:s29], $0x4000  }
0xd6: {  	[sflag:s29] =	ssyncset.done $0x0  }
0xd7: {  	s12 =	rddreg [dreg:$0x1c];
	[sflag:s29] =	ssyncadd.s32 $0xFFFFC000  }
0xd8: {  	[spmem:s2] =	stream.indirect.scatter.add.f32 [tilespmem:s23], [sflag:$0x5], $0x80, s12, s22, $0xb8;
	[tilespmem:$0x1D000] =	vst v63  }
0xd9: {  	_ =	swait.ge [sflag:s28], $0x4000  }
0xda: {  	[sflag:s28] =	ssyncset.done $0x0  }
0xdb: {  	s13 =	rddreg [dreg:$0x1d];
	[sflag:s28] =	ssyncadd.s32 $0xFFFFC000  }
0xdc: {  	[tilespmem:s23], [sflag:$0x2] =	stream.indirect.gather [hbm4b:s1+s22], $0x80, s13, s22, $0xb8;
	[tilespmem:$0x1D000] =	vst v63  }
0xdd: {  	_ =	swait.ge [sflag:s21], $0x400  }
0xde: {  	[sflag:s21] =	ssyncset.done $0x0  }
0xdf: {  	[sflag:s21] =	ssyncadd.s32 $0xFFFFFC00  }
0xe0: {  	_ =	swait.ge [sflag:s21], $0x400  }
0xe1: {  	[sflag:s21] =	ssyncset.done $0x0  }
0xe2: {  	[sflag:s21] =	ssyncadd.s32 $0xFFFFFC00  }
0xe3: {  	_ =	swait.ge [sflag:s26], $0x4000  }
0xe4: {  	[sflag:s26] =	ssyncset.done $0x0  }
0xe5: {  	s16 =	rddreg [dreg:$0x1e];
	[sflag:s26] =	ssyncadd.s32 $0xFFFFC000  }
0xe6: {  	[spmem:s2] =	stream.indirect.scatter.add.f32 [tilespmem:s19], [sflag:$0x5], $0x80, s16, s22, $0xb8;
	[tilespmem:$0x1D000] =	vst v63  }
0xe7: {  	_ =	swait.ge [sflag:s28], $0x4000  }
0xe8: {  	p1 =	por $0x0, $0x0;
	[sflag:s28] =	ssyncset.done $0x0  }
0xe9: {  	s0 =	simm.s32 @p1 $0x2;
	[sflag:s28] =	ssyncadd.s32 $0xFFFFC000  }
0xea: {  	_ =	swait.ge @p1 [sflag:s0], $0x4000  }
0xeb: {  	s7 =	simm.s32 @p1 $0x5000;
	s8 =	simm.s32 @p1 $0x80;
	[sflag:s0] =	ssyncset.done @p1 $0x0  }
0xec: {  	s10 =	simm.s32 @p1 $0xF80;
	s11 =	simm.s32 @p1 $0x5;
	[sflag:s0] =	ssyncadd.s32 @p1 $0xFFFFC000  }
0xed: {  	[spmem:s2] =	stream.indirect.scatter.add.f32 @p1 [tilespmem:s7], [sflag:$0x5], $0x80, s10, s8, $0xb8;
	[tilespmem:$0x1D000] =	vst v63  }
0xee: {  	_ =	swait.ge @p1 [sflag:s11], $0x4000  }
0xef: {  	s16 =	simm.s32 @!p1 $0x2;
	s0 =	simm.s32 @!p1 $0x1000;
	[sflag:s11] =	ssyncset.done @p1 $0x0  }
0xf0: {  	s8 =	simm.s32 @!p1 $0x80;
	s7 =	simm.s32 @!p1 $0x0;
	[sflag:s11] =	ssyncadd.s32 @p1 $0xFFFFC000  }
0xf1: {  	[tilespmem:s0], [sflag:$0x1] =	stream.indirect.gather @!p1 [hbm4b:s1+s8], $0x80, s7, s8, $0xb8;
	[tilespmem:$0x1D000] =	vst v63  }
0xf2: {  	_ =	swait.ge @!p1 [sflag:s16], $0x4000  }
0xf3: {  	s31 =	simm.s32 $0x3;
	s10 =	simm.s32 @!p1 $0x5000;
	[sflag:s16] =	ssyncset.done @!p1 $0x0  }
0xf4: {  	s11 =	simm.s32 @!p1 $0x5;
	s0 =	simm.s32 @!p1 $0xF80;
	[sflag:s16] =	ssyncadd.s32 @!p1 $0xFFFFC000  }
0xf5: {  	[spmem:s2] =	stream.indirect.scatter.add.f32 @!p1 [tilespmem:s10], [sflag:$0x5], $0x80, s0, s8, $0xb8;
	[tilespmem:$0x1D000] =	vst v63  }
0xf6: {  	s16 =	smov.u32 s3;
	s0 =	sadd.s32 $0x100, s17;
	_ =	swait.ge @!p1 [sflag:s11], $0x4000  }
.LBB2_4:
0xf7: {  	[sflag:s11] =	ssyncset.done @!p1 $0x0  }
0xf8: {  	[sflag:s11] =	ssyncadd.s32 @!p1 $0xFFFFC000  }
0xf9: {  	[tilespmem:s10], [sflag:$0x2] =	stream.indirect.gather @!p1 [hbm4b:s1+s8], $0x80, s8, s8, $0xb8;
	[tilespmem:$0x1D000] =	vst v63  }
0xfa: {  	_ = 	snop  }
0xfb: {  	[tilespmem:s24], [sflag:$0x4] =	stream.linear.gather [hbm4b:s0+s4], $0x400, $0x38;
	[tilespmem:$0x1D000] =	vst v63  }
0xfc: {  	s16 =	sadd.s32 $0x100, s16  }
0xfd: {  	[tilespmem:s25], [sflag:$0x4] =	stream.linear.gather [hbm4b:s16+s4], $0x400, $0x38;
	[tilespmem:$0x1D000] =	vst v63  }
0xfe: {  	_ =	swait.ge [sflag:s26], $0x4000  }
0xff: {  	[sflag:s26] =	ssyncset.done $0x0  }
0x100: {  	[sflag:s26] =	ssyncadd.s32 $0xFFFFC000  }
0x101: {  	[spmem:s2] =	stream.indirect.scatter.add.f32 [tilespmem:s19], [sflag:$0x5], $0x80, s18, s22, $0xb8;
	[tilespmem:$0x1D000] =	vst v63  }
0x102: {  	_ =	swait.ge [sflag:s28], $0x4000  }
0x103: {  	[sflag:s28] =	ssyncset.done $0x0  }
0x104: {  	s13 =	rddreg [dreg:$0x5];
	[sflag:s28] =	ssyncadd.s32 $0xFFFFC000  }
0x105: {  	[tilespmem:s19], [sflag:$0x1] =	stream.indirect.gather [hbm4b:s1+s22], $0x80, s13, s22, $0xb8;
	[tilespmem:$0x1D000] =	vst v63  }
0x106: {  	_ =	swait.ge [sflag:s29], $0x4000  }
0x107: {  	[sflag:s29] =	ssyncset.done $0x0  }
0x108: {  	s10 =	rddreg [dreg:$0x6];
	[sflag:s29] =	ssyncadd.s32 $0xFFFFC000  }
0x109: {  	[spmem:s2] =	stream.indirect.scatter.add.f32 [tilespmem:s23], [sflag:$0x5], $0x80, s10, s22, $0xb8;
	[tilespmem:$0x1D000] =	vst v63  }
0x10a: {  	_ =	swait.ge [sflag:s28], $0x4000  }
0x10b: {  	[sflag:s28] =	ssyncset.done $0x0  }
0x10c: {  	s11 =	rddreg [dreg:$0x7];
	[sflag:s28] =	ssyncadd.s32 $0xFFFFC000  }
0x10d: {  	[tilespmem:s23], [sflag:$0x2] =	stream.indirect.gather [hbm4b:s1+s22], $0x80, s11, s22, $0xb8;
	[tilespmem:$0x1D000] =	vst v63  }
0x10e: {  	_ =	swait.ge [sflag:s26], $0x4000  }
0x10f: {  	[sflag:s26] =	ssyncset.done $0x0  }
0x110: {  	s12 =	rddreg [dreg:$0x8];
	[sflag:s26] =	ssyncadd.s32 $0xFFFFC000  }
0x111: {  	[spmem:s2] =	stream.indirect.scatter.add.f32 [tilespmem:s19], [sflag:$0x5], $0x80, s12, s22, $0xb8;
	[tilespmem:$0x1D000] =	vst v63  }
0x112: {  	_ =	swait.ge [sflag:s28], $0x4000  }
0x113: {  	[sflag:s28] =	ssyncset.done $0x0  }
0x114: {  	s13 =	rddreg [dreg:$0x9];
	[sflag:s28] =	ssyncadd.s32 $0xFFFFC000  }
0x115: {  	[tilespmem:s19], [sflag:$0x1] =	stream.indirect.gather [hbm4b:s1+s22], $0x80, s13, s22, $0xb8;
	[tilespmem:$0x1D000] =	vst v63  }
0x116: {  	_ =	swait.ge [sflag:s29], $0x4000  }
0x117: {  	[sflag:s29] =	ssyncset.done $0x0  }
0x118: {  	s10 =	rddreg [dreg:$0xa];
	[sflag:s29] =	ssyncadd.s32 $0xFFFFC000  }
0x119: {  	[spmem:s2] =	stream.indirect.scatter.add.f32 [tilespmem:s23], [sflag:$0x5], $0x80, s10, s22, $0xb8;
	[tilespmem:$0x1D000] =	vst v63  }
0x11a: {  	_ =	swait.ge [sflag:s28], $0x4000  }
0x11b: {  	[sflag:s28] =	ssyncset.done $0x0  }
0x11c: {  	s11 =	rddreg [dreg:$0xb];
	[sflag:s28] =	ssyncadd.s32 $0xFFFFC000  }
0x11d: {  	[tilespmem:s23], [sflag:$0x2] =	stream.indirect.gather [hbm4b:s1+s22], $0x80, s11, s22, $0xb8;
	[tilespmem:$0x1D000] =	vst v63  }
0x11e: {  	_ =	swait.ge [sflag:s26], $0x4000  }
0x11f: {  	[sflag:s26] =	ssyncset.done $0x0  }
0x120: {  	s12 =	rddreg [dreg:$0xc];
	[sflag:s26] =	ssyncadd.s32 $0xFFFFC000  }
0x121: {  	[spmem:s2] =	stream.indirect.scatter.add.f32 [tilespmem:s19], [sflag:$0x5], $0x80, s12, s22, $0xb8;
	[tilespmem:$0x1D000] =	vst v63  }
0x122: {  	_ =	swait.ge [sflag:s28], $0x4000  }
0x123: {  	[sflag:s28] =	ssyncset.done $0x0  }
0x124: {  	s13 =	rddreg [dreg:$0xd];
	[sflag:s28] =	ssyncadd.s32 $0xFFFFC000  }
0x125: {  	[tilespmem:s19], [sflag:$0x1] =	stream.indirect.gather [hbm4b:s1+s22], $0x80, s13, s22, $0xb8;
	[tilespmem:$0x1D000] =	vst v63  }
0x126: {  	_ =	swait.ge [sflag:s29], $0x4000  }
0x127: {  	[sflag:s29] =	ssyncset.done $0x0  }
0x128: {  	s10 =	rddreg [dreg:$0xe];
	[sflag:s29] =	ssyncadd.s32 $0xFFFFC000  }
0x129: {  	[spmem:s2] =	stream.indirect.scatter.add.f32 [tilespmem:s23], [sflag:$0x5], $0x80, s10, s22, $0xb8;
	[tilespmem:$0x1D000] =	vst v63  }
0x12a: {  	_ =	swait.ge [sflag:s28], $0x4000  }
0x12b: {  	[sflag:s28] =	ssyncset.done $0x0  }
0x12c: {  	s11 =	rddreg [dreg:$0xf];
	[sflag:s28] =	ssyncadd.s32 $0xFFFFC000  }
0x12d: {  	[tilespmem:s23], [sflag:$0x2] =	stream.indirect.gather [hbm4b:s1+s22], $0x80, s11, s22, $0xb8;
	[tilespmem:$0x1D000] =	vst v63  }
0x12e: {  	_ =	swait.ge [sflag:s20], $0x400  }
0x12f: {  	[sflag:s20] =	ssyncset.done $0x0  }
0x130: {  	[sflag:s20] =	ssyncadd.s32 $0xFFFFFC00  }
0x131: {  	_ =	swait.ge [sflag:s20], $0x400  }
0x132: {  	[sflag:s20] =	ssyncset.done $0x0  }
0x133: {  	[sflag:s20] =	ssyncadd.s32 $0xFFFFFC00  }
0x134: {  	_ =	swait.ge [sflag:s26], $0x4000  }
0x135: {  	[sflag:s26] =	ssyncset.done $0x0  }
0x136: {  	s12 =	rddreg [dreg:$0x10];
	[sflag:s26] =	ssyncadd.s32 $0xFFFFC000  }
0x137: {  	[spmem:s2] =	stream.indirect.scatter.add.f32 [tilespmem:s19], [sflag:$0x5], $0x80, s12, s22, $0xb8;
	[tilespmem:$0x1D000] =	vst v63  }
0x138: {  	_ =	swait.ge [sflag:s28], $0x4000  }
0x139: {  	[sflag:s28] =	ssyncset.done $0x0  }
0x13a: {  	[sflag:s28] =	ssyncadd.s32 $0xFFFFC000  }
0x13b: {  	[tilespmem:s19], [sflag:$0x1] =	stream.indirect.gather [hbm4b:s1+s22], $0x80, s24, s22, $0xb8;
	[tilespmem:$0x1D000] =	vst v63  }
0x13c: {  	_ =	swait.ge [sflag:s29], $0x4000  }
0x13d: {  	s7 =	smov.u32 s31;
	[sflag:s29] =	ssyncset.done $0x0  }
0x13e: {  	s10 =	sadd.s32 $0xFFFFFFFF, s7;
	s13 =	rddreg [dreg:$0x11];
	[sflag:s29] =	ssyncadd.s32 $0xFFFFC000  }
0x13f: {  	[spmem:s2] =	stream.indirect.scatter.add.f32 [tilespmem:s23], [sflag:$0x5], $0x80, s13, s22, $0xb8;
	[tilespmem:$0x1D000] =	vst v63  }
0x140: {  	s8 =	smin.u32 s10, $0x7;
	_ =	swait.ge [sflag:s28], $0x4000  }
0x141: {  	s8 =	sshll.u32 s8, $0xA;
	s11 =	rddreg [dreg:$0x4]  }
0x142: {  	[sflag:s28] =	ssyncset.done $0x0;
	s8 =	sadd.s32 s8, s11  }
0x143: {  	s12 =	rddreg [dreg:$0x12];
	[sflag:s28] =	ssyncadd.s32 $0xFFFFC000;
	s8 =	sshrl.u32 s8, $0x3  }
0x144: {  	[tilespmem:s23], [sflag:$0x2] =	stream.indirect.gather [hbm4b:s1+s22], $0x80, s12, s22, $0xb8;
	[tilespmem:$0x1D000] =	vst v63  }
0x145: {  	s13 =	sadd.s32 s5, s8  }
0x146: {  	[tilespmem:s4], [sflag:$0x3] =	stream.linear.gather [hbm4b:s13+s4], $0x400, $0x38;
	[tilespmem:$0x1D000] =	vst v63  }
0x147: {  	s8 =	sadd.s32 s6, s8  }
0x148: {  	[tilespmem:s18], [sflag:$0x3] =	stream.linear.gather [hbm4b:s8+s4], $0x400, $0x38;
	[tilespmem:$0x1D000] =	vst v63  }
0x149: {  	_ =	swait.ge [sflag:s26], $0x4000  }
0x14a: {  	[sflag:s26] =	ssyncset.done $0x0  }
0x14b: {  	[sflag:s26] =	ssyncadd.s32 $0xFFFFC000  }
0x14c: {  	[spmem:s2] =	stream.indirect.scatter.add.f32 [tilespmem:s19], [sflag:$0x5], $0x80, s25, s22, $0xb8;
	[tilespmem:$0x1D000] =	vst v63  }
0x14d: {  	_ =	swait.ge [sflag:s28], $0x4000  }
0x14e: {  	[sflag:s28] =	ssyncset.done $0x0  }
0x14f: {  	s10 =	rddreg [dreg:$0x13];
	[sflag:s28] =	ssyncadd.s32 $0xFFFFC000  }
0x150: {  	[tilespmem:s19], [sflag:$0x1] =	stream.indirect.gather [hbm4b:s1+s22], $0x80, s10, s22, $0xb8;
	[tilespmem:$0x1D000] =	vst v63  }
0x151: {  	_ =	swait.ge [sflag:s29], $0x4000  }
0x152: {  	[sflag:s29] =	ssyncset.done $0x0  }
0x153: {  	s11 =	rddreg [dreg:$0x14];
	[sflag:s29] =	ssyncadd.s32 $0xFFFFC000  }
0x154: {  	[spmem:s2] =	stream.indirect.scatter.add.f32 [tilespmem:s23], [sflag:$0x5], $0x80, s11, s22, $0xb8;
	[tilespmem:$0x1D000] =	vst v63  }
0x155: {  	_ =	swait.ge [sflag:s28], $0x4000  }
0x156: {  	[sflag:s28] =	ssyncset.done $0x0  }
0x157: {  	s12 =	rddreg [dreg:$0x15];
	[sflag:s28] =	ssyncadd.s32 $0xFFFFC000  }
0x158: {  	[tilespmem:s23], [sflag:$0x2] =	stream.indirect.gather [hbm4b:s1+s22], $0x80, s12, s22, $0xb8;
	[tilespmem:$0x1D000] =	vst v63  }
0x159: {  	_ =	swait.ge [sflag:s26], $0x4000  }
0x15a: {  	[sflag:s26] =	ssyncset.done $0x0  }
0x15b: {  	s13 =	rddreg [dreg:$0x16];
	[sflag:s26] =	ssyncadd.s32 $0xFFFFC000  }
0x15c: {  	[spmem:s2] =	stream.indirect.scatter.add.f32 [tilespmem:s19], [sflag:$0x5], $0x80, s13, s22, $0xb8;
	[tilespmem:$0x1D000] =	vst v63  }
0x15d: {  	_ =	swait.ge [sflag:s28], $0x4000  }
0x15e: {  	[sflag:s28] =	ssyncset.done $0x0  }
0x15f: {  	s10 =	rddreg [dreg:$0x17];
	[sflag:s28] =	ssyncadd.s32 $0xFFFFC000  }
0x160: {  	[tilespmem:s19], [sflag:$0x1] =	stream.indirect.gather [hbm4b:s1+s22], $0x80, s10, s22, $0xb8;
	[tilespmem:$0x1D000] =	vst v63  }
0x161: {  	_ =	swait.ge [sflag:s29], $0x4000  }
0x162: {  	[sflag:s29] =	ssyncset.done $0x0  }
0x163: {  	s11 =	rddreg [dreg:$0x18];
	[sflag:s29] =	ssyncadd.s32 $0xFFFFC000  }
0x164: {  	[spmem:s2] =	stream.indirect.scatter.add.f32 [tilespmem:s23], [sflag:$0x5], $0x80, s11, s22, $0xb8;
	[tilespmem:$0x1D000] =	vst v63  }
0x165: {  	_ =	swait.ge [sflag:s28], $0x4000  }
0x166: {  	[sflag:s28] =	ssyncset.done $0x0  }
0x167: {  	s12 =	rddreg [dreg:$0x19];
	[sflag:s28] =	ssyncadd.s32 $0xFFFFC000  }
0x168: {  	[tilespmem:s23], [sflag:$0x2] =	stream.indirect.gather [hbm4b:s1+s22], $0x80, s12, s22, $0xb8;
	[tilespmem:$0x1D000] =	vst v63  }
0x169: {  	_ =	swait.ge [sflag:s26], $0x4000  }
0x16a: {  	[sflag:s26] =	ssyncset.done $0x0  }
0x16b: {  	s13 =	rddreg [dreg:$0x1a];
	[sflag:s26] =	ssyncadd.s32 $0xFFFFC000  }
0x16c: {  	[spmem:s2] =	stream.indirect.scatter.add.f32 [tilespmem:s19], [sflag:$0x5], $0x80, s13, s22, $0xb8;
	[tilespmem:$0x1D000] =	vst v63  }
0x16d: {  	_ =	swait.ge [sflag:s28], $0x4000  }
0x16e: {  	[sflag:s28] =	ssyncset.done $0x0  }
0x16f: {  	s10 =	rddreg [dreg:$0x1b];
	[sflag:s28] =	ssyncadd.s32 $0xFFFFC000  }
0x170: {  	[tilespmem:s19], [sflag:$0x1] =	stream.indirect.gather [hbm4b:s1+s22], $0x80, s10, s22, $0xb8;
	[tilespmem:$0x1D000] =	vst v63  }
0x171: {  	_ =	swait.ge [sflag:s29], $0x4000  }
0x172: {  	[sflag:s29] =	ssyncset.done $0x0  }
0x173: {  	s11 =	rddreg [dreg:$0x1c];
	[sflag:s29] =	ssyncadd.s32 $0xFFFFC000  }
0x174: {  	[spmem:s2] =	stream.indirect.scatter.add.f32 [tilespmem:s23], [sflag:$0x5], $0x80, s11, s22, $0xb8;
	[tilespmem:$0x1D000] =	vst v63  }
0x175: {  	_ =	swait.ge [sflag:s28], $0x4000  }
0x176: {  	[sflag:s28] =	ssyncset.done $0x0  }
0x177: {  	s12 =	rddreg [dreg:$0x1d];
	[sflag:s28] =	ssyncadd.s32 $0xFFFFC000  }
0x178: {  	[tilespmem:s23], [sflag:$0x2] =	stream.indirect.gather [hbm4b:s1+s22], $0x80, s12, s22, $0xb8;
	[tilespmem:$0x1D000] =	vst v63  }
0x179: {  	_ =	swait.ge [sflag:s21], $0x400  }
0x17a: {  	[sflag:s21] =	ssyncset.done $0x0  }
0x17b: {  	[sflag:s21] =	ssyncadd.s32 $0xFFFFFC00  }
0x17c: {  	_ =	swait.ge [sflag:s21], $0x400  }
0x17d: {  	[sflag:s21] =	ssyncset.done $0x0  }
0x17e: {  	[sflag:s21] =	ssyncadd.s32 $0xFFFFFC00  }
0x17f: {  	_ =	swait.ge [sflag:s26], $0x4000  }
0x180: {  	[sflag:s26] =	ssyncset.done $0x0  }
0x181: {  	s13 =	rddreg [dreg:$0x1e];
	[sflag:s26] =	ssyncadd.s32 $0xFFFFC000  }
0x182: {  	[spmem:s2] =	stream.indirect.scatter.add.f32 [tilespmem:s19], [sflag:$0x5], $0x80, s13, s22, $0xb8;
	[tilespmem:$0x1D000] =	vst v63  }
0x183: {  	_ =	swait.ge [sflag:s28], $0x4000  }
0x184: {  	p1 =	sgt.u32 s7, $0x8;
	[sflag:s28] =	ssyncset.done $0x0  }
0x185: {  	s7 =	simm.s32 @p1 $0x2;
	[sflag:s28] =	ssyncadd.s32 $0xFFFFC000  }
0x186: {  	s31 =	sadd.s32 $0x2, s31;
	_ =	swait.ge @p1 [sflag:s7], $0x4000  }
0x187: {  	s8 =	simm.s32 @p1 $0x5000;
	s10 =	simm.s32 @p1 $0x80;
	[sflag:s7] =	ssyncset.done @p1 $0x0  }
0x188: {  	s11 =	simm.s32 @p1 $0xF80;
	s12 =	simm.s32 @p1 $0x5;
	[sflag:s7] =	ssyncadd.s32 @p1 $0xFFFFC000  }
0x189: {  	[spmem:s2] =	stream.indirect.scatter.add.f32 @p1 [tilespmem:s8], [sflag:$0x5], $0x80, s11, s10, $0xb8;
	[tilespmem:$0x1D000] =	vst v63  }
0x18a: {  	p0 =	sne.s32 s31, $0xB;
	_ =	swait.ge @p1 [sflag:s12], $0x4000  }
0x18b: {  	s13 =	simm.s32 @!p1 $0x2;
	s7 =	simm.s32 @!p1 $0x1000;
	[sflag:s12] =	ssyncset.done @p1 $0x0  }
0x18c: {  	s8 =	simm.s32 @!p1 $0x80;
	s10 =	simm.s32 @!p1 $0x0;
	[sflag:s12] =	ssyncadd.s32 @p1 $0xFFFFC000  }
0x18d: {  	[tilespmem:s7], [sflag:$0x1] =	stream.indirect.gather @!p1 [hbm4b:s1+s8], $0x80, s10, s8, $0xb8;
	[tilespmem:$0x1D000] =	vst v63  }
.Ltmp1:
0x18e: {  	_ =	swait.ge @!p1 [sflag:s13], $0x4000;
	(pc) =	sbr.rel @p0 .LBB2_4-.Ltmp1, $4  }
0x18f: {  	s11 =	simm.s32 @!p1 $0x5;
	[sflag:s13] =	ssyncset.done @!p1 $0x0  }
0x190: {  	s7 =	simm.s32 @!p1 $0xF80;
	s10 =	simm.s32 @!p1 $0x5000;
	[sflag:s13] =	ssyncadd.s32 @!p1 $0xFFFFC000  }
0x191: {  	[spmem:s2] =	stream.indirect.scatter.add.f32 @!p1 [tilespmem:s10], [sflag:$0x5], $0x80, s7, s8, $0xb8;
	[tilespmem:$0x1D000] =	vst v63  }
0x192: {  	s0 =	sadd.s32 $0x100, s0;
	_ =	swait.ge @!p1 [sflag:s11], $0x4000  }
0x193: {  	[sflag:s11] =	ssyncset.done @!p1 $0x0  }
0x194: {  	s0 =	stileid.u32;
	s7 =	sshrl.u32 s9, $0x3;
	s30 =	sadd.s32 $0x1, s30  }
0x195: {  	[sflag:s11] =	ssyncadd.s32 @!p1 $0xFFFFC000;
	s0 =	sshll.u32 s0, $0x6;
	p0 =	sne.s32 s30, s15  }
0x196: {  	[tilespmem:s10], [sflag:$0x2] =	stream.indirect.gather @!p1 [hbm4b:s1+s8], $0x80, s8, s8, $0xb8;
	[tilespmem:$0x1D000] =	vst v63  }
.Ltmp2:
0x197: {  	s0 =	sor.u32 $0x1C05, s0;
	[bflag:$0x0] =	sbarrier.arrive $0xFFFF;
	(pc) =	sbr.rel @p0 .LBB2_1-.Ltmp2, $4  }
0x198: {  	[hbm:s14], [sflag:s0] =	dma.local [spmem:s7], $0x2800  }
0x199: {  	_ =	swait.ge [sflag:s28], $0x2800  }
0x19a: {  	[sflag:s28] =	ssyncset.done $0x0  }
0x19b: {  	[sflag:s28] =	ssyncadd.s32 $0xFFFFD800  }
0x19c: {  	_ =	sfence.sel $0x180000  }
0x19d: {  	[bflag:$0x0] =	sbarrier.arrive $0xFFFF  }
0x19e: {  	_ =	strace $0x90000047  }
0x19f: {  	s0 =	stileid.u32;
	[bflag:$0x2] =	sbarrier.arrive $0xFFFF  }
0x1a0: {  	p0 =	sne.s32 s0, $0x0;
	s0 =	rddreg [dreg:$0x3]  }
0x1a1: {  	s0 =	sadd.s32 @!p0 $0x100000, s0  }
0x1a2: {  	[sflag:s0] =	ssyncadd.tile.s32 @!p0 $0x1;
	_ =	shalt  }
.Lfunc_end2:
_tile_overlayer_lowered:
.L_overlay_start_2:
0x1a3: {  	(tag) =	ssettag $0x2  }
0x1a4: {  	s0 =	rddreg [dreg:$0x0];
	s2 =	stileid.u32  }
0x1a5: {  	s1 =	rddreg [dreg:$0x1];
	p0 =	sne.s32 s2, $0x0  }
0x1a6: {  	s3 =	rddreg [dreg:$0x2];
	[bflag:$0x3] =	sbarrier.arrive $0xFFFF;
	s2 =	simm.s32 @!p0 $0x1C05  }
0x1a7: {  	[timem:s3], [sflag:s2] =	dma.local @!p0 [hbm:s0], s1  }
0x1a8: {  	s0 =	simm.s32 @!p0 $0x5  }
0x1a9: {  	_ =	swait.ge @!p0 [sflag:s0], s1  }
0x1aa: {  	s1 =	ssub.s32 @!p0 $0x0, s1;
	[sflag:s0] =	ssyncset.done @!p0 $0x0  }
0x1ab: {  	[sflag:s0] =	ssyncadd.s32 @!p0 s1  }
0x1ac: {  	[bflag:$0x3] =	sbarrier.arrive $0xFFFF  }
0x1ad: {  	_ =	shalt  }

</sc_bundles>
